<compile_context>
chip_gen: v7x
topology: tpu7x:2x2x1
jax: 0.10.2.dev20260603
libtpu: 0.0.44.dev20260713+nightly
codegen_flags: <defaults>
</compile_context>

<pallas_src>
import functools

import jax
import jax.numpy as jnp
from jax import lax
from jax.experimental import pallas as pl
from jax.experimental.pallas import tpu as pltpu
from jax.experimental.pallas import tpu_sc as plsc

D = 128
DW = D // 2
E = 640000
EH = E // 2
NW = 32
PER_W = EH // 16
C = 400
GR = 80
NCHUNK = PER_W // C
L = 16

_LOG1P = (
    1.0355222413e-08, 9.9999614843e-01, -4.9986781918e-01,
    3.3172977705e-01, -2.4038395607e-01, 1.6675330751e-01,
    -9.4099683279e-02, 3.5240213726e-02, -6.2208255655e-03,
)


def _sc_loss_partials(z, pos_x, neg_x):
  mesh = plsc.VectorSubcoreMesh(core_axis_name="c", subcore_axis_name="s")

  @functools.partial(
      pl.kernel,
      out_type=jax.ShapeDtypeStruct((NW, L), jnp.float32),
      mesh=mesh,
      compiler_params=pltpu.CompilerParams(
          needs_layout_passes=False, use_tc_tiling_on_sc=False),
      scratch_types=[
          pltpu.VMEM((2 * C,), jnp.int32),
          pltpu.VMEM((2 * C,), jnp.int32),
          pltpu.VMEM((C, DW), jnp.int32),
          pltpu.VMEM((C, DW), jnp.int32),
          pltpu.VMEM((C, DW), jnp.int32),
          pltpu.VMEM((C, DW), jnp.int32),
          pltpu.VMEM((C * L,), jnp.float32),
          pltpu.VMEM((L,), jnp.float32),
          pltpu.SemaphoreType.DMA,
          pltpu.SemaphoreType.DMA,
          pltpu.SemaphoreType.DMA,
          pltpu.SemaphoreType.DMA,
      ],
  )
  def k(z_hbm, pos_hbm, neg_hbm, out_hbm,
        ib0, ib1, srb0, drb0, srb1, drb1, accbuf, lbuf,
        xsem0, xsem1, gsem0, gsem1):
    wid = lax.axis_index("s") * 2 + lax.axis_index("c")
    is_pos = wid < 16
    ebase = jnp.where(is_pos, wid, wid - 16) * PER_W
    lblv = jnp.where(is_pos, 1.0, 0.0).astype(jnp.float32)
    lanes = lax.iota(jnp.int32, L)

    ib = (ib0, ib1)
    srb = (srb0, srb1)
    drb = (drb0, drb1)
    xsem = (xsem0, xsem1)
    gsem = (gsem0, gsem1)

    def _gather_parts(p):
      parts = []
      for t in range(C // GR):
        parts.append((ib[p].at[pl.ds(t * GR, GR)],
                      srb[p].at[pl.ds(t * GR, GR)]))
        parts.append((ib[p].at[pl.ds(C + t * GR, GR)],
                      drb[p].at[pl.ds(t * GR, GR)]))
      return parts

    def gather_start(p):
      for idx_row, dst in _gather_parts(p):
        pltpu.async_copy(z_hbm.at[idx_row], dst, gsem[p])

    def gather_wait(p):
      for idx_row, dst in _gather_parts(p):
        pltpu.make_async_copy(z_hbm.at[idx_row], dst, gsem[p]).wait()

    def idx_copy(p, i, start):
      base = ebase + i * C
      preds = ((pos_hbm, is_pos), (neg_hbm, jnp.logical_not(is_pos)))
      for x_hbm, pred in preds:
        @pl.when(pred)
        def _():
          for row in (0, 1):
            src = x_hbm.at[row, pl.ds(base, C)]
            dst = ib[p].at[pl.ds(row * C, C)]
            if start:
              pltpu.async_copy(src, dst, xsem[p])
            else:
              pltpu.sync_copy(src, dst)

    def idx_wait(p):
      for row in (0, 1):
        pltpu.make_async_copy(pos_hbm.at[0, pl.ds(0, C)],
                              ib[p].at[pl.ds(row * C, C)], xsem[p]).wait()

    idx_copy(0, 0, start=False)
    idx_copy(1, 1, start=True)
    gather_start(0)

    def half(i, p, lacc):
      q = 1 - p
      @pl.when(i + 1 < NCHUNK)
      def _():
        idx_wait(q)
        gather_start(q)
      gather_wait(p)
      @pl.when(i + 2 < NCHUNK)
      def _():
        idx_copy(p, i + 2, start=True)
      s, d = srb[p], drb[p]

      @plsc.parallel_loop(0, C, unroll=4)
      def _(r):
        prods = []
        for kk in range(DW // L):
          sp = plsc.bitcast(s[r, pl.ds(kk * L, L)], jnp.bfloat16)
          dp = plsc.bitcast(d[r, pl.ds(kk * L, L)], jnp.bfloat16)
          pa, pb = plsc.unpack(sp * dp, format=plsc.PackFormat.INTERLEAVED)
          prods += [pa, pb]
        while len(prods) > 1:
          prods = [prods[a] + prods[a + 1]
                   for a in range(0, len(prods), 2)]
        accbuf[pl.ds(r * L, L)] = prods[0]

      @plsc.parallel_loop(0, C // L, unroll=5, carry=lacc)
      def lacc(g, acc):
        scv = None
        for t in range(L):
          dg = lanes * L + ((lanes + t) & (L - 1)) + g * (L * L)
          v = plsc.load_gather(accbuf, [dg])
          scv = v if scv is None else scv + v
        u = jnp.exp(-jnp.abs(scv))
        poly = jnp.float32(_LOG1P[-1])
        for cf in _LOG1P[-2::-1]:
          poly = poly * u + jnp.float32(cf)
        loss = jnp.maximum(scv, 0.0) - scv * lblv + poly
        return acc + loss

      return lacc

    @pl.loop(0, NCHUNK, step=2, init_carry=jnp.zeros((L,), jnp.float32))
    def total(j, lacc):
      lacc = half(j, 0, lacc)
      lacc = half(j + 1, 1, lacc)
      return lacc

    lbuf[...] = total
    pltpu.sync_copy(lbuf, out_hbm.at[wid])

  return k(z, pos_x, neg_x)


def _mean_tc(partials):

  def body(x_ref, o_ref):
    o_ref[...] = (jnp.sum(x_ref[...]) / E).reshape(1, 1)

  return pl.pallas_call(
      body,
      out_shape=jax.ShapeDtypeStruct((1, 1), jnp.float32),
  )(partials)


@jax.jit
def kernel(z, pos_edge_index, neg_edge_index):
  pos_x = jnp.asarray(pos_edge_index, jnp.int32)
  neg_x = jnp.asarray(neg_edge_index, jnp.int32)
  u = jax.lax.bitcast_convert_type(z, jnp.uint32)
  r = (u + jnp.uint32(0x7FFF) + ((u >> 16) & jnp.uint32(1))) >> 16
  z32 = jax.lax.bitcast_convert_type(
      r[:, :DW] | (r[:, DW:] << 16), jnp.int32)
  partials = _sc_loss_partials(z32, pos_x, neg_x)
  loss = _mean_tc(partials.reshape(NW * L // 128, 128))
  return loss[0, 0]

# --- scband reference (transcript-rebuilt; emitter-appended) ---
"""Pipeline reference for scband-graph-binary-cross-entropy-loss-20950850470132 (READ-ONLY COPY).

The authoritative reference and input builder live on the scoring server;
editing this copy changes nothing except your own understanding.
"""

import jax, jax.numpy as jnp
import numpy as np


def setup_inputs(seed: int = 0) -> dict:
    key = jax.random.key(seed)
    k1, k2, k3 = jax.random.split(key, 3)
    z = jax.random.normal(k1, (10000, 128), dtype=jnp.float32)
    pos_edge_index = jax.random.randint(k2, (2, 320000), 0, 10000, dtype=jnp.int64)
    neg_edge_index = jax.random.randint(k3, (2, 320000), 0, 10000, dtype=jnp.int64)
    return {"z": z, "pos_edge_index": pos_edge_index, "neg_edge_index": neg_edge_index}


def _bce_with_logits(scores, labels):
    # Numerically stable BCE with logits, mean reduction (matches
    # torch.nn.functional.binary_cross_entropy_with_logits default)
    loss = jnp.maximum(scores, 0.0) - scores * labels + jnp.log1p(jnp.exp(-jnp.abs(scores)))
    return jnp.mean(loss)


def reference(z, pos_edge_index, neg_edge_index):
    pos_src = jnp.take(z, pos_edge_index[0], axis=0)
    pos_dst = jnp.take(z, pos_edge_index[1], axis=0)
    pos_score = jnp.sum(pos_src * pos_dst, axis=1)

    neg_src = jnp.take(z, neg_edge_index[0], axis=0)
    neg_dst = jnp.take(z, neg_edge_index[1], axis=0)
    neg_score = jnp.sum(neg_src * neg_dst, axis=1)

    scores = jnp.concatenate([pos_score, neg_score], axis=0)
    labels = jnp.concatenate(
        [jnp.ones(pos_score.shape[0], dtype=jnp.float32),
         jnp.zeros(neg_score.shape[0], dtype=jnp.float32)], axis=0)
    return _bce_with_logits(scores, labels)

if __name__ == "__main__":
    import jax
    _d = setup_inputs()
    print(jax.jit(kernel)(*tuple(_d.values())))

</pallas_src>

<mosaic_0001>
#map = affine_map<(d0, d1) -> (0, 0)>
module attributes {stable_mosaic.version = 14 : i64} {
  func.func @k(%arg0: i32, %arg1: i32, %arg2: memref<10000x64xi32, #tpu.memory_space<hbm>>, %arg3: memref<2x320000xi32, #tpu.memory_space<hbm>>, %arg4: memref<2x320000xi32, #tpu.memory_space<hbm>>, %arg5: memref<32x16xf32, #tpu.memory_space<hbm>>, %arg6: memref<800xi32, #tpu.memory_space<vmem>>, %arg7: memref<800xi32, #tpu.memory_space<vmem>>, %arg8: memref<400x64xi32, #tpu.memory_space<vmem>>, %arg9: memref<400x64xi32, #tpu.memory_space<vmem>>, %arg10: memref<400x64xi32, #tpu.memory_space<vmem>>, %arg11: memref<400x64xi32, #tpu.memory_space<vmem>>, %arg12: memref<6400xf32, #tpu.memory_space<vmem>>, %arg13: memref<16xf32, #tpu.memory_space<vmem>>, %arg14: memref<!tpu.dma_semaphore, #tpu.memory_space<semaphore_mem>>, %arg15: memref<!tpu.dma_semaphore, #tpu.memory_space<semaphore_mem>>, %arg16: memref<!tpu.dma_semaphore, #tpu.memory_space<semaphore_mem>>, %arg17: memref<!tpu.dma_semaphore, #tpu.memory_space<semaphore_mem>>) attributes {dimension_semantics = [#tpu.dimension_semantics<core_parallel>, #tpu.dimension_semantics<subcore_parallel>], iteration_bounds = array<i64: 2, 16>, scalar_prefetch = 0 : i64, scratch_operands = 12 : i64, tpu.core_type = #tpu.core_type<sc_vector_subcore>, window_params = [{transform_indices = #map}, {transform_indices = #map}, {transform_indices = #map}, {transform_indices = #map}]} {
    %mul3A = arith.constant 2 : i32
    %mul3A_0 = arith.muli %arg1, %mul3A : i32
    %add3A = arith.addi %mul3A_0, %arg0 : i32
    %lt3A = arith.constant 16 : i32
    %lt3A_1 = arith.cmpi slt, %add3A, %lt3A : i32
    %sub3A = arith.constant 16 : i32
    %sub3A_2 = arith.subi %add3A, %sub3A : i32
    %select_n3A = arith.select %lt3A_1, %add3A, %sub3A_2 : i32
    %mul3A_3 = arith.constant 20000 : i32
    %mul3A_4 = arith.muli %select_n3A, %mul3A_3 : i32
    %jit3A = arith.constant 1.000000e+00 : f32
    %jit3A_5 = arith.constant 0.000000e+00 : f32
    %select_n3A_6 = arith.select %lt3A_1, %jit3A, %jit3A_5 : f32
    %iota3A = tpu.iota {dimensions = array<i32: 0>} : vector<16xi32>
    %add3A_7 = arith.constant 0 : i32
    %add3A_8 = arith.addi %mul3A_4, %add3A_7 : i32
    %not3A = arith.constant true
    %not3A_9 = arith.xori %lt3A_1, %not3A : i1
    %convert_element_type3A = arith.extui %lt3A_1 : i1 to i32
    %cond3A = arith.constant 0 : i32
    %cond3A_10 = arith.cmpi ne, %convert_element_type3A, %cond3A : i32
    scf.if %cond3A_10 {
      %run_scoped3A = arith.constant 0 : i32
      "tpu.region"() ({
        %run_scoped3A_111 = tpu.sem_alloc : memref<!tpu.dma_semaphore, #tpu.memory_space<semaphore_mem>>
        %dma_start3A_112 = arith.constant 0 : i32
        %dma_start3A_113 = tpu.memref_slice %arg6[%dma_start3A_112] : memref<800xi32, #tpu.memory_space<vmem>> -> memref<400xi32, #tpu.memory_space<vmem>>
        %dma_start3A_114 = tpu.memref_slice %arg3[%run_scoped3A, %add3A_8] : memref<2x320000xi32, #tpu.memory_space<hbm>> -> memref<1x400xi32, #tpu.memory_space<hbm>>
        %dma_start3A_115 = tpu.memref_squeeze %dma_start3A_114 : memref<1x400xi32, #tpu.memory_space<hbm>> -> memref<400xi32, #tpu.memory_space<hbm>>
        %dma_start3A_116 = arith.constant 0 : i32
        %dma_start3A_117 = tpu.memref_slice %arg6[%dma_start3A_116] : memref<800xi32, #tpu.memory_space<vmem>> -> memref<400xi32, #tpu.memory_space<vmem>>
        %dma_start3A_118 = tpu.memref_slice %arg3[%run_scoped3A, %add3A_8] : memref<2x320000xi32, #tpu.memory_space<hbm>> -> memref<1x400xi32, #tpu.memory_space<hbm>>
        %dma_start3A_119 = tpu.memref_squeeze %dma_start3A_118 : memref<1x400xi32, #tpu.memory_space<hbm>> -> memref<400xi32, #tpu.memory_space<hbm>>
        tpu.enqueue_dma source(%dma_start3A_119 : memref<400xi32, #tpu.memory_space<hbm>>) target(%dma_start3A_117 : memref<400xi32, #tpu.memory_space<vmem>>) target_semaphore(%run_scoped3A_111 : memref<!tpu.dma_semaphore, #tpu.memory_space<semaphore_mem>>)
        %dma_wait3A = arith.constant 0 : i32
        %dma_wait3A_120 = tpu.memref_slice %arg6[%dma_wait3A] : memref<800xi32, #tpu.memory_space<vmem>> -> memref<400xi32, #tpu.memory_space<vmem>>
        %dma_wait3A_121 = tpu.memref_slice %arg3[%run_scoped3A, %add3A_8] : memref<2x320000xi32, #tpu.memory_space<hbm>> -> memref<1x400xi32, #tpu.memory_space<hbm>>
        %dma_wait3A_122 = tpu.memref_squeeze %dma_wait3A_121 : memref<1x400xi32, #tpu.memory_space<hbm>> -> memref<400xi32, #tpu.memory_space<hbm>>
        %dma_wait3A_123 = arith.constant 0 : i32
        %dma_wait3A_124 = tpu.memref_slice %arg6[%dma_wait3A_123] : memref<800xi32, #tpu.memory_space<vmem>> -> memref<400xi32, #tpu.memory_space<vmem>>
        %dma_wait3A_125 = tpu.memref_slice %arg3[%run_scoped3A, %add3A_8] : memref<2x320000xi32, #tpu.memory_space<hbm>> -> memref<1x400xi32, #tpu.memory_space<hbm>>
        %dma_wait3A_126 = tpu.memref_squeeze %dma_wait3A_125 : memref<1x400xi32, #tpu.memory_space<hbm>> -> memref<400xi32, #tpu.memory_space<hbm>>
        tpu.wait_dma2 semaphore(%run_scoped3A_111 : memref<!tpu.dma_semaphore, #tpu.memory_space<semaphore_mem>>) src(%dma_wait3A_126 : memref<400xi32, #tpu.memory_space<hbm>>) dst(%dma_wait3A_124 : memref<400xi32, #tpu.memory_space<vmem>>)
        tpu.yield
      }) : () -> ()
      %run_scoped3A_110 = arith.constant 1 : i32
      "tpu.region"() ({
        %run_scoped3A_111 = tpu.sem_alloc : memref<!tpu.dma_semaphore, #tpu.memory_space<semaphore_mem>>
        %dma_start3A_112 = arith.constant 400 : i32
        %dma_start3A_113 = tpu.memref_slice %arg6[%dma_start3A_112] : memref<800xi32, #tpu.memory_space<vmem>> -> memref<400xi32, #tpu.memory_space<vmem>>
        %dma_start3A_114 = tpu.memref_slice %arg3[%run_scoped3A_110, %add3A_8] : memref<2x320000xi32, #tpu.memory_space<hbm>> -> memref<1x400xi32, #tpu.memory_space<hbm>>
        %dma_start3A_115 = tpu.memref_squeeze %dma_start3A_114 : memref<1x400xi32, #tpu.memory_space<hbm>> -> memref<400xi32, #tpu.memory_space<hbm>>
        %dma_start3A_116 = arith.constant 400 : i32
        %dma_start3A_117 = tpu.memref_slice %arg6[%dma_start3A_116] : memref<800xi32, #tpu.memory_space<vmem>> -> memref<400xi32, #tpu.memory_space<vmem>>
        %dma_start3A_118 = tpu.memref_slice %arg3[%run_scoped3A_110, %add3A_8] : memref<2x320000xi32, #tpu.memory_space<hbm>> -> memref<1x400xi32, #tpu.memory_space<hbm>>
        %dma_start3A_119 = tpu.memref_squeeze %dma_start3A_118 : memref<1x400xi32, #tpu.memory_space<hbm>> -> memref<400xi32, #tpu.memory_space<hbm>>
        tpu.enqueue_dma source(%dma_start3A_119 : memref<400xi32, #tpu.memory_space<hbm>>) target(%dma_start3A_117 : memref<400xi32, #tpu.memory_space<vmem>>) target_semaphore(%run_scoped3A_111 : memref<!tpu.dma_semaphore, #tpu.memory_space<semaphore_mem>>)
        %dma_wait3A = arith.constant 400 : i32
        %dma_wait3A_120 = tpu.memref_slice %arg6[%dma_wait3A] : memref<800xi32, #tpu.memory_space<vmem>> -> memref<400xi32, #tpu.memory_space<vmem>>
        %dma_wait3A_121 = tpu.memref_slice %arg3[%run_scoped3A_110, %add3A_8] : memref<2x320000xi32, #tpu.memory_space<hbm>> -> memref<1x400xi32, #tpu.memory_space<hbm>>
        %dma_wait3A_122 = tpu.memref_squeeze %dma_wait3A_121 : memref<1x400xi32, #tpu.memory_space<hbm>> -> memref<400xi32, #tpu.memory_space<hbm>>
        %dma_wait3A_123 = arith.constant 400 : i32
        %dma_wait3A_124 = tpu.memref_slice %arg6[%dma_wait3A_123] : memref<800xi32, #tpu.memory_space<vmem>> -> memref<400xi32, #tpu.memory_space<vmem>>
        %dma_wait3A_125 = tpu.memref_slice %arg3[%run_scoped3A_110, %add3A_8] : memref<2x320000xi32, #tpu.memory_space<hbm>> -> memref<1x400xi32, #tpu.memory_space<hbm>>
        %dma_wait3A_126 = tpu.memref_squeeze %dma_wait3A_125 : memref<1x400xi32, #tpu.memory_space<hbm>> -> memref<400xi32, #tpu.memory_space<hbm>>
        tpu.wait_dma2 semaphore(%run_scoped3A_111 : memref<!tpu.dma_semaphore, #tpu.memory_space<semaphore_mem>>) src(%dma_wait3A_126 : memref<400xi32, #tpu.memory_space<hbm>>) dst(%dma_wait3A_124 : memref<400xi32, #tpu.memory_space<vmem>>)
        tpu.yield
      }) : () -> ()
    } else {
    }
    %convert_element_type3A_11 = arith.extui %not3A_9 : i1 to i32
    %cond3A_12 = arith.constant 0 : i32
    %cond3A_13 = arith.cmpi ne, %convert_element_type3A_11, %cond3A_12 : i32
    scf.if %cond3A_13 {
      %run_scoped3A = arith.constant 0 : i32
      "tpu.region"() ({
        %run_scoped3A_111 = tpu.sem_alloc : memref<!tpu.dma_semaphore, #tpu.memory_space<semaphore_mem>>
        %dma_start3A_112 = arith.constant 0 : i32
        %dma_start3A_113 = tpu.memref_slice %arg6[%dma_start3A_112] : memref<800xi32, #tpu.memory_space<vmem>> -> memref<400xi32, #tpu.memory_space<vmem>>
        %dma_start3A_114 = tpu.memref_slice %arg4[%run_scoped3A, %add3A_8] : memref<2x320000xi32, #tpu.memory_space<hbm>> -> memref<1x400xi32, #tpu.memory_space<hbm>>
        %dma_start3A_115 = tpu.memref_squeeze %dma_start3A_114 : memref<1x400xi32, #tpu.memory_space<hbm>> -> memref<400xi32, #tpu.memory_space<hbm>>
        %dma_start3A_116 = arith.constant 0 : i32
        %dma_start3A_117 = tpu.memref_slice %arg6[%dma_start3A_116] : memref<800xi32, #tpu.memory_space<vmem>> -> memref<400xi32, #tpu.memory_space<vmem>>
        %dma_start3A_118 = tpu.memref_slice %arg4[%run_scoped3A, %add3A_8] : memref<2x320000xi32, #tpu.memory_space<hbm>> -> memref<1x400xi32, #tpu.memory_space<hbm>>
        %dma_start3A_119 = tpu.memref_squeeze %dma_start3A_118 : memref<1x400xi32, #tpu.memory_space<hbm>> -> memref<400xi32, #tpu.memory_space<hbm>>
        tpu.enqueue_dma source(%dma_start3A_119 : memref<400xi32, #tpu.memory_space<hbm>>) target(%dma_start3A_117 : memref<400xi32, #tpu.memory_space<vmem>>) target_semaphore(%run_scoped3A_111 : memref<!tpu.dma_semaphore, #tpu.memory_space<semaphore_mem>>)
        %dma_wait3A = arith.constant 0 : i32
        %dma_wait3A_120 = tpu.memref_slice %arg6[%dma_wait3A] : memref<800xi32, #tpu.memory_space<vmem>> -> memref<400xi32, #tpu.memory_space<vmem>>
        %dma_wait3A_121 = tpu.memref_slice %arg4[%run_scoped3A, %add3A_8] : memref<2x320000xi32, #tpu.memory_space<hbm>> -> memref<1x400xi32, #tpu.memory_space<hbm>>
        %dma_wait3A_122 = tpu.memref_squeeze %dma_wait3A_121 : memref<1x400xi32, #tpu.memory_space<hbm>> -> memref<400xi32, #tpu.memory_space<hbm>>
        %dma_wait3A_123 = arith.constant 0 : i32
        %dma_wait3A_124 = tpu.memref_slice %arg6[%dma_wait3A_123] : memref<800xi32, #tpu.memory_space<vmem>> -> memref<400xi32, #tpu.memory_space<vmem>>
        %dma_wait3A_125 = tpu.memref_slice %arg4[%run_scoped3A, %add3A_8] : memref<2x320000xi32, #tpu.memory_space<hbm>> -> memref<1x400xi32, #tpu.memory_space<hbm>>
        %dma_wait3A_126 = tpu.memref_squeeze %dma_wait3A_125 : memref<1x400xi32, #tpu.memory_space<hbm>> -> memref<400xi32, #tpu.memory_space<hbm>>
        tpu.wait_dma2 semaphore(%run_scoped3A_111 : memref<!tpu.dma_semaphore, #tpu.memory_space<semaphore_mem>>) src(%dma_wait3A_126 : memref<400xi32, #tpu.memory_space<hbm>>) dst(%dma_wait3A_124 : memref<400xi32, #tpu.memory_space<vmem>>)
        tpu.yield
      }) : () -> ()
      %run_scoped3A_110 = arith.constant 1 : i32
      "tpu.region"() ({
        %run_scoped3A_111 = tpu.sem_alloc : memref<!tpu.dma_semaphore, #tpu.memory_space<semaphore_mem>>
        %dma_start3A_112 = arith.constant 400 : i32
        %dma_start3A_113 = tpu.memref_slice %arg6[%dma_start3A_112] : memref<800xi32, #tpu.memory_space<vmem>> -> memref<400xi32, #tpu.memory_space<vmem>>
        %dma_start3A_114 = tpu.memref_slice %arg4[%run_scoped3A_110, %add3A_8] : memref<2x320000xi32, #tpu.memory_space<hbm>> -> memref<1x400xi32, #tpu.memory_space<hbm>>
        %dma_start3A_115 = tpu.memref_squeeze %dma_start3A_114 : memref<1x400xi32, #tpu.memory_space<hbm>> -> memref<400xi32, #tpu.memory_space<hbm>>
        %dma_start3A_116 = arith.constant 400 : i32
        %dma_start3A_117 = tpu.memref_slice %arg6[%dma_start3A_116] : memref<800xi32, #tpu.memory_space<vmem>> -> memref<400xi32, #tpu.memory_space<vmem>>
        %dma_start3A_118 = tpu.memref_slice %arg4[%run_scoped3A_110, %add3A_8] : memref<2x320000xi32, #tpu.memory_space<hbm>> -> memref<1x400xi32, #tpu.memory_space<hbm>>
        %dma_start3A_119 = tpu.memref_squeeze %dma_start3A_118 : memref<1x400xi32, #tpu.memory_space<hbm>> -> memref<400xi32, #tpu.memory_space<hbm>>
        tpu.enqueue_dma source(%dma_start3A_119 : memref<400xi32, #tpu.memory_space<hbm>>) target(%dma_start3A_117 : memref<400xi32, #tpu.memory_space<vmem>>) target_semaphore(%run_scoped3A_111 : memref<!tpu.dma_semaphore, #tpu.memory_space<semaphore_mem>>)
        %dma_wait3A = arith.constant 400 : i32
        %dma_wait3A_120 = tpu.memref_slice %arg6[%dma_wait3A] : memref<800xi32, #tpu.memory_space<vmem>> -> memref<400xi32, #tpu.memory_space<vmem>>
        %dma_wait3A_121 = tpu.memref_slice %arg4[%run_scoped3A_110, %add3A_8] : memref<2x320000xi32, #tpu.memory_space<hbm>> -> memref<1x400xi32, #tpu.memory_space<hbm>>
        %dma_wait3A_122 = tpu.memref_squeeze %dma_wait3A_121 : memref<1x400xi32, #tpu.memory_space<hbm>> -> memref<400xi32, #tpu.memory_space<hbm>>
        %dma_wait3A_123 = arith.constant 400 : i32
        %dma_wait3A_124 = tpu.memref_slice %arg6[%dma_wait3A_123] : memref<800xi32, #tpu.memory_space<vmem>> -> memref<400xi32, #tpu.memory_space<vmem>>
        %dma_wait3A_125 = tpu.memref_slice %arg4[%run_scoped3A_110, %add3A_8] : memref<2x320000xi32, #tpu.memory_space<hbm>> -> memref<1x400xi32, #tpu.memory_space<hbm>>
        %dma_wait3A_126 = tpu.memref_squeeze %dma_wait3A_125 : memref<1x400xi32, #tpu.memory_space<hbm>> -> memref<400xi32, #tpu.memory_space<hbm>>
        tpu.wait_dma2 semaphore(%run_scoped3A_111 : memref<!tpu.dma_semaphore, #tpu.memory_space<semaphore_mem>>) src(%dma_wait3A_126 : memref<400xi32, #tpu.memory_space<hbm>>) dst(%dma_wait3A_124 : memref<400xi32, #tpu.memory_space<vmem>>)
        tpu.yield
      }) : () -> ()
    } else {
    }
    %add3A_14 = arith.constant 400 : i32
    %add3A_15 = arith.addi %mul3A_4, %add3A_14 : i32
    %not3A_16 = arith.constant true
    %not3A_17 = arith.xori %lt3A_1, %not3A_16 : i1
    %convert_element_type3A_18 = arith.extui %lt3A_1 : i1 to i32
    %cond3A_19 = arith.constant 0 : i32
    %cond3A_20 = arith.cmpi ne, %convert_element_type3A_18, %cond3A_19 : i32
    scf.if %cond3A_20 {
      %dma_start3A_110 = arith.constant 0 : i32
      %dma_start3A_111 = arith.constant 0 : i32
      %dma_start3A_112 = tpu.memref_slice %arg7[%dma_start3A_111] : memref<800xi32, #tpu.memory_space<vmem>> -> memref<400xi32, #tpu.memory_space<vmem>>
      %dma_start3A_113 = tpu.memref_slice %arg3[%dma_start3A_110, %add3A_15] : memref<2x320000xi32, #tpu.memory_space<hbm>> -> memref<1x400xi32, #tpu.memory_space<hbm>>
      %dma_start3A_114 = tpu.memref_squeeze %dma_start3A_113 : memref<1x400xi32, #tpu.memory_space<hbm>> -> memref<400xi32, #tpu.memory_space<hbm>>
      %dma_start3A_115 = arith.constant 0 : i32
      %dma_start3A_116 = tpu.memref_slice %arg7[%dma_start3A_115] : memref<800xi32, #tpu.memory_space<vmem>> -> memref<400xi32, #tpu.memory_space<vmem>>
      %dma_start3A_117 = tpu.memref_slice %arg3[%dma_start3A_110, %add3A_15] : memref<2x320000xi32, #tpu.memory_space<hbm>> -> memref<1x400xi32, #tpu.memory_space<hbm>>
      %dma_start3A_118 = tpu.memref_squeeze %dma_start3A_117 : memref<1x400xi32, #tpu.memory_space<hbm>> -> memref<400xi32, #tpu.memory_space<hbm>>
      tpu.enqueue_dma source(%dma_start3A_118 : memref<400xi32, #tpu.memory_space<hbm>>) target(%dma_start3A_116 : memref<400xi32, #tpu.memory_space<vmem>>) target_semaphore(%arg15 : memref<!tpu.dma_semaphore, #tpu.memory_space<semaphore_mem>>)
      %dma_start3A_119 = arith.constant 1 : i32
      %dma_start3A_120 = arith.constant 400 : i32
      %dma_start3A_121 = tpu.memref_slice %arg7[%dma_start3A_120] : memref<800xi32, #tpu.memory_space<vmem>> -> memref<400xi32, #tpu.memory_space<vmem>>
      %dma_start3A_122 = tpu.memref_slice %arg3[%dma_start3A_119, %add3A_15] : memref<2x320000xi32, #tpu.memory_space<hbm>> -> memref<1x400xi32, #tpu.memory_space<hbm>>
      %dma_start3A_123 = tpu.memref_squeeze %dma_start3A_122 : memref<1x400xi32, #tpu.memory_space<hbm>> -> memref<400xi32, #tpu.memory_space<hbm>>
      %dma_start3A_124 = arith.constant 400 : i32
      %dma_start3A_125 = tpu.memref_slice %arg7[%dma_start3A_124] : memref<800xi32, #tpu.memory_space<vmem>> -> memref<400xi32, #tpu.memory_space<vmem>>
      %dma_start3A_126 = tpu.memref_slice %arg3[%dma_start3A_119, %add3A_15] : memref<2x320000xi32, #tpu.memory_space<hbm>> -> memref<1x400xi32, #tpu.memory_space<hbm>>
      %dma_start3A_127 = tpu.memref_squeeze %dma_start3A_126 : memref<1x400xi32, #tpu.memory_space<hbm>> -> memref<400xi32, #tpu.memory_space<hbm>>
      tpu.enqueue_dma source(%dma_start3A_127 : memref<400xi32, #tpu.memory_space<hbm>>) target(%dma_start3A_125 : memref<400xi32, #tpu.memory_space<vmem>>) target_semaphore(%arg15 : memref<!tpu.dma_semaphore, #tpu.memory_space<semaphore_mem>>)
    } else {
    }
    %convert_element_type3A_21 = arith.extui %not3A_17 : i1 to i32
    %cond3A_22 = arith.constant 0 : i32
    %cond3A_23 = arith.cmpi ne, %convert_element_type3A_21, %cond3A_22 : i32
    scf.if %cond3A_23 {
      %dma_start3A_110 = arith.constant 0 : i32
      %dma_start3A_111 = arith.constant 0 : i32
      %dma_start3A_112 = tpu.memref_slice %arg7[%dma_start3A_111] : memref<800xi32, #tpu.memory_space<vmem>> -> memref<400xi32, #tpu.memory_space<vmem>>
      %dma_start3A_113 = tpu.memref_slice %arg4[%dma_start3A_110, %add3A_15] : memref<2x320000xi32, #tpu.memory_space<hbm>> -> memref<1x400xi32, #tpu.memory_space<hbm>>
      %dma_start3A_114 = tpu.memref_squeeze %dma_start3A_113 : memref<1x400xi32, #tpu.memory_space<hbm>> -> memref<400xi32, #tpu.memory_space<hbm>>
      %dma_start3A_115 = arith.constant 0 : i32
      %dma_start3A_116 = tpu.memref_slice %arg7[%dma_start3A_115] : memref<800xi32, #tpu.memory_space<vmem>> -> memref<400xi32, #tpu.memory_space<vmem>>
      %dma_start3A_117 = tpu.memref_slice %arg4[%dma_start3A_110, %add3A_15] : memref<2x320000xi32, #tpu.memory_space<hbm>> -> memref<1x400xi32, #tpu.memory_space<hbm>>
      %dma_start3A_118 = tpu.memref_squeeze %dma_start3A_117 : memref<1x400xi32, #tpu.memory_space<hbm>> -> memref<400xi32, #tpu.memory_space<hbm>>
      tpu.enqueue_dma source(%dma_start3A_118 : memref<400xi32, #tpu.memory_space<hbm>>) target(%dma_start3A_116 : memref<400xi32, #tpu.memory_space<vmem>>) target_semaphore(%arg15 : memref<!tpu.dma_semaphore, #tpu.memory_space<semaphore_mem>>)
      %dma_start3A_119 = arith.constant 1 : i32
      %dma_start3A_120 = arith.constant 400 : i32
      %dma_start3A_121 = tpu.memref_slice %arg7[%dma_start3A_120] : memref<800xi32, #tpu.memory_space<vmem>> -> memref<400xi32, #tpu.memory_space<vmem>>
      %dma_start3A_122 = tpu.memref_slice %arg4[%dma_start3A_119, %add3A_15] : memref<2x320000xi32, #tpu.memory_space<hbm>> -> memref<1x400xi32, #tpu.memory_space<hbm>>
      %dma_start3A_123 = tpu.memref_squeeze %dma_start3A_122 : memref<1x400xi32, #tpu.memory_space<hbm>> -> memref<400xi32, #tpu.memory_space<hbm>>
      %dma_start3A_124 = arith.constant 400 : i32
      %dma_start3A_125 = tpu.memref_slice %arg7[%dma_start3A_124] : memref<800xi32, #tpu.memory_space<vmem>> -> memref<400xi32, #tpu.memory_space<vmem>>
      %dma_start3A_126 = tpu.memref_slice %arg4[%dma_start3A_119, %add3A_15] : memref<2x320000xi32, #tpu.memory_space<hbm>> -> memref<1x400xi32, #tpu.memory_space<hbm>>
      %dma_start3A_127 = tpu.memref_squeeze %dma_start3A_126 : memref<1x400xi32, #tpu.memory_space<hbm>> -> memref<400xi32, #tpu.memory_space<hbm>>
      tpu.enqueue_dma source(%dma_start3A_127 : memref<400xi32, #tpu.memory_space<hbm>>) target(%dma_start3A_125 : memref<400xi32, #tpu.memory_space<vmem>>) target_semaphore(%arg15 : memref<!tpu.dma_semaphore, #tpu.memory_space<semaphore_mem>>)
    } else {
    }
    %dma_start3A = arith.constant 0 : i32
    %dma_start3A_24 = arith.constant 0 : i32
    %dma_start3A_25 = tpu.memref_slice %arg8[%dma_start3A, %dma_start3A_24] : memref<400x64xi32, #tpu.memory_space<vmem>> -> memref<80x64xi32, #tpu.memory_space<vmem>>
    %dma_start3A_26 = arith.constant 0 : i32
    %dma_start3A_27 = tpu.memref_slice %arg6[%dma_start3A_26] : memref<800xi32, #tpu.memory_space<vmem>> -> memref<80xi32, #tpu.memory_space<vmem>>
    %dma_start3A_28 = arith.constant 0 : i32
    %dma_start3A_29 = arith.constant 0 : i32
    %dma_start3A_30 = tpu.memref_slice %arg2[%dma_start3A_28, %dma_start3A_29] : memref<10000x64xi32, #tpu.memory_space<hbm>> -> memref<10000x64xi32, #tpu.memory_space<hbm>>
    tpu.enqueue_indirect_dma source(%dma_start3A_30 : memref<10000x64xi32, #tpu.memory_space<hbm>>) target(%dma_start3A_25 : memref<80x64xi32, #tpu.memory_space<vmem>>) offsets(%dma_start3A_27 : memref<80xi32, #tpu.memory_space<vmem>>) semaphore(%arg16 : memref<!tpu.dma_semaphore, #tpu.memory_space<semaphore_mem>>)
    %dma_start3A_31 = arith.constant 0 : i32
    %dma_start3A_32 = arith.constant 0 : i32
    %dma_start3A_33 = tpu.memref_slice %arg9[%dma_start3A_31, %dma_start3A_32] : memref<400x64xi32, #tpu.memory_space<vmem>> -> memref<80x64xi32, #tpu.memory_space<vmem>>
    %dma_start3A_34 = arith.constant 400 : i32
    %dma_start3A_35 = tpu.memref_slice %arg6[%dma_start3A_34] : memref<800xi32, #tpu.memory_space<vmem>> -> memref<80xi32, #tpu.memory_space<vmem>>
    %dma_start3A_36 = arith.constant 0 : i32
    %dma_start3A_37 = arith.constant 0 : i32
    %dma_start3A_38 = tpu.memref_slice %arg2[%dma_start3A_36, %dma_start3A_37] : memref<10000x64xi32, #tpu.memory_space<hbm>> -> memref<10000x64xi32, #tpu.memory_space<hbm>>
    tpu.enqueue_indirect_dma source(%dma_start3A_38 : memref<10000x64xi32, #tpu.memory_space<hbm>>) target(%dma_start3A_33 : memref<80x64xi32, #tpu.memory_space<vmem>>) offsets(%dma_start3A_35 : memref<80xi32, #tpu.memory_space<vmem>>) semaphore(%arg16 : memref<!tpu.dma_semaphore, #tpu.memory_space<semaphore_mem>>)
    %dma_start3A_39 = arith.constant 80 : i32
    %dma_start3A_40 = arith.constant 0 : i32
    %dma_start3A_41 = tpu.memref_slice %arg8[%dma_start3A_39, %dma_start3A_40] : memref<400x64xi32, #tpu.memory_space<vmem>> -> memref<80x64xi32, #tpu.memory_space<vmem>>
    %dma_start3A_42 = arith.constant 80 : i32
    %dma_start3A_43 = tpu.memref_slice %arg6[%dma_start3A_42] : memref<800xi32, #tpu.memory_space<vmem>> -> memref<80xi32, #tpu.memory_space<vmem>>
    %dma_start3A_44 = arith.constant 0 : i32
    %dma_start3A_45 = arith.constant 0 : i32
    %dma_start3A_46 = tpu.memref_slice %arg2[%dma_start3A_44, %dma_start3A_45] : memref<10000x64xi32, #tpu.memory_space<hbm>> -> memref<10000x64xi32, #tpu.memory_space<hbm>>
    tpu.enqueue_indirect_dma source(%dma_start3A_46 : memref<10000x64xi32, #tpu.memory_space<hbm>>) target(%dma_start3A_41 : memref<80x64xi32, #tpu.memory_space<vmem>>) offsets(%dma_start3A_43 : memref<80xi32, #tpu.memory_space<vmem>>) semaphore(%arg16 : memref<!tpu.dma_semaphore, #tpu.memory_space<semaphore_mem>>)
    %dma_start3A_47 = arith.constant 80 : i32
    %dma_start3A_48 = arith.constant 0 : i32
    %dma_start3A_49 = tpu.memref_slice %arg9[%dma_start3A_47, %dma_start3A_48] : memref<400x64xi32, #tpu.memory_space<vmem>> -> memref<80x64xi32, #tpu.memory_space<vmem>>
    %dma_start3A_50 = arith.constant 480 : i32
    %dma_start3A_51 = tpu.memref_slice %arg6[%dma_start3A_50] : memref<800xi32, #tpu.memory_space<vmem>> -> memref<80xi32, #tpu.memory_space<vmem>>
    %dma_start3A_52 = arith.constant 0 : i32
    %dma_start3A_53 = arith.constant 0 : i32
    %dma_start3A_54 = tpu.memref_slice %arg2[%dma_start3A_52, %dma_start3A_53] : memref<10000x64xi32, #tpu.memory_space<hbm>> -> memref<10000x64xi32, #tpu.memory_space<hbm>>
    tpu.enqueue_indirect_dma source(%dma_start3A_54 : memref<10000x64xi32, #tpu.memory_space<hbm>>) target(%dma_start3A_49 : memref<80x64xi32, #tpu.memory_space<vmem>>) offsets(%dma_start3A_51 : memref<80xi32, #tpu.memory_space<vmem>>) semaphore(%arg16 : memref<!tpu.dma_semaphore, #tpu.memory_space<semaphore_mem>>)
    %dma_start3A_55 = arith.constant 160 : i32
    %dma_start3A_56 = arith.constant 0 : i32
    %dma_start3A_57 = tpu.memref_slice %arg8[%dma_start3A_55, %dma_start3A_56] : memref<400x64xi32, #tpu.memory_space<vmem>> -> memref<80x64xi32, #tpu.memory_space<vmem>>
    %dma_start3A_58 = arith.constant 160 : i32
    %dma_start3A_59 = tpu.memref_slice %arg6[%dma_start3A_58] : memref<800xi32, #tpu.memory_space<vmem>> -> memref<80xi32, #tpu.memory_space<vmem>>
    %dma_start3A_60 = arith.constant 0 : i32
    %dma_start3A_61 = arith.constant 0 : i32
    %dma_start3A_62 = tpu.memref_slice %arg2[%dma_start3A_60, %dma_start3A_61] : memref<10000x64xi32, #tpu.memory_space<hbm>> -> memref<10000x64xi32, #tpu.memory_space<hbm>>
    tpu.enqueue_indirect_dma source(%dma_start3A_62 : memref<10000x64xi32, #tpu.memory_space<hbm>>) target(%dma_start3A_57 : memref<80x64xi32, #tpu.memory_space<vmem>>) offsets(%dma_start3A_59 : memref<80xi32, #tpu.memory_space<vmem>>) semaphore(%arg16 : memref<!tpu.dma_semaphore, #tpu.memory_space<semaphore_mem>>)
    %dma_start3A_63 = arith.constant 160 : i32
    %dma_start3A_64 = arith.constant 0 : i32
    %dma_start3A_65 = tpu.memref_slice %arg9[%dma_start3A_63, %dma_start3A_64] : memref<400x64xi32, #tpu.memory_space<vmem>> -> memref<80x64xi32, #tpu.memory_space<vmem>>
    %dma_start3A_66 = arith.constant 560 : i32
    %dma_start3A_67 = tpu.memref_slice %arg6[%dma_start3A_66] : memref<800xi32, #tpu.memory_space<vmem>> -> memref<80xi32, #tpu.memory_space<vmem>>
    %dma_start3A_68 = arith.constant 0 : i32
    %dma_start3A_69 = arith.constant 0 : i32
    %dma_start3A_70 = tpu.memref_slice %arg2[%dma_start3A_68, %dma_start3A_69] : memref<10000x64xi32, #tpu.memory_space<hbm>> -> memref<10000x64xi32, #tpu.memory_space<hbm>>
    tpu.enqueue_indirect_dma source(%dma_start3A_70 : memref<10000x64xi32, #tpu.memory_space<hbm>>) target(%dma_start3A_65 : memref<80x64xi32, #tpu.memory_space<vmem>>) offsets(%dma_start3A_67 : memref<80xi32, #tpu.memory_space<vmem>>) semaphore(%arg16 : memref<!tpu.dma_semaphore, #tpu.memory_space<semaphore_mem>>)
    %dma_start3A_71 = arith.constant 240 : i32
    %dma_start3A_72 = arith.constant 0 : i32
    %dma_start3A_73 = tpu.memref_slice %arg8[%dma_start3A_71, %dma_start3A_72] : memref<400x64xi32, #tpu.memory_space<vmem>> -> memref<80x64xi32, #tpu.memory_space<vmem>>
    %dma_start3A_74 = arith.constant 240 : i32
    %dma_start3A_75 = tpu.memref_slice %arg6[%dma_start3A_74] : memref<800xi32, #tpu.memory_space<vmem>> -> memref<80xi32, #tpu.memory_space<vmem>>
    %dma_start3A_76 = arith.constant 0 : i32
    %dma_start3A_77 = arith.constant 0 : i32
    %dma_start3A_78 = tpu.memref_slice %arg2[%dma_start3A_76, %dma_start3A_77] : memref<10000x64xi32, #tpu.memory_space<hbm>> -> memref<10000x64xi32, #tpu.memory_space<hbm>>
    tpu.enqueue_indirect_dma source(%dma_start3A_78 : memref<10000x64xi32, #tpu.memory_space<hbm>>) target(%dma_start3A_73 : memref<80x64xi32, #tpu.memory_space<vmem>>) offsets(%dma_start3A_75 : memref<80xi32, #tpu.memory_space<vmem>>) semaphore(%arg16 : memref<!tpu.dma_semaphore, #tpu.memory_space<semaphore_mem>>)
    %dma_start3A_79 = arith.constant 240 : i32
    %dma_start3A_80 = arith.constant 0 : i32
    %dma_start3A_81 = tpu.memref_slice %arg9[%dma_start3A_79, %dma_start3A_80] : memref<400x64xi32, #tpu.memory_space<vmem>> -> memref<80x64xi32, #tpu.memory_space<vmem>>
    %dma_start3A_82 = arith.constant 640 : i32
    %dma_start3A_83 = tpu.memref_slice %arg6[%dma_start3A_82] : memref<800xi32, #tpu.memory_space<vmem>> -> memref<80xi32, #tpu.memory_space<vmem>>
    %dma_start3A_84 = arith.constant 0 : i32
    %dma_start3A_85 = arith.constant 0 : i32
    %dma_start3A_86 = tpu.memref_slice %arg2[%dma_start3A_84, %dma_start3A_85] : memref<10000x64xi32, #tpu.memory_space<hbm>> -> memref<10000x64xi32, #tpu.memory_space<hbm>>
    tpu.enqueue_indirect_dma source(%dma_start3A_86 : memref<10000x64xi32, #tpu.memory_space<hbm>>) target(%dma_start3A_81 : memref<80x64xi32, #tpu.memory_space<vmem>>) offsets(%dma_start3A_83 : memref<80xi32, #tpu.memory_space<vmem>>) semaphore(%arg16 : memref<!tpu.dma_semaphore, #tpu.memory_space<semaphore_mem>>)
    %dma_start3A_87 = arith.constant 320 : i32
    %dma_start3A_88 = arith.constant 0 : i32
    %dma_start3A_89 = tpu.memref_slice %arg8[%dma_start3A_87, %dma_start3A_88] : memref<400x64xi32, #tpu.memory_space<vmem>> -> memref<80x64xi32, #tpu.memory_space<vmem>>
    %dma_start3A_90 = arith.constant 320 : i32
    %dma_start3A_91 = tpu.memref_slice %arg6[%dma_start3A_90] : memref<800xi32, #tpu.memory_space<vmem>> -> memref<80xi32, #tpu.memory_space<vmem>>
    %dma_start3A_92 = arith.constant 0 : i32
    %dma_start3A_93 = arith.constant 0 : i32
    %dma_start3A_94 = tpu.memref_slice %arg2[%dma_start3A_92, %dma_start3A_93] : memref<10000x64xi32, #tpu.memory_space<hbm>> -> memref<10000x64xi32, #tpu.memory_space<hbm>>
    tpu.enqueue_indirect_dma source(%dma_start3A_94 : memref<10000x64xi32, #tpu.memory_space<hbm>>) target(%dma_start3A_89 : memref<80x64xi32, #tpu.memory_space<vmem>>) offsets(%dma_start3A_91 : memref<80xi32, #tpu.memory_space<vmem>>) semaphore(%arg16 : memref<!tpu.dma_semaphore, #tpu.memory_space<semaphore_mem>>)
    %dma_start3A_95 = arith.constant 320 : i32
    %dma_start3A_96 = arith.constant 0 : i32
    %dma_start3A_97 = tpu.memref_slice %arg9[%dma_start3A_95, %dma_start3A_96] : memref<400x64xi32, #tpu.memory_space<vmem>> -> memref<80x64xi32, #tpu.memory_space<vmem>>
    %dma_start3A_98 = arith.constant 720 : i32
    %dma_start3A_99 = tpu.memref_slice %arg6[%dma_start3A_98] : memref<800xi32, #tpu.memory_space<vmem>> -> memref<80xi32, #tpu.memory_space<vmem>>
    %dma_start3A_100 = arith.constant 0 : i32
    %dma_start3A_101 = arith.constant 0 : i32
    %dma_start3A_102 = tpu.memref_slice %arg2[%dma_start3A_100, %dma_start3A_101] : memref<10000x64xi32, #tpu.memory_space<hbm>> -> memref<10000x64xi32, #tpu.memory_space<hbm>>
    tpu.enqueue_indirect_dma source(%dma_start3A_102 : memref<10000x64xi32, #tpu.memory_space<hbm>>) target(%dma_start3A_97 : memref<80x64xi32, #tpu.memory_space<vmem>>) offsets(%dma_start3A_99 : memref<80xi32, #tpu.memory_space<vmem>>) semaphore(%arg16 : memref<!tpu.dma_semaphore, #tpu.memory_space<semaphore_mem>>)
    %broadcast_in_dim3A = arith.constant 0.000000e+00 : f32
    %broadcast_in_dim3A_103 = vector.broadcast %broadcast_in_dim3A : f32 to vector<16xf32>
    %scan3A = arith.constant 0 : i32
    %scan3A_104 = arith.constant 25 : i32
    %scan3A_105 = arith.addi %scan3A, %scan3A_104 : i32
    %scan3A_106 = arith.constant 1 : i32
    %scan3A_107 = scf.for %scan3A_110 = %scan3A to %scan3A_105 step %scan3A_106 iter_args(%scan3A_111 = %broadcast_in_dim3A_103) -> (vector<16xf32>)  : i32 {
      %mul3A_112 = arith.constant 2 : i32
      %mul3A_113 = arith.muli %scan3A_110, %mul3A_112 : i32
      %add3A_114 = arith.constant 0 : i32
      %add3A_115 = arith.addi %add3A_114, %mul3A_113 : i32
      %add3A_116 = arith.constant 1 : i32
      %add3A_117 = arith.addi %add3A_115, %add3A_116 : i32
      %lt3A_118 = arith.constant 50 : i32
      %lt3A_119 = arith.cmpi slt, %add3A_117, %lt3A_118 : i32
      %convert_element_type3A_120 = arith.extui %lt3A_119 : i1 to i32
      %cond3A_121 = arith.constant 0 : i32
      %cond3A_122 = arith.cmpi ne, %convert_element_type3A_120, %cond3A_121 : i32
      scf.if %cond3A_122 {
        %dma_wait3A_318 = arith.constant 0 : i32
        %dma_wait3A_319 = arith.constant 0 : i32
        %dma_wait3A_320 = tpu.memref_slice %arg7[%dma_wait3A_319] : memref<800xi32, #tpu.memory_space<vmem>> -> memref<400xi32, #tpu.memory_space<vmem>>
        %dma_wait3A_321 = arith.constant 0 : i32
        %dma_wait3A_322 = tpu.memref_slice %arg3[%dma_wait3A_318, %dma_wait3A_321] : memref<2x320000xi32, #tpu.memory_space<hbm>> -> memref<1x400xi32, #tpu.memory_space<hbm>>
        %dma_wait3A_323 = tpu.memref_squeeze %dma_wait3A_322 : memref<1x400xi32, #tpu.memory_space<hbm>> -> memref<400xi32, #tpu.memory_space<hbm>>
        %dma_wait3A_324 = arith.constant 0 : i32
        %dma_wait3A_325 = tpu.memref_slice %arg7[%dma_wait3A_324] : memref<800xi32, #tpu.memory_space<vmem>> -> memref<400xi32, #tpu.memory_space<vmem>>
        %dma_wait3A_326 = arith.constant 0 : i32
        %dma_wait3A_327 = tpu.memref_slice %arg3[%dma_wait3A_318, %dma_wait3A_326] : memref<2x320000xi32, #tpu.memory_space<hbm>> -> memref<1x400xi32, #tpu.memory_space<hbm>>
        %dma_wait3A_328 = tpu.memref_squeeze %dma_wait3A_327 : memref<1x400xi32, #tpu.memory_space<hbm>> -> memref<400xi32, #tpu.memory_space<hbm>>
        tpu.wait_dma2 semaphore(%arg15 : memref<!tpu.dma_semaphore, #tpu.memory_space<semaphore_mem>>) src(%dma_wait3A_328 : memref<400xi32, #tpu.memory_space<hbm>>) dst(%dma_wait3A_325 : memref<400xi32, #tpu.memory_space<vmem>>)
        %dma_wait3A_329 = arith.constant 0 : i32
        %dma_wait3A_330 = arith.constant 400 : i32
        %dma_wait3A_331 = tpu.memref_slice %arg7[%dma_wait3A_330] : memref<800xi32, #tpu.memory_space<vmem>> -> memref<400xi32, #tpu.memory_space<vmem>>
        %dma_wait3A_332 = arith.constant 0 : i32
        %dma_wait3A_333 = tpu.memref_slice %arg3[%dma_wait3A_329, %dma_wait3A_332] : memref<2x320000xi32, #tpu.memory_space<hbm>> -> memref<1x400xi32, #tpu.memory_space<hbm>>
        %dma_wait3A_334 = tpu.memref_squeeze %dma_wait3A_333 : memref<1x400xi32, #tpu.memory_space<hbm>> -> memref<400xi32, #tpu.memory_space<hbm>>
        %dma_wait3A_335 = arith.constant 400 : i32
        %dma_wait3A_336 = tpu.memref_slice %arg7[%dma_wait3A_335] : memref<800xi32, #tpu.memory_space<vmem>> -> memref<400xi32, #tpu.memory_space<vmem>>
        %dma_wait3A_337 = arith.constant 0 : i32
        %dma_wait3A_338 = tpu.memref_slice %arg3[%dma_wait3A_329, %dma_wait3A_337] : memref<2x320000xi32, #tpu.memory_space<hbm>> -> memref<1x400xi32, #tpu.memory_space<hbm>>
        %dma_wait3A_339 = tpu.memref_squeeze %dma_wait3A_338 : memref<1x400xi32, #tpu.memory_space<hbm>> -> memref<400xi32, #tpu.memory_space<hbm>>
        tpu.wait_dma2 semaphore(%arg15 : memref<!tpu.dma_semaphore, #tpu.memory_space<semaphore_mem>>) src(%dma_wait3A_339 : memref<400xi32, #tpu.memory_space<hbm>>) dst(%dma_wait3A_336 : memref<400xi32, #tpu.memory_space<vmem>>)
        %dma_start3A_340 = arith.constant 0 : i32
        %dma_start3A_341 = arith.constant 0 : i32
        %dma_start3A_342 = tpu.memref_slice %arg10[%dma_start3A_340, %dma_start3A_341] : memref<400x64xi32, #tpu.memory_space<vmem>> -> memref<80x64xi32, #tpu.memory_space<vmem>>
        %dma_start3A_343 = arith.constant 0 : i32
        %dma_start3A_344 = tpu.memref_slice %arg7[%dma_start3A_343] : memref<800xi32, #tpu.memory_space<vmem>> -> memref<80xi32, #tpu.memory_space<vmem>>
        %dma_start3A_345 = arith.constant 0 : i32
        %dma_start3A_346 = arith.constant 0 : i32
        %dma_start3A_347 = tpu.memref_slice %arg2[%dma_start3A_345, %dma_start3A_346] : memref<10000x64xi32, #tpu.memory_space<hbm>> -> memref<10000x64xi32, #tpu.memory_space<hbm>>
        tpu.enqueue_indirect_dma source(%dma_start3A_347 : memref<10000x64xi32, #tpu.memory_space<hbm>>) target(%dma_start3A_342 : memref<80x64xi32, #tpu.memory_space<vmem>>) offsets(%dma_start3A_344 : memref<80xi32, #tpu.memory_space<vmem>>) semaphore(%arg17 : memref<!tpu.dma_semaphore, #tpu.memory_space<semaphore_mem>>)
        %dma_start3A_348 = arith.constant 0 : i32
        %dma_start3A_349 = arith.constant 0 : i32
        %dma_start3A_350 = tpu.memref_slice %arg11[%dma_start3A_348, %dma_start3A_349] : memref<400x64xi32, #tpu.memory_space<vmem>> -> memref<80x64xi32, #tpu.memory_space<vmem>>
        %dma_start3A_351 = arith.constant 400 : i32
        %dma_start3A_352 = tpu.memref_slice %arg7[%dma_start3A_351] : memref<800xi32, #tpu.memory_space<vmem>> -> memref<80xi32, #tpu.memory_space<vmem>>
        %dma_start3A_353 = arith.constant 0 : i32
        %dma_start3A_354 = arith.constant 0 : i32
        %dma_start3A_355 = tpu.memref_slice %arg2[%dma_start3A_353, %dma_start3A_354] : memref<10000x64xi32, #tpu.memory_space<hbm>> -> memref<10000x64xi32, #tpu.memory_space<hbm>>
        tpu.enqueue_indirect_dma source(%dma_start3A_355 : memref<10000x64xi32, #tpu.memory_space<hbm>>) target(%dma_start3A_350 : memref<80x64xi32, #tpu.memory_space<vmem>>) offsets(%dma_start3A_352 : memref<80xi32, #tpu.memory_space<vmem>>) semaphore(%arg17 : memref<!tpu.dma_semaphore, #tpu.memory_space<semaphore_mem>>)
        %dma_start3A_356 = arith.constant 80 : i32
        %dma_start3A_357 = arith.constant 0 : i32
        %dma_start3A_358 = tpu.memref_slice %arg10[%dma_start3A_356, %dma_start3A_357] : memref<400x64xi32, #tpu.memory_space<vmem>> -> memref<80x64xi32, #tpu.memory_space<vmem>>
        %dma_start3A_359 = arith.constant 80 : i32
        %dma_start3A_360 = tpu.memref_slice %arg7[%dma_start3A_359] : memref<800xi32, #tpu.memory_space<vmem>> -> memref<80xi32, #tpu.memory_space<vmem>>
        %dma_start3A_361 = arith.constant 0 : i32
        %dma_start3A_362 = arith.constant 0 : i32
        %dma_start3A_363 = tpu.memref_slice %arg2[%dma_start3A_361, %dma_start3A_362] : memref<10000x64xi32, #tpu.memory_space<hbm>> -> memref<10000x64xi32, #tpu.memory_space<hbm>>
        tpu.enqueue_indirect_dma source(%dma_start3A_363 : memref<10000x64xi32, #tpu.memory_space<hbm>>) target(%dma_start3A_358 : memref<80x64xi32, #tpu.memory_space<vmem>>) offsets(%dma_start3A_360 : memref<80xi32, #tpu.memory_space<vmem>>) semaphore(%arg17 : memref<!tpu.dma_semaphore, #tpu.memory_space<semaphore_mem>>)
        %dma_start3A_364 = arith.constant 80 : i32
        %dma_start3A_365 = arith.constant 0 : i32
        %dma_start3A_366 = tpu.memref_slice %arg11[%dma_start3A_364, %dma_start3A_365] : memref<400x64xi32, #tpu.memory_space<vmem>> -> memref<80x64xi32, #tpu.memory_space<vmem>>
        %dma_start3A_367 = arith.constant 480 : i32
        %dma_start3A_368 = tpu.memref_slice %arg7[%dma_start3A_367] : memref<800xi32, #tpu.memory_space<vmem>> -> memref<80xi32, #tpu.memory_space<vmem>>
        %dma_start3A_369 = arith.constant 0 : i32
        %dma_start3A_370 = arith.constant 0 : i32
        %dma_start3A_371 = tpu.memref_slice %arg2[%dma_start3A_369, %dma_start3A_370] : memref<10000x64xi32, #tpu.memory_space<hbm>> -> memref<10000x64xi32, #tpu.memory_space<hbm>>
        tpu.enqueue_indirect_dma source(%dma_start3A_371 : memref<10000x64xi32, #tpu.memory_space<hbm>>) target(%dma_start3A_366 : memref<80x64xi32, #tpu.memory_space<vmem>>) offsets(%dma_start3A_368 : memref<80xi32, #tpu.memory_space<vmem>>) semaphore(%arg17 : memref<!tpu.dma_semaphore, #tpu.memory_space<semaphore_mem>>)
        %dma_start3A_372 = arith.constant 160 : i32
        %dma_start3A_373 = arith.constant 0 : i32
        %dma_start3A_374 = tpu.memref_slice %arg10[%dma_start3A_372, %dma_start3A_373] : memref<400x64xi32, #tpu.memory_space<vmem>> -> memref<80x64xi32, #tpu.memory_space<vmem>>
        %dma_start3A_375 = arith.constant 160 : i32
        %dma_start3A_376 = tpu.memref_slice %arg7[%dma_start3A_375] : memref<800xi32, #tpu.memory_space<vmem>> -> memref<80xi32, #tpu.memory_space<vmem>>
        %dma_start3A_377 = arith.constant 0 : i32
        %dma_start3A_378 = arith.constant 0 : i32
        %dma_start3A_379 = tpu.memref_slice %arg2[%dma_start3A_377, %dma_start3A_378] : memref<10000x64xi32, #tpu.memory_space<hbm>> -> memref<10000x64xi32, #tpu.memory_space<hbm>>
        tpu.enqueue_indirect_dma source(%dma_start3A_379 : memref<10000x64xi32, #tpu.memory_space<hbm>>) target(%dma_start3A_374 : memref<80x64xi32, #tpu.memory_space<vmem>>) offsets(%dma_start3A_376 : memref<80xi32, #tpu.memory_space<vmem>>) semaphore(%arg17 : memref<!tpu.dma_semaphore, #tpu.memory_space<semaphore_mem>>)
        %dma_start3A_380 = arith.constant 160 : i32
        %dma_start3A_381 = arith.constant 0 : i32
        %dma_start3A_382 = tpu.memref_slice %arg11[%dma_start3A_380, %dma_start3A_381] : memref<400x64xi32, #tpu.memory_space<vmem>> -> memref<80x64xi32, #tpu.memory_space<vmem>>
        %dma_start3A_383 = arith.constant 560 : i32
        %dma_start3A_384 = tpu.memref_slice %arg7[%dma_start3A_383] : memref<800xi32, #tpu.memory_space<vmem>> -> memref<80xi32, #tpu.memory_space<vmem>>
        %dma_start3A_385 = arith.constant 0 : i32
        %dma_start3A_386 = arith.constant 0 : i32
        %dma_start3A_387 = tpu.memref_slice %arg2[%dma_start3A_385, %dma_start3A_386] : memref<10000x64xi32, #tpu.memory_space<hbm>> -> memref<10000x64xi32, #tpu.memory_space<hbm>>
        tpu.enqueue_indirect_dma source(%dma_start3A_387 : memref<10000x64xi32, #tpu.memory_space<hbm>>) target(%dma_start3A_382 : memref<80x64xi32, #tpu.memory_space<vmem>>) offsets(%dma_start3A_384 : memref<80xi32, #tpu.memory_space<vmem>>) semaphore(%arg17 : memref<!tpu.dma_semaphore, #tpu.memory_space<semaphore_mem>>)
        %dma_start3A_388 = arith.constant 240 : i32
        %dma_start3A_389 = arith.constant 0 : i32
        %dma_start3A_390 = tpu.memref_slice %arg10[%dma_start3A_388, %dma_start3A_389] : memref<400x64xi32, #tpu.memory_space<vmem>> -> memref<80x64xi32, #tpu.memory_space<vmem>>
        %dma_start3A_391 = arith.constant 240 : i32
        %dma_start3A_392 = tpu.memref_slice %arg7[%dma_start3A_391] : memref<800xi32, #tpu.memory_space<vmem>> -> memref<80xi32, #tpu.memory_space<vmem>>
        %dma_start3A_393 = arith.constant 0 : i32
        %dma_start3A_394 = arith.constant 0 : i32
        %dma_start3A_395 = tpu.memref_slice %arg2[%dma_start3A_393, %dma_start3A_394] : memref<10000x64xi32, #tpu.memory_space<hbm>> -> memref<10000x64xi32, #tpu.memory_space<hbm>>
        tpu.enqueue_indirect_dma source(%dma_start3A_395 : memref<10000x64xi32, #tpu.memory_space<hbm>>) target(%dma_start3A_390 : memref<80x64xi32, #tpu.memory_space<vmem>>) offsets(%dma_start3A_392 : memref<80xi32, #tpu.memory_space<vmem>>) semaphore(%arg17 : memref<!tpu.dma_semaphore, #tpu.memory_space<semaphore_mem>>)
        %dma_start3A_396 = arith.constant 240 : i32
        %dma_start3A_397 = arith.constant 0 : i32
        %dma_start3A_398 = tpu.memref_slice %arg11[%dma_start3A_396, %dma_start3A_397] : memref<400x64xi32, #tpu.memory_space<vmem>> -> memref<80x64xi32, #tpu.memory_space<vmem>>
        %dma_start3A_399 = arith.constant 640 : i32
        %dma_start3A_400 = tpu.memref_slice %arg7[%dma_start3A_399] : memref<800xi32, #tpu.memory_space<vmem>> -> memref<80xi32, #tpu.memory_space<vmem>>
        %dma_start3A_401 = arith.constant 0 : i32
        %dma_start3A_402 = arith.constant 0 : i32
        %dma_start3A_403 = tpu.memref_slice %arg2[%dma_start3A_401, %dma_start3A_402] : memref<10000x64xi32, #tpu.memory_space<hbm>> -> memref<10000x64xi32, #tpu.memory_space<hbm>>
        tpu.enqueue_indirect_dma source(%dma_start3A_403 : memref<10000x64xi32, #tpu.memory_space<hbm>>) target(%dma_start3A_398 : memref<80x64xi32, #tpu.memory_space<vmem>>) offsets(%dma_start3A_400 : memref<80xi32, #tpu.memory_space<vmem>>) semaphore(%arg17 : memref<!tpu.dma_semaphore, #tpu.memory_space<semaphore_mem>>)
        %dma_start3A_404 = arith.constant 320 : i32
        %dma_start3A_405 = arith.constant 0 : i32
        %dma_start3A_406 = tpu.memref_slice %arg10[%dma_start3A_404, %dma_start3A_405] : memref<400x64xi32, #tpu.memory_space<vmem>> -> memref<80x64xi32, #tpu.memory_space<vmem>>
        %dma_start3A_407 = arith.constant 320 : i32
        %dma_start3A_408 = tpu.memref_slice %arg7[%dma_start3A_407] : memref<800xi32, #tpu.memory_space<vmem>> -> memref<80xi32, #tpu.memory_space<vmem>>
        %dma_start3A_409 = arith.constant 0 : i32
        %dma_start3A_410 = arith.constant 0 : i32
        %dma_start3A_411 = tpu.memref_slice %arg2[%dma_start3A_409, %dma_start3A_410] : memref<10000x64xi32, #tpu.memory_space<hbm>> -> memref<10000x64xi32, #tpu.memory_space<hbm>>
        tpu.enqueue_indirect_dma source(%dma_start3A_411 : memref<10000x64xi32, #tpu.memory_space<hbm>>) target(%dma_start3A_406 : memref<80x64xi32, #tpu.memory_space<vmem>>) offsets(%dma_start3A_408 : memref<80xi32, #tpu.memory_space<vmem>>) semaphore(%arg17 : memref<!tpu.dma_semaphore, #tpu.memory_space<semaphore_mem>>)
        %dma_start3A_412 = arith.constant 320 : i32
        %dma_start3A_413 = arith.constant 0 : i32
        %dma_start3A_414 = tpu.memref_slice %arg11[%dma_start3A_412, %dma_start3A_413] : memref<400x64xi32, #tpu.memory_space<vmem>> -> memref<80x64xi32, #tpu.memory_space<vmem>>
        %dma_start3A_415 = arith.constant 720 : i32
        %dma_start3A_416 = tpu.memref_slice %arg7[%dma_start3A_415] : memref<800xi32, #tpu.memory_space<vmem>> -> memref<80xi32, #tpu.memory_space<vmem>>
        %dma_start3A_417 = arith.constant 0 : i32
        %dma_start3A_418 = arith.constant 0 : i32
        %dma_start3A_419 = tpu.memref_slice %arg2[%dma_start3A_417, %dma_start3A_418] : memref<10000x64xi32, #tpu.memory_space<hbm>> -> memref<10000x64xi32, #tpu.memory_space<hbm>>
        tpu.enqueue_indirect_dma source(%dma_start3A_419 : memref<10000x64xi32, #tpu.memory_space<hbm>>) target(%dma_start3A_414 : memref<80x64xi32, #tpu.memory_space<vmem>>) offsets(%dma_start3A_416 : memref<80xi32, #tpu.memory_space<vmem>>) semaphore(%arg17 : memref<!tpu.dma_semaphore, #tpu.memory_space<semaphore_mem>>)
      } else {
      }
      %dma_wait3A = arith.constant 0 : i32
      %dma_wait3A_123 = arith.constant 0 : i32
      %dma_wait3A_124 = tpu.memref_slice %arg8[%dma_wait3A, %dma_wait3A_123] : memref<400x64xi32, #tpu.memory_space<vmem>> -> memref<80x64xi32, #tpu.memory_space<vmem>>
      %dma_wait3A_125 = arith.constant 0 : i32
      %dma_wait3A_126 = tpu.memref_slice %arg6[%dma_wait3A_125] : memref<800xi32, #tpu.memory_space<vmem>> -> memref<80xi32, #tpu.memory_space<vmem>>
      %dma_wait3A_127 = arith.constant 0 : i32
      %dma_wait3A_128 = arith.constant 0 : i32
      %dma_wait3A_129 = tpu.memref_slice %arg2[%dma_wait3A_127, %dma_wait3A_128] : memref<10000x64xi32, #tpu.memory_space<hbm>> -> memref<10000x64xi32, #tpu.memory_space<hbm>>
      tpu.wait_indirect_dma semaphore(%arg16 : memref<!tpu.dma_semaphore, #tpu.memory_space<semaphore_mem>>) src(%dma_wait3A_129 : memref<10000x64xi32, #tpu.memory_space<hbm>>) dst(%dma_wait3A_124 : memref<80x64xi32, #tpu.memory_space<vmem>>)
      %dma_wait3A_130 = arith.constant 0 : i32
      %dma_wait3A_131 = arith.constant 0 : i32
      %dma_wait3A_132 = tpu.memref_slice %arg9[%dma_wait3A_130, %dma_wait3A_131] : memref<400x64xi32, #tpu.memory_space<vmem>> -> memref<80x64xi32, #tpu.memory_space<vmem>>
      %dma_wait3A_133 = arith.constant 400 : i32
      %dma_wait3A_134 = tpu.memref_slice %arg6[%dma_wait3A_133] : memref<800xi32, #tpu.memory_space<vmem>> -> memref<80xi32, #tpu.memory_space<vmem>>
      %dma_wait3A_135 = arith.constant 0 : i32
      %dma_wait3A_136 = arith.constant 0 : i32
      %dma_wait3A_137 = tpu.memref_slice %arg2[%dma_wait3A_135, %dma_wait3A_136] : memref<10000x64xi32, #tpu.memory_space<hbm>> -> memref<10000x64xi32, #tpu.memory_space<hbm>>
      tpu.wait_indirect_dma semaphore(%arg16 : memref<!tpu.dma_semaphore, #tpu.memory_space<semaphore_mem>>) src(%dma_wait3A_137 : memref<10000x64xi32, #tpu.memory_space<hbm>>) dst(%dma_wait3A_132 : memref<80x64xi32, #tpu.memory_space<vmem>>)
      %dma_wait3A_138 = arith.constant 80 : i32
      %dma_wait3A_139 = arith.constant 0 : i32
      %dma_wait3A_140 = tpu.memref_slice %arg8[%dma_wait3A_138, %dma_wait3A_139] : memref<400x64xi32, #tpu.memory_space<vmem>> -> memref<80x64xi32, #tpu.memory_space<vmem>>
      %dma_wait3A_141 = arith.constant 80 : i32
      %dma_wait3A_142 = tpu.memref_slice %arg6[%dma_wait3A_141] : memref<800xi32, #tpu.memory_space<vmem>> -> memref<80xi32, #tpu.memory_space<vmem>>
      %dma_wait3A_143 = arith.constant 0 : i32
      %dma_wait3A_144 = arith.constant 0 : i32
      %dma_wait3A_145 = tpu.memref_slice %arg2[%dma_wait3A_143, %dma_wait3A_144] : memref<10000x64xi32, #tpu.memory_space<hbm>> -> memref<10000x64xi32, #tpu.memory_space<hbm>>
      tpu.wait_indirect_dma semaphore(%arg16 : memref<!tpu.dma_semaphore, #tpu.memory_space<semaphore_mem>>) src(%dma_wait3A_145 : memref<10000x64xi32, #tpu.memory_space<hbm>>) dst(%dma_wait3A_140 : memref<80x64xi32, #tpu.memory_space<vmem>>)
      %dma_wait3A_146 = arith.constant 80 : i32
      %dma_wait3A_147 = arith.constant 0 : i32
      %dma_wait3A_148 = tpu.memref_slice %arg9[%dma_wait3A_146, %dma_wait3A_147] : memref<400x64xi32, #tpu.memory_space<vmem>> -> memref<80x64xi32, #tpu.memory_space<vmem>>
      %dma_wait3A_149 = arith.constant 480 : i32
      %dma_wait3A_150 = tpu.memref_slice %arg6[%dma_wait3A_149] : memref<800xi32, #tpu.memory_space<vmem>> -> memref<80xi32, #tpu.memory_space<vmem>>
      %dma_wait3A_151 = arith.constant 0 : i32
      %dma_wait3A_152 = arith.constant 0 : i32
      %dma_wait3A_153 = tpu.memref_slice %arg2[%dma_wait3A_151, %dma_wait3A_152] : memref<10000x64xi32, #tpu.memory_space<hbm>> -> memref<10000x64xi32, #tpu.memory_space<hbm>>
      tpu.wait_indirect_dma semaphore(%arg16 : memref<!tpu.dma_semaphore, #tpu.memory_space<semaphore_mem>>) src(%dma_wait3A_153 : memref<10000x64xi32, #tpu.memory_space<hbm>>) dst(%dma_wait3A_148 : memref<80x64xi32, #tpu.memory_space<vmem>>)
      %dma_wait3A_154 = arith.constant 160 : i32
      %dma_wait3A_155 = arith.constant 0 : i32
      %dma_wait3A_156 = tpu.memref_slice %arg8[%dma_wait3A_154, %dma_wait3A_155] : memref<400x64xi32, #tpu.memory_space<vmem>> -> memref<80x64xi32, #tpu.memory_space<vmem>>
      %dma_wait3A_157 = arith.constant 160 : i32
      %dma_wait3A_158 = tpu.memref_slice %arg6[%dma_wait3A_157] : memref<800xi32, #tpu.memory_space<vmem>> -> memref<80xi32, #tpu.memory_space<vmem>>
      %dma_wait3A_159 = arith.constant 0 : i32
      %dma_wait3A_160 = arith.constant 0 : i32
      %dma_wait3A_161 = tpu.memref_slice %arg2[%dma_wait3A_159, %dma_wait3A_160] : memref<10000x64xi32, #tpu.memory_space<hbm>> -> memref<10000x64xi32, #tpu.memory_space<hbm>>
      tpu.wait_indirect_dma semaphore(%arg16 : memref<!tpu.dma_semaphore, #tpu.memory_space<semaphore_mem>>) src(%dma_wait3A_161 : memref<10000x64xi32, #tpu.memory_space<hbm>>) dst(%dma_wait3A_156 : memref<80x64xi32, #tpu.memory_space<vmem>>)
      %dma_wait3A_162 = arith.constant 160 : i32
      %dma_wait3A_163 = arith.constant 0 : i32
      %dma_wait3A_164 = tpu.memref_slice %arg9[%dma_wait3A_162, %dma_wait3A_163] : memref<400x64xi32, #tpu.memory_space<vmem>> -> memref<80x64xi32, #tpu.memory_space<vmem>>
      %dma_wait3A_165 = arith.constant 560 : i32
      %dma_wait3A_166 = tpu.memref_slice %arg6[%dma_wait3A_165] : memref<800xi32, #tpu.memory_space<vmem>> -> memref<80xi32, #tpu.memory_space<vmem>>
      %dma_wait3A_167 = arith.constant 0 : i32
      %dma_wait3A_168 = arith.constant 0 : i32
      %dma_wait3A_169 = tpu.memref_slice %arg2[%dma_wait3A_167, %dma_wait3A_168] : memref<10000x64xi32, #tpu.memory_space<hbm>> -> memref<10000x64xi32, #tpu.memory_space<hbm>>
      tpu.wait_indirect_dma semaphore(%arg16 : memref<!tpu.dma_semaphore, #tpu.memory_space<semaphore_mem>>) src(%dma_wait3A_169 : memref<10000x64xi32, #tpu.memory_space<hbm>>) dst(%dma_wait3A_164 : memref<80x64xi32, #tpu.memory_space<vmem>>)
      %dma_wait3A_170 = arith.constant 240 : i32
      %dma_wait3A_171 = arith.constant 0 : i32
      %dma_wait3A_172 = tpu.memref_slice %arg8[%dma_wait3A_170, %dma_wait3A_171] : memref<400x64xi32, #tpu.memory_space<vmem>> -> memref<80x64xi32, #tpu.memory_space<vmem>>
      %dma_wait3A_173 = arith.constant 240 : i32
      %dma_wait3A_174 = tpu.memref_slice %arg6[%dma_wait3A_173] : memref<800xi32, #tpu.memory_space<vmem>> -> memref<80xi32, #tpu.memory_space<vmem>>
      %dma_wait3A_175 = arith.constant 0 : i32
      %dma_wait3A_176 = arith.constant 0 : i32
      %dma_wait3A_177 = tpu.memref_slice %arg2[%dma_wait3A_175, %dma_wait3A_176] : memref<10000x64xi32, #tpu.memory_space<hbm>> -> memref<10000x64xi32, #tpu.memory_space<hbm>>
      tpu.wait_indirect_dma semaphore(%arg16 : memref<!tpu.dma_semaphore, #tpu.memory_space<semaphore_mem>>) src(%dma_wait3A_177 : memref<10000x64xi32, #tpu.memory_space<hbm>>) dst(%dma_wait3A_172 : memref<80x64xi32, #tpu.memory_space<vmem>>)
      %dma_wait3A_178 = arith.constant 240 : i32
      %dma_wait3A_179 = arith.constant 0 : i32
      %dma_wait3A_180 = tpu.memref_slice %arg9[%dma_wait3A_178, %dma_wait3A_179] : memref<400x64xi32, #tpu.memory_space<vmem>> -> memref<80x64xi32, #tpu.memory_space<vmem>>
      %dma_wait3A_181 = arith.constant 640 : i32
      %dma_wait3A_182 = tpu.memref_slice %arg6[%dma_wait3A_181] : memref<800xi32, #tpu.memory_space<vmem>> -> memref<80xi32, #tpu.memory_space<vmem>>
      %dma_wait3A_183 = arith.constant 0 : i32
      %dma_wait3A_184 = arith.constant 0 : i32
      %dma_wait3A_185 = tpu.memref_slice %arg2[%dma_wait3A_183, %dma_wait3A_184] : memref<10000x64xi32, #tpu.memory_space<hbm>> -> memref<10000x64xi32, #tpu.memory_space<hbm>>
      tpu.wait_indirect_dma semaphore(%arg16 : memref<!tpu.dma_semaphore, #tpu.memory_space<semaphore_mem>>) src(%dma_wait3A_185 : memref<10000x64xi32, #tpu.memory_space<hbm>>) dst(%dma_wait3A_180 : memref<80x64xi32, #tpu.memory_space<vmem>>)
      %dma_wait3A_186 = arith.constant 320 : i32
      %dma_wait3A_187 = arith.constant 0 : i32
      %dma_wait3A_188 = tpu.memref_slice %arg8[%dma_wait3A_186, %dma_wait3A_187] : memref<400x64xi32, #tpu.memory_space<vmem>> -> memref<80x64xi32, #tpu.memory_space<vmem>>
      %dma_wait3A_189 = arith.constant 320 : i32
      %dma_wait3A_190 = tpu.memref_slice %arg6[%dma_wait3A_189] : memref<800xi32, #tpu.memory_space<vmem>> -> memref<80xi32, #tpu.memory_space<vmem>>
      %dma_wait3A_191 = arith.constant 0 : i32
      %dma_wait3A_192 = arith.constant 0 : i32
      %dma_wait3A_193 = tpu.memref_slice %arg2[%dma_wait3A_191, %dma_wait3A_192] : memref<10000x64xi32, #tpu.memory_space<hbm>> -> memref<10000x64xi32, #tpu.memory_space<hbm>>
      tpu.wait_indirect_dma semaphore(%arg16 : memref<!tpu.dma_semaphore, #tpu.memory_space<semaphore_mem>>) src(%dma_wait3A_193 : memref<10000x64xi32, #tpu.memory_space<hbm>>) dst(%dma_wait3A_188 : memref<80x64xi32, #tpu.memory_space<vmem>>)
      %dma_wait3A_194 = arith.constant 320 : i32
      %dma_wait3A_195 = arith.constant 0 : i32
      %dma_wait3A_196 = tpu.memref_slice %arg9[%dma_wait3A_194, %dma_wait3A_195] : memref<400x64xi32, #tpu.memory_space<vmem>> -> memref<80x64xi32, #tpu.memory_space<vmem>>
      %dma_wait3A_197 = arith.constant 720 : i32
      %dma_wait3A_198 = tpu.memref_slice %arg6[%dma_wait3A_197] : memref<800xi32, #tpu.memory_space<vmem>> -> memref<80xi32, #tpu.memory_space<vmem>>
      %dma_wait3A_199 = arith.constant 0 : i32
      %dma_wait3A_200 = arith.constant 0 : i32
      %dma_wait3A_201 = tpu.memref_slice %arg2[%dma_wait3A_199, %dma_wait3A_200] : memref<10000x64xi32, #tpu.memory_space<hbm>> -> memref<10000x64xi32, #tpu.memory_space<hbm>>
      tpu.wait_indirect_dma semaphore(%arg16 : memref<!tpu.dma_semaphore, #tpu.memory_space<semaphore_mem>>) src(%dma_wait3A_201 : memref<10000x64xi32, #tpu.memory_space<hbm>>) dst(%dma_wait3A_196 : memref<80x64xi32, #tpu.memory_space<vmem>>)
      %add3A_202 = arith.constant 2 : i32
      %add3A_203 = arith.addi %add3A_115, %add3A_202 : i32
      %lt3A_204 = arith.constant 50 : i32
      %lt3A_205 = arith.cmpi slt, %add3A_203, %lt3A_204 : i32
      %convert_element_type3A_206 = arith.extui %lt3A_205 : i1 to i32
      %cond3A_207 = arith.constant 0 : i32
      %cond3A_208 = arith.cmpi ne, %convert_element_type3A_206, %cond3A_207 : i32
      scf.if %cond3A_208 {
        %add3A_318 = arith.constant 2 : i32
        %add3A_319 = arith.addi %add3A_115, %add3A_318 : i32
        %mul3A_320 = arith.constant 400 : i32
        %mul3A_321 = arith.muli %add3A_319, %mul3A_320 : i32
        %add3A_322 = arith.addi %mul3A_4, %mul3A_321 : i32
        %not3A_323 = arith.constant true
        %not3A_324 = arith.xori %lt3A_1, %not3A_323 : i1
        %convert_element_type3A_325 = arith.extui %lt3A_1 : i1 to i32
        %cond3A_326 = arith.constant 0 : i32
        %cond3A_327 = arith.cmpi ne, %convert_element_type3A_325, %cond3A_326 : i32
        scf.if %cond3A_327 {
          %dma_start3A_331 = arith.constant 0 : i32
          %dma_start3A_332 = arith.constant 0 : i32
          %dma_start3A_333 = tpu.memref_slice %arg6[%dma_start3A_332] : memref<800xi32, #tpu.memory_space<vmem>> -> memref<400xi32, #tpu.memory_space<vmem>>
          %dma_start3A_334 = tpu.memref_slice %arg3[%dma_start3A_331, %add3A_322] : memref<2x320000xi32, #tpu.memory_space<hbm>> -> memref<1x400xi32, #tpu.memory_space<hbm>>
          %dma_start3A_335 = tpu.memref_squeeze %dma_start3A_334 : memref<1x400xi32, #tpu.memory_space<hbm>> -> memref<400xi32, #tpu.memory_space<hbm>>
          %dma_start3A_336 = arith.constant 0 : i32
          %dma_start3A_337 = tpu.memref_slice %arg6[%dma_start3A_336] : memref<800xi32, #tpu.memory_space<vmem>> -> memref<400xi32, #tpu.memory_space<vmem>>
          %dma_start3A_338 = tpu.memref_slice %arg3[%dma_start3A_331, %add3A_322] : memref<2x320000xi32, #tpu.memory_space<hbm>> -> memref<1x400xi32, #tpu.memory_space<hbm>>
          %dma_start3A_339 = tpu.memref_squeeze %dma_start3A_338 : memref<1x400xi32, #tpu.memory_space<hbm>> -> memref<400xi32, #tpu.memory_space<hbm>>
          tpu.enqueue_dma source(%dma_start3A_339 : memref<400xi32, #tpu.memory_space<hbm>>) target(%dma_start3A_337 : memref<400xi32, #tpu.memory_space<vmem>>) target_semaphore(%arg14 : memref<!tpu.dma_semaphore, #tpu.memory_space<semaphore_mem>>)
          %dma_start3A_340 = arith.constant 1 : i32
          %dma_start3A_341 = arith.constant 400 : i32
          %dma_start3A_342 = tpu.memref_slice %arg6[%dma_start3A_341] : memref<800xi32, #tpu.memory_space<vmem>> -> memref<400xi32, #tpu.memory_space<vmem>>
          %dma_start3A_343 = tpu.memref_slice %arg3[%dma_start3A_340, %add3A_322] : memref<2x320000xi32, #tpu.memory_space<hbm>> -> memref<1x400xi32, #tpu.memory_space<hbm>>
          %dma_start3A_344 = tpu.memref_squeeze %dma_start3A_343 : memref<1x400xi32, #tpu.memory_space<hbm>> -> memref<400xi32, #tpu.memory_space<hbm>>
          %dma_start3A_345 = arith.constant 400 : i32
          %dma_start3A_346 = tpu.memref_slice %arg6[%dma_start3A_345] : memref<800xi32, #tpu.memory_space<vmem>> -> memref<400xi32, #tpu.memory_space<vmem>>
          %dma_start3A_347 = tpu.memref_slice %arg3[%dma_start3A_340, %add3A_322] : memref<2x320000xi32, #tpu.memory_space<hbm>> -> memref<1x400xi32, #tpu.memory_space<hbm>>
          %dma_start3A_348 = tpu.memref_squeeze %dma_start3A_347 : memref<1x400xi32, #tpu.memory_space<hbm>> -> memref<400xi32, #tpu.memory_space<hbm>>
          tpu.enqueue_dma source(%dma_start3A_348 : memref<400xi32, #tpu.memory_space<hbm>>) target(%dma_start3A_346 : memref<400xi32, #tpu.memory_space<vmem>>) target_semaphore(%arg14 : memref<!tpu.dma_semaphore, #tpu.memory_space<semaphore_mem>>)
        } else {
        }
        %convert_element_type3A_328 = arith.extui %not3A_324 : i1 to i32
        %cond3A_329 = arith.constant 0 : i32
        %cond3A_330 = arith.cmpi ne, %convert_element_type3A_328, %cond3A_329 : i32
        scf.if %cond3A_330 {
          %dma_start3A_331 = arith.constant 0 : i32
          %dma_start3A_332 = arith.constant 0 : i32
          %dma_start3A_333 = tpu.memref_slice %arg6[%dma_start3A_332] : memref<800xi32, #tpu.memory_space<vmem>> -> memref<400xi32, #tpu.memory_space<vmem>>
          %dma_start3A_334 = tpu.memref_slice %arg4[%dma_start3A_331, %add3A_322] : memref<2x320000xi32, #tpu.memory_space<hbm>> -> memref<1x400xi32, #tpu.memory_space<hbm>>
          %dma_start3A_335 = tpu.memref_squeeze %dma_start3A_334 : memref<1x400xi32, #tpu.memory_space<hbm>> -> memref<400xi32, #tpu.memory_space<hbm>>
          %dma_start3A_336 = arith.constant 0 : i32
          %dma_start3A_337 = tpu.memref_slice %arg6[%dma_start3A_336] : memref<800xi32, #tpu.memory_space<vmem>> -> memref<400xi32, #tpu.memory_space<vmem>>
          %dma_start3A_338 = tpu.memref_slice %arg4[%dma_start3A_331, %add3A_322] : memref<2x320000xi32, #tpu.memory_space<hbm>> -> memref<1x400xi32, #tpu.memory_space<hbm>>
          %dma_start3A_339 = tpu.memref_squeeze %dma_start3A_338 : memref<1x400xi32, #tpu.memory_space<hbm>> -> memref<400xi32, #tpu.memory_space<hbm>>
          tpu.enqueue_dma source(%dma_start3A_339 : memref<400xi32, #tpu.memory_space<hbm>>) target(%dma_start3A_337 : memref<400xi32, #tpu.memory_space<vmem>>) target_semaphore(%arg14 : memref<!tpu.dma_semaphore, #tpu.memory_space<semaphore_mem>>)
          %dma_start3A_340 = arith.constant 1 : i32
          %dma_start3A_341 = arith.constant 400 : i32
          %dma_start3A_342 = tpu.memref_slice %arg6[%dma_start3A_341] : memref<800xi32, #tpu.memory_space<vmem>> -> memref<400xi32, #tpu.memory_space<vmem>>
          %dma_start3A_343 = tpu.memref_slice %arg4[%dma_start3A_340, %add3A_322] : memref<2x320000xi32, #tpu.memory_space<hbm>> -> memref<1x400xi32, #tpu.memory_space<hbm>>
          %dma_start3A_344 = tpu.memref_squeeze %dma_start3A_343 : memref<1x400xi32, #tpu.memory_space<hbm>> -> memref<400xi32, #tpu.memory_space<hbm>>
          %dma_start3A_345 = arith.constant 400 : i32
          %dma_start3A_346 = tpu.memref_slice %arg6[%dma_start3A_345] : memref<800xi32, #tpu.memory_space<vmem>> -> memref<400xi32, #tpu.memory_space<vmem>>
          %dma_start3A_347 = tpu.memref_slice %arg4[%dma_start3A_340, %add3A_322] : memref<2x320000xi32, #tpu.memory_space<hbm>> -> memref<1x400xi32, #tpu.memory_space<hbm>>
          %dma_start3A_348 = tpu.memref_squeeze %dma_start3A_347 : memref<1x400xi32, #tpu.memory_space<hbm>> -> memref<400xi32, #tpu.memory_space<hbm>>
          tpu.enqueue_dma source(%dma_start3A_348 : memref<400xi32, #tpu.memory_space<hbm>>) target(%dma_start3A_346 : memref<400xi32, #tpu.memory_space<vmem>>) target_semaphore(%arg14 : memref<!tpu.dma_semaphore, #tpu.memory_space<semaphore_mem>>)
        } else {
        }
      } else {
      }
      %parallel_loop3A = arith.constant 0 : i32
      %parallel_loop3A_209 = arith.constant 400 : i32
      %parallel_loop3A_210 = arith.constant 1 : i32
      scf.for %parallel_loop3A_318 = %parallel_loop3A to %parallel_loop3A_209 step %parallel_loop3A_210  : i32 {
        %parallel_loop3A_319 = arith.index_cast %parallel_loop3A_318 : i32 to index
        %parallel_loop3A_320 = arith.constant 0 : index
        %parallel_loop3A_321 = tpu.vector_load %arg8[%parallel_loop3A_319, %parallel_loop3A_320] {strides = array<i32>} : memref<400x64xi32, #tpu.memory_space<vmem>>, vector<16xi32>,
        %parallel_loop3A_322 = vector.bitcast %parallel_loop3A_321 : vector<16xi32> to vector<32xbf16>
        %parallel_loop3A_323 = arith.index_cast %parallel_loop3A_318 : i32 to index
        %parallel_loop3A_324 = arith.constant 0 : index
        %parallel_loop3A_325 = tpu.vector_load %arg9[%parallel_loop3A_323, %parallel_loop3A_324] {strides = array<i32>} : memref<400x64xi32, #tpu.memory_space<vmem>>, vector<16xi32>,
        %parallel_loop3A_326 = vector.bitcast %parallel_loop3A_325 : vector<16xi32> to vector<32xbf16>
        %parallel_loop3A_327 = arith.mulf %parallel_loop3A_322, %parallel_loop3A_326 : vector<32xbf16>
        %parallel_loop3A_328 = tpu.unpack_subelements %parallel_loop3A_327, 0 {pack_format = #tpu.pack_format<interleaved>} : vector<32xbf16> -> vector<16xf32>
        %parallel_loop3A_329 = tpu.unpack_subelements %parallel_loop3A_327, 1 {pack_format = #tpu.pack_format<interleaved>} : vector<32xbf16> -> vector<16xf32>
        %parallel_loop3A_330 = arith.index_cast %parallel_loop3A_318 : i32 to index
        %parallel_loop3A_331 = arith.constant 16 : index
        %parallel_loop3A_332 = tpu.vector_load %arg8[%parallel_loop3A_330, %parallel_loop3A_331] {strides = array<i32>} : memref<400x64xi32, #tpu.memory_space<vmem>>, vector<16xi32>,
        %parallel_loop3A_333 = vector.bitcast %parallel_loop3A_332 : vector<16xi32> to vector<32xbf16>
        %parallel_loop3A_334 = arith.index_cast %parallel_loop3A_318 : i32 to index
        %parallel_loop3A_335 = arith.constant 16 : index
        %parallel_loop3A_336 = tpu.vector_load %arg9[%parallel_loop3A_334, %parallel_loop3A_335] {strides = array<i32>} : memref<400x64xi32, #tpu.memory_space<vmem>>, vector<16xi32>,
        %parallel_loop3A_337 = vector.bitcast %parallel_loop3A_336 : vector<16xi32> to vector<32xbf16>
        %parallel_loop3A_338 = arith.mulf %parallel_loop3A_333, %parallel_loop3A_337 : vector<32xbf16>
        %parallel_loop3A_339 = tpu.unpack_subelements %parallel_loop3A_338, 0 {pack_format = #tpu.pack_format<interleaved>} : vector<32xbf16> -> vector<16xf32>
        %parallel_loop3A_340 = tpu.unpack_subelements %parallel_loop3A_338, 1 {pack_format = #tpu.pack_format<interleaved>} : vector<32xbf16> -> vector<16xf32>
        %parallel_loop3A_341 = arith.index_cast %parallel_loop3A_318 : i32 to index
        %parallel_loop3A_342 = arith.constant 32 : index
        %parallel_loop3A_343 = tpu.vector_load %arg8[%parallel_loop3A_341, %parallel_loop3A_342] {strides = array<i32>} : memref<400x64xi32, #tpu.memory_space<vmem>>, vector<16xi32>,
        %parallel_loop3A_344 = vector.bitcast %parallel_loop3A_343 : vector<16xi32> to vector<32xbf16>
        %parallel_loop3A_345 = arith.index_cast %parallel_loop3A_318 : i32 to index
        %parallel_loop3A_346 = arith.constant 32 : index
        %parallel_loop3A_347 = tpu.vector_load %arg9[%parallel_loop3A_345, %parallel_loop3A_346] {strides = array<i32>} : memref<400x64xi32, #tpu.memory_space<vmem>>, vector<16xi32>,
        %parallel_loop3A_348 = vector.bitcast %parallel_loop3A_347 : vector<16xi32> to vector<32xbf16>
        %parallel_loop3A_349 = arith.mulf %parallel_loop3A_344, %parallel_loop3A_348 : vector<32xbf16>
        %parallel_loop3A_350 = tpu.unpack_subelements %parallel_loop3A_349, 0 {pack_format = #tpu.pack_format<interleaved>} : vector<32xbf16> -> vector<16xf32>
        %parallel_loop3A_351 = tpu.unpack_subelements %parallel_loop3A_349, 1 {pack_format = #tpu.pack_format<interleaved>} : vector<32xbf16> -> vector<16xf32>
        %parallel_loop3A_352 = arith.index_cast %parallel_loop3A_318 : i32 to index
        %parallel_loop3A_353 = arith.constant 48 : index
        %parallel_loop3A_354 = tpu.vector_load %arg8[%parallel_loop3A_352, %parallel_loop3A_353] {strides = array<i32>} : memref<400x64xi32, #tpu.memory_space<vmem>>, vector<16xi32>,
        %parallel_loop3A_355 = vector.bitcast %parallel_loop3A_354 : vector<16xi32> to vector<32xbf16>
        %parallel_loop3A_356 = arith.index_cast %parallel_loop3A_318 : i32 to index
        %parallel_loop3A_357 = arith.constant 48 : index
        %parallel_loop3A_358 = tpu.vector_load %arg9[%parallel_loop3A_356, %parallel_loop3A_357] {strides = array<i32>} : memref<400x64xi32, #tpu.memory_space<vmem>>, vector<16xi32>,
        %parallel_loop3A_359 = vector.bitcast %parallel_loop3A_358 : vector<16xi32> to vector<32xbf16>
        %parallel_loop3A_360 = arith.mulf %parallel_loop3A_355, %parallel_loop3A_359 : vector<32xbf16>
        %parallel_loop3A_361 = tpu.unpack_subelements %parallel_loop3A_360, 0 {pack_format = #tpu.pack_format<interleaved>} : vector<32xbf16> -> vector<16xf32>
        %parallel_loop3A_362 = tpu.unpack_subelements %parallel_loop3A_360, 1 {pack_format = #tpu.pack_format<interleaved>} : vector<32xbf16> -> vector<16xf32>
        %parallel_loop3A_363 = arith.addf %parallel_loop3A_328, %parallel_loop3A_329 : vector<16xf32>
        %parallel_loop3A_364 = arith.addf %parallel_loop3A_339, %parallel_loop3A_340 : vector<16xf32>
        %parallel_loop3A_365 = arith.addf %parallel_loop3A_350, %parallel_loop3A_351 : vector<16xf32>
        %parallel_loop3A_366 = arith.addf %parallel_loop3A_361, %parallel_loop3A_362 : vector<16xf32>
        %parallel_loop3A_367 = arith.addf %parallel_loop3A_363, %parallel_loop3A_364 : vector<16xf32>
        %parallel_loop3A_368 = arith.addf %parallel_loop3A_365, %parallel_loop3A_366 : vector<16xf32>
        %parallel_loop3A_369 = arith.addf %parallel_loop3A_367, %parallel_loop3A_368 : vector<16xf32>
        %parallel_loop3A_370 = arith.constant 16 : i32
        %parallel_loop3A_371 = arith.muli %parallel_loop3A_318, %parallel_loop3A_370 : i32
        %parallel_loop3A_372 = arith.index_cast %parallel_loop3A_371 : i32 to index
        %parallel_loop3A_373 = tpu.vector_load %arg12[%parallel_loop3A_372] {strides = array<i32>} : memref<6400xf32, #tpu.memory_space<vmem>>, vector<16xf32>,
        tpu.vector_store %arg12[%parallel_loop3A_372], %parallel_loop3A_369 {strides = array<i32>} : memref<6400xf32, #tpu.memory_space<vmem>>, vector<16xf32>,
      } {sc.loop_unroll_factor = 4 : i64, sc.parallel_access}
      %parallel_loop3A_211 = arith.constant 0 : i32
      %parallel_loop3A_212 = arith.constant 25 : i32
      %parallel_loop3A_213 = arith.constant 1 : i32
      %parallel_loop3A_214 = scf.for %parallel_loop3A_318 = %parallel_loop3A_211 to %parallel_loop3A_212 step %parallel_loop3A_213 iter_args(%parallel_loop3A_319 = %scan3A_111) -> (vector<16xf32>)  : i32 {
        %parallel_loop3A_320 = arith.constant 16 : i32
        %parallel_loop3A_321 = vector.broadcast %parallel_loop3A_320 : i32 to vector<16xi32>
        %parallel_loop3A_322 = arith.muli %iota3A, %parallel_loop3A_321 : vector<16xi32>
        %parallel_loop3A_323 = arith.constant 0 : i32
        %parallel_loop3A_324 = vector.broadcast %parallel_loop3A_323 : i32 to vector<16xi32>
        %parallel_loop3A_325 = arith.addi %iota3A, %parallel_loop3A_324 : vector<16xi32>
        %parallel_loop3A_326 = arith.constant 15 : i32
        %parallel_loop3A_327 = vector.broadcast %parallel_loop3A_326 : i32 to vector<16xi32>
        %parallel_loop3A_328 = arith.andi %parallel_loop3A_325, %parallel_loop3A_327 : vector<16xi32>
        %parallel_loop3A_329 = arith.addi %parallel_loop3A_322, %parallel_loop3A_328 : vector<16xi32>
        %parallel_loop3A_330 = arith.constant 256 : i32
        %parallel_loop3A_331 = arith.muli %parallel_loop3A_318, %parallel_loop3A_330 : i32
        %parallel_loop3A_332 = vector.broadcast %parallel_loop3A_331 : i32 to vector<16xi32>
        %parallel_loop3A_333 = arith.addi %parallel_loop3A_329, %parallel_loop3A_332 : vector<16xi32>
        %parallel_loop3A_334 = tpu.vector_load_idx %arg12[%parallel_loop3A_333] : memref<6400xf32, #tpu.memory_space<vmem>>[vector<16xi32>], vector<16xf32>,
        %parallel_loop3A_335 = arith.constant 16 : i32
        %parallel_loop3A_336 = vector.broadcast %parallel_loop3A_335 : i32 to vector<16xi32>
        %parallel_loop3A_337 = arith.muli %iota3A, %parallel_loop3A_336 : vector<16xi32>
        %parallel_loop3A_338 = arith.constant 1 : i32
        %parallel_loop3A_339 = vector.broadcast %parallel_loop3A_338 : i32 to vector<16xi32>
        %parallel_loop3A_340 = arith.addi %iota3A, %parallel_loop3A_339 : vector<16xi32>
        %parallel_loop3A_341 = arith.constant 15 : i32
        %parallel_loop3A_342 = vector.broadcast %parallel_loop3A_341 : i32 to vector<16xi32>
        %parallel_loop3A_343 = arith.andi %parallel_loop3A_340, %parallel_loop3A_342 : vector<16xi32>
        %parallel_loop3A_344 = arith.addi %parallel_loop3A_337, %parallel_loop3A_343 : vector<16xi32>
        %parallel_loop3A_345 = arith.constant 256 : i32
        %parallel_loop3A_346 = arith.muli %parallel_loop3A_318, %parallel_loop3A_345 : i32
        %parallel_loop3A_347 = vector.broadcast %parallel_loop3A_346 : i32 to vector<16xi32>
        %parallel_loop3A_348 = arith.addi %parallel_loop3A_344, %parallel_loop3A_347 : vector<16xi32>
        %parallel_loop3A_349 = tpu.vector_load_idx %arg12[%parallel_loop3A_348] : memref<6400xf32, #tpu.memory_space<vmem>>[vector<16xi32>], vector<16xf32>,
        %parallel_loop3A_350 = arith.addf %parallel_loop3A_334, %parallel_loop3A_349 : vector<16xf32>
        %parallel_loop3A_351 = arith.constant 16 : i32
        %parallel_loop3A_352 = vector.broadcast %parallel_loop3A_351 : i32 to vector<16xi32>
        %parallel_loop3A_353 = arith.muli %iota3A, %parallel_loop3A_352 : vector<16xi32>
        %parallel_loop3A_354 = arith.constant 2 : i32
        %parallel_loop3A_355 = vector.broadcast %parallel_loop3A_354 : i32 to vector<16xi32>
        %parallel_loop3A_356 = arith.addi %iota3A, %parallel_loop3A_355 : vector<16xi32>
        %parallel_loop3A_357 = arith.constant 15 : i32
        %parallel_loop3A_358 = vector.broadcast %parallel_loop3A_357 : i32 to vector<16xi32>
        %parallel_loop3A_359 = arith.andi %parallel_loop3A_356, %parallel_loop3A_358 : vector<16xi32>
        %parallel_loop3A_360 = arith.addi %parallel_loop3A_353, %parallel_loop3A_359 : vector<16xi32>
        %parallel_loop3A_361 = arith.constant 256 : i32
        %parallel_loop3A_362 = arith.muli %parallel_loop3A_318, %parallel_loop3A_361 : i32
        %parallel_loop3A_363 = vector.broadcast %parallel_loop3A_362 : i32 to vector<16xi32>
        %parallel_loop3A_364 = arith.addi %parallel_loop3A_360, %parallel_loop3A_363 : vector<16xi32>
        %parallel_loop3A_365 = tpu.vector_load_idx %arg12[%parallel_loop3A_364] : memref<6400xf32, #tpu.memory_space<vmem>>[vector<16xi32>], vector<16xf32>,
        %parallel_loop3A_366 = arith.addf %parallel_loop3A_350, %parallel_loop3A_365 : vector<16xf32>
        %parallel_loop3A_367 = arith.constant 16 : i32
        %parallel_loop3A_368 = vector.broadcast %parallel_loop3A_367 : i32 to vector<16xi32>
        %parallel_loop3A_369 = arith.muli %iota3A, %parallel_loop3A_368 : vector<16xi32>
        %parallel_loop3A_370 = arith.constant 3 : i32
        %parallel_loop3A_371 = vector.broadcast %parallel_loop3A_370 : i32 to vector<16xi32>
        %parallel_loop3A_372 = arith.addi %iota3A, %parallel_loop3A_371 : vector<16xi32>
        %parallel_loop3A_373 = arith.constant 15 : i32
        %parallel_loop3A_374 = vector.broadcast %parallel_loop3A_373 : i32 to vector<16xi32>
        %parallel_loop3A_375 = arith.andi %parallel_loop3A_372, %parallel_loop3A_374 : vector<16xi32>
        %parallel_loop3A_376 = arith.addi %parallel_loop3A_369, %parallel_loop3A_375 : vector<16xi32>
        %parallel_loop3A_377 = arith.constant 256 : i32
        %parallel_loop3A_378 = arith.muli %parallel_loop3A_318, %parallel_loop3A_377 : i32
        %parallel_loop3A_379 = vector.broadcast %parallel_loop3A_378 : i32 to vector<16xi32>
        %parallel_loop3A_380 = arith.addi %parallel_loop3A_376, %parallel_loop3A_379 : vector<16xi32>
        %parallel_loop3A_381 = tpu.vector_load_idx %arg12[%parallel_loop3A_380] : memref<6400xf32, #tpu.memory_space<vmem>>[vector<16xi32>], vector<16xf32>,
        %parallel_loop3A_382 = arith.addf %parallel_loop3A_366, %parallel_loop3A_381 : vector<16xf32>
        %parallel_loop3A_383 = arith.constant 16 : i32
        %parallel_loop3A_384 = vector.broadcast %parallel_loop3A_383 : i32 to vector<16xi32>
        %parallel_loop3A_385 = arith.muli %iota3A, %parallel_loop3A_384 : vector<16xi32>
        %parallel_loop3A_386 = arith.constant 4 : i32
        %parallel_loop3A_387 = vector.broadcast %parallel_loop3A_386 : i32 to vector<16xi32>
        %parallel_loop3A_388 = arith.addi %iota3A, %parallel_loop3A_387 : vector<16xi32>
        %parallel_loop3A_389 = arith.constant 15 : i32
        %parallel_loop3A_390 = vector.broadcast %parallel_loop3A_389 : i32 to vector<16xi32>
        %parallel_loop3A_391 = arith.andi %parallel_loop3A_388, %parallel_loop3A_390 : vector<16xi32>
        %parallel_loop3A_392 = arith.addi %parallel_loop3A_385, %parallel_loop3A_391 : vector<16xi32>
        %parallel_loop3A_393 = arith.constant 256 : i32
        %parallel_loop3A_394 = arith.muli %parallel_loop3A_318, %parallel_loop3A_393 : i32
        %parallel_loop3A_395 = vector.broadcast %parallel_loop3A_394 : i32 to vector<16xi32>
        %parallel_loop3A_396 = arith.addi %parallel_loop3A_392, %parallel_loop3A_395 : vector<16xi32>
        %parallel_loop3A_397 = tpu.vector_load_idx %arg12[%parallel_loop3A_396] : memref<6400xf32, #tpu.memory_space<vmem>>[vector<16xi32>], vector<16xf32>,
        %parallel_loop3A_398 = arith.addf %parallel_loop3A_382, %parallel_loop3A_397 : vector<16xf32>
        %parallel_loop3A_399 = arith.constant 16 : i32
        %parallel_loop3A_400 = vector.broadcast %parallel_loop3A_399 : i32 to vector<16xi32>
        %parallel_loop3A_401 = arith.muli %iota3A, %parallel_loop3A_400 : vector<16xi32>
        %parallel_loop3A_402 = arith.constant 5 : i32
        %parallel_loop3A_403 = vector.broadcast %parallel_loop3A_402 : i32 to vector<16xi32>
        %parallel_loop3A_404 = arith.addi %iota3A, %parallel_loop3A_403 : vector<16xi32>
        %parallel_loop3A_405 = arith.constant 15 : i32
        %parallel_loop3A_406 = vector.broadcast %parallel_loop3A_405 : i32 to vector<16xi32>
        %parallel_loop3A_407 = arith.andi %parallel_loop3A_404, %parallel_loop3A_406 : vector<16xi32>
        %parallel_loop3A_408 = arith.addi %parallel_loop3A_401, %parallel_loop3A_407 : vector<16xi32>
        %parallel_loop3A_409 = arith.constant 256 : i32
        %parallel_loop3A_410 = arith.muli %parallel_loop3A_318, %parallel_loop3A_409 : i32
        %parallel_loop3A_411 = vector.broadcast %parallel_loop3A_410 : i32 to vector<16xi32>
        %parallel_loop3A_412 = arith.addi %parallel_loop3A_408, %parallel_loop3A_411 : vector<16xi32>
        %parallel_loop3A_413 = tpu.vector_load_idx %arg12[%parallel_loop3A_412] : memref<6400xf32, #tpu.memory_space<vmem>>[vector<16xi32>], vector<16xf32>,
        %parallel_loop3A_414 = arith.addf %parallel_loop3A_398, %parallel_loop3A_413 : vector<16xf32>
        %parallel_loop3A_415 = arith.constant 16 : i32
        %parallel_loop3A_416 = vector.broadcast %parallel_loop3A_415 : i32 to vector<16xi32>
        %parallel_loop3A_417 = arith.muli %iota3A, %parallel_loop3A_416 : vector<16xi32>
        %parallel_loop3A_418 = arith.constant 6 : i32
        %parallel_loop3A_419 = vector.broadcast %parallel_loop3A_418 : i32 to vector<16xi32>
        %parallel_loop3A_420 = arith.addi %iota3A, %parallel_loop3A_419 : vector<16xi32>
        %parallel_loop3A_421 = arith.constant 15 : i32
        %parallel_loop3A_422 = vector.broadcast %parallel_loop3A_421 : i32 to vector<16xi32>
        %parallel_loop3A_423 = arith.andi %parallel_loop3A_420, %parallel_loop3A_422 : vector<16xi32>
        %parallel_loop3A_424 = arith.addi %parallel_loop3A_417, %parallel_loop3A_423 : vector<16xi32>
        %parallel_loop3A_425 = arith.constant 256 : i32
        %parallel_loop3A_426 = arith.muli %parallel_loop3A_318, %parallel_loop3A_425 : i32
        %parallel_loop3A_427 = vector.broadcast %parallel_loop3A_426 : i32 to vector<16xi32>
        %parallel_loop3A_428 = arith.addi %parallel_loop3A_424, %parallel_loop3A_427 : vector<16xi32>
        %parallel_loop3A_429 = tpu.vector_load_idx %arg12[%parallel_loop3A_428] : memref<6400xf32, #tpu.memory_space<vmem>>[vector<16xi32>], vector<16xf32>,
        %parallel_loop3A_430 = arith.addf %parallel_loop3A_414, %parallel_loop3A_429 : vector<16xf32>
        %parallel_loop3A_431 = arith.constant 16 : i32
        %parallel_loop3A_432 = vector.broadcast %parallel_loop3A_431 : i32 to vector<16xi32>
        %parallel_loop3A_433 = arith.muli %iota3A, %parallel_loop3A_432 : vector<16xi32>
        %parallel_loop3A_434 = arith.constant 7 : i32
        %parallel_loop3A_435 = vector.broadcast %parallel_loop3A_434 : i32 to vector<16xi32>
        %parallel_loop3A_436 = arith.addi %iota3A, %parallel_loop3A_435 : vector<16xi32>
        %parallel_loop3A_437 = arith.constant 15 : i32
        %parallel_loop3A_438 = vector.broadcast %parallel_loop3A_437 : i32 to vector<16xi32>
        %parallel_loop3A_439 = arith.andi %parallel_loop3A_436, %parallel_loop3A_438 : vector<16xi32>
        %parallel_loop3A_440 = arith.addi %parallel_loop3A_433, %parallel_loop3A_439 : vector<16xi32>
        %parallel_loop3A_441 = arith.constant 256 : i32
        %parallel_loop3A_442 = arith.muli %parallel_loop3A_318, %parallel_loop3A_441 : i32
        %parallel_loop3A_443 = vector.broadcast %parallel_loop3A_442 : i32 to vector<16xi32>
        %parallel_loop3A_444 = arith.addi %parallel_loop3A_440, %parallel_loop3A_443 : vector<16xi32>
        %parallel_loop3A_445 = tpu.vector_load_idx %arg12[%parallel_loop3A_444] : memref<6400xf32, #tpu.memory_space<vmem>>[vector<16xi32>], vector<16xf32>,
        %parallel_loop3A_446 = arith.addf %parallel_loop3A_430, %parallel_loop3A_445 : vector<16xf32>
        %parallel_loop3A_447 = arith.constant 16 : i32
        %parallel_loop3A_448 = vector.broadcast %parallel_loop3A_447 : i32 to vector<16xi32>
        %parallel_loop3A_449 = arith.muli %iota3A, %parallel_loop3A_448 : vector<16xi32>
        %parallel_loop3A_450 = arith.constant 8 : i32
        %parallel_loop3A_451 = vector.broadcast %parallel_loop3A_450 : i32 to vector<16xi32>
        %parallel_loop3A_452 = arith.addi %iota3A, %parallel_loop3A_451 : vector<16xi32>
        %parallel_loop3A_453 = arith.constant 15 : i32
        %parallel_loop3A_454 = vector.broadcast %parallel_loop3A_453 : i32 to vector<16xi32>
        %parallel_loop3A_455 = arith.andi %parallel_loop3A_452, %parallel_loop3A_454 : vector<16xi32>
        %parallel_loop3A_456 = arith.addi %parallel_loop3A_449, %parallel_loop3A_455 : vector<16xi32>
        %parallel_loop3A_457 = arith.constant 256 : i32
        %parallel_loop3A_458 = arith.muli %parallel_loop3A_318, %parallel_loop3A_457 : i32
        %parallel_loop3A_459 = vector.broadcast %parallel_loop3A_458 : i32 to vector<16xi32>
        %parallel_loop3A_460 = arith.addi %parallel_loop3A_456, %parallel_loop3A_459 : vector<16xi32>
        %parallel_loop3A_461 = tpu.vector_load_idx %arg12[%parallel_loop3A_460] : memref<6400xf32, #tpu.memory_space<vmem>>[vector<16xi32>], vector<16xf32>,
        %parallel_loop3A_462 = arith.addf %parallel_loop3A_446, %parallel_loop3A_461 : vector<16xf32>
        %parallel_loop3A_463 = arith.constant 16 : i32
        %parallel_loop3A_464 = vector.broadcast %parallel_loop3A_463 : i32 to vector<16xi32>
        %parallel_loop3A_465 = arith.muli %iota3A, %parallel_loop3A_464 : vector<16xi32>
        %parallel_loop3A_466 = arith.constant 9 : i32
        %parallel_loop3A_467 = vector.broadcast %parallel_loop3A_466 : i32 to vector<16xi32>
        %parallel_loop3A_468 = arith.addi %iota3A, %parallel_loop3A_467 : vector<16xi32>
        %parallel_loop3A_469 = arith.constant 15 : i32
        %parallel_loop3A_470 = vector.broadcast %parallel_loop3A_469 : i32 to vector<16xi32>
        %parallel_loop3A_471 = arith.andi %parallel_loop3A_468, %parallel_loop3A_470 : vector<16xi32>
        %parallel_loop3A_472 = arith.addi %parallel_loop3A_465, %parallel_loop3A_471 : vector<16xi32>
        %parallel_loop3A_473 = arith.constant 256 : i32
        %parallel_loop3A_474 = arith.muli %parallel_loop3A_318, %parallel_loop3A_473 : i32
        %parallel_loop3A_475 = vector.broadcast %parallel_loop3A_474 : i32 to vector<16xi32>
        %parallel_loop3A_476 = arith.addi %parallel_loop3A_472, %parallel_loop3A_475 : vector<16xi32>
        %parallel_loop3A_477 = tpu.vector_load_idx %arg12[%parallel_loop3A_476] : memref<6400xf32, #tpu.memory_space<vmem>>[vector<16xi32>], vector<16xf32>,
        %parallel_loop3A_478 = arith.addf %parallel_loop3A_462, %parallel_loop3A_477 : vector<16xf32>
        %parallel_loop3A_479 = arith.constant 16 : i32
        %parallel_loop3A_480 = vector.broadcast %parallel_loop3A_479 : i32 to vector<16xi32>
        %parallel_loop3A_481 = arith.muli %iota3A, %parallel_loop3A_480 : vector<16xi32>
        %parallel_loop3A_482 = arith.constant 10 : i32
        %parallel_loop3A_483 = vector.broadcast %parallel_loop3A_482 : i32 to vector<16xi32>
        %parallel_loop3A_484 = arith.addi %iota3A, %parallel_loop3A_483 : vector<16xi32>
        %parallel_loop3A_485 = arith.constant 15 : i32
        %parallel_loop3A_486 = vector.broadcast %parallel_loop3A_485 : i32 to vector<16xi32>
        %parallel_loop3A_487 = arith.andi %parallel_loop3A_484, %parallel_loop3A_486 : vector<16xi32>
        %parallel_loop3A_488 = arith.addi %parallel_loop3A_481, %parallel_loop3A_487 : vector<16xi32>
        %parallel_loop3A_489 = arith.constant 256 : i32
        %parallel_loop3A_490 = arith.muli %parallel_loop3A_318, %parallel_loop3A_489 : i32
        %parallel_loop3A_491 = vector.broadcast %parallel_loop3A_490 : i32 to vector<16xi32>
        %parallel_loop3A_492 = arith.addi %parallel_loop3A_488, %parallel_loop3A_491 : vector<16xi32>
        %parallel_loop3A_493 = tpu.vector_load_idx %arg12[%parallel_loop3A_492] : memref<6400xf32, #tpu.memory_space<vmem>>[vector<16xi32>], vector<16xf32>,
        %parallel_loop3A_494 = arith.addf %parallel_loop3A_478, %parallel_loop3A_493 : vector<16xf32>
        %parallel_loop3A_495 = arith.constant 16 : i32
        %parallel_loop3A_496 = vector.broadcast %parallel_loop3A_495 : i32 to vector<16xi32>
        %parallel_loop3A_497 = arith.muli %iota3A, %parallel_loop3A_496 : vector<16xi32>
        %parallel_loop3A_498 = arith.constant 11 : i32
        %parallel_loop3A_499 = vector.broadcast %parallel_loop3A_498 : i32 to vector<16xi32>
        %parallel_loop3A_500 = arith.addi %iota3A, %parallel_loop3A_499 : vector<16xi32>
        %parallel_loop3A_501 = arith.constant 15 : i32
        %parallel_loop3A_502 = vector.broadcast %parallel_loop3A_501 : i32 to vector<16xi32>
        %parallel_loop3A_503 = arith.andi %parallel_loop3A_500, %parallel_loop3A_502 : vector<16xi32>
        %parallel_loop3A_504 = arith.addi %parallel_loop3A_497, %parallel_loop3A_503 : vector<16xi32>
        %parallel_loop3A_505 = arith.constant 256 : i32
        %parallel_loop3A_506 = arith.muli %parallel_loop3A_318, %parallel_loop3A_505 : i32
        %parallel_loop3A_507 = vector.broadcast %parallel_loop3A_506 : i32 to vector<16xi32>
        %parallel_loop3A_508 = arith.addi %parallel_loop3A_504, %parallel_loop3A_507 : vector<16xi32>
        %parallel_loop3A_509 = tpu.vector_load_idx %arg12[%parallel_loop3A_508] : memref<6400xf32, #tpu.memory_space<vmem>>[vector<16xi32>], vector<16xf32>,
        %parallel_loop3A_510 = arith.addf %parallel_loop3A_494, %parallel_loop3A_509 : vector<16xf32>
        %parallel_loop3A_511 = arith.constant 16 : i32
        %parallel_loop3A_512 = vector.broadcast %parallel_loop3A_511 : i32 to vector<16xi32>
        %parallel_loop3A_513 = arith.muli %iota3A, %parallel_loop3A_512 : vector<16xi32>
        %parallel_loop3A_514 = arith.constant 12 : i32
        %parallel_loop3A_515 = vector.broadcast %parallel_loop3A_514 : i32 to vector<16xi32>
        %parallel_loop3A_516 = arith.addi %iota3A, %parallel_loop3A_515 : vector<16xi32>
        %parallel_loop3A_517 = arith.constant 15 : i32
        %parallel_loop3A_518 = vector.broadcast %parallel_loop3A_517 : i32 to vector<16xi32>
        %parallel_loop3A_519 = arith.andi %parallel_loop3A_516, %parallel_loop3A_518 : vector<16xi32>
        %parallel_loop3A_520 = arith.addi %parallel_loop3A_513, %parallel_loop3A_519 : vector<16xi32>
        %parallel_loop3A_521 = arith.constant 256 : i32
        %parallel_loop3A_522 = arith.muli %parallel_loop3A_318, %parallel_loop3A_521 : i32
        %parallel_loop3A_523 = vector.broadcast %parallel_loop3A_522 : i32 to vector<16xi32>
        %parallel_loop3A_524 = arith.addi %parallel_loop3A_520, %parallel_loop3A_523 : vector<16xi32>
        %parallel_loop3A_525 = tpu.vector_load_idx %arg12[%parallel_loop3A_524] : memref<6400xf32, #tpu.memory_space<vmem>>[vector<16xi32>], vector<16xf32>,
        %parallel_loop3A_526 = arith.addf %parallel_loop3A_510, %parallel_loop3A_525 : vector<16xf32>
        %parallel_loop3A_527 = arith.constant 16 : i32
        %parallel_loop3A_528 = vector.broadcast %parallel_loop3A_527 : i32 to vector<16xi32>
        %parallel_loop3A_529 = arith.muli %iota3A, %parallel_loop3A_528 : vector<16xi32>
        %parallel_loop3A_530 = arith.constant 13 : i32
        %parallel_loop3A_531 = vector.broadcast %parallel_loop3A_530 : i32 to vector<16xi32>
        %parallel_loop3A_532 = arith.addi %iota3A, %parallel_loop3A_531 : vector<16xi32>
        %parallel_loop3A_533 = arith.constant 15 : i32
        %parallel_loop3A_534 = vector.broadcast %parallel_loop3A_533 : i32 to vector<16xi32>
        %parallel_loop3A_535 = arith.andi %parallel_loop3A_532, %parallel_loop3A_534 : vector<16xi32>
        %parallel_loop3A_536 = arith.addi %parallel_loop3A_529, %parallel_loop3A_535 : vector<16xi32>
        %parallel_loop3A_537 = arith.constant 256 : i32
        %parallel_loop3A_538 = arith.muli %parallel_loop3A_318, %parallel_loop3A_537 : i32
        %parallel_loop3A_539 = vector.broadcast %parallel_loop3A_538 : i32 to vector<16xi32>
        %parallel_loop3A_540 = arith.addi %parallel_loop3A_536, %parallel_loop3A_539 : vector<16xi32>
        %parallel_loop3A_541 = tpu.vector_load_idx %arg12[%parallel_loop3A_540] : memref<6400xf32, #tpu.memory_space<vmem>>[vector<16xi32>], vector<16xf32>,
        %parallel_loop3A_542 = arith.addf %parallel_loop3A_526, %parallel_loop3A_541 : vector<16xf32>
        %parallel_loop3A_543 = arith.constant 16 : i32
        %parallel_loop3A_544 = vector.broadcast %parallel_loop3A_543 : i32 to vector<16xi32>
        %parallel_loop3A_545 = arith.muli %iota3A, %parallel_loop3A_544 : vector<16xi32>
        %parallel_loop3A_546 = arith.constant 14 : i32
        %parallel_loop3A_547 = vector.broadcast %parallel_loop3A_546 : i32 to vector<16xi32>
        %parallel_loop3A_548 = arith.addi %iota3A, %parallel_loop3A_547 : vector<16xi32>
        %parallel_loop3A_549 = arith.constant 15 : i32
        %parallel_loop3A_550 = vector.broadcast %parallel_loop3A_549 : i32 to vector<16xi32>
        %parallel_loop3A_551 = arith.andi %parallel_loop3A_548, %parallel_loop3A_550 : vector<16xi32>
        %parallel_loop3A_552 = arith.addi %parallel_loop3A_545, %parallel_loop3A_551 : vector<16xi32>
        %parallel_loop3A_553 = arith.constant 256 : i32
        %parallel_loop3A_554 = arith.muli %parallel_loop3A_318, %parallel_loop3A_553 : i32
        %parallel_loop3A_555 = vector.broadcast %parallel_loop3A_554 : i32 to vector<16xi32>
        %parallel_loop3A_556 = arith.addi %parallel_loop3A_552, %parallel_loop3A_555 : vector<16xi32>
        %parallel_loop3A_557 = tpu.vector_load_idx %arg12[%parallel_loop3A_556] : memref<6400xf32, #tpu.memory_space<vmem>>[vector<16xi32>], vector<16xf32>,
        %parallel_loop3A_558 = arith.addf %parallel_loop3A_542, %parallel_loop3A_557 : vector<16xf32>
        %parallel_loop3A_559 = arith.constant 16 : i32
        %parallel_loop3A_560 = vector.broadcast %parallel_loop3A_559 : i32 to vector<16xi32>
        %parallel_loop3A_561 = arith.muli %iota3A, %parallel_loop3A_560 : vector<16xi32>
        %parallel_loop3A_562 = arith.constant 15 : i32
        %parallel_loop3A_563 = vector.broadcast %parallel_loop3A_562 : i32 to vector<16xi32>
        %parallel_loop3A_564 = arith.addi %iota3A, %parallel_loop3A_563 : vector<16xi32>
        %parallel_loop3A_565 = arith.constant 15 : i32
        %parallel_loop3A_566 = vector.broadcast %parallel_loop3A_565 : i32 to vector<16xi32>
        %parallel_loop3A_567 = arith.andi %parallel_loop3A_564, %parallel_loop3A_566 : vector<16xi32>
        %parallel_loop3A_568 = arith.addi %parallel_loop3A_561, %parallel_loop3A_567 : vector<16xi32>
        %parallel_loop3A_569 = arith.constant 256 : i32
        %parallel_loop3A_570 = arith.muli %parallel_loop3A_318, %parallel_loop3A_569 : i32
        %parallel_loop3A_571 = vector.broadcast %parallel_loop3A_570 : i32 to vector<16xi32>
        %parallel_loop3A_572 = arith.addi %parallel_loop3A_568, %parallel_loop3A_571 : vector<16xi32>
        %parallel_loop3A_573 = tpu.vector_load_idx %arg12[%parallel_loop3A_572] : memref<6400xf32, #tpu.memory_space<vmem>>[vector<16xi32>], vector<16xf32>,
        %parallel_loop3A_574 = arith.addf %parallel_loop3A_558, %parallel_loop3A_573 : vector<16xf32>
        %parallel_loop3A_575 = math.absf %parallel_loop3A_574 : vector<16xf32>
        %parallel_loop3A_576 = arith.constant 0.000000e+00 : f32
        %parallel_loop3A_577 = vector.broadcast %parallel_loop3A_576 : f32 to vector<16xf32>
        %parallel_loop3A_578 = arith.subf %parallel_loop3A_577, %parallel_loop3A_575 : vector<16xf32>
        %parallel_loop3A_579 = math.exp %parallel_loop3A_578 : vector<16xf32>
        %parallel_loop3A_580 = arith.constant -0.00622082548 : f32
        %parallel_loop3A_581 = vector.broadcast %parallel_loop3A_580 : f32 to vector<16xf32>
        %parallel_loop3A_582 = arith.mulf %parallel_loop3A_581, %parallel_loop3A_579 : vector<16xf32>
        %parallel_loop3A_583 = arith.constant 0.0352402143 : f32
        %parallel_loop3A_584 = vector.broadcast %parallel_loop3A_583 : f32 to vector<16xf32>
        %parallel_loop3A_585 = arith.addf %parallel_loop3A_582, %parallel_loop3A_584 : vector<16xf32>
        %parallel_loop3A_586 = arith.mulf %parallel_loop3A_585, %parallel_loop3A_579 : vector<16xf32>
        %parallel_loop3A_587 = arith.constant -0.0940996855 : f32
        %parallel_loop3A_588 = vector.broadcast %parallel_loop3A_587 : f32 to vector<16xf32>
        %parallel_loop3A_589 = arith.addf %parallel_loop3A_586, %parallel_loop3A_588 : vector<16xf32>
        %parallel_loop3A_590 = arith.mulf %parallel_loop3A_589, %parallel_loop3A_579 : vector<16xf32>
        %parallel_loop3A_591 = arith.constant 0.166753307 : f32
        %parallel_loop3A_592 = vector.broadcast %parallel_loop3A_591 : f32 to vector<16xf32>
        %parallel_loop3A_593 = arith.addf %parallel_loop3A_590, %parallel_loop3A_592 : vector<16xf32>
        %parallel_loop3A_594 = arith.mulf %parallel_loop3A_593, %parallel_loop3A_579 : vector<16xf32>
        %parallel_loop3A_595 = arith.constant -0.240383953 : f32
        %parallel_loop3A_596 = vector.broadcast %parallel_loop3A_595 : f32 to vector<16xf32>
        %parallel_loop3A_597 = arith.addf %parallel_loop3A_594, %parallel_loop3A_596 : vector<16xf32>
        %parallel_loop3A_598 = arith.mulf %parallel_loop3A_597, %parallel_loop3A_579 : vector<16xf32>
        %parallel_loop3A_599 = arith.constant 0.33172977 : f32
        %parallel_loop3A_600 = vector.broadcast %parallel_loop3A_599 : f32 to vector<16xf32>
        %parallel_loop3A_601 = arith.addf %parallel_loop3A_598, %parallel_loop3A_600 : vector<16xf32>
        %parallel_loop3A_602 = arith.mulf %parallel_loop3A_601, %parallel_loop3A_579 : vector<16xf32>
        %parallel_loop3A_603 = arith.constant -0.499867827 : f32
        %parallel_loop3A_604 = vector.broadcast %parallel_loop3A_603 : f32 to vector<16xf32>
        %parallel_loop3A_605 = arith.addf %parallel_loop3A_602, %parallel_loop3A_604 : vector<16xf32>
        %parallel_loop3A_606 = arith.mulf %parallel_loop3A_605, %parallel_loop3A_579 : vector<16xf32>
        %parallel_loop3A_607 = arith.constant 0.999996125 : f32
        %parallel_loop3A_608 = vector.broadcast %parallel_loop3A_607 : f32 to vector<16xf32>
        %parallel_loop3A_609 = arith.addf %parallel_loop3A_606, %parallel_loop3A_608 : vector<16xf32>
        %parallel_loop3A_610 = arith.mulf %parallel_loop3A_609, %parallel_loop3A_579 : vector<16xf32>
        %parallel_loop3A_611 = arith.constant 1.03552225E-8 : f32
        %parallel_loop3A_612 = vector.broadcast %parallel_loop3A_611 : f32 to vector<16xf32>
        %parallel_loop3A_613 = arith.addf %parallel_loop3A_610, %parallel_loop3A_612 : vector<16xf32>
        %parallel_loop3A_614 = arith.constant 0.000000e+00 : f32
        %parallel_loop3A_615 = vector.broadcast %parallel_loop3A_614 : f32 to vector<16xf32>
        %parallel_loop3A_616 = arith.maximumf %parallel_loop3A_574, %parallel_loop3A_615 : vector<16xf32>
        %parallel_loop3A_617 = vector.broadcast %select_n3A_6 : f32 to vector<16xf32>
        %parallel_loop3A_618 = arith.mulf %parallel_loop3A_574, %parallel_loop3A_617 : vector<16xf32>
        %parallel_loop3A_619 = arith.subf %parallel_loop3A_616, %parallel_loop3A_618 : vector<16xf32>
        %parallel_loop3A_620 = arith.addf %parallel_loop3A_619, %parallel_loop3A_613 : vector<16xf32>
        %parallel_loop3A_621 = arith.addf %parallel_loop3A_319, %parallel_loop3A_620 : vector<16xf32>
        scf.yield %parallel_loop3A_621 : vector<16xf32>
      } {sc.loop_unroll_factor = 5 : i64, sc.parallel_access}
      %add3A_215 = arith.constant 1 : i32
      %add3A_216 = arith.addi %add3A_115, %add3A_215 : i32
      %add3A_217 = arith.constant 1 : i32
      %add3A_218 = arith.addi %add3A_216, %add3A_217 : i32
      %lt3A_219 = arith.constant 50 : i32
      %lt3A_220 = arith.cmpi slt, %add3A_218, %lt3A_219 : i32
      %convert_element_type3A_221 = arith.extui %lt3A_220 : i1 to i32
      %cond3A_222 = arith.constant 0 : i32
      %cond3A_223 = arith.cmpi ne, %convert_element_type3A_221, %cond3A_222 : i32
      scf.if %cond3A_223 {
        %dma_wait3A_318 = arith.constant 0 : i32
        %dma_wait3A_319 = arith.constant 0 : i32
        %dma_wait3A_320 = tpu.memref_slice %arg6[%dma_wait3A_319] : memref<800xi32, #tpu.memory_space<vmem>> -> memref<400xi32, #tpu.memory_space<vmem>>
        %dma_wait3A_321 = arith.constant 0 : i32
        %dma_wait3A_322 = tpu.memref_slice %arg3[%dma_wait3A_318, %dma_wait3A_321] : memref<2x320000xi32, #tpu.memory_space<hbm>> -> memref<1x400xi32, #tpu.memory_space<hbm>>
        %dma_wait3A_323 = tpu.memref_squeeze %dma_wait3A_322 : memref<1x400xi32, #tpu.memory_space<hbm>> -> memref<400xi32, #tpu.memory_space<hbm>>
        %dma_wait3A_324 = arith.constant 0 : i32
        %dma_wait3A_325 = tpu.memref_slice %arg6[%dma_wait3A_324] : memref<800xi32, #tpu.memory_space<vmem>> -> memref<400xi32, #tpu.memory_space<vmem>>
        %dma_wait3A_326 = arith.constant 0 : i32
        %dma_wait3A_327 = tpu.memref_slice %arg3[%dma_wait3A_318, %dma_wait3A_326] : memref<2x320000xi32, #tpu.memory_space<hbm>> -> memref<1x400xi32, #tpu.memory_space<hbm>>
        %dma_wait3A_328 = tpu.memref_squeeze %dma_wait3A_327 : memref<1x400xi32, #tpu.memory_space<hbm>> -> memref<400xi32, #tpu.memory_space<hbm>>
        tpu.wait_dma2 semaphore(%arg14 : memref<!tpu.dma_semaphore, #tpu.memory_space<semaphore_mem>>) src(%dma_wait3A_328 : memref<400xi32, #tpu.memory_space<hbm>>) dst(%dma_wait3A_325 : memref<400xi32, #tpu.memory_space<vmem>>)
        %dma_wait3A_329 = arith.constant 0 : i32
        %dma_wait3A_330 = arith.constant 400 : i32
        %dma_wait3A_331 = tpu.memref_slice %arg6[%dma_wait3A_330] : memref<800xi32, #tpu.memory_space<vmem>> -> memref<400xi32, #tpu.memory_space<vmem>>
        %dma_wait3A_332 = arith.constant 0 : i32
        %dma_wait3A_333 = tpu.memref_slice %arg3[%dma_wait3A_329, %dma_wait3A_332] : memref<2x320000xi32, #tpu.memory_space<hbm>> -> memref<1x400xi32, #tpu.memory_space<hbm>>
        %dma_wait3A_334 = tpu.memref_squeeze %dma_wait3A_333 : memref<1x400xi32, #tpu.memory_space<hbm>> -> memref<400xi32, #tpu.memory_space<hbm>>
        %dma_wait3A_335 = arith.constant 400 : i32
        %dma_wait3A_336 = tpu.memref_slice %arg6[%dma_wait3A_335] : memref<800xi32, #tpu.memory_space<vmem>> -> memref<400xi32, #tpu.memory_space<vmem>>
        %dma_wait3A_337 = arith.constant 0 : i32
        %dma_wait3A_338 = tpu.memref_slice %arg3[%dma_wait3A_329, %dma_wait3A_337] : memref<2x320000xi32, #tpu.memory_space<hbm>> -> memref<1x400xi32, #tpu.memory_space<hbm>>
        %dma_wait3A_339 = tpu.memref_squeeze %dma_wait3A_338 : memref<1x400xi32, #tpu.memory_space<hbm>> -> memref<400xi32, #tpu.memory_space<hbm>>
        tpu.wait_dma2 semaphore(%arg14 : memref<!tpu.dma_semaphore, #tpu.memory_space<semaphore_mem>>) src(%dma_wait3A_339 : memref<400xi32, #tpu.memory_space<hbm>>) dst(%dma_wait3A_336 : memref<400xi32, #tpu.memory_space<vmem>>)
        %dma_start3A_340 = arith.constant 0 : i32
        %dma_start3A_341 = arith.constant 0 : i32
        %dma_start3A_342 = tpu.memref_slice %arg8[%dma_start3A_340, %dma_start3A_341] : memref<400x64xi32, #tpu.memory_space<vmem>> -> memref<80x64xi32, #tpu.memory_space<vmem>>
        %dma_start3A_343 = arith.constant 0 : i32
        %dma_start3A_344 = tpu.memref_slice %arg6[%dma_start3A_343] : memref<800xi32, #tpu.memory_space<vmem>> -> memref<80xi32, #tpu.memory_space<vmem>>
        %dma_start3A_345 = arith.constant 0 : i32
        %dma_start3A_346 = arith.constant 0 : i32
        %dma_start3A_347 = tpu.memref_slice %arg2[%dma_start3A_345, %dma_start3A_346] : memref<10000x64xi32, #tpu.memory_space<hbm>> -> memref<10000x64xi32, #tpu.memory_space<hbm>>
        tpu.enqueue_indirect_dma source(%dma_start3A_347 : memref<10000x64xi32, #tpu.memory_space<hbm>>) target(%dma_start3A_342 : memref<80x64xi32, #tpu.memory_space<vmem>>) offsets(%dma_start3A_344 : memref<80xi32, #tpu.memory_space<vmem>>) semaphore(%arg16 : memref<!tpu.dma_semaphore, #tpu.memory_space<semaphore_mem>>)
        %dma_start3A_348 = arith.constant 0 : i32
        %dma_start3A_349 = arith.constant 0 : i32
        %dma_start3A_350 = tpu.memref_slice %arg9[%dma_start3A_348, %dma_start3A_349] : memref<400x64xi32, #tpu.memory_space<vmem>> -> memref<80x64xi32, #tpu.memory_space<vmem>>
        %dma_start3A_351 = arith.constant 400 : i32
        %dma_start3A_352 = tpu.memref_slice %arg6[%dma_start3A_351] : memref<800xi32, #tpu.memory_space<vmem>> -> memref<80xi32, #tpu.memory_space<vmem>>
        %dma_start3A_353 = arith.constant 0 : i32
        %dma_start3A_354 = arith.constant 0 : i32
        %dma_start3A_355 = tpu.memref_slice %arg2[%dma_start3A_353, %dma_start3A_354] : memref<10000x64xi32, #tpu.memory_space<hbm>> -> memref<10000x64xi32, #tpu.memory_space<hbm>>
        tpu.enqueue_indirect_dma source(%dma_start3A_355 : memref<10000x64xi32, #tpu.memory_space<hbm>>) target(%dma_start3A_350 : memref<80x64xi32, #tpu.memory_space<vmem>>) offsets(%dma_start3A_352 : memref<80xi32, #tpu.memory_space<vmem>>) semaphore(%arg16 : memref<!tpu.dma_semaphore, #tpu.memory_space<semaphore_mem>>)
        %dma_start3A_356 = arith.constant 80 : i32
        %dma_start3A_357 = arith.constant 0 : i32
        %dma_start3A_358 = tpu.memref_slice %arg8[%dma_start3A_356, %dma_start3A_357] : memref<400x64xi32, #tpu.memory_space<vmem>> -> memref<80x64xi32, #tpu.memory_space<vmem>>
        %dma_start3A_359 = arith.constant 80 : i32
        %dma_start3A_360 = tpu.memref_slice %arg6[%dma_start3A_359] : memref<800xi32, #tpu.memory_space<vmem>> -> memref<80xi32, #tpu.memory_space<vmem>>
        %dma_start3A_361 = arith.constant 0 : i32
        %dma_start3A_362 = arith.constant 0 : i32
        %dma_start3A_363 = tpu.memref_slice %arg2[%dma_start3A_361, %dma_start3A_362] : memref<10000x64xi32, #tpu.memory_space<hbm>> -> memref<10000x64xi32, #tpu.memory_space<hbm>>
        tpu.enqueue_indirect_dma source(%dma_start3A_363 : memref<10000x64xi32, #tpu.memory_space<hbm>>) target(%dma_start3A_358 : memref<80x64xi32, #tpu.memory_space<vmem>>) offsets(%dma_start3A_360 : memref<80xi32, #tpu.memory_space<vmem>>) semaphore(%arg16 : memref<!tpu.dma_semaphore, #tpu.memory_space<semaphore_mem>>)
        %dma_start3A_364 = arith.constant 80 : i32
        %dma_start3A_365 = arith.constant 0 : i32
        %dma_start3A_366 = tpu.memref_slice %arg9[%dma_start3A_364, %dma_start3A_365] : memref<400x64xi32, #tpu.memory_space<vmem>> -> memref<80x64xi32, #tpu.memory_space<vmem>>
        %dma_start3A_367 = arith.constant 480 : i32
        %dma_start3A_368 = tpu.memref_slice %arg6[%dma_start3A_367] : memref<800xi32, #tpu.memory_space<vmem>> -> memref<80xi32, #tpu.memory_space<vmem>>
        %dma_start3A_369 = arith.constant 0 : i32
        %dma_start3A_370 = arith.constant 0 : i32
        %dma_start3A_371 = tpu.memref_slice %arg2[%dma_start3A_369, %dma_start3A_370] : memref<10000x64xi32, #tpu.memory_space<hbm>> -> memref<10000x64xi32, #tpu.memory_space<hbm>>
        tpu.enqueue_indirect_dma source(%dma_start3A_371 : memref<10000x64xi32, #tpu.memory_space<hbm>>) target(%dma_start3A_366 : memref<80x64xi32, #tpu.memory_space<vmem>>) offsets(%dma_start3A_368 : memref<80xi32, #tpu.memory_space<vmem>>) semaphore(%arg16 : memref<!tpu.dma_semaphore, #tpu.memory_space<semaphore_mem>>)
        %dma_start3A_372 = arith.constant 160 : i32
        %dma_start3A_373 = arith.constant 0 : i32
        %dma_start3A_374 = tpu.memref_slice %arg8[%dma_start3A_372, %dma_start3A_373] : memref<400x64xi32, #tpu.memory_space<vmem>> -> memref<80x64xi32, #tpu.memory_space<vmem>>
        %dma_start3A_375 = arith.constant 160 : i32
        %dma_start3A_376 = tpu.memref_slice %arg6[%dma_start3A_375] : memref<800xi32, #tpu.memory_space<vmem>> -> memref<80xi32, #tpu.memory_space<vmem>>
        %dma_start3A_377 = arith.constant 0 : i32
        %dma_start3A_378 = arith.constant 0 : i32
        %dma_start3A_379 = tpu.memref_slice %arg2[%dma_start3A_377, %dma_start3A_378] : memref<10000x64xi32, #tpu.memory_space<hbm>> -> memref<10000x64xi32, #tpu.memory_space<hbm>>
        tpu.enqueue_indirect_dma source(%dma_start3A_379 : memref<10000x64xi32, #tpu.memory_space<hbm>>) target(%dma_start3A_374 : memref<80x64xi32, #tpu.memory_space<vmem>>) offsets(%dma_start3A_376 : memref<80xi32, #tpu.memory_space<vmem>>) semaphore(%arg16 : memref<!tpu.dma_semaphore, #tpu.memory_space<semaphore_mem>>)
        %dma_start3A_380 = arith.constant 160 : i32
        %dma_start3A_381 = arith.constant 0 : i32
        %dma_start3A_382 = tpu.memref_slice %arg9[%dma_start3A_380, %dma_start3A_381] : memref<400x64xi32, #tpu.memory_space<vmem>> -> memref<80x64xi32, #tpu.memory_space<vmem>>
        %dma_start3A_383 = arith.constant 560 : i32
        %dma_start3A_384 = tpu.memref_slice %arg6[%dma_start3A_383] : memref<800xi32, #tpu.memory_space<vmem>> -> memref<80xi32, #tpu.memory_space<vmem>>
        %dma_start3A_385 = arith.constant 0 : i32
        %dma_start3A_386 = arith.constant 0 : i32
        %dma_start3A_387 = tpu.memref_slice %arg2[%dma_start3A_385, %dma_start3A_386] : memref<10000x64xi32, #tpu.memory_space<hbm>> -> memref<10000x64xi32, #tpu.memory_space<hbm>>
        tpu.enqueue_indirect_dma source(%dma_start3A_387 : memref<10000x64xi32, #tpu.memory_space<hbm>>) target(%dma_start3A_382 : memref<80x64xi32, #tpu.memory_space<vmem>>) offsets(%dma_start3A_384 : memref<80xi32, #tpu.memory_space<vmem>>) semaphore(%arg16 : memref<!tpu.dma_semaphore, #tpu.memory_space<semaphore_mem>>)
        %dma_start3A_388 = arith.constant 240 : i32
        %dma_start3A_389 = arith.constant 0 : i32
        %dma_start3A_390 = tpu.memref_slice %arg8[%dma_start3A_388, %dma_start3A_389] : memref<400x64xi32, #tpu.memory_space<vmem>> -> memref<80x64xi32, #tpu.memory_space<vmem>>
        %dma_start3A_391 = arith.constant 240 : i32
        %dma_start3A_392 = tpu.memref_slice %arg6[%dma_start3A_391] : memref<800xi32, #tpu.memory_space<vmem>> -> memref<80xi32, #tpu.memory_space<vmem>>
        %dma_start3A_393 = arith.constant 0 : i32
        %dma_start3A_394 = arith.constant 0 : i32
        %dma_start3A_395 = tpu.memref_slice %arg2[%dma_start3A_393, %dma_start3A_394] : memref<10000x64xi32, #tpu.memory_space<hbm>> -> memref<10000x64xi32, #tpu.memory_space<hbm>>
        tpu.enqueue_indirect_dma source(%dma_start3A_395 : memref<10000x64xi32, #tpu.memory_space<hbm>>) target(%dma_start3A_390 : memref<80x64xi32, #tpu.memory_space<vmem>>) offsets(%dma_start3A_392 : memref<80xi32, #tpu.memory_space<vmem>>) semaphore(%arg16 : memref<!tpu.dma_semaphore, #tpu.memory_space<semaphore_mem>>)
        %dma_start3A_396 = arith.constant 240 : i32
        %dma_start3A_397 = arith.constant 0 : i32
        %dma_start3A_398 = tpu.memref_slice %arg9[%dma_start3A_396, %dma_start3A_397] : memref<400x64xi32, #tpu.memory_space<vmem>> -> memref<80x64xi32, #tpu.memory_space<vmem>>
        %dma_start3A_399 = arith.constant 640 : i32
        %dma_start3A_400 = tpu.memref_slice %arg6[%dma_start3A_399] : memref<800xi32, #tpu.memory_space<vmem>> -> memref<80xi32, #tpu.memory_space<vmem>>
        %dma_start3A_401 = arith.constant 0 : i32
        %dma_start3A_402 = arith.constant 0 : i32
        %dma_start3A_403 = tpu.memref_slice %arg2[%dma_start3A_401, %dma_start3A_402] : memref<10000x64xi32, #tpu.memory_space<hbm>> -> memref<10000x64xi32, #tpu.memory_space<hbm>>
        tpu.enqueue_indirect_dma source(%dma_start3A_403 : memref<10000x64xi32, #tpu.memory_space<hbm>>) target(%dma_start3A_398 : memref<80x64xi32, #tpu.memory_space<vmem>>) offsets(%dma_start3A_400 : memref<80xi32, #tpu.memory_space<vmem>>) semaphore(%arg16 : memref<!tpu.dma_semaphore, #tpu.memory_space<semaphore_mem>>)
        %dma_start3A_404 = arith.constant 320 : i32
        %dma_start3A_405 = arith.constant 0 : i32
        %dma_start3A_406 = tpu.memref_slice %arg8[%dma_start3A_404, %dma_start3A_405] : memref<400x64xi32, #tpu.memory_space<vmem>> -> memref<80x64xi32, #tpu.memory_space<vmem>>
        %dma_start3A_407 = arith.constant 320 : i32
        %dma_start3A_408 = tpu.memref_slice %arg6[%dma_start3A_407] : memref<800xi32, #tpu.memory_space<vmem>> -> memref<80xi32, #tpu.memory_space<vmem>>
        %dma_start3A_409 = arith.constant 0 : i32
        %dma_start3A_410 = arith.constant 0 : i32
        %dma_start3A_411 = tpu.memref_slice %arg2[%dma_start3A_409, %dma_start3A_410] : memref<10000x64xi32, #tpu.memory_space<hbm>> -> memref<10000x64xi32, #tpu.memory_space<hbm>>
        tpu.enqueue_indirect_dma source(%dma_start3A_411 : memref<10000x64xi32, #tpu.memory_space<hbm>>) target(%dma_start3A_406 : memref<80x64xi32, #tpu.memory_space<vmem>>) offsets(%dma_start3A_408 : memref<80xi32, #tpu.memory_space<vmem>>) semaphore(%arg16 : memref<!tpu.dma_semaphore, #tpu.memory_space<semaphore_mem>>)
        %dma_start3A_412 = arith.constant 320 : i32
        %dma_start3A_413 = arith.constant 0 : i32
        %dma_start3A_414 = tpu.memref_slice %arg9[%dma_start3A_412, %dma_start3A_413] : memref<400x64xi32, #tpu.memory_space<vmem>> -> memref<80x64xi32, #tpu.memory_space<vmem>>
        %dma_start3A_415 = arith.constant 720 : i32
        %dma_start3A_416 = tpu.memref_slice %arg6[%dma_start3A_415] : memref<800xi32, #tpu.memory_space<vmem>> -> memref<80xi32, #tpu.memory_space<vmem>>
        %dma_start3A_417 = arith.constant 0 : i32
        %dma_start3A_418 = arith.constant 0 : i32
        %dma_start3A_419 = tpu.memref_slice %arg2[%dma_start3A_417, %dma_start3A_418] : memref<10000x64xi32, #tpu.memory_space<hbm>> -> memref<10000x64xi32, #tpu.memory_space<hbm>>
        tpu.enqueue_indirect_dma source(%dma_start3A_419 : memref<10000x64xi32, #tpu.memory_space<hbm>>) target(%dma_start3A_414 : memref<80x64xi32, #tpu.memory_space<vmem>>) offsets(%dma_start3A_416 : memref<80xi32, #tpu.memory_space<vmem>>) semaphore(%arg16 : memref<!tpu.dma_semaphore, #tpu.memory_space<semaphore_mem>>)
      } else {
      }
      %dma_wait3A_224 = arith.constant 0 : i32
      %dma_wait3A_225 = arith.constant 0 : i32
      %dma_wait3A_226 = tpu.memref_slice %arg10[%dma_wait3A_224, %dma_wait3A_225] : memref<400x64xi32, #tpu.memory_space<vmem>> -> memref<80x64xi32, #tpu.memory_space<vmem>>
      %dma_wait3A_227 = arith.constant 0 : i32
      %dma_wait3A_228 = tpu.memref_slice %arg7[%dma_wait3A_227] : memref<800xi32, #tpu.memory_space<vmem>> -> memref<80xi32, #tpu.memory_space<vmem>>
      %dma_wait3A_229 = arith.constant 0 : i32
      %dma_wait3A_230 = arith.constant 0 : i32
      %dma_wait3A_231 = tpu.memref_slice %arg2[%dma_wait3A_229, %dma_wait3A_230] : memref<10000x64xi32, #tpu.memory_space<hbm>> -> memref<10000x64xi32, #tpu.memory_space<hbm>>
      tpu.wait_indirect_dma semaphore(%arg17 : memref<!tpu.dma_semaphore, #tpu.memory_space<semaphore_mem>>) src(%dma_wait3A_231 : memref<10000x64xi32, #tpu.memory_space<hbm>>) dst(%dma_wait3A_226 : memref<80x64xi32, #tpu.memory_space<vmem>>)
      %dma_wait3A_232 = arith.constant 0 : i32
      %dma_wait3A_233 = arith.constant 0 : i32
      %dma_wait3A_234 = tpu.memref_slice %arg11[%dma_wait3A_232, %dma_wait3A_233] : memref<400x64xi32, #tpu.memory_space<vmem>> -> memref<80x64xi32, #tpu.memory_space<vmem>>
      %dma_wait3A_235 = arith.constant 400 : i32
      %dma_wait3A_236 = tpu.memref_slice %arg7[%dma_wait3A_235] : memref<800xi32, #tpu.memory_space<vmem>> -> memref<80xi32, #tpu.memory_space<vmem>>
      %dma_wait3A_237 = arith.constant 0 : i32
      %dma_wait3A_238 = arith.constant 0 : i32
      %dma_wait3A_239 = tpu.memref_slice %arg2[%dma_wait3A_237, %dma_wait3A_238] : memref<10000x64xi32, #tpu.memory_space<hbm>> -> memref<10000x64xi32, #tpu.memory_space<hbm>>
      tpu.wait_indirect_dma semaphore(%arg17 : memref<!tpu.dma_semaphore, #tpu.memory_space<semaphore_mem>>) src(%dma_wait3A_239 : memref<10000x64xi32, #tpu.memory_space<hbm>>) dst(%dma_wait3A_234 : memref<80x64xi32, #tpu.memory_space<vmem>>)
      %dma_wait3A_240 = arith.constant 80 : i32
      %dma_wait3A_241 = arith.constant 0 : i32
      %dma_wait3A_242 = tpu.memref_slice %arg10[%dma_wait3A_240, %dma_wait3A_241] : memref<400x64xi32, #tpu.memory_space<vmem>> -> memref<80x64xi32, #tpu.memory_space<vmem>>
      %dma_wait3A_243 = arith.constant 80 : i32
      %dma_wait3A_244 = tpu.memref_slice %arg7[%dma_wait3A_243] : memref<800xi32, #tpu.memory_space<vmem>> -> memref<80xi32, #tpu.memory_space<vmem>>
      %dma_wait3A_245 = arith.constant 0 : i32
      %dma_wait3A_246 = arith.constant 0 : i32
      %dma_wait3A_247 = tpu.memref_slice %arg2[%dma_wait3A_245, %dma_wait3A_246] : memref<10000x64xi32, #tpu.memory_space<hbm>> -> memref<10000x64xi32, #tpu.memory_space<hbm>>
      tpu.wait_indirect_dma semaphore(%arg17 : memref<!tpu.dma_semaphore, #tpu.memory_space<semaphore_mem>>) src(%dma_wait3A_247 : memref<10000x64xi32, #tpu.memory_space<hbm>>) dst(%dma_wait3A_242 : memref<80x64xi32, #tpu.memory_space<vmem>>)
      %dma_wait3A_248 = arith.constant 80 : i32
      %dma_wait3A_249 = arith.constant 0 : i32
      %dma_wait3A_250 = tpu.memref_slice %arg11[%dma_wait3A_248, %dma_wait3A_249] : memref<400x64xi32, #tpu.memory_space<vmem>> -> memref<80x64xi32, #tpu.memory_space<vmem>>
      %dma_wait3A_251 = arith.constant 480 : i32
      %dma_wait3A_252 = tpu.memref_slice %arg7[%dma_wait3A_251] : memref<800xi32, #tpu.memory_space<vmem>> -> memref<80xi32, #tpu.memory_space<vmem>>
      %dma_wait3A_253 = arith.constant 0 : i32
      %dma_wait3A_254 = arith.constant 0 : i32
      %dma_wait3A_255 = tpu.memref_slice %arg2[%dma_wait3A_253, %dma_wait3A_254] : memref<10000x64xi32, #tpu.memory_space<hbm>> -> memref<10000x64xi32, #tpu.memory_space<hbm>>
      tpu.wait_indirect_dma semaphore(%arg17 : memref<!tpu.dma_semaphore, #tpu.memory_space<semaphore_mem>>) src(%dma_wait3A_255 : memref<10000x64xi32, #tpu.memory_space<hbm>>) dst(%dma_wait3A_250 : memref<80x64xi32, #tpu.memory_space<vmem>>)
      %dma_wait3A_256 = arith.constant 160 : i32
      %dma_wait3A_257 = arith.constant 0 : i32
      %dma_wait3A_258 = tpu.memref_slice %arg10[%dma_wait3A_256, %dma_wait3A_257] : memref<400x64xi32, #tpu.memory_space<vmem>> -> memref<80x64xi32, #tpu.memory_space<vmem>>
      %dma_wait3A_259 = arith.constant 160 : i32
      %dma_wait3A_260 = tpu.memref_slice %arg7[%dma_wait3A_259] : memref<800xi32, #tpu.memory_space<vmem>> -> memref<80xi32, #tpu.memory_space<vmem>>
      %dma_wait3A_261 = arith.constant 0 : i32
      %dma_wait3A_262 = arith.constant 0 : i32
      %dma_wait3A_263 = tpu.memref_slice %arg2[%dma_wait3A_261, %dma_wait3A_262] : memref<10000x64xi32, #tpu.memory_space<hbm>> -> memref<10000x64xi32, #tpu.memory_space<hbm>>
      tpu.wait_indirect_dma semaphore(%arg17 : memref<!tpu.dma_semaphore, #tpu.memory_space<semaphore_mem>>) src(%dma_wait3A_263 : memref<10000x64xi32, #tpu.memory_space<hbm>>) dst(%dma_wait3A_258 : memref<80x64xi32, #tpu.memory_space<vmem>>)
      %dma_wait3A_264 = arith.constant 160 : i32
      %dma_wait3A_265 = arith.constant 0 : i32
      %dma_wait3A_266 = tpu.memref_slice %arg11[%dma_wait3A_264, %dma_wait3A_265] : memref<400x64xi32, #tpu.memory_space<vmem>> -> memref<80x64xi32, #tpu.memory_space<vmem>>
      %dma_wait3A_267 = arith.constant 560 : i32
      %dma_wait3A_268 = tpu.memref_slice %arg7[%dma_wait3A_267] : memref<800xi32, #tpu.memory_space<vmem>> -> memref<80xi32, #tpu.memory_space<vmem>>
      %dma_wait3A_269 = arith.constant 0 : i32
      %dma_wait3A_270 = arith.constant 0 : i32
      %dma_wait3A_271 = tpu.memref_slice %arg2[%dma_wait3A_269, %dma_wait3A_270] : memref<10000x64xi32, #tpu.memory_space<hbm>> -> memref<10000x64xi32, #tpu.memory_space<hbm>>
      tpu.wait_indirect_dma semaphore(%arg17 : memref<!tpu.dma_semaphore, #tpu.memory_space<semaphore_mem>>) src(%dma_wait3A_271 : memref<10000x64xi32, #tpu.memory_space<hbm>>) dst(%dma_wait3A_266 : memref<80x64xi32, #tpu.memory_space<vmem>>)
      %dma_wait3A_272 = arith.constant 240 : i32
      %dma_wait3A_273 = arith.constant 0 : i32
      %dma_wait3A_274 = tpu.memref_slice %arg10[%dma_wait3A_272, %dma_wait3A_273] : memref<400x64xi32, #tpu.memory_space<vmem>> -> memref<80x64xi32, #tpu.memory_space<vmem>>
      %dma_wait3A_275 = arith.constant 240 : i32
      %dma_wait3A_276 = tpu.memref_slice %arg7[%dma_wait3A_275] : memref<800xi32, #tpu.memory_space<vmem>> -> memref<80xi32, #tpu.memory_space<vmem>>
      %dma_wait3A_277 = arith.constant 0 : i32
      %dma_wait3A_278 = arith.constant 0 : i32
      %dma_wait3A_279 = tpu.memref_slice %arg2[%dma_wait3A_277, %dma_wait3A_278] : memref<10000x64xi32, #tpu.memory_space<hbm>> -> memref<10000x64xi32, #tpu.memory_space<hbm>>
      tpu.wait_indirect_dma semaphore(%arg17 : memref<!tpu.dma_semaphore, #tpu.memory_space<semaphore_mem>>) src(%dma_wait3A_279 : memref<10000x64xi32, #tpu.memory_space<hbm>>) dst(%dma_wait3A_274 : memref<80x64xi32, #tpu.memory_space<vmem>>)
      %dma_wait3A_280 = arith.constant 240 : i32
      %dma_wait3A_281 = arith.constant 0 : i32
      %dma_wait3A_282 = tpu.memref_slice %arg11[%dma_wait3A_280, %dma_wait3A_281] : memref<400x64xi32, #tpu.memory_space<vmem>> -> memref<80x64xi32, #tpu.memory_space<vmem>>
      %dma_wait3A_283 = arith.constant 640 : i32
      %dma_wait3A_284 = tpu.memref_slice %arg7[%dma_wait3A_283] : memref<800xi32, #tpu.memory_space<vmem>> -> memref<80xi32, #tpu.memory_space<vmem>>
      %dma_wait3A_285 = arith.constant 0 : i32
      %dma_wait3A_286 = arith.constant 0 : i32
      %dma_wait3A_287 = tpu.memref_slice %arg2[%dma_wait3A_285, %dma_wait3A_286] : memref<10000x64xi32, #tpu.memory_space<hbm>> -> memref<10000x64xi32, #tpu.memory_space<hbm>>
      tpu.wait_indirect_dma semaphore(%arg17 : memref<!tpu.dma_semaphore, #tpu.memory_space<semaphore_mem>>) src(%dma_wait3A_287 : memref<10000x64xi32, #tpu.memory_space<hbm>>) dst(%dma_wait3A_282 : memref<80x64xi32, #tpu.memory_space<vmem>>)
      %dma_wait3A_288 = arith.constant 320 : i32
      %dma_wait3A_289 = arith.constant 0 : i32
      %dma_wait3A_290 = tpu.memref_slice %arg10[%dma_wait3A_288, %dma_wait3A_289] : memref<400x64xi32, #tpu.memory_space<vmem>> -> memref<80x64xi32, #tpu.memory_space<vmem>>
      %dma_wait3A_291 = arith.constant 320 : i32
      %dma_wait3A_292 = tpu.memref_slice %arg7[%dma_wait3A_291] : memref<800xi32, #tpu.memory_space<vmem>> -> memref<80xi32, #tpu.memory_space<vmem>>
      %dma_wait3A_293 = arith.constant 0 : i32
      %dma_wait3A_294 = arith.constant 0 : i32
      %dma_wait3A_295 = tpu.memref_slice %arg2[%dma_wait3A_293, %dma_wait3A_294] : memref<10000x64xi32, #tpu.memory_space<hbm>> -> memref<10000x64xi32, #tpu.memory_space<hbm>>
      tpu.wait_indirect_dma semaphore(%arg17 : memref<!tpu.dma_semaphore, #tpu.memory_space<semaphore_mem>>) src(%dma_wait3A_295 : memref<10000x64xi32, #tpu.memory_space<hbm>>) dst(%dma_wait3A_290 : memref<80x64xi32, #tpu.memory_space<vmem>>)
      %dma_wait3A_296 = arith.constant 320 : i32
      %dma_wait3A_297 = arith.constant 0 : i32
      %dma_wait3A_298 = tpu.memref_slice %arg11[%dma_wait3A_296, %dma_wait3A_297] : memref<400x64xi32, #tpu.memory_space<vmem>> -> memref<80x64xi32, #tpu.memory_space<vmem>>
      %dma_wait3A_299 = arith.constant 720 : i32
      %dma_wait3A_300 = tpu.memref_slice %arg7[%dma_wait3A_299] : memref<800xi32, #tpu.memory_space<vmem>> -> memref<80xi32, #tpu.memory_space<vmem>>
      %dma_wait3A_301 = arith.constant 0 : i32
      %dma_wait3A_302 = arith.constant 0 : i32
      %dma_wait3A_303 = tpu.memref_slice %arg2[%dma_wait3A_301, %dma_wait3A_302] : memref<10000x64xi32, #tpu.memory_space<hbm>> -> memref<10000x64xi32, #tpu.memory_space<hbm>>
      tpu.wait_indirect_dma semaphore(%arg17 : memref<!tpu.dma_semaphore, #tpu.memory_space<semaphore_mem>>) src(%dma_wait3A_303 : memref<10000x64xi32, #tpu.memory_space<hbm>>) dst(%dma_wait3A_298 : memref<80x64xi32, #tpu.memory_space<vmem>>)
      %add3A_304 = arith.constant 2 : i32
      %add3A_305 = arith.addi %add3A_216, %add3A_304 : i32
      %lt3A_306 = arith.constant 50 : i32
      %lt3A_307 = arith.cmpi slt, %add3A_305, %lt3A_306 : i32
      %convert_element_type3A_308 = arith.extui %lt3A_307 : i1 to i32
      %cond3A_309 = arith.constant 0 : i32
      %cond3A_310 = arith.cmpi ne, %convert_element_type3A_308, %cond3A_309 : i32
      scf.if %cond3A_310 {
        %add3A_318 = arith.constant 2 : i32
        %add3A_319 = arith.addi %add3A_216, %add3A_318 : i32
        %mul3A_320 = arith.constant 400 : i32
        %mul3A_321 = arith.muli %add3A_319, %mul3A_320 : i32
        %add3A_322 = arith.addi %mul3A_4, %mul3A_321 : i32
        %not3A_323 = arith.constant true
        %not3A_324 = arith.xori %lt3A_1, %not3A_323 : i1
        %convert_element_type3A_325 = arith.extui %lt3A_1 : i1 to i32
        %cond3A_326 = arith.constant 0 : i32
        %cond3A_327 = arith.cmpi ne, %convert_element_type3A_325, %cond3A_326 : i32
        scf.if %cond3A_327 {
          %dma_start3A_331 = arith.constant 0 : i32
          %dma_start3A_332 = arith.constant 0 : i32
          %dma_start3A_333 = tpu.memref_slice %arg7[%dma_start3A_332] : memref<800xi32, #tpu.memory_space<vmem>> -> memref<400xi32, #tpu.memory_space<vmem>>
          %dma_start3A_334 = tpu.memref_slice %arg3[%dma_start3A_331, %add3A_322] : memref<2x320000xi32, #tpu.memory_space<hbm>> -> memref<1x400xi32, #tpu.memory_space<hbm>>
          %dma_start3A_335 = tpu.memref_squeeze %dma_start3A_334 : memref<1x400xi32, #tpu.memory_space<hbm>> -> memref<400xi32, #tpu.memory_space<hbm>>
          %dma_start3A_336 = arith.constant 0 : i32
          %dma_start3A_337 = tpu.memref_slice %arg7[%dma_start3A_336] : memref<800xi32, #tpu.memory_space<vmem>> -> memref<400xi32, #tpu.memory_space<vmem>>
          %dma_start3A_338 = tpu.memref_slice %arg3[%dma_start3A_331, %add3A_322] : memref<2x320000xi32, #tpu.memory_space<hbm>> -> memref<1x400xi32, #tpu.memory_space<hbm>>
          %dma_start3A_339 = tpu.memref_squeeze %dma_start3A_338 : memref<1x400xi32, #tpu.memory_space<hbm>> -> memref<400xi32, #tpu.memory_space<hbm>>
          tpu.enqueue_dma source(%dma_start3A_339 : memref<400xi32, #tpu.memory_space<hbm>>) target(%dma_start3A_337 : memref<400xi32, #tpu.memory_space<vmem>>) target_semaphore(%arg15 : memref<!tpu.dma_semaphore, #tpu.memory_space<semaphore_mem>>)
          %dma_start3A_340 = arith.constant 1 : i32
          %dma_start3A_341 = arith.constant 400 : i32
          %dma_start3A_342 = tpu.memref_slice %arg7[%dma_start3A_341] : memref<800xi32, #tpu.memory_space<vmem>> -> memref<400xi32, #tpu.memory_space<vmem>>
          %dma_start3A_343 = tpu.memref_slice %arg3[%dma_start3A_340, %add3A_322] : memref<2x320000xi32, #tpu.memory_space<hbm>> -> memref<1x400xi32, #tpu.memory_space<hbm>>
          %dma_start3A_344 = tpu.memref_squeeze %dma_start3A_343 : memref<1x400xi32, #tpu.memory_space<hbm>> -> memref<400xi32, #tpu.memory_space<hbm>>
          %dma_start3A_345 = arith.constant 400 : i32
          %dma_start3A_346 = tpu.memref_slice %arg7[%dma_start3A_345] : memref<800xi32, #tpu.memory_space<vmem>> -> memref<400xi32, #tpu.memory_space<vmem>>
          %dma_start3A_347 = tpu.memref_slice %arg3[%dma_start3A_340, %add3A_322] : memref<2x320000xi32, #tpu.memory_space<hbm>> -> memref<1x400xi32, #tpu.memory_space<hbm>>
          %dma_start3A_348 = tpu.memref_squeeze %dma_start3A_347 : memref<1x400xi32, #tpu.memory_space<hbm>> -> memref<400xi32, #tpu.memory_space<hbm>>
          tpu.enqueue_dma source(%dma_start3A_348 : memref<400xi32, #tpu.memory_space<hbm>>) target(%dma_start3A_346 : memref<400xi32, #tpu.memory_space<vmem>>) target_semaphore(%arg15 : memref<!tpu.dma_semaphore, #tpu.memory_space<semaphore_mem>>)
        } else {
        }
        %convert_element_type3A_328 = arith.extui %not3A_324 : i1 to i32
        %cond3A_329 = arith.constant 0 : i32
        %cond3A_330 = arith.cmpi ne, %convert_element_type3A_328, %cond3A_329 : i32
        scf.if %cond3A_330 {
          %dma_start3A_331 = arith.constant 0 : i32
          %dma_start3A_332 = arith.constant 0 : i32
          %dma_start3A_333 = tpu.memref_slice %arg7[%dma_start3A_332] : memref<800xi32, #tpu.memory_space<vmem>> -> memref<400xi32, #tpu.memory_space<vmem>>
          %dma_start3A_334 = tpu.memref_slice %arg4[%dma_start3A_331, %add3A_322] : memref<2x320000xi32, #tpu.memory_space<hbm>> -> memref<1x400xi32, #tpu.memory_space<hbm>>
          %dma_start3A_335 = tpu.memref_squeeze %dma_start3A_334 : memref<1x400xi32, #tpu.memory_space<hbm>> -> memref<400xi32, #tpu.memory_space<hbm>>
          %dma_start3A_336 = arith.constant 0 : i32
          %dma_start3A_337 = tpu.memref_slice %arg7[%dma_start3A_336] : memref<800xi32, #tpu.memory_space<vmem>> -> memref<400xi32, #tpu.memory_space<vmem>>
          %dma_start3A_338 = tpu.memref_slice %arg4[%dma_start3A_331, %add3A_322] : memref<2x320000xi32, #tpu.memory_space<hbm>> -> memref<1x400xi32, #tpu.memory_space<hbm>>
          %dma_start3A_339 = tpu.memref_squeeze %dma_start3A_338 : memref<1x400xi32, #tpu.memory_space<hbm>> -> memref<400xi32, #tpu.memory_space<hbm>>
          tpu.enqueue_dma source(%dma_start3A_339 : memref<400xi32, #tpu.memory_space<hbm>>) target(%dma_start3A_337 : memref<400xi32, #tpu.memory_space<vmem>>) target_semaphore(%arg15 : memref<!tpu.dma_semaphore, #tpu.memory_space<semaphore_mem>>)
          %dma_start3A_340 = arith.constant 1 : i32
          %dma_start3A_341 = arith.constant 400 : i32
          %dma_start3A_342 = tpu.memref_slice %arg7[%dma_start3A_341] : memref<800xi32, #tpu.memory_space<vmem>> -> memref<400xi32, #tpu.memory_space<vmem>>
          %dma_start3A_343 = tpu.memref_slice %arg4[%dma_start3A_340, %add3A_322] : memref<2x320000xi32, #tpu.memory_space<hbm>> -> memref<1x400xi32, #tpu.memory_space<hbm>>
          %dma_start3A_344 = tpu.memref_squeeze %dma_start3A_343 : memref<1x400xi32, #tpu.memory_space<hbm>> -> memref<400xi32, #tpu.memory_space<hbm>>
          %dma_start3A_345 = arith.constant 400 : i32
          %dma_start3A_346 = tpu.memref_slice %arg7[%dma_start3A_345] : memref<800xi32, #tpu.memory_space<vmem>> -> memref<400xi32, #tpu.memory_space<vmem>>
          %dma_start3A_347 = tpu.memref_slice %arg4[%dma_start3A_340, %add3A_322] : memref<2x320000xi32, #tpu.memory_space<hbm>> -> memref<1x400xi32, #tpu.memory_space<hbm>>
          %dma_start3A_348 = tpu.memref_squeeze %dma_start3A_347 : memref<1x400xi32, #tpu.memory_space<hbm>> -> memref<400xi32, #tpu.memory_space<hbm>>
          tpu.enqueue_dma source(%dma_start3A_348 : memref<400xi32, #tpu.memory_space<hbm>>) target(%dma_start3A_346 : memref<400xi32, #tpu.memory_space<vmem>>) target_semaphore(%arg15 : memref<!tpu.dma_semaphore, #tpu.memory_space<semaphore_mem>>)
        } else {
        }
      } else {
      }
      %parallel_loop3A_311 = arith.constant 0 : i32
      %parallel_loop3A_312 = arith.constant 400 : i32
      %parallel_loop3A_313 = arith.constant 1 : i32
      scf.for %parallel_loop3A_318 = %parallel_loop3A_311 to %parallel_loop3A_312 step %parallel_loop3A_313  : i32 {
        %parallel_loop3A_319 = arith.index_cast %parallel_loop3A_318 : i32 to index
        %parallel_loop3A_320 = arith.constant 0 : index
        %parallel_loop3A_321 = tpu.vector_load %arg10[%parallel_loop3A_319, %parallel_loop3A_320] {strides = array<i32>} : memref<400x64xi32, #tpu.memory_space<vmem>>, vector<16xi32>,
        %parallel_loop3A_322 = vector.bitcast %parallel_loop3A_321 : vector<16xi32> to vector<32xbf16>
        %parallel_loop3A_323 = arith.index_cast %parallel_loop3A_318 : i32 to index
        %parallel_loop3A_324 = arith.constant 0 : index
        %parallel_loop3A_325 = tpu.vector_load %arg11[%parallel_loop3A_323, %parallel_loop3A_324] {strides = array<i32>} : memref<400x64xi32, #tpu.memory_space<vmem>>, vector<16xi32>,
        %parallel_loop3A_326 = vector.bitcast %parallel_loop3A_325 : vector<16xi32> to vector<32xbf16>
        %parallel_loop3A_327 = arith.mulf %parallel_loop3A_322, %parallel_loop3A_326 : vector<32xbf16>
        %parallel_loop3A_328 = tpu.unpack_subelements %parallel_loop3A_327, 0 {pack_format = #tpu.pack_format<interleaved>} : vector<32xbf16> -> vector<16xf32>
        %parallel_loop3A_329 = tpu.unpack_subelements %parallel_loop3A_327, 1 {pack_format = #tpu.pack_format<interleaved>} : vector<32xbf16> -> vector<16xf32>
        %parallel_loop3A_330 = arith.index_cast %parallel_loop3A_318 : i32 to index
        %parallel_loop3A_331 = arith.constant 16 : index
        %parallel_loop3A_332 = tpu.vector_load %arg10[%parallel_loop3A_330, %parallel_loop3A_331] {strides = array<i32>} : memref<400x64xi32, #tpu.memory_space<vmem>>, vector<16xi32>,
        %parallel_loop3A_333 = vector.bitcast %parallel_loop3A_332 : vector<16xi32> to vector<32xbf16>
        %parallel_loop3A_334 = arith.index_cast %parallel_loop3A_318 : i32 to index
        %parallel_loop3A_335 = arith.constant 16 : index
        %parallel_loop3A_336 = tpu.vector_load %arg11[%parallel_loop3A_334, %parallel_loop3A_335] {strides = array<i32>} : memref<400x64xi32, #tpu.memory_space<vmem>>, vector<16xi32>,
        %parallel_loop3A_337 = vector.bitcast %parallel_loop3A_336 : vector<16xi32> to vector<32xbf16>
        %parallel_loop3A_338 = arith.mulf %parallel_loop3A_333, %parallel_loop3A_337 : vector<32xbf16>
        %parallel_loop3A_339 = tpu.unpack_subelements %parallel_loop3A_338, 0 {pack_format = #tpu.pack_format<interleaved>} : vector<32xbf16> -> vector<16xf32>
        %parallel_loop3A_340 = tpu.unpack_subelements %parallel_loop3A_338, 1 {pack_format = #tpu.pack_format<interleaved>} : vector<32xbf16> -> vector<16xf32>
        %parallel_loop3A_341 = arith.index_cast %parallel_loop3A_318 : i32 to index
        %parallel_loop3A_342 = arith.constant 32 : index
        %parallel_loop3A_343 = tpu.vector_load %arg10[%parallel_loop3A_341, %parallel_loop3A_342] {strides = array<i32>} : memref<400x64xi32, #tpu.memory_space<vmem>>, vector<16xi32>,
        %parallel_loop3A_344 = vector.bitcast %parallel_loop3A_343 : vector<16xi32> to vector<32xbf16>
        %parallel_loop3A_345 = arith.index_cast %parallel_loop3A_318 : i32 to index
        %parallel_loop3A_346 = arith.constant 32 : index
        %parallel_loop3A_347 = tpu.vector_load %arg11[%parallel_loop3A_345, %parallel_loop3A_346] {strides = array<i32>} : memref<400x64xi32, #tpu.memory_space<vmem>>, vector<16xi32>,
        %parallel_loop3A_348 = vector.bitcast %parallel_loop3A_347 : vector<16xi32> to vector<32xbf16>
        %parallel_loop3A_349 = arith.mulf %parallel_loop3A_344, %parallel_loop3A_348 : vector<32xbf16>
        %parallel_loop3A_350 = tpu.unpack_subelements %parallel_loop3A_349, 0 {pack_format = #tpu.pack_format<interleaved>} : vector<32xbf16> -> vector<16xf32>
        %parallel_loop3A_351 = tpu.unpack_subelements %parallel_loop3A_349, 1 {pack_format = #tpu.pack_format<interleaved>} : vector<32xbf16> -> vector<16xf32>
        %parallel_loop3A_352 = arith.index_cast %parallel_loop3A_318 : i32 to index
        %parallel_loop3A_353 = arith.constant 48 : index
        %parallel_loop3A_354 = tpu.vector_load %arg10[%parallel_loop3A_352, %parallel_loop3A_353] {strides = array<i32>} : memref<400x64xi32, #tpu.memory_space<vmem>>, vector<16xi32>,
        %parallel_loop3A_355 = vector.bitcast %parallel_loop3A_354 : vector<16xi32> to vector<32xbf16>
        %parallel_loop3A_356 = arith.index_cast %parallel_loop3A_318 : i32 to index
        %parallel_loop3A_357 = arith.constant 48 : index
        %parallel_loop3A_358 = tpu.vector_load %arg11[%parallel_loop3A_356, %parallel_loop3A_357] {strides = array<i32>} : memref<400x64xi32, #tpu.memory_space<vmem>>, vector<16xi32>,
        %parallel_loop3A_359 = vector.bitcast %parallel_loop3A_358 : vector<16xi32> to vector<32xbf16>
        %parallel_loop3A_360 = arith.mulf %parallel_loop3A_355, %parallel_loop3A_359 : vector<32xbf16>
        %parallel_loop3A_361 = tpu.unpack_subelements %parallel_loop3A_360, 0 {pack_format = #tpu.pack_format<interleaved>} : vector<32xbf16> -> vector<16xf32>
        %parallel_loop3A_362 = tpu.unpack_subelements %parallel_loop3A_360, 1 {pack_format = #tpu.pack_format<interleaved>} : vector<32xbf16> -> vector<16xf32>
        %parallel_loop3A_363 = arith.addf %parallel_loop3A_328, %parallel_loop3A_329 : vector<16xf32>
        %parallel_loop3A_364 = arith.addf %parallel_loop3A_339, %parallel_loop3A_340 : vector<16xf32>
        %parallel_loop3A_365 = arith.addf %parallel_loop3A_350, %parallel_loop3A_351 : vector<16xf32>
        %parallel_loop3A_366 = arith.addf %parallel_loop3A_361, %parallel_loop3A_362 : vector<16xf32>
        %parallel_loop3A_367 = arith.addf %parallel_loop3A_363, %parallel_loop3A_364 : vector<16xf32>
        %parallel_loop3A_368 = arith.addf %parallel_loop3A_365, %parallel_loop3A_366 : vector<16xf32>
        %parallel_loop3A_369 = arith.addf %parallel_loop3A_367, %parallel_loop3A_368 : vector<16xf32>
        %parallel_loop3A_370 = arith.constant 16 : i32
        %parallel_loop3A_371 = arith.muli %parallel_loop3A_318, %parallel_loop3A_370 : i32
        %parallel_loop3A_372 = arith.index_cast %parallel_loop3A_371 : i32 to index
        %parallel_loop3A_373 = tpu.vector_load %arg12[%parallel_loop3A_372] {strides = array<i32>} : memref<6400xf32, #tpu.memory_space<vmem>>, vector<16xf32>,
        tpu.vector_store %arg12[%parallel_loop3A_372], %parallel_loop3A_369 {strides = array<i32>} : memref<6400xf32, #tpu.memory_space<vmem>>, vector<16xf32>,
      } {sc.loop_unroll_factor = 4 : i64, sc.parallel_access}
      %parallel_loop3A_314 = arith.constant 0 : i32
      %parallel_loop3A_315 = arith.constant 25 : i32
      %parallel_loop3A_316 = arith.constant 1 : i32
      %parallel_loop3A_317 = scf.for %parallel_loop3A_318 = %parallel_loop3A_314 to %parallel_loop3A_315 step %parallel_loop3A_316 iter_args(%parallel_loop3A_319 = %parallel_loop3A_214) -> (vector<16xf32>)  : i32 {
        %parallel_loop3A_320 = arith.constant 16 : i32
        %parallel_loop3A_321 = vector.broadcast %parallel_loop3A_320 : i32 to vector<16xi32>
        %parallel_loop3A_322 = arith.muli %iota3A, %parallel_loop3A_321 : vector<16xi32>
        %parallel_loop3A_323 = arith.constant 0 : i32
        %parallel_loop3A_324 = vector.broadcast %parallel_loop3A_323 : i32 to vector<16xi32>
        %parallel_loop3A_325 = arith.addi %iota3A, %parallel_loop3A_324 : vector<16xi32>
        %parallel_loop3A_326 = arith.constant 15 : i32
        %parallel_loop3A_327 = vector.broadcast %parallel_loop3A_326 : i32 to vector<16xi32>
        %parallel_loop3A_328 = arith.andi %parallel_loop3A_325, %parallel_loop3A_327 : vector<16xi32>
        %parallel_loop3A_329 = arith.addi %parallel_loop3A_322, %parallel_loop3A_328 : vector<16xi32>
        %parallel_loop3A_330 = arith.constant 256 : i32
        %parallel_loop3A_331 = arith.muli %parallel_loop3A_318, %parallel_loop3A_330 : i32
        %parallel_loop3A_332 = vector.broadcast %parallel_loop3A_331 : i32 to vector<16xi32>
        %parallel_loop3A_333 = arith.addi %parallel_loop3A_329, %parallel_loop3A_332 : vector<16xi32>
        %parallel_loop3A_334 = tpu.vector_load_idx %arg12[%parallel_loop3A_333] : memref<6400xf32, #tpu.memory_space<vmem>>[vector<16xi32>], vector<16xf32>,
        %parallel_loop3A_335 = arith.constant 16 : i32
        %parallel_loop3A_336 = vector.broadcast %parallel_loop3A_335 : i32 to vector<16xi32>
        %parallel_loop3A_337 = arith.muli %iota3A, %parallel_loop3A_336 : vector<16xi32>
        %parallel_loop3A_338 = arith.constant 1 : i32
        %parallel_loop3A_339 = vector.broadcast %parallel_loop3A_338 : i32 to vector<16xi32>
        %parallel_loop3A_340 = arith.addi %iota3A, %parallel_loop3A_339 : vector<16xi32>
        %parallel_loop3A_341 = arith.constant 15 : i32
        %parallel_loop3A_342 = vector.broadcast %parallel_loop3A_341 : i32 to vector<16xi32>
        %parallel_loop3A_343 = arith.andi %parallel_loop3A_340, %parallel_loop3A_342 : vector<16xi32>
        %parallel_loop3A_344 = arith.addi %parallel_loop3A_337, %parallel_loop3A_343 : vector<16xi32>
        %parallel_loop3A_345 = arith.constant 256 : i32
        %parallel_loop3A_346 = arith.muli %parallel_loop3A_318, %parallel_loop3A_345 : i32
        %parallel_loop3A_347 = vector.broadcast %parallel_loop3A_346 : i32 to vector<16xi32>
        %parallel_loop3A_348 = arith.addi %parallel_loop3A_344, %parallel_loop3A_347 : vector<16xi32>
        %parallel_loop3A_349 = tpu.vector_load_idx %arg12[%parallel_loop3A_348] : memref<6400xf32, #tpu.memory_space<vmem>>[vector<16xi32>], vector<16xf32>,
        %parallel_loop3A_350 = arith.addf %parallel_loop3A_334, %parallel_loop3A_349 : vector<16xf32>
        %parallel_loop3A_351 = arith.constant 16 : i32
        %parallel_loop3A_352 = vector.broadcast %parallel_loop3A_351 : i32 to vector<16xi32>
        %parallel_loop3A_353 = arith.muli %iota3A, %parallel_loop3A_352 : vector<16xi32>
        %parallel_loop3A_354 = arith.constant 2 : i32
        %parallel_loop3A_355 = vector.broadcast %parallel_loop3A_354 : i32 to vector<16xi32>
        %parallel_loop3A_356 = arith.addi %iota3A, %parallel_loop3A_355 : vector<16xi32>
        %parallel_loop3A_357 = arith.constant 15 : i32
        %parallel_loop3A_358 = vector.broadcast %parallel_loop3A_357 : i32 to vector<16xi32>
        %parallel_loop3A_359 = arith.andi %parallel_loop3A_356, %parallel_loop3A_358 : vector<16xi32>
        %parallel_loop3A_360 = arith.addi %parallel_loop3A_353, %parallel_loop3A_359 : vector<16xi32>
        %parallel_loop3A_361 = arith.constant 256 : i32
        %parallel_loop3A_362 = arith.muli %parallel_loop3A_318, %parallel_loop3A_361 : i32
        %parallel_loop3A_363 = vector.broadcast %parallel_loop3A_362 : i32 to vector<16xi32>
        %parallel_loop3A_364 = arith.addi %parallel_loop3A_360, %parallel_loop3A_363 : vector<16xi32>
        %parallel_loop3A_365 = tpu.vector_load_idx %arg12[%parallel_loop3A_364] : memref<6400xf32, #tpu.memory_space<vmem>>[vector<16xi32>], vector<16xf32>,
        %parallel_loop3A_366 = arith.addf %parallel_loop3A_350, %parallel_loop3A_365 : vector<16xf32>
        %parallel_loop3A_367 = arith.constant 16 : i32
        %parallel_loop3A_368 = vector.broadcast %parallel_loop3A_367 : i32 to vector<16xi32>
        %parallel_loop3A_369 = arith.muli %iota3A, %parallel_loop3A_368 : vector<16xi32>
        %parallel_loop3A_370 = arith.constant 3 : i32
        %parallel_loop3A_371 = vector.broadcast %parallel_loop3A_370 : i32 to vector<16xi32>
        %parallel_loop3A_372 = arith.addi %iota3A, %parallel_loop3A_371 : vector<16xi32>
        %parallel_loop3A_373 = arith.constant 15 : i32
        %parallel_loop3A_374 = vector.broadcast %parallel_loop3A_373 : i32 to vector<16xi32>
        %parallel_loop3A_375 = arith.andi %parallel_loop3A_372, %parallel_loop3A_374 : vector<16xi32>
        %parallel_loop3A_376 = arith.addi %parallel_loop3A_369, %parallel_loop3A_375 : vector<16xi32>
        %parallel_loop3A_377 = arith.constant 256 : i32
        %parallel_loop3A_378 = arith.muli %parallel_loop3A_318, %parallel_loop3A_377 : i32
        %parallel_loop3A_379 = vector.broadcast %parallel_loop3A_378 : i32 to vector<16xi32>
        %parallel_loop3A_380 = arith.addi %parallel_loop3A_376, %parallel_loop3A_379 : vector<16xi32>
        %parallel_loop3A_381 = tpu.vector_load_idx %arg12[%parallel_loop3A_380] : memref<6400xf32, #tpu.memory_space<vmem>>[vector<16xi32>], vector<16xf32>,
        %parallel_loop3A_382 = arith.addf %parallel_loop3A_366, %parallel_loop3A_381 : vector<16xf32>
        %parallel_loop3A_383 = arith.constant 16 : i32
        %parallel_loop3A_384 = vector.broadcast %parallel_loop3A_383 : i32 to vector<16xi32>
        %parallel_loop3A_385 = arith.muli %iota3A, %parallel_loop3A_384 : vector<16xi32>
        %parallel_loop3A_386 = arith.constant 4 : i32
        %parallel_loop3A_387 = vector.broadcast %parallel_loop3A_386 : i32 to vector<16xi32>
        %parallel_loop3A_388 = arith.addi %iota3A, %parallel_loop3A_387 : vector<16xi32>
        %parallel_loop3A_389 = arith.constant 15 : i32
        %parallel_loop3A_390 = vector.broadcast %parallel_loop3A_389 : i32 to vector<16xi32>
        %parallel_loop3A_391 = arith.andi %parallel_loop3A_388, %parallel_loop3A_390 : vector<16xi32>
        %parallel_loop3A_392 = arith.addi %parallel_loop3A_385, %parallel_loop3A_391 : vector<16xi32>
        %parallel_loop3A_393 = arith.constant 256 : i32
        %parallel_loop3A_394 = arith.muli %parallel_loop3A_318, %parallel_loop3A_393 : i32
        %parallel_loop3A_395 = vector.broadcast %parallel_loop3A_394 : i32 to vector<16xi32>
        %parallel_loop3A_396 = arith.addi %parallel_loop3A_392, %parallel_loop3A_395 : vector<16xi32>
        %parallel_loop3A_397 = tpu.vector_load_idx %arg12[%parallel_loop3A_396] : memref<6400xf32, #tpu.memory_space<vmem>>[vector<16xi32>], vector<16xf32>,
        %parallel_loop3A_398 = arith.addf %parallel_loop3A_382, %parallel_loop3A_397 : vector<16xf32>
        %parallel_loop3A_399 = arith.constant 16 : i32
        %parallel_loop3A_400 = vector.broadcast %parallel_loop3A_399 : i32 to vector<16xi32>
        %parallel_loop3A_401 = arith.muli %iota3A, %parallel_loop3A_400 : vector<16xi32>
        %parallel_loop3A_402 = arith.constant 5 : i32
        %parallel_loop3A_403 = vector.broadcast %parallel_loop3A_402 : i32 to vector<16xi32>
        %parallel_loop3A_404 = arith.addi %iota3A, %parallel_loop3A_403 : vector<16xi32>
        %parallel_loop3A_405 = arith.constant 15 : i32
        %parallel_loop3A_406 = vector.broadcast %parallel_loop3A_405 : i32 to vector<16xi32>
        %parallel_loop3A_407 = arith.andi %parallel_loop3A_404, %parallel_loop3A_406 : vector<16xi32>
        %parallel_loop3A_408 = arith.addi %parallel_loop3A_401, %parallel_loop3A_407 : vector<16xi32>
        %parallel_loop3A_409 = arith.constant 256 : i32
        %parallel_loop3A_410 = arith.muli %parallel_loop3A_318, %parallel_loop3A_409 : i32
        %parallel_loop3A_411 = vector.broadcast %parallel_loop3A_410 : i32 to vector<16xi32>
        %parallel_loop3A_412 = arith.addi %parallel_loop3A_408, %parallel_loop3A_411 : vector<16xi32>
        %parallel_loop3A_413 = tpu.vector_load_idx %arg12[%parallel_loop3A_412] : memref<6400xf32, #tpu.memory_space<vmem>>[vector<16xi32>], vector<16xf32>,
        %parallel_loop3A_414 = arith.addf %parallel_loop3A_398, %parallel_loop3A_413 : vector<16xf32>
        %parallel_loop3A_415 = arith.constant 16 : i32
        %parallel_loop3A_416 = vector.broadcast %parallel_loop3A_415 : i32 to vector<16xi32>
        %parallel_loop3A_417 = arith.muli %iota3A, %parallel_loop3A_416 : vector<16xi32>
        %parallel_loop3A_418 = arith.constant 6 : i32
        %parallel_loop3A_419 = vector.broadcast %parallel_loop3A_418 : i32 to vector<16xi32>
        %parallel_loop3A_420 = arith.addi %iota3A, %parallel_loop3A_419 : vector<16xi32>
        %parallel_loop3A_421 = arith.constant 15 : i32
        %parallel_loop3A_422 = vector.broadcast %parallel_loop3A_421 : i32 to vector<16xi32>
        %parallel_loop3A_423 = arith.andi %parallel_loop3A_420, %parallel_loop3A_422 : vector<16xi32>
        %parallel_loop3A_424 = arith.addi %parallel_loop3A_417, %parallel_loop3A_423 : vector<16xi32>
        %parallel_loop3A_425 = arith.constant 256 : i32
        %parallel_loop3A_426 = arith.muli %parallel_loop3A_318, %parallel_loop3A_425 : i32
        %parallel_loop3A_427 = vector.broadcast %parallel_loop3A_426 : i32 to vector<16xi32>
        %parallel_loop3A_428 = arith.addi %parallel_loop3A_424, %parallel_loop3A_427 : vector<16xi32>
        %parallel_loop3A_429 = tpu.vector_load_idx %arg12[%parallel_loop3A_428] : memref<6400xf32, #tpu.memory_space<vmem>>[vector<16xi32>], vector<16xf32>,
        %parallel_loop3A_430 = arith.addf %parallel_loop3A_414, %parallel_loop3A_429 : vector<16xf32>
        %parallel_loop3A_431 = arith.constant 16 : i32
        %parallel_loop3A_432 = vector.broadcast %parallel_loop3A_431 : i32 to vector<16xi32>
        %parallel_loop3A_433 = arith.muli %iota3A, %parallel_loop3A_432 : vector<16xi32>
        %parallel_loop3A_434 = arith.constant 7 : i32
        %parallel_loop3A_435 = vector.broadcast %parallel_loop3A_434 : i32 to vector<16xi32>
        %parallel_loop3A_436 = arith.addi %iota3A, %parallel_loop3A_435 : vector<16xi32>
        %parallel_loop3A_437 = arith.constant 15 : i32
        %parallel_loop3A_438 = vector.broadcast %parallel_loop3A_437 : i32 to vector<16xi32>
        %parallel_loop3A_439 = arith.andi %parallel_loop3A_436, %parallel_loop3A_438 : vector<16xi32>
        %parallel_loop3A_440 = arith.addi %parallel_loop3A_433, %parallel_loop3A_439 : vector<16xi32>
        %parallel_loop3A_441 = arith.constant 256 : i32
        %parallel_loop3A_442 = arith.muli %parallel_loop3A_318, %parallel_loop3A_441 : i32
        %parallel_loop3A_443 = vector.broadcast %parallel_loop3A_442 : i32 to vector<16xi32>
        %parallel_loop3A_444 = arith.addi %parallel_loop3A_440, %parallel_loop3A_443 : vector<16xi32>
        %parallel_loop3A_445 = tpu.vector_load_idx %arg12[%parallel_loop3A_444] : memref<6400xf32, #tpu.memory_space<vmem>>[vector<16xi32>], vector<16xf32>,
        %parallel_loop3A_446 = arith.addf %parallel_loop3A_430, %parallel_loop3A_445 : vector<16xf32>
        %parallel_loop3A_447 = arith.constant 16 : i32
        %parallel_loop3A_448 = vector.broadcast %parallel_loop3A_447 : i32 to vector<16xi32>
        %parallel_loop3A_449 = arith.muli %iota3A, %parallel_loop3A_448 : vector<16xi32>
        %parallel_loop3A_450 = arith.constant 8 : i32
        %parallel_loop3A_451 = vector.broadcast %parallel_loop3A_450 : i32 to vector<16xi32>
        %parallel_loop3A_452 = arith.addi %iota3A, %parallel_loop3A_451 : vector<16xi32>
        %parallel_loop3A_453 = arith.constant 15 : i32
        %parallel_loop3A_454 = vector.broadcast %parallel_loop3A_453 : i32 to vector<16xi32>
        %parallel_loop3A_455 = arith.andi %parallel_loop3A_452, %parallel_loop3A_454 : vector<16xi32>
        %parallel_loop3A_456 = arith.addi %parallel_loop3A_449, %parallel_loop3A_455 : vector<16xi32>
        %parallel_loop3A_457 = arith.constant 256 : i32
        %parallel_loop3A_458 = arith.muli %parallel_loop3A_318, %parallel_loop3A_457 : i32
        %parallel_loop3A_459 = vector.broadcast %parallel_loop3A_458 : i32 to vector<16xi32>
        %parallel_loop3A_460 = arith.addi %parallel_loop3A_456, %parallel_loop3A_459 : vector<16xi32>
        %parallel_loop3A_461 = tpu.vector_load_idx %arg12[%parallel_loop3A_460] : memref<6400xf32, #tpu.memory_space<vmem>>[vector<16xi32>], vector<16xf32>,
        %parallel_loop3A_462 = arith.addf %parallel_loop3A_446, %parallel_loop3A_461 : vector<16xf32>
        %parallel_loop3A_463 = arith.constant 16 : i32
        %parallel_loop3A_464 = vector.broadcast %parallel_loop3A_463 : i32 to vector<16xi32>
        %parallel_loop3A_465 = arith.muli %iota3A, %parallel_loop3A_464 : vector<16xi32>
        %parallel_loop3A_466 = arith.constant 9 : i32
        %parallel_loop3A_467 = vector.broadcast %parallel_loop3A_466 : i32 to vector<16xi32>
        %parallel_loop3A_468 = arith.addi %iota3A, %parallel_loop3A_467 : vector<16xi32>
        %parallel_loop3A_469 = arith.constant 15 : i32
        %parallel_loop3A_470 = vector.broadcast %parallel_loop3A_469 : i32 to vector<16xi32>
        %parallel_loop3A_471 = arith.andi %parallel_loop3A_468, %parallel_loop3A_470 : vector<16xi32>
        %parallel_loop3A_472 = arith.addi %parallel_loop3A_465, %parallel_loop3A_471 : vector<16xi32>
        %parallel_loop3A_473 = arith.constant 256 : i32
        %parallel_loop3A_474 = arith.muli %parallel_loop3A_318, %parallel_loop3A_473 : i32
        %parallel_loop3A_475 = vector.broadcast %parallel_loop3A_474 : i32 to vector<16xi32>
        %parallel_loop3A_476 = arith.addi %parallel_loop3A_472, %parallel_loop3A_475 : vector<16xi32>
        %parallel_loop3A_477 = tpu.vector_load_idx %arg12[%parallel_loop3A_476] : memref<6400xf32, #tpu.memory_space<vmem>>[vector<16xi32>], vector<16xf32>,
        %parallel_loop3A_478 = arith.addf %parallel_loop3A_462, %parallel_loop3A_477 : vector<16xf32>
        %parallel_loop3A_479 = arith.constant 16 : i32
        %parallel_loop3A_480 = vector.broadcast %parallel_loop3A_479 : i32 to vector<16xi32>
        %parallel_loop3A_481 = arith.muli %iota3A, %parallel_loop3A_480 : vector<16xi32>
        %parallel_loop3A_482 = arith.constant 10 : i32
        %parallel_loop3A_483 = vector.broadcast %parallel_loop3A_482 : i32 to vector<16xi32>
        %parallel_loop3A_484 = arith.addi %iota3A, %parallel_loop3A_483 : vector<16xi32>
        %parallel_loop3A_485 = arith.constant 15 : i32
        %parallel_loop3A_486 = vector.broadcast %parallel_loop3A_485 : i32 to vector<16xi32>
        %parallel_loop3A_487 = arith.andi %parallel_loop3A_484, %parallel_loop3A_486 : vector<16xi32>
        %parallel_loop3A_488 = arith.addi %parallel_loop3A_481, %parallel_loop3A_487 : vector<16xi32>
        %parallel_loop3A_489 = arith.constant 256 : i32
        %parallel_loop3A_490 = arith.muli %parallel_loop3A_318, %parallel_loop3A_489 : i32
        %parallel_loop3A_491 = vector.broadcast %parallel_loop3A_490 : i32 to vector<16xi32>
        %parallel_loop3A_492 = arith.addi %parallel_loop3A_488, %parallel_loop3A_491 : vector<16xi32>
        %parallel_loop3A_493 = tpu.vector_load_idx %arg12[%parallel_loop3A_492] : memref<6400xf32, #tpu.memory_space<vmem>>[vector<16xi32>], vector<16xf32>,
        %parallel_loop3A_494 = arith.addf %parallel_loop3A_478, %parallel_loop3A_493 : vector<16xf32>
        %parallel_loop3A_495 = arith.constant 16 : i32
        %parallel_loop3A_496 = vector.broadcast %parallel_loop3A_495 : i32 to vector<16xi32>
        %parallel_loop3A_497 = arith.muli %iota3A, %parallel_loop3A_496 : vector<16xi32>
        %parallel_loop3A_498 = arith.constant 11 : i32
        %parallel_loop3A_499 = vector.broadcast %parallel_loop3A_498 : i32 to vector<16xi32>
        %parallel_loop3A_500 = arith.addi %iota3A, %parallel_loop3A_499 : vector<16xi32>
        %parallel_loop3A_501 = arith.constant 15 : i32
        %parallel_loop3A_502 = vector.broadcast %parallel_loop3A_501 : i32 to vector<16xi32>
        %parallel_loop3A_503 = arith.andi %parallel_loop3A_500, %parallel_loop3A_502 : vector<16xi32>
        %parallel_loop3A_504 = arith.addi %parallel_loop3A_497, %parallel_loop3A_503 : vector<16xi32>
        %parallel_loop3A_505 = arith.constant 256 : i32
        %parallel_loop3A_506 = arith.muli %parallel_loop3A_318, %parallel_loop3A_505 : i32
        %parallel_loop3A_507 = vector.broadcast %parallel_loop3A_506 : i32 to vector<16xi32>
        %parallel_loop3A_508 = arith.addi %parallel_loop3A_504, %parallel_loop3A_507 : vector<16xi32>
        %parallel_loop3A_509 = tpu.vector_load_idx %arg12[%parallel_loop3A_508] : memref<6400xf32, #tpu.memory_space<vmem>>[vector<16xi32>], vector<16xf32>,
        %parallel_loop3A_510 = arith.addf %parallel_loop3A_494, %parallel_loop3A_509 : vector<16xf32>
        %parallel_loop3A_511 = arith.constant 16 : i32
        %parallel_loop3A_512 = vector.broadcast %parallel_loop3A_511 : i32 to vector<16xi32>
        %parallel_loop3A_513 = arith.muli %iota3A, %parallel_loop3A_512 : vector<16xi32>
        %parallel_loop3A_514 = arith.constant 12 : i32
        %parallel_loop3A_515 = vector.broadcast %parallel_loop3A_514 : i32 to vector<16xi32>
        %parallel_loop3A_516 = arith.addi %iota3A, %parallel_loop3A_515 : vector<16xi32>
        %parallel_loop3A_517 = arith.constant 15 : i32
        %parallel_loop3A_518 = vector.broadcast %parallel_loop3A_517 : i32 to vector<16xi32>
        %parallel_loop3A_519 = arith.andi %parallel_loop3A_516, %parallel_loop3A_518 : vector<16xi32>
        %parallel_loop3A_520 = arith.addi %parallel_loop3A_513, %parallel_loop3A_519 : vector<16xi32>
        %parallel_loop3A_521 = arith.constant 256 : i32
        %parallel_loop3A_522 = arith.muli %parallel_loop3A_318, %parallel_loop3A_521 : i32
        %parallel_loop3A_523 = vector.broadcast %parallel_loop3A_522 : i32 to vector<16xi32>
        %parallel_loop3A_524 = arith.addi %parallel_loop3A_520, %parallel_loop3A_523 : vector<16xi32>
        %parallel_loop3A_525 = tpu.vector_load_idx %arg12[%parallel_loop3A_524] : memref<6400xf32, #tpu.memory_space<vmem>>[vector<16xi32>], vector<16xf32>,
        %parallel_loop3A_526 = arith.addf %parallel_loop3A_510, %parallel_loop3A_525 : vector<16xf32>
        %parallel_loop3A_527 = arith.constant 16 : i32
        %parallel_loop3A_528 = vector.broadcast %parallel_loop3A_527 : i32 to vector<16xi32>
        %parallel_loop3A_529 = arith.muli %iota3A, %parallel_loop3A_528 : vector<16xi32>
        %parallel_loop3A_530 = arith.constant 13 : i32
        %parallel_loop3A_531 = vector.broadcast %parallel_loop3A_530 : i32 to vector<16xi32>
        %parallel_loop3A_532 = arith.addi %iota3A, %parallel_loop3A_531 : vector<16xi32>
        %parallel_loop3A_533 = arith.constant 15 : i32
        %parallel_loop3A_534 = vector.broadcast %parallel_loop3A_533 : i32 to vector<16xi32>
        %parallel_loop3A_535 = arith.andi %parallel_loop3A_532, %parallel_loop3A_534 : vector<16xi32>
        %parallel_loop3A_536 = arith.addi %parallel_loop3A_529, %parallel_loop3A_535 : vector<16xi32>
        %parallel_loop3A_537 = arith.constant 256 : i32
        %parallel_loop3A_538 = arith.muli %parallel_loop3A_318, %parallel_loop3A_537 : i32
        %parallel_loop3A_539 = vector.broadcast %parallel_loop3A_538 : i32 to vector<16xi32>
        %parallel_loop3A_540 = arith.addi %parallel_loop3A_536, %parallel_loop3A_539 : vector<16xi32>
        %parallel_loop3A_541 = tpu.vector_load_idx %arg12[%parallel_loop3A_540] : memref<6400xf32, #tpu.memory_space<vmem>>[vector<16xi32>], vector<16xf32>,
        %parallel_loop3A_542 = arith.addf %parallel_loop3A_526, %parallel_loop3A_541 : vector<16xf32>
        %parallel_loop3A_543 = arith.constant 16 : i32
        %parallel_loop3A_544 = vector.broadcast %parallel_loop3A_543 : i32 to vector<16xi32>
        %parallel_loop3A_545 = arith.muli %iota3A, %parallel_loop3A_544 : vector<16xi32>
        %parallel_loop3A_546 = arith.constant 14 : i32
        %parallel_loop3A_547 = vector.broadcast %parallel_loop3A_546 : i32 to vector<16xi32>
        %parallel_loop3A_548 = arith.addi %iota3A, %parallel_loop3A_547 : vector<16xi32>
        %parallel_loop3A_549 = arith.constant 15 : i32
        %parallel_loop3A_550 = vector.broadcast %parallel_loop3A_549 : i32 to vector<16xi32>
        %parallel_loop3A_551 = arith.andi %parallel_loop3A_548, %parallel_loop3A_550 : vector<16xi32>
        %parallel_loop3A_552 = arith.addi %parallel_loop3A_545, %parallel_loop3A_551 : vector<16xi32>
        %parallel_loop3A_553 = arith.constant 256 : i32
        %parallel_loop3A_554 = arith.muli %parallel_loop3A_318, %parallel_loop3A_553 : i32
        %parallel_loop3A_555 = vector.broadcast %parallel_loop3A_554 : i32 to vector<16xi32>
        %parallel_loop3A_556 = arith.addi %parallel_loop3A_552, %parallel_loop3A_555 : vector<16xi32>
        %parallel_loop3A_557 = tpu.vector_load_idx %arg12[%parallel_loop3A_556] : memref<6400xf32, #tpu.memory_space<vmem>>[vector<16xi32>], vector<16xf32>,
        %parallel_loop3A_558 = arith.addf %parallel_loop3A_542, %parallel_loop3A_557 : vector<16xf32>
        %parallel_loop3A_559 = arith.constant 16 : i32
        %parallel_loop3A_560 = vector.broadcast %parallel_loop3A_559 : i32 to vector<16xi32>
        %parallel_loop3A_561 = arith.muli %iota3A, %parallel_loop3A_560 : vector<16xi32>
        %parallel_loop3A_562 = arith.constant 15 : i32
        %parallel_loop3A_563 = vector.broadcast %parallel_loop3A_562 : i32 to vector<16xi32>
        %parallel_loop3A_564 = arith.addi %iota3A, %parallel_loop3A_563 : vector<16xi32>
        %parallel_loop3A_565 = arith.constant 15 : i32
        %parallel_loop3A_566 = vector.broadcast %parallel_loop3A_565 : i32 to vector<16xi32>
        %parallel_loop3A_567 = arith.andi %parallel_loop3A_564, %parallel_loop3A_566 : vector<16xi32>
        %parallel_loop3A_568 = arith.addi %parallel_loop3A_561, %parallel_loop3A_567 : vector<16xi32>
        %parallel_loop3A_569 = arith.constant 256 : i32
        %parallel_loop3A_570 = arith.muli %parallel_loop3A_318, %parallel_loop3A_569 : i32
        %parallel_loop3A_571 = vector.broadcast %parallel_loop3A_570 : i32 to vector<16xi32>
        %parallel_loop3A_572 = arith.addi %parallel_loop3A_568, %parallel_loop3A_571 : vector<16xi32>
        %parallel_loop3A_573 = tpu.vector_load_idx %arg12[%parallel_loop3A_572] : memref<6400xf32, #tpu.memory_space<vmem>>[vector<16xi32>], vector<16xf32>,
        %parallel_loop3A_574 = arith.addf %parallel_loop3A_558, %parallel_loop3A_573 : vector<16xf32>
        %parallel_loop3A_575 = math.absf %parallel_loop3A_574 : vector<16xf32>
        %parallel_loop3A_576 = arith.constant 0.000000e+00 : f32
        %parallel_loop3A_577 = vector.broadcast %parallel_loop3A_576 : f32 to vector<16xf32>
        %parallel_loop3A_578 = arith.subf %parallel_loop3A_577, %parallel_loop3A_575 : vector<16xf32>
        %parallel_loop3A_579 = math.exp %parallel_loop3A_578 : vector<16xf32>
        %parallel_loop3A_580 = arith.constant -0.00622082548 : f32
        %parallel_loop3A_581 = vector.broadcast %parallel_loop3A_580 : f32 to vector<16xf32>
        %parallel_loop3A_582 = arith.mulf %parallel_loop3A_581, %parallel_loop3A_579 : vector<16xf32>
        %parallel_loop3A_583 = arith.constant 0.0352402143 : f32
        %parallel_loop3A_584 = vector.broadcast %parallel_loop3A_583 : f32 to vector<16xf32>
        %parallel_loop3A_585 = arith.addf %parallel_loop3A_582, %parallel_loop3A_584 : vector<16xf32>
        %parallel_loop3A_586 = arith.mulf %parallel_loop3A_585, %parallel_loop3A_579 : vector<16xf32>
        %parallel_loop3A_587 = arith.constant -0.0940996855 : f32
        %parallel_loop3A_588 = vector.broadcast %parallel_loop3A_587 : f32 to vector<16xf32>
        %parallel_loop3A_589 = arith.addf %parallel_loop3A_586, %parallel_loop3A_588 : vector<16xf32>
        %parallel_loop3A_590 = arith.mulf %parallel_loop3A_589, %parallel_loop3A_579 : vector<16xf32>
        %parallel_loop3A_591 = arith.constant 0.166753307 : f32
        %parallel_loop3A_592 = vector.broadcast %parallel_loop3A_591 : f32 to vector<16xf32>
        %parallel_loop3A_593 = arith.addf %parallel_loop3A_590, %parallel_loop3A_592 : vector<16xf32>
        %parallel_loop3A_594 = arith.mulf %parallel_loop3A_593, %parallel_loop3A_579 : vector<16xf32>
        %parallel_loop3A_595 = arith.constant -0.240383953 : f32
        %parallel_loop3A_596 = vector.broadcast %parallel_loop3A_595 : f32 to vector<16xf32>
        %parallel_loop3A_597 = arith.addf %parallel_loop3A_594, %parallel_loop3A_596 : vector<16xf32>
        %parallel_loop3A_598 = arith.mulf %parallel_loop3A_597, %parallel_loop3A_579 : vector<16xf32>
        %parallel_loop3A_599 = arith.constant 0.33172977 : f32
        %parallel_loop3A_600 = vector.broadcast %parallel_loop3A_599 : f32 to vector<16xf32>
        %parallel_loop3A_601 = arith.addf %parallel_loop3A_598, %parallel_loop3A_600 : vector<16xf32>
        %parallel_loop3A_602 = arith.mulf %parallel_loop3A_601, %parallel_loop3A_579 : vector<16xf32>
        %parallel_loop3A_603 = arith.constant -0.499867827 : f32
        %parallel_loop3A_604 = vector.broadcast %parallel_loop3A_603 : f32 to vector<16xf32>
        %parallel_loop3A_605 = arith.addf %parallel_loop3A_602, %parallel_loop3A_604 : vector<16xf32>
        %parallel_loop3A_606 = arith.mulf %parallel_loop3A_605, %parallel_loop3A_579 : vector<16xf32>
        %parallel_loop3A_607 = arith.constant 0.999996125 : f32
        %parallel_loop3A_608 = vector.broadcast %parallel_loop3A_607 : f32 to vector<16xf32>
        %parallel_loop3A_609 = arith.addf %parallel_loop3A_606, %parallel_loop3A_608 : vector<16xf32>
        %parallel_loop3A_610 = arith.mulf %parallel_loop3A_609, %parallel_loop3A_579 : vector<16xf32>
        %parallel_loop3A_611 = arith.constant 1.03552225E-8 : f32
        %parallel_loop3A_612 = vector.broadcast %parallel_loop3A_611 : f32 to vector<16xf32>
        %parallel_loop3A_613 = arith.addf %parallel_loop3A_610, %parallel_loop3A_612 : vector<16xf32>
        %parallel_loop3A_614 = arith.constant 0.000000e+00 : f32
        %parallel_loop3A_615 = vector.broadcast %parallel_loop3A_614 : f32 to vector<16xf32>
        %parallel_loop3A_616 = arith.maximumf %parallel_loop3A_574, %parallel_loop3A_615 : vector<16xf32>
        %parallel_loop3A_617 = vector.broadcast %select_n3A_6 : f32 to vector<16xf32>
        %parallel_loop3A_618 = arith.mulf %parallel_loop3A_574, %parallel_loop3A_617 : vector<16xf32>
        %parallel_loop3A_619 = arith.subf %parallel_loop3A_616, %parallel_loop3A_618 : vector<16xf32>
        %parallel_loop3A_620 = arith.addf %parallel_loop3A_619, %parallel_loop3A_613 : vector<16xf32>
        %parallel_loop3A_621 = arith.addf %parallel_loop3A_319, %parallel_loop3A_620 : vector<16xf32>
        scf.yield %parallel_loop3A_621 : vector<16xf32>
      } {sc.loop_unroll_factor = 5 : i64, sc.parallel_access}
      scf.yield %parallel_loop3A_317 : vector<16xf32>
    }
    %scan3A_108 = arith.constant 25 : i32
    %swap3A = arith.constant 0 : index
    %swap3A_109 = tpu.vector_load %arg13[%swap3A] {strides = array<i32>} : memref<16xf32, #tpu.memory_space<vmem>>, vector<16xf32>,
    tpu.vector_store %arg13[%swap3A], %scan3A_107 {strides = array<i32>} : memref<16xf32, #tpu.memory_space<vmem>>, vector<16xf32>,
    "tpu.region"() ({
      %run_scoped3A = tpu.sem_alloc : memref<!tpu.dma_semaphore, #tpu.memory_space<semaphore_mem>>
      %dma_start3A_110 = arith.constant 0 : i32
      %dma_start3A_111 = tpu.memref_slice %arg5[%add3A, %dma_start3A_110] : memref<32x16xf32, #tpu.memory_space<hbm>> -> memref<1x16xf32, #tpu.memory_space<hbm>>
      %dma_start3A_112 = tpu.memref_squeeze %dma_start3A_111 : memref<1x16xf32, #tpu.memory_space<hbm>> -> memref<16xf32, #tpu.memory_space<hbm>>
      %dma_start3A_113 = arith.constant 0 : i32
      %dma_start3A_114 = tpu.memref_slice %arg5[%add3A, %dma_start3A_113] : memref<32x16xf32, #tpu.memory_space<hbm>> -> memref<1x16xf32, #tpu.memory_space<hbm>>
      %dma_start3A_115 = tpu.memref_squeeze %dma_start3A_114 : memref<1x16xf32, #tpu.memory_space<hbm>> -> memref<16xf32, #tpu.memory_space<hbm>>
      tpu.enqueue_dma source(%arg13 : memref<16xf32, #tpu.memory_space<vmem>>) target(%dma_start3A_115 : memref<16xf32, #tpu.memory_space<hbm>>) target_semaphore(%run_scoped3A : memref<!tpu.dma_semaphore, #tpu.memory_space<semaphore_mem>>)
      %dma_wait3A = arith.constant 0 : i32
      %dma_wait3A_116 = tpu.memref_slice %arg5[%add3A, %dma_wait3A] : memref<32x16xf32, #tpu.memory_space<hbm>> -> memref<1x16xf32, #tpu.memory_space<hbm>>
      %dma_wait3A_117 = tpu.memref_squeeze %dma_wait3A_116 : memref<1x16xf32, #tpu.memory_space<hbm>> -> memref<16xf32, #tpu.memory_space<hbm>>
      %dma_wait3A_118 = arith.constant 0 : i32
      %dma_wait3A_119 = tpu.memref_slice %arg5[%add3A, %dma_wait3A_118] : memref<32x16xf32, #tpu.memory_space<hbm>> -> memref<1x16xf32, #tpu.memory_space<hbm>>
      %dma_wait3A_120 = tpu.memref_squeeze %dma_wait3A_119 : memref<1x16xf32, #tpu.memory_space<hbm>> -> memref<16xf32, #tpu.memory_space<hbm>>
      tpu.wait_dma2 semaphore(%run_scoped3A : memref<!tpu.dma_semaphore, #tpu.memory_space<semaphore_mem>>) src(%arg13 : memref<16xf32, #tpu.memory_space<vmem>>) dst(%dma_wait3A_120 : memref<16xf32, #tpu.memory_space<hbm>>)
      tpu.yield
    }) : () -> ()
    return
  }
}

module attributes {stable_mosaic.version = 14 : i64} {
  func.func @body(%arg0: memref<4x128xf32, #tpu.memory_space<vmem>>, %arg1: memref<1x1xf32, #tpu.memory_space<vmem>>) attributes {dimension_semantics = [], scalar_prefetch = 0 : i64, scratch_operands = 0 : i64, tpu.core_type = #tpu.core_type<tc>} {
    %get3A = arith.constant 0 : index
    %get3A_0 = arith.constant 0 : index
    %get3A_1 = vector.load %arg0[%get3A, %get3A_0] : memref<4x128xf32, #tpu.memory_space<vmem>>, vector<4x128xf32>
    %reduce_sum3A = vector.shape_cast %get3A_1 : vector<4x128xf32> to vector<1x4x128xf32>
    %reduce_sum3A_2 = arith.constant dense<0.000000e+00> : vector<1xf32>
    %reduce_sum3A_3 = vector.multi_reduction <add>, %reduce_sum3A, %reduce_sum3A_2 [1, 2] : vector<1x4x128xf32> to vector<1xf32>
    %reduce_sum3A_4 = vector.shape_cast %reduce_sum3A_3 : vector<1xf32> to vector<1x1x1xf32>
    %reduce_sum3A_5 = vector.extract %reduce_sum3A_4[0, 0, 0] : f32 from vector<1x1x1xf32>
    %div3A = arith.constant 6.400000e+05 : f32
    %div3A_6 = arith.divf %reduce_sum3A_5, %div3A : f32
    %reshape3A = vector.broadcast %div3A_6 : f32 to vector<1x1xf32>
    %swap3A = arith.constant 0 : index
    %swap3A_7 = arith.constant 0 : index
    %swap3A_8 = vector.load %arg1[%swap3A, %swap3A_7] : memref<1x1xf32, #tpu.memory_space<vmem>>, vector<1x1xf32>
    tpu.vector_store %arg1[%swap3A, %swap3A_7], %reshape3A {strides = array<i32>} : memref<1x1xf32, #tpu.memory_space<vmem>>, vector<1x1xf32>,
    return
  }
}

</mosaic_0001>

<sc_bundles>
// kernel: kernel.4.cloned.1.call-start
scs
__scs_entry_jumppad:
0x0: {  	(pc) =	sbr.rel $0x88, $3  }
0x1: {  	(tag) =	ssettag $0x0;
	lr =	simm.s32 $0x1  }
0x2: {  	[smem:$0x3F9E] =	sst lr;
	_ =	strace $0xD0000000  }
0x3: {  	_ = 	snop  }
0x4: {  	_ = 	snop  }
0x5: {  	_ = 	snop  }
0x6: {  	_ = 	snop  }
0x7: {  	_ = 	snop  }
__scs_overlays_trampoline_lowered:
0x8: {  	[smem:$0x3FAD] =	sst s0  }
0x9: {  	[smem:$0x3FAE] =	sst s1  }
0xa: {  	[smem:$0x3FAF] =	sst s2  }
0xb: {  	[smem:$0x3FB0] =	sst s3  }
0xc: {  	[smem:$0x3FB1] =	sst s4  }
0xd: {  	[smem:$0x3FB2] =	sst s5  }
0xe: {  	[smem:$0x3FB3] =	sst s6  }
0xf: {  	[smem:$0x3FB4] =	sst s7  }
0x10: {  	[smem:$0x3FB5] =	sst s8  }
0x11: {  	[smem:$0x3FB6] =	sst s9;
	s0 =	simm.s32 @!p0 $0x0  }
0x12: {  	s1 =	sld [smem:$0x3F9C];
	s0 =	simm.s32 @p0 $0x1  }
0x13: {  	[smem:$0x3FB7] =	sst s0;
	s0 =	simm.s32 @!p1 $0x0  }
0x14: {  	s2 =	sld [smem:$0x3F9B];
	s0 =	simm.s32 @p1 $0x1  }
0x15: {  	[smem:$0x3FB8] =	sst s0;
	s0 =	simm.s32 @!p2 $0x0  }
0x16: {  	s3 =	sld [smem:$0x3FDB];
	s0 =	simm.s32 @p2 $0x1  }
0x17: {  	s4 =	simm.s32 $0x1BF5;
	[smem:$0x3FBA] =	sst s0  }
0x18: {  	s0 =	sld [smem:$0x3F9D];
	_ =	swait.ge [sflag:s4], $0x0  }
0x19: {  	s7 =	sld [smem:$0x3F9E]  }
0x1a: {  	s8 =	sadd.s32 $0xFFFFE003, lr  }
0x1b: {  	s9 =	sadd.s32 $0xFFFFFEF7, lr;
	s5 =	simm.s32 $0xFFFFFFFF;
	p2 =	slt.u32 s8, $0xFFFFF086  }
0x1c: {  	p1 =	slt.u32 s9, $0xF7A;
	s5 =	simm.s32 @!p2 $0x0  }
0x1d: {  	s5 =	simm.s32 @p1 $0x1;
	p0 =	seq.s32 s7, s2  }
0x1e: {  	s7 =	smul.u32 @!p0 $0xF7A, s2;
	p2 =	seq.s32 @!p0 s5, $0x0  }
0x1f: {  	s9 =	smul.u32 $0xF7A, s1;
	s8 =	simm.s32 @!p0 $0x1BF5;
	p2 =	por !p2, p0  }
0x20: {  	[sflag:s8] =	ssyncset.s32 @!p0 $0xFFFFF086;
	s6 =	sadd.s32 @!p0 s3, s7;
	s7 =	simm.s32 @!p0 $0x108  }
0x21: {  	s3 =	sadd.s32 s3, s9;
	s6 =	sadd.s32 @!p0 $0x88, s6;
	s7 =	simm.s32 @p2 $0x1082  }
0x22: {  	[simem:s7], [sflag:s8] =	dma.local @!p0 [hbm:s6], $0xF7A  }
0x23: {  	s9 =	sor.u32 $0xD0000000, s2;
	s6 =	simm.s32 $0x108;
	_ =	swait.ge @!p0 [sflag:s8], $0x0  }
0x24: {  	s3 =	sadd.s32 $0x88, s3;
	s6 =	simm.s32 @!p1 $0x1082;
	[sflag:s4] =	ssyncset.s32 $0xFFFFF086  }
0x25: {  	[simem:s6], [sflag:s4] =	dma.local [hbm:s3], $0xF7A  }
0x26: {  	[smem:$0x3F9E] =	sst s1;
	(tag) =	ssettag s2;
	_ =	strace s9  }
0x27: {  	s1 =	sld [smem:$0x3FAE]  }
0x28: {  	s2 =	sld [smem:$0x3FAF]  }
0x29: {  	s4 =	sld [smem:$0x3FB1]  }
0x2a: {  	p0 =	seq.s32 s5, $0x0;
	s5 =	sld [smem:$0x3FB2]  }
0x2b: {  	s6 =	sld [smem:$0x3FB3]  }
0x2c: {  	s7 =	sld [smem:$0x3FB4]  }
0x2d: {  	s3 =	simm.s32 $0x108;
	s8 =	sld [smem:$0x3FB5]  }
0x2e: {  	s3 =	simm.s32 @!p0 $0x1082;
	s9 =	sld [smem:$0x3FB6]  }
0x2f: {  	lr =	sadd.s32 s0, s3;
	s0 =	sld [smem:$0x3FAD]  }
0x30: {  	s3 =	sld [smem:$0x3FB0]  }
0x31: {  	[smem:$0x3FB9] =	sst s10  }
0x32: {  	s10 =	sld [smem:$0x3FB7];
	_ =	sdelay $0x3  }
0x33: {  	p0 =	seq.s32 s10, $0x1;
	s10 =	sld [smem:$0x3FB9];
	_ =	sdelay $0x3  }
0x34: {  	[smem:$0x3FB9] =	sst s10  }
0x35: {  	s10 =	sld [smem:$0x3FB8];
	_ =	sdelay $0x3  }
0x36: {  	p1 =	seq.s32 s10, $0x1;
	s10 =	sld [smem:$0x3FB9];
	_ =	sdelay $0x3  }
0x37: {  	[smem:$0x3FB9] =	sst s10  }
0x38: {  	s10 =	sld [smem:$0x3FBA]  }
0x39: {  	_ = 	snop;
	(pc) =	sbr.ind lr, $3  }
0x3a: {  	_ = 	snop  }
0x3b: {  	_ = 	snop  }
0x3c: {  	p2 =	seq.s32 s10, $0x1;
	s10 =	sld [smem:$0x3FB9]  }
0x3d: {  	_ =	shalt  }
0x3e: {  	_ =	shalt  }
0x3f: {  	_ =	shalt  }
0x40: {  	_ =	shalt  }
0x41: {  	_ =	shalt  }
0x42: {  	_ =	shalt  }
0x43: {  	_ =	shalt  }
0x44: {  	_ =	shalt  }
0x45: {  	_ =	shalt  }
0x46: {  	_ =	shalt  }
0x47: {  	_ =	shalt  }
0x48: {  	_ =	shalt  }
0x49: {  	_ =	shalt  }
0x4a: {  	_ =	shalt  }
0x4b: {  	_ =	shalt  }
0x4c: {  	_ =	shalt  }
0x4d: {  	_ =	shalt  }
0x4e: {  	_ =	shalt  }
0x4f: {  	_ =	shalt  }
0x50: {  	_ =	shalt  }
0x51: {  	_ =	shalt  }
0x52: {  	_ =	shalt  }
0x53: {  	_ =	shalt  }
0x54: {  	_ =	shalt  }
0x55: {  	_ =	shalt  }
0x56: {  	_ =	shalt  }
0x57: {  	_ =	shalt  }
0x58: {  	_ =	shalt  }
0x59: {  	_ =	shalt  }
0x5a: {  	_ =	shalt  }
0x5b: {  	_ =	shalt  }
0x5c: {  	_ =	shalt  }
0x5d: {  	_ =	shalt  }
0x5e: {  	_ =	shalt  }
0x5f: {  	_ =	shalt  }
0x60: {  	_ =	shalt  }
0x61: {  	_ =	shalt  }
0x62: {  	_ =	shalt  }
0x63: {  	_ =	shalt  }
0x64: {  	_ =	shalt  }
0x65: {  	_ =	shalt  }
0x66: {  	_ =	shalt  }
0x67: {  	_ =	shalt  }
0x68: {  	_ =	shalt  }
0x69: {  	_ =	shalt  }
0x6a: {  	_ =	shalt  }
0x6b: {  	_ =	shalt  }
0x6c: {  	_ =	shalt  }
0x6d: {  	_ =	shalt  }
0x6e: {  	_ =	shalt  }
0x6f: {  	_ =	shalt  }
0x70: {  	_ =	shalt  }
0x71: {  	_ =	shalt  }
0x72: {  	_ =	shalt  }
0x73: {  	_ =	shalt  }
0x74: {  	_ =	shalt  }
0x75: {  	_ =	shalt  }
0x76: {  	_ =	shalt  }
0x77: {  	_ =	shalt  }
0x78: {  	_ =	shalt  }
0x79: {  	_ =	shalt  }
0x7a: {  	_ =	shalt  }
0x7b: {  	_ =	shalt  }
0x7c: {  	_ =	shalt  }
0x7d: {  	_ =	shalt  }
0x7e: {  	_ =	shalt  }
0x7f: {  	_ =	shalt  }
0x80: {  	_ =	shalt  }
0x81: {  	_ =	shalt  }
0x82: {  	_ =	shalt  }
0x83: {  	_ =	shalt  }
0x84: {  	_ =	shalt  }
0x85: {  	_ =	shalt  }
0x86: {  	_ =	shalt  }
0x87: {  	_ =	shalt  }
.Lfunc_end0:
.L_simem_size_0:
called_computation_lowered:
.L_overlay_start_0:
0x88: {  	s2 =	sld [smem:$0x3FD9]  }
0x89: {  	s3 =	sld [smem:$0x3FFE];
	_ =	sdelay $0x1  }
0x8a: {  	s1 =	srdreg.scid  }
0x8b: {  	s0 =	sand.u32 $0x1, s1  }
0x8c: {  	s16 =	sshll.u32 s0, $0xA;
	s2 =	sadd.s32 s3, s2  }
0x8d: {  	s2 =	sadd.s32 s2, s16  }
0x8e: {  	[smem:$0x3FC5] =	sst s2  }
0x8f: {  	_ = 	snop  }
0x90: {  	(tm) =	ssettm $0x1  }
0x91: {  	s17 =	sld [smem:$0x3FFB];
	_ =	sdelay $0x3  }
0x92: {  	_ =	strace s17  }
0x93: {  	s2 =	sld [smem:$0x3FFC];
	_ =	sdelay $0x3  }
0x94: {  	_ =	strace s2  }
0x95: {  	s2 =	sld [smem:$0x3FFD];
	_ =	sdelay $0x3  }
0x96: {  	_ =	strace s2  }
0x97: {  	_ =	strace $0x8FFFFFFF  }
0x98: {  	s18 =	sld [smem:$0x3FDB];
	_ =	sdelay $0x1  }
0x99: {  	s19 =	simm.s32 $_scs_section_size  }
0x9a: {  	s4 =	simm.s32 $_size__tile_overlayer_lowered;
	s5 =	simm.s32 $_tile_overlayer_lowered  }
0x9b: {  	s22 =	simm.s32 $0x1BFF;
	s21 =	sshll.u32 s5, $0x1;
	s2 =	sadd.s32 s19, s18  }
0x9c: {  	s6 =	simm.s32 $0x0;
	s20 =	sshll.u32 s4, $0x1;
	s4 =	sadd.s32 s21, s2  }
0x9d: {  	[timem:s6], [sflag:s22] =	dma.local [hbm:s4], s20  }
0x9e: {  	_ =	swait.ge [sflag:s22], s20  }
0x9f: {  	s3 =	ssub.s32 $0x0, s20;
	[sflag:s22] =	ssyncset.done $0x0  }
0xa0: {  	[sflag:s22] =	ssyncadd.s32 s3;
	_ =	sdelay $0x1  }
0xa1: {  	s23 =	simm.s32 $0x1B8B  }
0xa2: {  	_ =	swait.ge [sflag:s23], $0x1  }
0xa3: {  	[sflag:s23] =	ssyncset.done $0x0  }
0xa4: {  	s25 =	simm.s32 $0x1B8E;
	s24 =	sld [smem:$0x3FFE];
	[sflag:s23] =	ssyncadd.s32 $0xFFFFFFFF  }
0xa5: {  	s26 =	simm.s32 $execute0_lowered;
	[smem:$0x3FD2] =	sst s25  }
0xa6: {  	s4 =	sshll.u32 s26, $0x1;
	_ =	strace $0x80000046;
	[dreg:$0x1] =	wrdreg $0xFFFFFFFF  }
0xa7: {  	s28 =	simm.s32 $_size_execute0_lowered;
	s2 =	sadd.s32 s2, s4;
	[dreg:$0x0] =	wrdreg $0x0  }
0xa8: {  	s4 =	sshll.u32 s28, $0x1;
	[dreg:$0x2] =	wrdreg s2  }
0xa9: {  	[dreg:$0x3] =	wrdreg s4  }
0xaa: {  	[dreg:$0x4] =	wrdreg $0xC0  }
0xab: {  	_ =	task [dreg:s6], $0x5FFFF  }
0xac: {  	[dreg:$0x1] =	wrdreg $0xFFFFFFFF  }
0xad: {  	[dreg:$0x0] =	wrdreg $0x60  }
0xae: {  	[dreg:$0x2] =	wrdreg s24  }
0xaf: {  	[dreg:$0x3] =	wrdreg $0x9  }
0xb0: {  	_ =	task.clear_ibuf [dreg:s6], $0x4FFFF;
	_ =	strace $0x90000046  }
0xb1: {  	s29 =	simm.s32 $0x9;
	_ =	strace $0x80000048  }
0xb2: {  	_ =	swait.ge [sflag:s29], $0x1  }
0xb3: {  	[sflag:s29] =	ssyncadd.s32 $0xFFFFFFFF  }
0xb4: {  	_ =	strace $0x90000048  }
0xb5: {  	_ =	sfence  }
0xb6: {  	s30 =	sld [smem:$0x0];
	_ =	sdelay $0x2  }
0xb7: {  	s31 =	sshll.u32 s1, $0xD;
	s1 =	sshrl.u32 s1, $0x2  }
0xb8: {  	s3 =	sand.u32 $0x4000, s31;
	s1 =	sadd.s32 s1, s30  }
0xb9: {  	s0 =	sor.u32 s3, s0;
	s1 =	sshll.u32 s1, $0x11  }
0xba: {  	s0 =	sor.u32 s1, s0  }
0xbb: {  	s0 =	sadd.s32 $0x8F2B, s0  }
0xbc: {  	[sflag:s0] =	ssyncadd.remote.s32 $0x1  }
0xbd: {  	_ =	sfence.sel $0xFFFF  }
0xbe: {  	[dreg:$0x0] =	wrdreg $0xFFFFFFFF;
	(pc) =	sbr.abs _section_cstart, $3  }
0xbf: {  	[dreg:$0x1] =	wrdreg $0xFFFFFFFF  }
0xc0: {  	_ =	task.clear_ibuf [dreg:s6], $0x2FFFF;
	_ =	strace $0x9FFFFFFF  }
0xc1: {  	(tm) =	ssettm $0x7FFFFFFF  }
tec
execute0_lowered:
.L_overlay_start_1:
0x0: {  	(tag) =	ssettag $0x1  }
0x1: {  	v0 =	vimm.s32 $0xBCAB9A89;
	v1 =	vimm.s32 $0xF0EFDECD  }
0x2: {  	v2 =	vimm.s32 $0x34231201;
	v3 =	vimm.s32 $0x78675645;
	vm0 =	vcmask $0x1F10  }
0x3: {  	v31 =	vimm.s32 $0xBDAC9B8A;
	v4 =	vimm.s32 $0xF1E0DFCE;
	v34 =	vimm.s32 $0x35241302  }
0x4: {  	v35 =	vimm.s32 $0x79685746;
	v36 =	vimm.s32 $0xBEAD9C8B;
	v5 =	vimm.s32 $0xF2E1D0CF  }
0x5: {  	v6 =	vimm.s32 $0x36251403;
	v7 =	vimm.s32 $0x7A695847;
	v8 =	vimm.s32 $0xBFAE9D8C  }
0x6: {  	v9 =	vimm.s32 $0xF3E2D1C0;
	v40 =	vimm.s32 $0x37261504;
	v41 =	vimm.s32 $0x7B6A5948  }
0x7: {  	v43 =	vimm.s32 $0x39281706;
	v10 =	vimm.s32 $0x7D6C5B4A;
	v11 =	vimm.s32 $0xB2A1908F  }
0x8: {  	v44 =	vimm.s32 $0xF6E5D4C3;
	v13 =	vimm.s32 $0x3A291807;
	v14 =	vimm.s32 $0x7E6D5C4B  }
0x9: {  	v16 =	vimm.s32 $0x3F2E1D0C;
	v17 =	vimm.s32 $0x73625140;
	v19 =	vimm.s32 $0xFEEDDCCB  }
0xa: {  	v20 =	vimm.s32 $0x3221100F;
	v21 =	vimm.s32 $0x76655443;
	v0 =	vunpack.c.0.s8.s32 v0  }
0xb: {  	v1 =	vunpack.c.0.s8.s32 v1;
	v2 =	vunpack.c.0.s8.s32 v2;
	v3 =	vunpack.c.0.s8.s32 v3  }
0xc: {  	v32 =	vunpack.c.0.s8.s32 v4;
	v4 =	vunpack.c.0.s8.s32 v36;
	v5 =	vunpack.c.0.s8.s32 v5  }
0xd: {  	v6 =	vunpack.c.0.s8.s32 v6;
	v7 =	vunpack.c.0.s8.s32 v7;
	v8 =	vunpack.c.0.s8.s32 v8  }
0xe: {  	v9 =	vunpack.c.0.s8.s32 v9;
	v12 =	vunpack.c.0.s8.s32 v43;
	v10 =	vunpack.c.0.s8.s32 v10  }
0xf: {  	v11 =	vunpack.c.0.s8.s32 v11;
	v15 =	vunpack.c.0.s8.s32 v44;
	v13 =	vunpack.c.0.s8.s32 v13  }
0x10: {  	v14 =	vunpack.c.0.s8.s32 v14;
	v16 =	vunpack.c.0.s8.s32 v16;
	v17 =	vunpack.c.0.s8.s32 v17  }
0x11: {  	v19 =	vunpack.c.0.s8.s32 v19;
	v0 =	vsel vm0, v1, v0;
	v2 =	vsel vm0, v3, v2  }
0x12: {  	v1 =	vunpack.c.0.s8.s32 v31;
	v3 =	vunpack.c.0.s8.s32 v35;
	v37 =	vsel vm0, v5, v4  }
0x13: {  	s3 =	stileid.u32;
	v38 =	vsel vm0, v7, v6;
	v39 =	vsel vm0, v9, v8;
	v6 =	vimm.s32 $0xB0AF9E8D  }
0x14: {  	s8 =	simm.f32 $1.000000000e+00;
	p0 =	slt.u32 s3, $0x8;
	v5 =	vunpack.c.0.s8.s32 v41;
	v7 =	vimm.s32 $0xF4E3D2C1;
	v8 =	vimm.s32 $0x38271605  }
0x15: {  	s8 =	simm.s32 @!p0 $0x0;
	v9 =	vimm.s32 $0x7C6B5A49;
	v47 =	vsel vm0, v10, v12;
	v10 =	vimm.s32 $0xF7E6D5C4  }
0x16: {  	v23 =	vmov s8;
	v2 =	vcombine.low v2, v0;
	v4 =	vcombine.low v38, v37  }
0x17: {  	v6 =	vunpack.c.0.s8.s32 v6;
	v7 =	vunpack.c.0.s8.s32 v7;
	v42 =	vunpack.c.0.s8.s32 v8  }
0x18: {  	v8 =	vunpack.c.0.s8.s32 v9;
	v9 =	vimm.s32 $0xF5E4D3C2;
	v10 =	vunpack.c.0.s8.s32 v10  }
0x19: {  	v33 =	vsel vm0, v32, v1;
	v1 =	vunpack.c.0.s8.s32 v34;
	v9 =	vunpack.c.0.s8.s32 v9  }
0x1a: {  	v6 =	vsel vm0, v7, v6;
	v7 =	vimm.s32 $0xB1A09F8E;
	v8 =	vsel vm0, v8, v42  }
0x1b: {  	v2 =	vand.u32 $0xFF, v2;
	v1 =	vsel vm0, v3, v1;
	v7 =	vunpack.c.0.s8.s32 v7  }
0x1c: {  	v6 =	vcombine.low v8, v6;
	v8 =	vsel vm0, v15, v11;
	v11 =	vimm.s32 $0x3B2A1908  }
0x1d: {  	v3 =	vcombine.low v1, v33;
	v1 =	vunpack.c.0.s8.s32 v40;
	v11 =	vunpack.c.0.s8.s32 v11  }
0x1e: {  	v46 =	vsel vm0, v9, v7;
	v9 =	vsel vm0, v14, v13;
	v7 =	vimm.s32 $0xB3A29180  }
0x1f: {  	v13 =	vimm.s32 $0xB4A39281;
	v14 =	vimm.s32 $0xF8E7D6C5;
	v61 =	vand.u32 $0xFF, v6  }
0x20: {  	v1 =	vsel vm0, v5, v1;
	v12 =	vunpack.c.0.s8.s32 v7;
	v7 =	vimm.s32 $0x7F6E5D4C  }
0x21: {  	v13 =	vunpack.c.0.s8.s32 v13;
	v14 =	vunpack.c.0.s8.s32 v14;
	v8 =	vcombine.low v9, v8  }
0x22: {  	v45 =	vcombine.low v1, v39;
	v15 =	vunpack.c.0.s8.s32 v7;
	v7 =	vcombine.low v47, v46  }
0x23: {  	v48 =	vsel vm0, v10, v12;
	v9 =	vsel vm0, v14, v13;
	v10 =	vimm.s32 $0x3C2B1A09  }
0x24: {  	v12 =	vimm.s32 $0xB5A49382;
	v13 =	vimm.s32 $0xF9E8D7C6;
	v14 =	vimm.s32 $0x3D2C1B0A  }
0x25: {  	v63 =	vand.u32 $0xFF, v8;
	v49 =	vsel vm0, v15, v11;
	v11 =	vimm.s32 $0x706F5E4D  }
0x26: {  	v10 =	vunpack.c.0.s8.s32 v10;
	v12 =	vunpack.c.0.s8.s32 v12;
	v11 =	vunpack.c.0.s8.s32 v11  }
0x27: {  	v13 =	vunpack.c.0.s8.s32 v13;
	v15 =	vimm.s32 $0x71605F4E;
	v53 =	vand.u32 $0xFF, v45  }
0x28: {  	v10 =	vsel vm0, v11, v10;
	v11 =	vunpack.c.0.s8.s32 v14;
	v14 =	vunpack.c.0.s8.s32 v15  }
0x29: {  	v1 =	vcombine.low v49, v48;
	v15 =	vimm.s32 $0xFBEAD9C8;
	v50 =	vcombine.low v10, v9  }
0x2a: {  	v9 =	vsel vm0, v13, v12;
	v10 =	vsel vm0, v14, v11;
	v11 =	vimm.s32 $0xB6A59483  }
0x2b: {  	v12 =	vimm.s32 $0xFAE9D8C7;
	v13 =	vcombine.low v10, v9;
	v9 =	vunpack.c.0.s8.s32 v11  }
0x2c: {  	v10 =	vunpack.c.0.s8.s32 v12;
	v11 =	vimm.s32 $0x3E2D1C0B;
	v12 =	vimm.s32 $0x7261504F  }
0x2d: {  	v14 =	vimm.s32 $0xB7A69584;
	v11 =	vunpack.c.0.s8.s32 v11;
	v12 =	vunpack.c.0.s8.s32 v12  }
0x2e: {  	s17 =	simm.s32 $0x0;
	v62 =	vand.u32 $0xFF, v7;
	v15 =	vunpack.c.0.s8.s32 v15;
	v14 =	vunpack.c.0.s8.s32 v14  }
0x2f: {  	s12 =	simm.s32 $0x4B0;
	s13 =	simm.s32 $0x50;
	[smem:$0x7FF] =	sst s17;
	v56 =	vand.u32 $0xFF, v1;
	v9 =	vsel vm0, v10, v9;
	v10 =	vsel vm0, v12, v11  }
0x30: {  	s0 =	rddreg [dreg:$0x0];
	s29 =	simm.s32 $0xF640;
	_ =	strace $0x80000047;
	[tilespmem:$0x1FF20] =	vst v23;
	v11 =	vimm.s32 $0xB8A79685;
	v12 =	vsel vm0, v15, v14;
	v14 =	vsel vm0, v17, v16  }
0x31: {  	s1 =	srdreg.scid;
	s19 =	simm.s32 $0x5;
	s16 =	simm.s32 $0x2;
	v15 =	vimm.s32 $0xFCEBDAC9;
	v16 =	vimm.s32 $0x302F1E0D;
	v17 =	vimm.s32 $0x74635241  }
0x32: {  	s30 =	simm.s32 $0x550;
	s31 =	simm.s32 $0x15A40;
	s14 =	simm.s32 $0x5A0;
	[tilespmem:$0x1FFC0] =	vst v2;
	v11 =	vunpack.c.0.s8.s32 v11;
	v15 =	vunpack.c.0.s8.s32 v15;
	v16 =	vunpack.c.0.s8.s32 v16  }
0x33: {  	s15 =	simm.s32 $0x16E40;
	s20 =	simm.s32 $0x3;
	s1 =	sand.u32 $0x1, s1;
	[tilespmem:$0x1FFD0] =	vst v61;
	v17 =	vunpack.c.0.s8.s32 v17;
	v14 =	vcombine.low v14, v12;
	v12 =	vimm.s32 $0xFDECDBCA  }
0x34: {  	s2 =	sshll.u32 s3, $0x1;
	s7 =	sadd.s32 $0x27E00, s0;
	s4 =	sadd.s32 $0x14400, s0;
	[tilespmem:$0x1FFF0] =	vst v63;
	v42 =	vand.u32 $0xFF, v50;
	v18 =	vcombine.low v10, v9;
	v12 =	vunpack.c.0.s8.s32 v12  }
0x35: {  	s3 =	sadd.s32 $0xA00, s0;
	s4 =	smov.u32 @p0 s7;
	s7 =	simm.s32 $0x11E40;
	[tilespmem:$0x1FF80] =	vst v53;
	v9 =	vsel vm0, v15, v11;
	v10 =	vsel vm0, v17, v16;
	v11 =	vimm.s32 $0xB9A89786  }
0x36: {  	s18 =	simm.s32 $0x0;
	s2 =	sor.u32 s1, s2;
	s1 =	ssub.s32 $0x2, s1;
	v15 =	vimm.s32 $0x31201F0E;
	v16 =	vimm.s32 $0x75645342;
	v17 =	vimm.s32 $0xBAA99887  }
0x37: {  	s5 =	sadd.s32 $0xFFFFFFF0, s2;
	s22 =	sshrl.u32 s1, $0x1;
	s8 =	simm.s32 $0x460;
	[tilespmem:$0x1FFE0] =	vst v62;
	v11 =	vunpack.c.0.s8.s32 v11;
	v15 =	vunpack.c.0.s8.s32 v15;
	v16 =	vunpack.c.0.s8.s32 v16  }
0x38: {  	s5 =	smov.u32 @p0 s2;
	s2 =	sshll.u32 s2, $0x1;
	s1 =	ssub.s32 s1, s22;
	[tilespmem:$0x1FF40] =	vst v56;
	v17 =	vunpack.c.0.s8.s32 v17;
	v22 =	vcombine.low v10, v9;
	v9 =	vlaneseq.u32  }
0x39: {  	s6 =	smul.u32 $0x4E20, s5;
	s0 =	sadd.s32 s2, s0;
	s1 =	smax.u32 s1, $0x1;
	[tilespmem:$0x1FF30] =	vst v42;
	v10 =	vand.u32 $0xFF, v3;
	v9 =	vmul.u32 $0x11, v9;
	v11 =	vsel vm0, v12, v11  }
0x3a: {  	s0 =	sadd.s32 $0x3B800, s0;
	[dreg:$0x3] =	wrdreg s1;
	s1 =	simm.s32 $0x10A40;
	[tilespmem:$0x1FFA0] =	vst v10;
	v12 =	vsel vm0, v16, v15;
	v15 =	vsel vm0, v19, v17;
	v17 =	vand.u32 $0xFF, v4  }
0x3b: {  	v20 =	vunpack.c.0.s8.s32 v20;
	v21 =	vunpack.c.0.s8.s32 v21;
	s9 =	sadd.s32 $0x4E200, s6;
	s10 =	sadd.s32 $0x190, s6;
	s23 =	sshrl.u32 s6, $0x3;
	v59 =	vcombine.low v12, v11;
	[tilespmem:$0x1FF90] =	vst v17  }
0x3c: {  	s11 =	sadd.s32 $0x4E390, s6;
	s5 =	sadd.s32 $0x320, s6;
	s6 =	sadd.s32 $0x4B0, s6;
	v11 =	vand.u32 $0xFF, v13;
	v13 =	vand.u32 $0xFF, v14;
	v14 =	vand.u32 $0xFF, v22;
	[tilespmem:$0x1FFB0] =	vst v9  }
0x3d: {  	[dreg:$0x2] =	wrdreg s0;
	s9 =	sshrl.u32 s9, $0x3;
	s10 =	sshrl.u32 s10, $0x3;
	v16 =	vsel vm0, v21, v20;
	v12 =	vand.u32 $0xFF, v18;
	[tilespmem:$0x1FEF0] =	vst v14  }
0x3e: {  	s24 =	sshrl.u32 s11, $0x3;
	s25 =	sadd.s32 s4, s23;
	s11 =	simm.s32 $0x320;
	v60 =	vcombine.low v16, v15;
	[tilespmem:$0x1FF50] =	vst v12  }
0x3f: {  	s23 =	simm.s32 $0x19640;
	[dreg:$0x4] =	wrdreg s25;
	s26 =	sadd.s32 s4, s9;
	[tilespmem:$0x1FF60] =	vst v11  }
0x40: {  	s28 =	sadd.s32 s4, s10;
	s0 =	sadd.s32 s4, s24;
	[dreg:$0x5] =	wrdreg s26;
	[tilespmem:$0x1FF70] =	vst v13;
	v16 =	vand.u32 $0xFF, v60  }
0x41: {  	s9 =	simm.s32 $0x5F0;
	s10 =	simm.s32 $0x18240;
	[dreg:$0x6] =	wrdreg s28;
	v15 =	vand.u32 $0xFF, v59;
	[tilespmem:$0x1FF00] =	vst v16  }
0x42: {  	s24 =	simm.s32 $0x4;
	[dreg:$0x7] =	wrdreg s0;
	s0 =	simm.s32 $0x410;
	v8 =	vmov v2;
	[tilespmem:$0x1FF10] =	vst v15  }
.LBB2_1:
0x43: {  	[dreg:$0x8] =	wrdreg s18  }
0x44: {  	s2 =	rddreg [dreg:$0x4]  }
0x45: {  	[tilespmem:s17], [sflag:$0x5] =	stream.linear.gather [hbm4b:s2+s17], $0x190, $0x38;
	[tilespmem:$0x1AF50] =	vst v63  }
0x46: {  	_ =	swait.ge [sflag:s19], $0x190  }
0x47: {  	[sflag:s19] =	ssyncset.done $0x0  }
0x48: {  	s2 =	simm.s32 $0x190;
	s21 =	rddreg [dreg:$0x5];
	[sflag:s19] =	ssyncadd.s32 $0xFFFFFE70  }
0x49: {  	[tilespmem:s2], [sflag:$0x5] =	stream.linear.gather [hbm4b:s21+s17], $0x190, $0x38;
	[tilespmem:$0x1AF50] =	vst v63  }
0x4a: {  	_ =	swait.ge [sflag:s19], $0x190  }
0x4b: {  	[sflag:s19] =	ssyncset.done $0x0  }
0x4c: {  	s22 =	rddreg [dreg:$0x6];
	[sflag:s19] =	ssyncadd.s32 $0xFFFFFE70  }
0x4d: {  	[tilespmem:s11], [sflag:$0x2] =	stream.linear.gather [hbm4b:s22+s17], $0x190, $0x38;
	[tilespmem:$0x1AF50] =	vst v63  }
0x4e: {  	s25 =	rddreg [dreg:$0x7]  }
0x4f: {  	[tilespmem:s12], [sflag:$0x2] =	stream.linear.gather [hbm4b:s25+s17], $0x190, $0x38;
	[tilespmem:$0x1AF50] =	vst v63  }
0x50: {  	s26 =	simm.s32 $0x640  }
0x51: {  	[tilespmem:s26], [sflag:$0x3] =	stream.indirect.gather [hbm4b:s3+s13], $0x40, s17, s13, $0xb8;
	[tilespmem:$0x1AF50] =	vst v63  }
0x52: {  	s28 =	simm.s32 $0x6A40  }
0x53: {  	[tilespmem:s28], [sflag:$0x3] =	stream.indirect.gather [hbm4b:s3+s13], $0x40, s2, s13, $0xb8;
	[tilespmem:$0x1AF50] =	vst v63  }
0x54: {  	s18 =	simm.s32 $0x1A40  }
0x55: {  	[tilespmem:s18], [sflag:$0x3] =	stream.indirect.gather [hbm4b:s3+s13], $0x40, s13, s13, $0xb8;
	[tilespmem:$0x1AF50] =	vst v63  }
0x56: {  	s21 =	simm.s32 $0x7E40;
	s19 =	simm.s32 $0x1E0  }
0x57: {  	[tilespmem:s21], [sflag:$0x3] =	stream.indirect.gather [hbm4b:s3+s13], $0x40, s19, s13, $0xb8;
	[tilespmem:$0x1AF50] =	vst v63  }
0x58: {  	s22 =	simm.s32 $0xA0;
	s25 =	simm.s32 $0x2E40  }
0x59: {  	[tilespmem:s25], [sflag:$0x3] =	stream.indirect.gather [hbm4b:s3+s13], $0x40, s22, s13, $0xb8;
	[tilespmem:$0x1AF50] =	vst v63  }
0x5a: {  	s26 =	simm.s32 $0x230;
	s28 =	simm.s32 $0x9240  }
0x5b: {  	[tilespmem:s28], [sflag:$0x3] =	stream.indirect.gather [hbm4b:s3+s13], $0x40, s26, s13, $0xb8;
	[tilespmem:$0x1AF50] =	vst v63  }
0x5c: {  	s17 =	simm.s32 $0xF0;
	s18 =	simm.s32 $0x4240  }
0x5d: {  	[tilespmem:s18], [sflag:$0x3] =	stream.indirect.gather [hbm4b:s3+s13], $0x40, s17, s13, $0xb8;
	[tilespmem:$0x1AF50] =	vst v63  }
0x5e: {  	s19 =	simm.s32 $0x280;
	s21 =	simm.s32 $0xA640  }
0x5f: {  	[tilespmem:s21], [sflag:$0x3] =	stream.indirect.gather [hbm4b:s3+s13], $0x40, s19, s13, $0xb8;
	[tilespmem:$0x1AF50] =	vst v63  }
0x60: {  	s22 =	simm.s32 $0x140;
	s25 =	simm.s32 $0x5640  }
0x61: {  	[tilespmem:s25], [sflag:$0x3] =	stream.indirect.gather [hbm4b:s3+s13], $0x40, s22, s13, $0xb8;
	[tilespmem:$0x1AF50] =	vst v63  }
0x62: {  	s26 =	simm.s32 $0x2D0;
	s28 =	simm.s32 $0xBA40;
	s25 =	simm.s32 $0x0  }
0x63: {  	v0 =	vimm.f32 $0.0e+00;
	[tilespmem:s28], [sflag:$0x3] =	stream.indirect.gather [hbm4b:s3+s13], $0x40, s26, s13, $0xb8;
	[tilespmem:$0x1AF50] =	vst v63  }
.LBB2_2:
0x64: {  	[tilespmem:$0x1FEE0] =	vst v0  }
0x65: {  	_ =	swait.ge [sflag:s16], $0x190  }
0x66: {  	[sflag:s16] =	ssyncset.done $0x0  }
0x67: {  	[sflag:s16] =	ssyncadd.s32 $0xFFFFFE70  }
0x68: {  	_ =	swait.ge [sflag:s16], $0x190  }
0x69: {  	[sflag:s16] =	ssyncset.done $0x0  }
0x6a: {  	s2 =	simm.s32 $0xCE40;
	[sflag:s16] =	ssyncadd.s32 $0xFFFFFE70  }
0x6b: {  	[tilespmem:s2], [sflag:$0x4] =	stream.indirect.gather [hbm4b:s3+s13], $0x40, s11, s13, $0xb8;
	[tilespmem:$0x1AF50] =	vst v63  }
0x6c: {  	s19 =	simm.s32 $0x13240  }
0x6d: {  	[tilespmem:s19], [sflag:$0x4] =	stream.indirect.gather [hbm4b:s3+s13], $0x40, s12, s13, $0xb8;
	[tilespmem:$0x1AF50] =	vst v63  }
0x6e: {  	s21 =	simm.s32 $0x370;
	s17 =	simm.s32 $0xE240  }
0x6f: {  	[tilespmem:s17], [sflag:$0x4] =	stream.indirect.gather [hbm4b:s3+s13], $0x40, s21, s13, $0xb8;
	[tilespmem:$0x1AF50] =	vst v63  }
0x70: {  	s22 =	simm.s32 $0x500;
	s26 =	simm.s32 $0x14640  }
0x71: {  	[tilespmem:s26], [sflag:$0x4] =	stream.indirect.gather [hbm4b:s3+s13], $0x40, s22, s13, $0xb8;
	[tilespmem:$0x1AF50] =	vst v63  }
0x72: {  	s28 =	simm.s32 $0x3C0  }
0x73: {  	[tilespmem:s29], [sflag:$0x4] =	stream.indirect.gather [hbm4b:s3+s13], $0x40, s28, s13, $0xb8;
	[tilespmem:$0x1AF50] =	vst v63  }
0x74: {  	_ = 	snop  }
0x75: {  	[tilespmem:s31], [sflag:$0x4] =	stream.indirect.gather [hbm4b:s3+s13], $0x40, s30, s13, $0xb8;
	[tilespmem:$0x1AF50] =	vst v63  }
0x76: {  	_ = 	snop  }
0x77: {  	[tilespmem:s1], [sflag:$0x4] =	stream.indirect.gather [hbm4b:s3+s13], $0x40, s0, s13, $0xb8;
	[tilespmem:$0x1AF50] =	vst v63  }
0x78: {  	_ = 	snop  }
0x79: {  	[tilespmem:s15], [sflag:$0x4] =	stream.indirect.gather [hbm4b:s3+s13], $0x40, s14, s13, $0xb8;
	[tilespmem:$0x1AF50] =	vst v63  }
0x7a: {  	_ = 	snop  }
0x7b: {  	[tilespmem:s7], [sflag:$0x4] =	stream.indirect.gather [hbm4b:s3+s13], $0x40, s8, s13, $0xb8;
	[tilespmem:$0x1AF50] =	vst v63  }
0x7c: {  	_ = 	snop  }
0x7d: {  	[tilespmem:s10], [sflag:$0x4] =	stream.indirect.gather [hbm4b:s3+s13], $0x40, s9, s13, $0xb8;
	[tilespmem:$0x1AF50] =	vst v63  }
0x7e: {  	_ =	swait.ge [sflag:s20], $0x1400  }
0x7f: {  	[sflag:s20] =	ssyncset.done $0x0  }
0x80: {  	[sflag:s20] =	ssyncadd.s32 $0xFFFFEC00  }
0x81: {  	_ =	swait.ge [sflag:s20], $0x1400  }
0x82: {  	[sflag:s20] =	ssyncset.done $0x0  }
0x83: {  	[sflag:s20] =	ssyncadd.s32 $0xFFFFEC00  }
0x84: {  	_ =	swait.ge [sflag:s20], $0x1400  }
0x85: {  	[sflag:s20] =	ssyncset.done $0x0  }
0x86: {  	[sflag:s20] =	ssyncadd.s32 $0xFFFFEC00  }
0x87: {  	_ =	swait.ge [sflag:s20], $0x1400  }
0x88: {  	[sflag:s20] =	ssyncset.done $0x0  }
0x89: {  	[sflag:s20] =	ssyncadd.s32 $0xFFFFEC00  }
0x8a: {  	_ =	swait.ge [sflag:s20], $0x1400  }
0x8b: {  	[sflag:s20] =	ssyncset.done $0x0  }
0x8c: {  	[sflag:s20] =	ssyncadd.s32 $0xFFFFEC00  }
0x8d: {  	_ =	swait.ge [sflag:s20], $0x1400  }
0x8e: {  	[sflag:s20] =	ssyncset.done $0x0  }
0x8f: {  	[sflag:s20] =	ssyncadd.s32 $0xFFFFEC00  }
0x90: {  	_ =	swait.ge [sflag:s20], $0x1400  }
0x91: {  	[sflag:s20] =	ssyncset.done $0x0  }
0x92: {  	[sflag:s20] =	ssyncadd.s32 $0xFFFFEC00  }
0x93: {  	_ =	swait.ge [sflag:s20], $0x1400  }
0x94: {  	[sflag:s20] =	ssyncset.done $0x0  }
0x95: {  	[sflag:s20] =	ssyncadd.s32 $0xFFFFEC00  }
0x96: {  	p0 =	seq.s32 s25, $0x18;
	_ =	swait.ge [sflag:s20], $0x1400  }
0x97: {  	s2 =	smul.u32 @!p0 $0x320, s25;
	[sflag:s20] =	ssyncset.done $0x0  }
0x98: {  	[sflag:s20] =	ssyncadd.s32 $0xFFFFEC00  }
0x99: {  	s19 =	simm.s32 @!p0 $0x0;
	s17 =	sadd.s32 @!p0 s2, s5;
	_ =	swait.ge [sflag:s20], $0x1400  }
0x9a: {  	s18 =	sshrl.u32 @!p0 s17, $0x3;
	s17 =	sadd.s32 @!p0 $0x4E200, s17;
	[sflag:s20] =	ssyncset.done $0x0  }
0x9b: {  	s17 =	sshrl.u32 @!p0 s17, $0x3;
	s18 =	sadd.s32 @!p0 s4, s18;
	[sflag:s20] =	ssyncadd.s32 $0xFFFFEC00  }
0x9c: {  	[tilespmem:s19], [sflag:$0x1] =	stream.linear.gather @!p0 [hbm4b:s18+s19], $0x190, $0x38;
	[tilespmem:$0x1AF50] =	vst v63  }
0x9d: {  	s22 =	simm.s32 $0x6C0;
	s17 =	sadd.s32 @!p0 s4, s17;
	s18 =	simm.s32 @!p0 $0x190  }
0x9e: {  	[tilespmem:s18], [sflag:$0x1] =	stream.linear.gather @!p0 [hbm4b:s17+s19], $0x190, $0x38;
	[tilespmem:$0x1AF50] =	vst v63  }
0x9f: {  	s18 =	simm.s32 $0x6AC0;
	v0 =	vld [tilespmem:s22+$0x40]  }
0xa0: {  	v1 =	vld [tilespmem:s18+$0x40]  }
0xa1: {  	v2 =	vld [tilespmem:s22+$0x50]  }
0xa2: {  	v3 =	vld [tilespmem:s18+$0x50]  }
0xa3: {  	v4 =	vld [tilespmem:s22+$0x60]  }
0xa4: {  	v5 =	vld [tilespmem:s18+$0x60]  }
0xa5: {  	v6 =	vld [tilespmem:s22+$0x70]  }
0xa6: {  	v19 =	vld [tilespmem:s18+$0x70]  }
0xa7: {  	v20 =	vld [tilespmem:s22+$0xFFFFFF90]  }
0xa8: {  	v21 =	vld [tilespmem:s18+$0xFFFFFF90]  }
0xa9: {  	v18 =	vld [tilespmem:s18+$0xFFFFFF80]  }
0xaa: {  	v22 =	vld [tilespmem:s22+$0xFFFFFFA0]  }
0xab: {  	v25 =	vld [tilespmem:s22+$0xFFFFFFC0];
	v0 =	vmul.bf16 v1, v0  }
0xac: {  	v1 =	vld [tilespmem:s18+$0xFFFFFFA0];
	v2 =	vmul.bf16 v3, v2;
	v3 =	vmul.bf16 v5, v4  }
0xad: {  	v4 =	vld [tilespmem:s22+$0xFFFFFFB0];
	v6 =	vmul.bf16 v19, v6;
	v20 =	vmul.bf16 v21, v20;
	v5 =	vunpack.i.u.bf16.f32 v0  }
0xae: {  	v19 =	vld [tilespmem:s18+$0xFFFFFFB0];
	v0 =	vunpack.i.l.bf16.f32 v0;
	v23 =	vunpack.i.u.bf16.f32 v2;
	v2 =	vunpack.i.l.bf16.f32 v2  }
0xaf: {  	v21 =	vld [tilespmem:s22+$0xFFFFFFD0];
	v24 =	vunpack.i.u.bf16.f32 v3;
	v3 =	vunpack.i.l.bf16.f32 v3;
	v26 =	vunpack.i.u.bf16.f32 v6  }
0xb0: {  	v6 =	vunpack.i.l.bf16.f32 v6;
	v0 =	vadd.f32 v0, v5;
	v5 =	vld [tilespmem:s18+$0xFFFFFFC0];
	v2 =	vadd.f32 v2, v23  }
0xb1: {  	v3 =	vadd.f32 v3, v24;
	v6 =	vadd.f32 v6, v26;
	v23 =	vld [tilespmem:s18+$0xFFFFFFD0]  }
0xb2: {  	v1 =	vmul.bf16 v1, v22;
	v22 =	vunpack.i.u.bf16.f32 v20;
	v0 =	vadd.f32 v2, v0;
	v2 =	vld [tilespmem:s22+$0xFFFFFFE0]  }
0xb3: {  	v3 =	vadd.f32 v6, v3;
	v6 =	vunpack.i.l.bf16.f32 v20;
	v4 =	vmul.bf16 v19, v4;
	v20 =	vld [tilespmem:s18+$0xFFFFFFE0]  }
0xb4: {  	v19 =	vadd.f32 v6, v22;
	v6 =	vld [tilespmem:s22+$0xFFFFFFF0];
	v24 =	vunpack.i.u.bf16.f32 v1;
	v1 =	vunpack.i.l.bf16.f32 v1  }
0xb5: {  	v22 =	vunpack.i.u.bf16.f32 v4;
	v4 =	vunpack.i.l.bf16.f32 v4;
	v5 =	vmul.bf16 v5, v25;
	v25 =	vld [tilespmem:s18+$0xFFFFFFF0]  }
0xb6: {  	v1 =	vadd.f32 v1, v24;
	v4 =	vadd.f32 v4, v22;
	v22 =	vld [tilespmem:s22+$0x0]  }
0xb7: {  	v24 =	vadd.f32 v3, v0;
	v21 =	vmul.bf16 v23, v21;
	v23 =	vld [tilespmem:s18+$0x0];
	v3 =	vunpack.i.u.bf16.f32 v5  }
0xb8: {  	v27 =	vld [tilespmem:s18+$0x10];
	v5 =	vunpack.i.l.bf16.f32 v5;
	v0 =	vadd.f32 v4, v1;
	v1 =	vmul.bf16 v20, v2  }
0xb9: {  	v26 =	vld [tilespmem:s22+$0x10];
	v2 =	vunpack.i.u.bf16.f32 v21;
	v4 =	vunpack.i.l.bf16.f32 v21;
	v20 =	vadd.f32 v5, v3  }
0xba: {  	v3 =	vld [tilespmem:s22+$0x20];
	v5 =	vunpack.i.u.bf16.f32 v1;
	v1 =	vunpack.i.l.bf16.f32 v1;
	v6 =	vmul.bf16 v25, v6  }
0xbb: {  	v21 =	vadd.f32 v4, v2;
	v2 =	vadd.f32 v1, v5;
	v5 =	vld [tilespmem:s18+$0x20]  }
0xbc: {  	v4 =	vld [tilespmem:s22+$0x30];
	v23 =	vmul.bf16 v23, v22;
	v25 =	vunpack.i.u.bf16.f32 v6;
	v6 =	vunpack.i.l.bf16.f32 v6  }
0xbd: {  	s19 =	simm.s32 $0x19660;
	v1 =	vadd.f32 v21, v20;
	v21 =	vadd.f32 v6, v25;
	v6 =	vld [tilespmem:s18+$0x30]  }
0xbe: {  	s21 =	simm.s32 $0x0;
	s17 =	simm.s32 $0x400;
	[tilespmem:s19+$0x10] =	vst v24;
	v20 =	vld [tilespmem:s22+$0xFFFFFF80];
	s22 =	simm.s32 $0x7C0;
	v22 =	vunpack.i.u.bf16.f32 v23;
	v24 =	vunpack.i.l.bf16.f32 v23;
	v23 =	vmul.bf16 v27, v26  }
.LBB2_3:
0xbf: {  	v25 =	vld [tilespmem:s22+$0x40];
	v2 =	vadd.f32 v21, v2;
	v21 =	vadd.f32 v24, v22;
	s18 =	sadd.s32 $0x100, s18  }
0xc0: {  	v22 =	vld [tilespmem:s18+$0x40];
	v24 =	vunpack.i.u.bf16.f32 v23;
	v23 =	vunpack.i.l.bf16.f32 v23;
	v3 =	vmul.bf16 v5, v3  }
0xc1: {  	v5 =	vld [tilespmem:s22+$0x50];
	v1 =	vadd.f32 v2, v1;
	v2 =	vadd.f32 v23, v24  }
0xc2: {  	v23 =	vld [tilespmem:s18+$0x50];
	v24 =	vunpack.i.u.bf16.f32 v3;
	v3 =	vunpack.i.l.bf16.f32 v3;
	v4 =	vmul.bf16 v6, v4  }
0xc3: {  	v6 =	vld [tilespmem:s22+$0x60];
	v18 =	vmul.bf16 v18, v20;
	[tilespmem:s19+$0xFFFFFFF0] =	vst v1;
	v1 =	vadd.f32 v3, v24;
	v2 =	vadd.f32 v2, v21  }
0xc4: {  	v3 =	vld [tilespmem:s18+$0x60];
	v20 =	vunpack.i.u.bf16.f32 v4;
	v4 =	vunpack.i.l.bf16.f32 v4  }
0xc5: {  	v21 =	vld [tilespmem:s22+$0x70];
	v24 =	vunpack.i.u.bf16.f32 v18;
	v18 =	vunpack.i.l.bf16.f32 v18;
	v4 =	vadd.f32 v4, v20  }
0xc6: {  	v20 =	vld [tilespmem:s18+$0x70];
	v24 =	vadd.f32 v18, v24  }
0xc7: {  	s21 =	sadd.s32 $0x4, s21;
	v18 =	vld [tilespmem:s18+$0xFFFFFF80];
	v1 =	vadd.f32 v4, v1  }
0xc8: {  	p1 =	slt.u32 s21, $0x18C;
	v4 =	vld [tilespmem:s22+$0xFFFFFF90];
	v19 =	vadd.f32 v19, v24  }
0xc9: {  	v22 =	vmul.bf16 v22, v25;
	v24 =	vld [tilespmem:s18+$0xFFFFFF90];
	v1 =	vadd.f32 v1, v2  }
0xca: {  	v5 =	vmul.bf16 v23, v5;
	v2 =	vld [tilespmem:s22+$0xFFFFFFA0];
	v0 =	vadd.f32 v0, v19  }
0xcb: {  	v23 =	vunpack.i.u.bf16.f32 v22;
	v3 =	vmul.bf16 v3, v6;
	v19 =	vld [tilespmem:s18+$0xFFFFFFA0];
	v6 =	vmul.bf16 v20, v21;
	[tilespmem:s19+$0x0] =	vst v1  }
0xcc: {  	v20 =	vunpack.i.l.bf16.f32 v22;
	v21 =	vunpack.i.u.bf16.f32 v5;
	v5 =	vunpack.i.l.bf16.f32 v5;
	v1 =	vld [tilespmem:s22+$0xFFFFFFB0];
	[tilespmem:s19+$0xFFFFFFE0] =	vst v0  }
0xcd: {  	v22 =	vunpack.i.u.bf16.f32 v3;
	v3 =	vunpack.i.l.bf16.f32 v3;
	v0 =	vld [tilespmem:s18+$0xFFFFFFB0];
	v25 =	vunpack.i.u.bf16.f32 v6  }
0xce: {  	v20 =	vadd.f32 v20, v23;
	v5 =	vadd.f32 v5, v21;
	v6 =	vunpack.i.l.bf16.f32 v6;
	v26 =	vld [tilespmem:s22+$0xFFFFFFC0]  }
0xcf: {  	v3 =	vadd.f32 v3, v22;
	v4 =	vmul.bf16 v24, v4;
	v6 =	vadd.f32 v6, v25;
	v21 =	vld [tilespmem:s18+$0xFFFFFFC0]  }
0xd0: {  	v2 =	vmul.bf16 v19, v2;
	v22 =	vld [tilespmem:s22+$0xFFFFFFD0]  }
0xd1: {  	v5 =	vadd.f32 v5, v20;
	v19 =	vunpack.i.u.bf16.f32 v4;
	v3 =	vadd.f32 v6, v3;
	v23 =	vld [tilespmem:s18+$0xFFFFFFD0]  }
0xd2: {  	v4 =	vunpack.i.l.bf16.f32 v4;
	v6 =	vunpack.i.u.bf16.f32 v2;
	v0 =	vmul.bf16 v0, v1;
	v1 =	vld [tilespmem:s22+$0xFFFFFFE0]  }
0xd3: {  	v19 =	vadd.f32 v4, v19;
	v2 =	vunpack.i.l.bf16.f32 v2;
	v3 =	vadd.f32 v3, v5;
	v4 =	vld [tilespmem:s18+$0xFFFFFFE0]  }
0xd4: {  	s19 =	sadd.s32 $0x40, s19;
	v5 =	vunpack.i.u.bf16.f32 v0;
	v0 =	vunpack.i.l.bf16.f32 v0;
	v20 =	vmul.bf16 v21, v26;
	v21 =	vld [tilespmem:s22+$0xFFFFFFF0]  }
0xd5: {  	v2 =	vadd.f32 v2, v6;
	v0 =	vadd.f32 v0, v5;
	v5 =	vld [tilespmem:s18+$0xFFFFFFF0];
	[tilespmem:s19+$0x10] =	vst v3  }
0xd6: {  	v3 =	vunpack.i.u.bf16.f32 v20;
	v6 =	vunpack.i.l.bf16.f32 v20;
	v20 =	vmul.bf16 v23, v22;
	v22 =	vld [tilespmem:s22+$0x0]  }
0xd7: {  	v0 =	vadd.f32 v0, v2;
	v6 =	vadd.f32 v6, v3;
	v23 =	vld [tilespmem:s18+$0x0]  }
0xd8: {  	v2 =	vunpack.i.u.bf16.f32 v20;
	v3 =	vunpack.i.l.bf16.f32 v20;
	v1 =	vmul.bf16 v4, v1;
	v25 =	vld [tilespmem:s22+$0x10]  }
0xd9: {  	v4 =	vadd.f32 v3, v2;
	v26 =	vld [tilespmem:s18+$0x10]  }
.Ltmp0:
0xda: {  	v2 =	vunpack.i.u.bf16.f32 v1;
	v1 =	vunpack.i.l.bf16.f32 v1;
	v20 =	vmul.bf16 v5, v21;
	v3 =	vld [tilespmem:s22+$0x20];
	(pc) =	sbr.rel @p1 .LBB2_3-.Ltmp0, $4  }
0xdb: {  	v2 =	vadd.f32 v1, v2;
	v1 =	vadd.f32 v4, v6;
	v5 =	vld [tilespmem:s18+$0x20]  }
0xdc: {  	v6 =	vunpack.i.u.bf16.f32 v20;
	v20 =	vunpack.i.l.bf16.f32 v20;
	v23 =	vmul.bf16 v23, v22;
	v4 =	vld [tilespmem:s22+$0x30]  }
0xdd: {  	v21 =	vadd.f32 v20, v6;
	v6 =	vld [tilespmem:s18+$0x30]  }
0xde: {  	v20 =	vld [tilespmem:s22+$0xFFFFFF80];
	v22 =	vunpack.i.u.bf16.f32 v23;
	v24 =	vunpack.i.l.bf16.f32 v23;
	v23 =	vmul.bf16 v26, v25;
	s22 =	sadd.s32 $0x100, s22  }
0xdf: {  	_ = 	snop  }
0xe0: {  	v2 =	vadd.f32 v21, v2  }
0xe1: {  	v25 =	vunpack.i.u.bf16.f32 v23;
	v23 =	vunpack.i.l.bf16.f32 v23;
	v3 =	vmul.bf16 v5, v3  }
0xe2: {  	v5 =	vadd.f32 v24, v22;
	v22 =	vadd.f32 v23, v25;
	v4 =	vmul.bf16 v6, v4  }
0xe3: {  	v6 =	vunpack.i.u.bf16.f32 v3;
	v3 =	vunpack.i.l.bf16.f32 v3;
	v18 =	vmul.bf16 v18, v20  }
0xe4: {  	v3 =	vadd.f32 v3, v6;
	v6 =	vunpack.i.u.bf16.f32 v4;
	v4 =	vunpack.i.l.bf16.f32 v4  }
0xe5: {  	v20 =	vunpack.i.u.bf16.f32 v18;
	v18 =	vunpack.i.l.bf16.f32 v18;
	v4 =	vadd.f32 v4, v6  }
0xe6: {  	v1 =	vadd.f32 v2, v1;
	v6 =	vadd.f32 v18, v20  }
0xe7: {  	v5 =	vadd.f32 v22, v5;
	v3 =	vadd.f32 v4, v3  }
0xe8: {  	v4 =	vor.u32 s17, v13;
	v2 =	vadd.f32 v19, v6  }
0xe9: {  	[tilespmem:s19+$0xFFFFFFF0] =	vst v1;
	v1 =	vor.u32 s17, v11;
	v3 =	vadd.f32 v3, v5  }
0xea: {  	v6 =	vor.u32 s17, v10;
	v0 =	vadd.f32 v0, v2  }
0xeb: {  	v21 =	vor.u32 s17, v9;
	s18 =	simm.s32 $0x300;
	[tilespmem:s19+$0x0] =	vst v3  }
0xec: {  	s22 =	simm.s32 $0x0;
	v23 =	vor.u32 s18, v14;
	[tilespmem:s19+$0xFFFFFFE0] =	vst v0  }
0xed: {  	v26 =	vor.u32 s22, v15;
	v18 =	vld.idx.msk [tilespmem:v4+s23+$0x0], $0xffff  }
0xee: {  	v28 =	vor.u32 s18, v12;
	v20 =	vld.idx.msk [tilespmem:v1+s23+$0x0], $0xffff  }
0xef: {  	v33 =	vor.u32 s18, v11;
	v6 =	vld.idx.msk [tilespmem:v6+s23+$0x0], $0xffff  }
0xf0: {  	v35 =	vor.u32 s18, v56;
	v31 =	vld.idx.msk [tilespmem:v21+s23+$0x0], $0xffff  }
0xf1: {  	v0 =	vor.u32 s17, v56;
	v21 =	vld.idx.msk [tilespmem:v23+s23+$0x0], $0xffff  }
0xf2: {  	v3 =	vor.u32 s17, v63;
	v27 =	vld.idx.msk [tilespmem:v26+s23+$0x0], $0xffff  }
0xf3: {  	v4 =	vor.u32 s17, v62;
	v26 =	vld.idx.msk [tilespmem:v28+s23+$0x0], $0xffff  }
0xf4: {  	v36 =	vor.u32 s18, v63;
	v28 =	vld.idx.msk [tilespmem:v33+s23+$0x0], $0xffff  }
0xf5: {  	v57 =	vor.u32 s18, v61;
	v35 =	vld.idx.msk [tilespmem:v35+s23+$0x0], $0xffff  }
0xf6: {  	v38 =	vor.u32 s18, v53;
	v25 =	vld.idx.msk [tilespmem:v0+s23+$0x0], $0xffff  }
0xf7: {  	v1 =	vor.u32 s17, v53;
	v0 =	vld.idx.msk [tilespmem:v3+s23+$0x0], $0xffff  }
0xf8: {  	v3 =	vld.idx.msk [tilespmem:v4+s23+$0x0], $0xffff;
	v4 =	vor.u32 s17, v8  }
0xf9: {  	s26 =	simm.s32 $0x200;
	v39 =	vor.u32 s18, v17;
	v36 =	vld.idx.msk [tilespmem:v36+s23+$0x0], $0xffff  }
0xfa: {  	v40 =	vor.u32 s26, v17;
	v33 =	vld.idx.msk [tilespmem:v57+s23+$0x0], $0xffff  }
0xfb: {  	v59 =	vor.u32 s18, v9;
	v38 =	vld.idx.msk [tilespmem:v38+s23+$0x0], $0xffff  }
0xfc: {  	v29 =	vld.idx.msk [tilespmem:v1+s23+$0x0], $0xffff;
	v1 =	vor.u32 s22, v16  }
0xfd: {  	v32 =	vld.idx.msk [tilespmem:v4+s23+$0x0], $0xffff;
	v4 =	vor.u32 s22, v14  }
0xfe: {  	v43 =	vor.u32 s18, v8;
	v39 =	vld.idx.msk [tilespmem:v39+s23+$0x0], $0xffff  }
0xff: {  	v44 =	vor.u32 s26, v9;
	v40 =	vld.idx.msk [tilespmem:v40+s23+$0x0], $0xffff  }
0x100: {  	v7 =	vmovc v42;
	s21 =	simm.s32 $0x100;
	v34 =	vor.u32 s18, v42;
	v45 =	vor.u32 s26, v8;
	v2 =	vor.u32 s17, v42;
	v42 =	vld.idx.msk [tilespmem:v59+s23+$0x0], $0xffff  }
0x101: {  	v46 =	vor.u32 s21, v9;
	v24 =	vld.idx.msk [tilespmem:v1+s23+$0x0], $0xffff  }
0x102: {  	v1 =	vld.idx.msk [tilespmem:v4+s23+$0x0], $0xffff;
	v4 =	vor.u32 s18, v62  }
0x103: {  	v49 =	vor.u32 s22, v8;
	v43 =	vld.idx.msk [tilespmem:v43+s23+$0x0], $0xffff  }
0x104: {  	v50 =	vor.u32 s26, v10;
	v44 =	vld.idx.msk [tilespmem:v44+s23+$0x0], $0xffff  }
0x105: {  	v45 =	vld.idx.msk [tilespmem:v45+s23+$0x0], $0xffff  }
0x106: {  	v51 =	vor.u32 s22, v10;
	v46 =	vld.idx.msk [tilespmem:v46+s23+$0x0], $0xffff  }
0x107: {  	v41 =	vld.idx.msk [tilespmem:v4+s23+$0x0], $0xffff;
	v4 =	vor.u32 s18, v10  }
0x108: {  	v52 =	vor.u32 s21, v10;
	v49 =	vld.idx.msk [tilespmem:v49+s23+$0x0], $0xffff  }
0x109: {  	v54 =	vor.u32 s21, v17;
	v50 =	vld.idx.msk [tilespmem:v50+s23+$0x0], $0xffff  }
0x10a: {  	v22 =	vld.idx.msk [tilespmem:v2+s23+$0x0], $0xffff;
	v2 =	vor.u32 s17, v17  }
0x10b: {  	v5 =	vor.u32 s17, v12;
	v51 =	vld.idx.msk [tilespmem:v51+s23+$0x0], $0xffff  }
0x10c: {  	v47 =	vld.idx.msk [tilespmem:v4+s23+$0x0], $0xffff;
	v4 =	vor.u32 s21, v8  }
0x10d: {  	v48 =	vor.u32 s22, v9;
	v52 =	vld.idx.msk [tilespmem:v52+s23+$0x0], $0xffff  }
0x10e: {  	v57 =	vor.u32 s22, v61;
	v54 =	vld.idx.msk [tilespmem:v54+s23+$0x0], $0xffff  }
0x10f: {  	v30 =	vld.idx.msk [tilespmem:v2+s23+$0x0], $0xffff;
	v2 =	vor.u32 s18, v13  }
0x110: {  	v19 =	vld.idx.msk [tilespmem:v5+s23+$0x0], $0xffff  }
0x111: {  	v9 =	vmov v53;
	v60 =	vor.u32 s22, v17;
	v53 =	vld.idx.msk [tilespmem:v4+s23+$0x0], $0xffff  }
0x112: {  	v58 =	vor.u32 s26, v61;
	v4 =	vld.idx.msk [tilespmem:v48+s23+$0x0], $0xffff  }
0x113: {  	v55 =	vor.u32 s22, v9;
	v44 =	vadd.f32 v45, v44;
	v45 =	vld.idx.msk [tilespmem:v57+s23+$0x0], $0xffff  }
0x114: {  	v5 =	vor.u32 s17, v61;
	v23 =	vld.idx.msk [tilespmem:v2+s23+$0x0], $0xffff  }
0x115: {  	v57 =	vor.u32 s22, v11;
	v2 =	vld.idx.msk [tilespmem:v34+s23+$0x0], $0xffff;
	v31 =	vadd.f32 v32, v31  }
0x116: {  	v59 =	vor.u32 s22, v62;
	v48 =	vld.idx.msk [tilespmem:v60+s23+$0x0], $0xffff  }
0x117: {  	v34 =	vld.idx.msk [tilespmem:v58+s23+$0x0], $0xffff;
	v58 =	vor.u32 s21, v9;
	v6 =	vadd.f32 v6, v31;
	v49 =	vadd.f32 v49, v4  }
0x118: {  	v55 =	vld.idx.msk [tilespmem:v55+s23+$0x0], $0xffff;
	v10 =	vmov v56;
	v56 =	vor.u32 s26, v9  }
0x119: {  	v5 =	vld.idx.msk [tilespmem:v5+s23+$0x0], $0xffff;
	v6 =	vadd.f32 v30, v6;
	v49 =	vadd.f32 v51, v49;
	v51 =	vor.u32 s22, v63  }
0x11a: {  	v42 =	vadd.f32 v43, v42;
	v57 =	vld.idx.msk [tilespmem:v57+s23+$0x0], $0xffff;
	v60 =	vor.u32 s21, v61;
	v46 =	vadd.f32 v53, v46  }
0x11b: {  	v31 =	vld.idx.msk [tilespmem:v59+s23+$0x0], $0xffff;
	v6 =	vadd.f32 v29, v6;
	v48 =	vadd.f32 v48, v49;
	v49 =	vor.u32 s22, v10  }
0x11c: {  	v42 =	vadd.f32 v47, v42;
	v53 =	vld.idx.msk [tilespmem:v58+s23+$0x0], $0xffff;
	v46 =	vadd.f32 v52, v46;
	v52 =	vor.u32 s22, v7  }
0x11d: {  	v44 =	vadd.f32 v50, v44;
	v32 =	vld.idx.msk [tilespmem:v56+s23+$0x0], $0xffff;
	v56 =	vor.u32 s21, v62;
	v48 =	vadd.f32 v55, v48  }
0x11e: {  	v5 =	vadd.f32 v5, v6;
	v6 =	vor.u32 s21, v7;
	v39 =	vadd.f32 v39, v42;
	v30 =	vld.idx.msk [tilespmem:v51+s23+$0x0], $0xffff  }
0x11f: {  	v50 =	vor.u32 s21, v63;
	v47 =	vld.idx.msk [tilespmem:v60+s23+$0x0], $0xffff;
	v58 =	vadd.f32 v54, v46;
	v55 =	vadd.f32 v45, v48  }
0x120: {  	v3 =	vadd.f32 v3, v5;
	v38 =	vadd.f32 v38, v39;
	v39 =	vor.u32 s22, v12;
	v60 =	vld.idx.msk [tilespmem:v49+s23+$0x0], $0xffff  }
0x121: {  	v29 =	vadd.f32 v53, v58;
	v53 =	vor.u32 s21, v10;
	v54 =	vld.idx.msk [tilespmem:v52+s23+$0x0], $0xffff;
	v31 =	vadd.f32 v31, v55  }
0x122: {  	v43 =	vor.u32 s26, v62;
	v49 =	vld.idx.msk [tilespmem:v56+s23+$0x0], $0xffff  }
0x123: {  	v0 =	vadd.f32 v0, v3;
	v3 =	vld.idx.msk [tilespmem:v6+s23+$0x0], $0xffff;
	v56 =	vor.u32 s22, v13;
	v30 =	vadd.f32 v30, v31  }
0x124: {  	v37 =	vor.u32 s26, v63;
	v55 =	vld.idx.msk [tilespmem:v50+s23+$0x0], $0xffff  }
0x125: {  	v39 =	vld.idx.msk [tilespmem:v39+s23+$0x0], $0xffff;
	v29 =	vadd.f32 v47, v29;
	v30 =	vadd.f32 v60, v30;
	v60 =	vor.u32 s21, v11  }
0x126: {  	v40 =	vadd.f32 v40, v44;
	v59 =	vor.u32 s26, v10;
	v5 =	vld.idx.msk [tilespmem:v53+s23+$0x0], $0xffff  }
0x127: {  	v42 =	vld.idx.msk [tilespmem:v43+s23+$0x0], $0xffff;
	v29 =	vadd.f32 v49, v29;
	v49 =	vor.u32 s21, v12;
	v30 =	vadd.f32 v54, v30  }
0x128: {  	v32 =	vadd.f32 v32, v40;
	v58 =	vor.u32 s26, v7;
	v50 =	vld.idx.msk [tilespmem:v56+s23+$0x0], $0xffff  }
0x129: {  	v37 =	vld.idx.msk [tilespmem:v37+s23+$0x0], $0xffff;
	v52 =	vor.u32 s21, v13;
	v29 =	vadd.f32 v55, v29;
	v30 =	vadd.f32 v57, v30  }
0x12a: {  	v32 =	vadd.f32 v34, v32;
	v48 =	vor.u32 s26, v11;
	v31 =	vadd.f32 v33, v38;
	v53 =	vld.idx.msk [tilespmem:v60+s23+$0x0], $0xffff  }
0x12b: {  	v59 =	vld.idx.msk [tilespmem:v59+s23+$0x0], $0xffff;
	v5 =	vadd.f32 v5, v29;
	v29 =	vor.u32 s21, v14;
	v30 =	vadd.f32 v39, v30  }
0x12c: {  	v6 =	vor.u32 s26, v12;
	v32 =	vadd.f32 v42, v32;
	v31 =	vadd.f32 v41, v31;
	v56 =	vld.idx.msk [tilespmem:v49+s23+$0x0], $0xffff  }
0x12d: {  	v51 =	vld.idx.msk [tilespmem:v58+s23+$0x0], $0xffff;
	v3 =	vadd.f32 v3, v5;
	v5 =	vor.u32 s21, v15;
	v30 =	vadd.f32 v50, v30  }
0x12e: {  	v32 =	vadd.f32 v37, v32;
	v58 =	vld.idx.msk [tilespmem:v52+s23+$0x0], $0xffff;
	v31 =	vadd.f32 v36, v31;
	v54 =	vor.u32 s26, v13  }
0x12f: {  	v55 =	vld.idx.msk [tilespmem:v48+s23+$0x0], $0xffff;
	v1 =	vadd.f32 v1, v30;
	v30 =	vor.u32 s21, v16;
	v3 =	vadd.f32 v53, v3  }
0x130: {  	v0 =	vadd.f32 v25, v0;
	v32 =	vadd.f32 v59, v32;
	v29 =	vld.idx.msk [tilespmem:v29+s23+$0x0], $0xffff  }
0x131: {  	v6 =	vld.idx.msk [tilespmem:v6+s23+$0x0], $0xffff;
	v31 =	vadd.f32 v35, v31;
	v57 =	vor.u32 s26, v14;
	v3 =	vadd.f32 v56, v3  }
0x132: {  	v25 =	vadd.f32 v51, v32;
	v5 =	vld.idx.msk [tilespmem:v5+s23+$0x0], $0xffff;
	v1 =	vadd.f32 v27, v1  }
0x133: {  	v59 =	vor.u32 s26, v15;
	v2 =	vadd.f32 v2, v31;
	v31 =	vld.idx.msk [tilespmem:v54+s23+$0x0], $0xffff;
	v3 =	vadd.f32 v58, v3  }
0x134: {  	v25 =	vadd.f32 v55, v25;
	v43 =	vadd.f32 v24, v1;
	v24 =	vld.idx.msk [tilespmem:v30+s23+$0x0], $0xffff  }
0x135: {  	v0 =	vadd.f32 v22, v0;
	v60 =	vor.u32 s26, v16;
	v3 =	vadd.f32 v29, v3  }
0x136: {  	v2 =	vadd.f32 v28, v2;
	v28 =	vld.idx.msk [tilespmem:v57+s23+$0x0], $0xffff;
	v6 =	vadd.f32 v6, v25  }
0x137: {  	v4 =	vor.u32 s17, v15;
	v39 =	vor.u32 s17, v14;
	v3 =	vadd.f32 v5, v3  }
0x138: {  	v22 =	vld.idx.msk [tilespmem:v59+s23+$0x0], $0xffff;
	v27 =	vor.u32 s18, v15;
	v6 =	vadd.f32 v31, v6;
	v29 =	vor.u32 s17, v16;
	s17 =	simm.s32 $0x900  }
0x139: {  	v25 =	vand.u32 $0x7FFFFFFF, v43;
	v38 =	vadd.f32 v24, v3;
	v3 =	vor.u32 s17, v15  }
0x13a: {  	v2 =	vadd.f32 v26, v2;
	v26 =	vld.idx.msk [tilespmem:v60+s23+$0x0], $0xffff;
	v25 =	vsub.f32 $0.0e+00, v25  }
0x13b: {  	v0 =	vadd.f32 v20, v0;
	v1 =	vor.u32 s18, v16;
	v6 =	vadd.f32 v28, v6  }
0x13c: {  	v5 =	vmul.f32 $1.442695020e+00, v25  }
0x13d: {  	v0 =	vadd.f32 v19, v0;
	v6 =	vadd.f32 v22, v6;
	v27 =	vld.idx.msk [tilespmem:v27+s23+$0x0], $0xffff  }
0x13e: {  	v2 =	vadd.f32 v23, v2;
	(erf) = vpow2.f32 v5;
	v3 =	vld.idx.msk [tilespmem:v3+s23+$0x0], $0xffff  }
0x13f: {  	v5 =	vadd.f32 v18, v0;
	v0 =	vadd.f32 v26, v6;
	v6 =	vor.u32 s17, v14  }
0x140: {  	v1 =	vld.idx.msk [tilespmem:v1+s23+$0x0], $0xffff  }
0x141: {  	v4 =	vld.idx.msk [tilespmem:v4+s23+$0x0], $0xffff;
	v2 =	vadd.f32 v21, v2  }
0x142: {  	v20 =	vld.idx.msk [tilespmem:v39+s23+$0x0], $0xffff  }
0x143: {  	v18 =	vld.idx.msk [tilespmem:v29+s23+$0x0], $0xffff;
	v2 =	vadd.f32 v27, v2;
	[tilespmem:$0x1FE70] =	vst v3  }
0x144: {  	v6 =	vld.idx.msk [tilespmem:v6+s23+$0x0], $0xffff  }
0x145: {  	v50 =	vadd.f32 v1, v2;
	v2 =	vor.u32 s17, v13;
	_ =	sdelay $0x3  }
0x146: {  	v19 =	vand.u32 $0x7FFFFFFF, v38;
	[tilespmem:$0x1FE80] =	vst v6  }
0x147: {  	v5 =	vadd.f32 v20, v5;
	v19 =	vsub.f32 $0.0e+00, v19;
	v20 =	vand.u32 $0x7FFFFFFF, v0;
	v2 =	vld.idx.msk [tilespmem:v2+s23+$0x0], $0xffff  }
0x148: {  	v21 =	vor.u32 s17, v12;
	v1 =	vsub.f32 $0.0e+00, v20  }
0x149: {  	v4 =	vadd.f32 v4, v5;
	v5 =	vmul.f32 $1.442695020e+00, v19  }
0x14a: {  	s18 =	simm.s32 $0x800;
	v1 =	vmul.f32 $1.442695020e+00, v1  }
0x14b: {  	v56 =	vor.u32 s18, v7;
	v19 =	vand.u32 $0x7FFFFFFF, v50;
	(erf) = vpow2.f32 v5  }
0x14c: {  	s19 =	simm.s32 $0x700;
	v42 =	vmovc v61;
	v55 =	vadd.f32 v18, v4;
	v4 =	vsub.f32 $0.0e+00, v19;
	(erf) = vpow2.f32 v1;
	[tilespmem:$0x1FE90] =	vst v2  }
0x14d: {  	v26 =	vor.u32 s17, v61;
	v61 =	vor.u32 s19, v7;
	v5 =	vor.u32 s17, v7;
	v36 =	vpop (erf);
	v7 =	vld.idx.msk [tilespmem:v21+s23+$0x0], $0xffff  }
0x14e: {  	v23 =	vor.u32 s17, v10;
	v4 =	vmul.f32 $1.442695020e+00, v4;
	v19 =	vmul.f32 $6.220825480e-03, v36;
	_ =	sdelay $0x1  }
0x14f: {  	v18 =	vand.u32 $0x7FFFFFFF, v55;
	(erf) = vpow2.f32 v4;
	v19 =	vsub.f32 $3.524021430e-02, v19  }
0x150: {  	v18 =	vsub.f32 $0.0e+00, v18  }
0x151: {  	s21 =	simm.s32 $0x500;
	v22 =	vor.u32 s17, v11;
	v19 =	vmul.f32 v19, v36;
	[tilespmem:$0x1FEA0] =	vst v7  }
0x152: {  	v52 =	vor.u32 s21, v15;
	v44 =	vor.u32 s21, v16;
	v18 =	vmul.f32 $1.442695020e+00, v18;
	v7 =	vld.idx.msk [tilespmem:v23+s23+$0x0], $0xffff  }
0x153: {  	v57 =	vld [tilespmem:$0x1FFA0];
	v51 =	vor.u32 s21, v14;
	v1 =	vor.u32 s17, v63;
	v3 =	vpop (erf);
	v25 =	vadd.f32 $-9.409968550e-02, v19  }
0x154: {  	v34 =	vor.u32 s18, v15;
	v24 =	vor.u32 s17, v62;
	v20 =	vld [tilespmem:$0x1FFB0];
	(erf) = vpow2.f32 v18;
	v53 =	vpop (erf)  }
0x155: {  	v39 =	vor.u32 s18, v14;
	v25 =	vmul.f32 v25, v36;
	v2 =	vmul.f32 $6.220825480e-03, v53  }
0x156: {  	v41 =	vor.u32 s18, v13;
	v49 =	vor.u32 s18, v12;
	v28 =	vor.u32 s17, v9;
	v22 =	vld.idx.msk [tilespmem:v22+s23+$0x0], $0xffff  }
0x157: {  	v4 =	vor.u32 s17, v17;
	v30 =	vadd.f32 $1.667533070e-01, v25;
	v2 =	vsub.f32 $3.524021430e-02, v2;
	v25 =	vld.idx.msk [tilespmem:v5+s23+$0x0], $0xffff;
	[tilespmem:$0x1FEB0] =	vst v7  }
0x158: {  	v54 =	vor.u32 s18, v11;
	v29 =	vor.u32 s17, v57;
	v6 =	vmul.f32 $6.220825480e-03, v3;
	v58 =	vpop (erf);
	v27 =	vld.idx.msk [tilespmem:v1+s23+$0x0], $0xffff  }
0x159: {  	v31 =	vor.u32 s17, v20;
	v2 =	vmul.f32 v2, v53;
	v5 =	vmul.f32 $6.220825480e-03, v58;
	v33 =	vld.idx.msk [tilespmem:v24+s23+$0x0], $0xffff  }
0x15a: {  	v59 =	vor.u32 s18, v63;
	v32 =	vor.u32 s17, v8;
	v6 =	vsub.f32 $3.524021430e-02, v6;
	v35 =	vld.idx.msk [tilespmem:v26+s23+$0x0], $0xffff  }
0x15b: {  	v14 =	vor.u32 s19, v42;
	v2 =	vadd.f32 $-9.409968550e-02, v2;
	v1 =	vsub.f32 $3.524021430e-02, v5;
	v37 =	vld.idx.msk [tilespmem:v28+s23+$0x0], $0xffff  }
0x15c: {  	v13 =	vor.u32 s19, v63;
	v6 =	vmul.f32 v6, v3;
	v23 =	vmul.f32 v30, v36;
	v40 =	vld.idx.msk [tilespmem:v4+s23+$0x0], $0xffff  }
0x15d: {  	v63 =	vor.u32 s18, v42;
	v2 =	vmul.f32 v2, v53;
	v42 =	vld.idx.msk [tilespmem:v29+s23+$0x0], $0xffff;
	v1 =	vmul.f32 v1, v58  }
0x15e: {  	v23 =	vadd.f32 $-2.403839530e-01, v23;
	v7 =	vmov v62;
	v62 =	vpop (erf);
	v5 =	vadd.f32 $-9.409968550e-02, v6;
	v45 =	vld.idx.msk [tilespmem:v31+s23+$0x0], $0xffff  }
0x15f: {  	v6 =	vmul.f32 $6.220825480e-03, v62;
	v47 =	vor.u32 s18, v7;
	v7 =	vld.idx.msk [tilespmem:v41+s23+$0x0], $0xffff;
	v1 =	vadd.f32 $-9.409968550e-02, v1  }
0x160: {  	v60 =	vor.u32 s18, v10;
	v2 =	vadd.f32 $1.667533070e-01, v2;
	v46 =	vld.idx.msk [tilespmem:v32+s23+$0x0], $0xffff;
	v5 =	vmul.f32 v5, v3  }
0x161: {  	v23 =	vmul.f32 v23, v36;
	v24 =	vld.idx.msk [tilespmem:v39+s23+$0x0], $0xffff;
	v6 =	vsub.f32 $3.524021430e-02, v6;
	v1 =	vmul.f32 v1, v58  }
0x162: {  	v48 =	vor.u32 s18, v17;
	v2 =	vmul.f32 v2, v53;
	v26 =	vld.idx.msk [tilespmem:v44+s23+$0x0], $0xffff;
	v4 =	vadd.f32 $1.667533070e-01, v5  }
0x163: {  	v5 =	vmul.f32 v6, v62;
	v6 =	vadd.f32 $3.317297700e-01, v23;
	v23 =	vld.idx.msk [tilespmem:v34+s23+$0x0], $0xffff;
	v1 =	vadd.f32 $1.667533070e-01, v1  }
0x164: {  	v12 =	vor.u32 s19, v11;
	v2 =	vadd.f32 $-2.403839530e-01, v2;
	[tilespmem:$0x1FEC0] =	vst v7;
	v7 =	vld [tilespmem:$0x1FF20];
	v4 =	vmul.f32 v4, v3  }
0x165: {  	v11 =	vmax.f32 v38, $0.0e+00;
	v5 =	vadd.f32 $-9.409968550e-02, v5;
	v29 =	vld.idx.msk [tilespmem:v52+s23+$0x0], $0xffff;
	v1 =	vmul.f32 v1, v58  }
0x166: {  	v2 =	vmul.f32 v2, v53;
	v6 =	vmul.f32 v6, v36;
	v52 =	vld.idx.msk [tilespmem:v49+s23+$0x0], $0xffff;
	v4 =	vadd.f32 $-2.403839530e-01, v4  }
0x167: {  	v10 =	vmovc v17;
	v17 =	vor.u32 s18, v9;
	v5 =	vmul.f32 v5, v62;
	v1 =	vadd.f32 $-2.403839530e-01, v1  }
0x168: {  	v2 =	vadd.f32 $3.317297700e-01, v2;
	v6 =	vadd.f32 $-4.998678270e-01, v6;
	v4 =	vmul.f32 v4, v3  }
0x169: {  	v44 =	vmax.f32 v0, $0.0e+00;
	v5 =	vadd.f32 $1.667533070e-01, v5;
	v1 =	vmul.f32 v1, v58  }
0x16a: {  	v2 =	vmul.f32 v2, v53;
	v6 =	vmul.f32 v6, v36;
	v4 =	vadd.f32 $3.317297700e-01, v4  }
0x16b: {  	v0 =	vmul.f32 v0, v7;
	[tilespmem:$0x1FED0] =	vst v52;
	v5 =	vmul.f32 v5, v62;
	v1 =	vadd.f32 $3.317297700e-01, v1  }
0x16c: {  	v2 =	vadd.f32 $-4.998678270e-01, v2;
	v9 =	vmul.f32 v38, v7;
	v31 =	vld.idx.msk [tilespmem:v51+s23+$0x0], $0xffff;
	v4 =	vmul.f32 v4, v3  }
0x16d: {  	v34 =	vmul.f32 v43, v7;
	v28 =	vld.idx.msk [tilespmem:v54+s23+$0x0], $0xffff;
	v5 =	vadd.f32 $-2.403839530e-01, v5;
	v1 =	vmul.f32 v1, v58  }
0x16e: {  	v2 =	vmul.f32 v2, v53;
	v6 =	vadd.f32 $9.999961250e-01, v6;
	v32 =	vld.idx.msk [tilespmem:v12+s23+$0x0], $0xffff;
	v4 =	vadd.f32 $-4.998678270e-01, v4  }
0x16f: {  	v0 =	vsub.f32 v44, v0;
	v38 =	vld.idx.msk [tilespmem:v56+s23+$0x0], $0xffff;
	v5 =	vmul.f32 v5, v62;
	v1 =	vadd.f32 $-4.998678270e-01, v1  }
0x170: {  	v51 =	vor.u32 s19, v10;
	v39 =	vld.idx.msk [tilespmem:v61+s23+$0x0], $0xffff;
	v12 =	vmax.f32 v43, $0.0e+00;
	v4 =	vmul.f32 v4, v3  }
0x171: {  	v41 =	vld.idx.msk [tilespmem:v60+s23+$0x0], $0xffff;
	v2 =	vadd.f32 $9.999961250e-01, v2;
	v5 =	vadd.f32 $3.317297700e-01, v5;
	v1 =	vmul.f32 v1, v58  }
0x172: {  	v43 =	vld.idx.msk [tilespmem:v59+s23+$0x0], $0xffff;
	v6 =	vmul.f32 v6, v36;
	v36 =	vsub.f32 v12, v34;
	v4 =	vadd.f32 $9.999961250e-01, v4  }
0x173: {  	v44 =	vld.idx.msk [tilespmem:v13+s23+$0x0], $0xffff;
	v12 =	vmul.f32 v2, v53;
	v2 =	vmul.f32 v5, v62;
	v1 =	vadd.f32 $9.999961250e-01, v1  }
0x174: {  	v52 =	vsub.f32 v11, v9;
	v11 =	vmovc v57;
	v9 =	vor.u32 s18, v57;
	v57 =	vld.idx.msk [tilespmem:v17+s23+$0x0], $0xffff;
	v3 =	vmul.f32 v4, v3  }
0x175: {  	v17 =	vmul.f32 v1, v58;
	v1 =	vadd.f32 $-4.998678270e-01, v2;
	v2 =	vld [tilespmem:$0x1FEE0]  }
0x176: {  	v47 =	vld.idx.msk [tilespmem:v47+s23+$0x0], $0xffff;
	v6 =	vadd.f32 $1.035522250e-08, v6;
	v3 =	vadd.f32 $1.035522250e-08, v3  }
0x177: {  	s22 =	simm.s32 $0x600;
	v49 =	vld.idx.msk [tilespmem:v63+s23+$0x0], $0xffff;
	v4 =	vor.u32 s18, v20  }
0x178: {  	v53 =	vld.idx.msk [tilespmem:v14+s23+$0x0], $0xffff;
	v5 =	vadd.f32 v6, v36;
	v3 =	vadd.f32 v3, v52;
	v52 =	vor.u32 s22, v8  }
0x179: {  	v59 =	vld.idx.msk [tilespmem:v51+s23+$0x0], $0xffff;
	v6 =	vor.u32 s18, v8  }
0x17a: {  	v13 =	vor.u32 s19, v20;
	v58 =	vld.idx.msk [tilespmem:v48+s23+$0x0], $0xffff;
	v5 =	vadd.f32 v5, v2;
	v2 =	vmul.f32 v50, v7  }
0x17b: {  	v54 =	vor.u32 s19, v8;
	v34 =	vmul.f32 v1, v62;
	v1 =	vld.idx.msk [tilespmem:v9+s23+$0x0], $0xffff;
	v50 =	vmax.f32 v50, $0.0e+00  }
0x17c: {  	v9 =	vor.u32 s21, v20;
	v50 =	vsub.f32 v50, v2;
	v2 =	vld.idx.msk [tilespmem:v4+s23+$0x0], $0xffff;
	v4 =	vadd.f32 $1.035522250e-08, v12  }
0x17d: {  	v48 =	vor.u32 s22, v20;
	v56 =	vld.idx.msk [tilespmem:v52+s23+$0x0], $0xffff;
	v36 =	vadd.f32 v3, v5;
	v5 =	vadd.f32 $9.999961250e-01, v34  }
0x17e: {  	v14 =	vmul.f32 v55, v7;
	v17 =	vadd.f32 $1.035522250e-08, v17;
	v3 =	vld.idx.msk [tilespmem:v6+s23+$0x0], $0xffff;
	v12 =	vor.u32 s21, v8  }
0x17f: {  	v34 =	vmax.f32 v55, $0.0e+00;
	v0 =	vadd.f32 v4, v0;
	v4 =	vld.idx.msk [tilespmem:v13+s23+$0x0], $0xffff;
	v13 =	vmul.f32 v5, v62  }
0x180: {  	v6 =	vld.idx.msk [tilespmem:v54+s23+$0x0], $0xffff;
	v55 =	vsub.f32 v34, v14;
	v17 =	vadd.f32 v17, v50  }
0x181: {  	v60 =	vld.idx.msk [tilespmem:v9+s23+$0x0], $0xffff;
	v50 =	vor.u32 s19, v11;
	v0 =	vadd.f32 v0, v36;
	v36 =	vadd.f32 $1.035522250e-08, v13  }
0x182: {  	v63 =	vor.u32 s22, v10;
	v61 =	vor.u32 s21, v11;
	v54 =	vor.u32 s22, v11;
	v5 =	vld.idx.msk [tilespmem:v48+s23+$0x0], $0xffff  }
0x183: {  	s28 =	simm.s32 $0xE00;
	s26 =	simm.s32 $0x5;
	v62 =	vor.u32 s21, v10;
	v17 =	vadd.f32 v17, v0;
	v0 =	vld.idx.msk [tilespmem:v12+s23+$0x0], $0xffff;
	v48 =	vadd.f32 v36, v55  }
.LBB2_5:
0x184: {  	_ = 	snop  }
0x185: {  	v15 =	vld [tilespmem:$0x1FF10]  }
0x186: {  	v7 =	vld.idx.msk [tilespmem:v50+s23+$0x0], $0xffff  }
0x187: {  	v21 =	vld [tilespmem:$0x1FF80]  }
0x188: {  	v13 =	vld [tilespmem:$0x1FF00]  }
0x189: {  	v14 =	vld [tilespmem:$0x1FEF0]  }
0x18a: {  	v9 =	vld.idx.msk [tilespmem:v54+s23+$0x0], $0xffff  }
0x18b: {  	v16 =	vld [tilespmem:$0x1FF50]  }
0x18c: {  	v36 =	vmov v23;
	v23 =	vld [tilespmem:$0x1FF70]  }
0x18d: {  	v61 =	vld.idx.msk [tilespmem:v61+s23+$0x0], $0xffff  }
0x18e: {  	v20 =	vld [tilespmem:$0x1FF60]  }
0x18f: {  	v63 =	vld.idx.msk [tilespmem:v63+s23+$0x0], $0xffff  }
0x190: {  	v11 =	vadd.f32 v48, v17;
	v17 =	vld [tilespmem:$0x1FFD0]  }
0x191: {  	v45 =	vadd.f32 v46, v45;
	v46 =	vld.idx.msk [tilespmem:v62+s23+$0x0], $0xffff  }
0x192: {  	v19 =	vld [tilespmem:$0x1FF40];
	v8 =	vor.u32 s19, v21  }
0x193: {  	v18 =	vld [tilespmem:$0x1FF30];
	v2 =	vadd.f32 v3, v2;
	v10 =	vor.u32 s22, v21  }
0x194: {  	[tilespmem:$0x1FE60] =	vst v11;
	v0 =	vadd.f32 v0, v60;
	v60 =	vld [tilespmem:$0x1FFE0];
	v11 =	vor.u32 s21, v21  }
0x195: {  	v34 =	vmov v24;
	v24 =	vld [tilespmem:$0x1FEB0];
	v12 =	vor.u32 s22, v17;
	v1 =	vadd.f32 v1, v2  }
0x196: {  	v62 =	vor.u32 s21, v17;
	v2 =	vadd.f32 v42, v45;
	v0 =	vadd.f32 v61, v0;
	v61 =	vld [tilespmem:$0x1FFF0]  }
0x197: {  	v4 =	vadd.f32 v6, v4;
	v3 =	vadd.f32 v56, v5;
	v5 =	vld.idx.msk [tilespmem:v8+s23+$0x0], $0xffff  }
0x198: {  	v2 =	vadd.f32 v40, v2;
	v1 =	vadd.f32 v58, v1;
	v58 =	vor.u32 s22, v18;
	v8 =	vld.idx.msk [tilespmem:v10+s23+$0x0], $0xffff  }
0x199: {  	v6 =	vor.u32 s19, v60;
	v11 =	vld.idx.msk [tilespmem:v11+s23+$0x0], $0xffff  }
0x19a: {  	v4 =	vadd.f32 v7, v4;
	v56 =	vor.u32 s21, v60;
	v2 =	vadd.f32 v37, v2;
	v7 =	vld.idx.msk [tilespmem:v12+s23+$0x0], $0xffff  }
0x19b: {  	v10 =	vor.u32 s22, v60;
	v12 =	vld.idx.msk [tilespmem:v62+s23+$0x0], $0xffff  }
0x19c: {  	v3 =	vadd.f32 v9, v3;
	v9 =	vor.u32 s22, v61;
	v2 =	vadd.f32 v35, v2;
	v35 =	vld [tilespmem:$0x1FEC0]  }
0x19d: {  	v40 =	vor.u32 s21, v61;
	v30 =	vld.idx.msk [tilespmem:v58+s23+$0x0], $0xffff  }
0x19e: {  	v3 =	vadd.f32 v63, v3;
	v62 =	vor.u32 s19, v19;
	v6 =	vld.idx.msk [tilespmem:v6+s23+$0x0], $0xffff  }
0x19f: {  	v4 =	vadd.f32 v59, v4;
	v0 =	vadd.f32 v46, v0;
	v63 =	vor.u32 s21, v19;
	v56 =	vld.idx.msk [tilespmem:v56+s23+$0x0], $0xffff  }
0x1a0: {  	v1 =	vadd.f32 v57, v1;
	v10 =	vld.idx.msk [tilespmem:v10+s23+$0x0], $0xffff;
	v3 =	vadd.f32 v8, v3;
	v8 =	vor.u32 s22, v19  }
0x1a1: {  	v4 =	vadd.f32 v5, v4;
	v0 =	vadd.f32 v11, v0;
	v5 =	vor.u32 s21, v18;
	v9 =	vld.idx.msk [tilespmem:v9+s23+$0x0], $0xffff  }
0x1a2: {  	v59 =	vor.u32 s21, v20;
	v1 =	vadd.f32 v49, v1;
	v57 =	vld.idx.msk [tilespmem:v40+s23+$0x0], $0xffff  }
0x1a3: {  	v0 =	vadd.f32 v12, v0;
	v3 =	vadd.f32 v7, v3;
	v7 =	vld.idx.msk [tilespmem:v62+s23+$0x0], $0xffff  }
0x1a4: {  	v45 =	vor.u32 s22, v20;
	v2 =	vadd.f32 v33, v2;
	v4 =	vadd.f32 v53, v4;
	v62 =	vld.idx.msk [tilespmem:v63+s23+$0x0], $0xffff  }
0x1a5: {  	v1 =	vadd.f32 v47, v1;
	v63 =	vor.u32 s21, v16;
	v0 =	vadd.f32 v56, v0;
	v8 =	vld.idx.msk [tilespmem:v8+s23+$0x0], $0xffff  }
0x1a6: {  	v2 =	vadd.f32 v27, v2;
	v4 =	vadd.f32 v6, v4;
	v6 =	vor.u32 s21, v23;
	v5 =	vld.idx.msk [tilespmem:v5+s23+$0x0], $0xffff  }
0x1a7: {  	v46 =	vor.u32 s22, v16;
	v47 =	vld.idx.msk [tilespmem:v59+s23+$0x0], $0xffff;
	v3 =	vadd.f32 v10, v3;
	v0 =	vadd.f32 v57, v0  }
0x1a8: {  	v49 =	vor.u32 s19, v16;
	v1 =	vadd.f32 v43, v1;
	v2 =	vadd.f32 v24, v2;
	v24 =	vld [tilespmem:$0x1FED0]  }
0x1a9: {  	v56 =	vor.u32 s22, v23;
	v10 =	vld.idx.msk [tilespmem:v45+s23+$0x0], $0xffff;
	v3 =	vadd.f32 v9, v3;
	v0 =	vadd.f32 v62, v0  }
0x1aa: {  	v1 =	vadd.f32 v41, v1;
	v2 =	vadd.f32 v25, v2;
	v53 =	vld.idx.msk [tilespmem:v63+s23+$0x0], $0xffff  }
0x1ab: {  	v6 =	vld.idx.msk [tilespmem:v6+s23+$0x0], $0xffff;
	v3 =	vadd.f32 v8, v3;
	v8 =	vor.u32 s22, v14;
	v0 =	vadd.f32 v5, v0  }
0x1ac: {  	v25 =	vor.u32 s19, v14;
	v1 =	vadd.f32 v38, v1;
	v4 =	vadd.f32 v44, v4;
	v5 =	vld.idx.msk [tilespmem:v46+s23+$0x0], $0xffff  }
0x1ad: {  	v27 =	vor.u32 s22, v15;
	v9 =	vld.idx.msk [tilespmem:v49+s23+$0x0], $0xffff;
	v3 =	vadd.f32 v30, v3;
	v0 =	vadd.f32 v47, v0  }
0x1ae: {  	v2 =	vadd.f32 v22, v2;
	v4 =	vadd.f32 v7, v4;
	v7 =	vor.u32 s19, v23;
	v57 =	vld.idx.msk [tilespmem:v56+s23+$0x0], $0xffff  }
0x1af: {  	v22 =	vor.u32 s22, v13;
	v62 =	vld [tilespmem:$0x1FE90];
	v0 =	vadd.f32 v53, v0;
	v3 =	vadd.f32 v10, v3  }
0x1b0: {  	v1 =	vadd.f32 v28, v1;
	v8 =	vld.idx.msk [tilespmem:v8+s23+$0x0], $0xffff  }
0x1b1: {  	v59 =	vld.idx.msk [tilespmem:v25+s23+$0x0], $0xffff;
	v25 =	vor.u32 s18, v13;
	v0 =	vadd.f32 v6, v0;
	v3 =	vadd.f32 v5, v3  }
0x1b2: {  	v1 =	vadd.f32 v24, v1;
	v4 =	vadd.f32 v39, v4;
	v30 =	vor.u32 s19, v15;
	v5 =	vld.idx.msk [tilespmem:v27+s23+$0x0], $0xffff  }
0x1b3: {  	v58 =	vor.u32 s19, v13;
	v7 =	vld.idx.msk [tilespmem:v7+s23+$0x0], $0xffff;
	v0 =	vadd.f32 v31, v0;
	v3 =	vadd.f32 v57, v3  }
0x1b4: {  	v1 =	vadd.f32 v35, v1;
	v4 =	vadd.f32 v32, v4;
	v63 =	vld.idx.msk [tilespmem:v22+s23+$0x0], $0xffff  }
0x1b5: {  	v24 =	vld [tilespmem:$0x1FEA0];
	v0 =	vadd.f32 v29, v0;
	v3 =	vadd.f32 v8, v3  }
0x1b6: {  	v1 =	vadd.f32 v34, v1;
	v4 =	vadd.f32 v9, v4;
	v8 =	vld.idx.msk [tilespmem:v25+s23+$0x0], $0xffff  }
0x1b7: {  	v6 =	vld.idx.msk [tilespmem:v30+s23+$0x0], $0xffff;
	v44 =	vadd.f32 v26, v0;
	v0 =	vadd.f32 v5, v3  }
0x1b8: {  	v55 =	vor.u32 s17, v13;
	v4 =	vadd.f32 v7, v4;
	v7 =	vld.idx.msk [tilespmem:v58+s23+$0x0], $0xffff  }
0x1b9: {  	v5 =	vld [tilespmem:$0x1FE80];
	v38 =	vadd.f32 v63, v0;
	v0 =	vadd.f32 v36, v1  }
0x1ba: {  	v2 =	vadd.f32 v24, v2;
	v4 =	vadd.f32 v59, v4  }
0x1bb: {  	v56 =	vadd.f32 v8, v0;
	v0 =	vld [tilespmem:$0x1FE70]  }
0x1bc: {  	v2 =	vadd.f32 v62, v2;
	v4 =	vadd.f32 v6, v4  }
0x1bd: {  	v3 =	vld.idx.msk [tilespmem:v55+s23+$0x0], $0xffff  }
0x1be: {  	v31 =	vadd.f32 v7, v4;
	v2 =	vadd.f32 v5, v2;
	v5 =	vand.u32 $0x7FFFFFFF, v44  }
0x1bf: {  	v4 =	vand.u32 $0x7FFFFFFF, v38;
	v1 =	vsub.f32 $0.0e+00, v5  }
0x1c0: {  	v0 =	vadd.f32 v0, v2;
	v2 =	vsub.f32 $0.0e+00, v4;
	v4 =	vand.u32 $0x7FFFFFFF, v31  }
0x1c1: {  	v52 =	vor.u32 s28, v15;
	v1 =	vmul.f32 $1.442695020e+00, v1;
	v4 =	vsub.f32 $0.0e+00, v4  }
0x1c2: {  	v55 =	vadd.f32 v3, v0;
	v0 =	vmul.f32 $1.442695020e+00, v2;
	v2 =	vand.u32 $0x7FFFFFFF, v56  }
0x1c3: {  	v2 =	vsub.f32 $0.0e+00, v2  }
0x1c4: {  	(erf) = vpow2.f32 v1;
	v1 =	vmul.f32 $1.442695020e+00, v4  }
0x1c5: {  	(erf) = vpow2.f32 v0;
	v0 =	vmul.f32 $1.442695020e+00, v2  }
0x1c6: {  	(erf) = vpow2.f32 v1  }
0x1c7: {  	v51 =	vor.u32 s28, v14;
	(erf) = vpow2.f32 v0;
	v0 =	vld.idx.msk [tilespmem:v52+s23+$0x0], $0xffff;
	_ =	sdelay $0x3  }
0x1c8: {  	v40 =	vld [tilespmem:$0x1FFB0]  }
0x1c9: {  	v54 =	vor.u32 s28, v23;
	[tilespmem:$0x1FE70] =	vst v0;
	v0 =	vld.idx.msk [tilespmem:v51+s23+$0x0], $0xffff;
	_ =	sdelay $0x3  }
0x1ca: {  	v50 =	vor.u32 s28, v16;
	v48 =	vor.u32 s28, v20;
	v33 =	vor.u32 s28, v60  }
0x1cb: {  	v11 =	vor.u32 s28, v40;
	v28 =	vor.u32 s28, v21;
	s18 =	sadd.s32 $0xFFFFFF00, s28;
	v3 =	vand.u32 $0x7FFFFFFF, v55;
	[tilespmem:$0x1FE80] =	vst v0;
	v0 =	vld.idx.msk [tilespmem:v54+s23+$0x0], $0xffff  }
0x1cc: {  	v45 =	vld [tilespmem:$0x1FFC0];
	v43 =	vor.u32 s18, v61;
	v41 =	vor.u32 s18, v19;
	v2 =	vsub.f32 $0.0e+00, v3  }
0x1cd: {  	s21 =	sadd.s32 $0xFFFFFC00, s28;
	v49 =	vor.u32 s18, v17;
	v32 =	vor.u32 s28, v18;
	v22 =	vld [tilespmem:$0x1FFA0];
	v47 =	vor.u32 s18, v60  }
0x1ce: {  	s19 =	sadd.s32 $0xFFFFFE00, s28;
	v60 =	vor.u32 s18, v40;
	v34 =	vor.u32 s21, v13;
	v1 =	vmul.f32 $1.442695020e+00, v2  }
0x1cf: {  	v13 =	vor.u32 s18, v16;
	v16 =	vor.u32 s18, v20;
	v39 =	vor.u32 s19, v18  }
0x1d0: {  	v18 =	vor.u32 s18, v18;
	v9 =	vor.u32 s28, v61;
	v10 =	vor.u32 s28, v17;
	[tilespmem:$0x1FE90] =	vst v0;
	v0 =	vld.idx.msk [tilespmem:v50+s23+$0x0], $0xffff  }
0x1d1: {  	s22 =	sadd.s32 $0xFFFFFD00, s28;
	v53 =	vor.u32 s19, v17;
	v27 =	vor.u32 s28, v19;
	v62 =	vor.u32 s21, v40;
	v2 =	vpop (erf)  }
0x1d2: {  	v24 =	vor.u32 s28, v22;
	v30 =	vld.idx.msk [tilespmem:v48+s23+$0x0], $0xffff;
	v48 =	vor.u32 s22, v45;
	(erf) = vpow2.f32 v1;
	v1 =	vpop (erf)  }
0x1d3: {  	v57 =	vor.u32 s18, v21;
	v25 =	vld [tilespmem:$0x1FF90];
	v29 =	vor.u32 s21, v15;
	v26 =	vor.u32 s18, v14;
	v3 =	vpop (erf)  }
0x1d4: {  	v14 =	vor.u32 s21, v14;
	v6 =	vor.u32 s19, v61;
	v19 =	vmul.f32 $6.220825480e-03, v3  }
0x1d5: {  	v33 =	vld.idx.msk [tilespmem:v33+s23+$0x0], $0xffff;
	v61 =	vor.u32 s18, v22;
	v7 =	vor.u32 s28, v45;
	v4 =	vpop (erf);
	[tilespmem:$0x1FEA0] =	vst v0;
	v0 =	vmul.f32 $6.220825480e-03, v2  }
0x1d6: {  	v36 =	vor.u32 s18, v23;
	v5 =	vld.idx.msk [tilespmem:v27+s23+$0x0], $0xffff;
	v23 =	vsub.f32 $3.524021430e-02, v19;
	v42 =	vmul.f32 $6.220825480e-03, v4  }
0x1d7: {  	v41 =	vld.idx.msk [tilespmem:v41+s23+$0x0], $0xffff;
	v63 =	vor.u32 s18, v45;
	v17 =	vmul.f32 $6.220825480e-03, v1;
	v0 =	vsub.f32 $3.524021430e-02, v0  }
0x1d8: {  	v43 =	vld.idx.msk [tilespmem:v43+s23+$0x0], $0xffff;
	v12 =	vor.u32 s28, v25;
	v46 =	vmul.f32 v23, v3;
	v23 =	vsub.f32 $3.524021430e-02, v42  }
0x1d9: {  	v35 =	vld.idx.msk [tilespmem:v10+s23+$0x0], $0xffff;
	v58 =	vor.u32 s18, v25;
	v37 =	vsub.f32 $3.524021430e-02, v17;
	v0 =	vmul.f32 v0, v2  }
0x1da: {  	v8 =	vor.u32 s18, v15;
	v27 =	vld.idx.msk [tilespmem:v9+s23+$0x0], $0xffff;
	v10 =	vadd.f32 $-9.409968550e-02, v46;
	v23 =	vmul.f32 v23, v4  }
0x1db: {  	[tilespmem:$0x1FEB0] =	vst v5;
	v52 =	vor.u32 s19, v45;
	v9 =	vmul.f32 v37, v1;
	v5 =	vpop (erf);
	v37 =	vld.idx.msk [tilespmem:v28+s23+$0x0], $0xffff;
	v0 =	vadd.f32 $-9.409968550e-02, v0  }
0x1dc: {  	v28 =	vmul.f32 $6.220825480e-03, v5;
	v46 =	vld.idx.msk [tilespmem:v7+s23+$0x0], $0xffff;
	v7 =	vmul.f32 v10, v3;
	v10 =	vadd.f32 $-9.409968550e-02, v23  }
0x1dd: {  	v21 =	vld.idx.msk [tilespmem:v32+s23+$0x0], $0xffff;
	v51 =	vor.u32 s19, v40;
	v9 =	vadd.f32 $-9.409968550e-02, v9;
	v32 =	vmul.f32 v0, v2  }
0x1de: {  	v42 =	vld.idx.msk [tilespmem:v24+s23+$0x0], $0xffff;
	v24 =	vsub.f32 $3.524021430e-02, v28;
	v7 =	vadd.f32 $1.667533070e-01, v7;
	v10 =	vmul.f32 v10, v4  }
0x1df: {  	v9 =	vmul.f32 v9, v1;
	v0 =	vor.u32 s21, v45;
	v45 =	vld.idx.msk [tilespmem:v11+s23+$0x0], $0xffff;
	v11 =	vadd.f32 $1.667533070e-01, v32  }
0x1e0: {  	v17 =	vld [tilespmem:$0x1FF20];
	v7 =	vmul.f32 v7, v3;
	v10 =	vadd.f32 $1.667533070e-01, v10;
	v32 =	vmul.f32 v24, v5  }
0x1e1: {  	v54 =	vor.u32 s22, v40;
	v23 =	vld.idx.msk [tilespmem:v8+s23+$0x0], $0xffff;
	v9 =	vadd.f32 $1.667533070e-01, v9;
	v8 =	vmul.f32 v11, v2  }
0x1e2: {  	v40 =	vld.idx.msk [tilespmem:v12+s23+$0x0], $0xffff;
	v7 =	vadd.f32 $-2.403839530e-01, v7;
	v10 =	vmul.f32 v10, v4;
	v12 =	vadd.f32 $-9.409968550e-02, v32  }
0x1e3: {  	v49 =	vld.idx.msk [tilespmem:v49+s23+$0x0], $0xffff;
	v15 =	vor.u32 s19, v20;
	v9 =	vmul.f32 v9, v1;
	v8 =	vadd.f32 $-2.403839530e-01, v8  }
0x1e4: {  	v47 =	vld.idx.msk [tilespmem:v47+s23+$0x0], $0xffff;
	v7 =	vmul.f32 v7, v3;
	v10 =	vadd.f32 $-2.403839530e-01, v10;
	v12 =	vmul.f32 v12, v5  }
0x1e5: {  	v13 =	vld.idx.msk [tilespmem:v13+s23+$0x0], $0xffff;
	v59 =	vor.u32 s19, v25;
	v9 =	vadd.f32 $-2.403839530e-01, v9;
	v8 =	vmul.f32 v8, v2  }
0x1e6: {  	v39 =	vld.idx.msk [tilespmem:v39+s23+$0x0], $0xffff;
	v7 =	vadd.f32 $3.317297700e-01, v7;
	v10 =	vmul.f32 v10, v4;
	v12 =	vadd.f32 $1.667533070e-01, v12  }
0x1e7: {  	v28 =	vld.idx.msk [tilespmem:v16+s23+$0x0], $0xffff;
	v16 =	vmul.f32 v44, v17;
	v9 =	vmul.f32 v9, v1;
	v8 =	vadd.f32 $3.317297700e-01, v8  }
0x1e8: {  	v53 =	vld.idx.msk [tilespmem:v53+s23+$0x0], $0xffff;
	v7 =	vmul.f32 v7, v3;
	v10 =	vadd.f32 $3.317297700e-01, v10;
	v12 =	vmul.f32 v12, v5  }
0x1e9: {  	v9 =	vadd.f32 $3.317297700e-01, v9;
	v32 =	vld.idx.msk [tilespmem:v15+s23+$0x0], $0xffff;
	v15 =	vmax.f32 v44, $0.0e+00;
	v8 =	vmul.f32 v8, v2  }
0x1ea: {  	v44 =	vld.idx.msk [tilespmem:v6+s23+$0x0], $0xffff;
	v6 =	vadd.f32 $-4.998678270e-01, v7;
	v7 =	vmul.f32 v10, v4;
	v12 =	vadd.f32 $-2.403839530e-01, v12  }
0x1eb: {  	[tilespmem:$0x1FED0] =	vst v13;
	v57 =	vld.idx.msk [tilespmem:v57+s23+$0x0], $0xffff;
	v13 =	vmax.f32 v38, $0.0e+00;
	v9 =	vmul.f32 v9, v1;
	v8 =	vadd.f32 $-4.998678270e-01, v8  }
0x1ec: {  	v20 =	vld.idx.msk [tilespmem:v36+s23+$0x0], $0xffff;
	v6 =	vmul.f32 v6, v3;
	v7 =	vadd.f32 $-4.998678270e-01, v7;
	v12 =	vmul.f32 v12, v5  }
0x1ed: {  	v29 =	vld.idx.msk [tilespmem:v29+s23+$0x0], $0xffff;
	v19 =	vmax.f32 v31, $0.0e+00;
	v9 =	vadd.f32 $-4.998678270e-01, v9;
	v8 =	vmul.f32 v8, v2  }
0x1ee: {  	v24 =	vld.idx.msk [tilespmem:v26+s23+$0x0], $0xffff;
	v6 =	vadd.f32 $9.999961250e-01, v6;
	v7 =	vmul.f32 v7, v4;
	v36 =	vadd.f32 $3.317297700e-01, v12  }
0x1ef: {  	v26 =	vld.idx.msk [tilespmem:v34+s23+$0x0], $0xffff;
	v34 =	vmul.f32 v38, v17;
	v9 =	vmul.f32 v9, v1;
	v8 =	vadd.f32 $9.999961250e-01, v8  }
0x1f0: {  	v58 =	vld.idx.msk [tilespmem:v58+s23+$0x0], $0xffff;
	v3 =	vmul.f32 v6, v3;
	v6 =	vadd.f32 $9.999961250e-01, v7;
	v10 =	vmul.f32 v36, v5  }
0x1f1: {  	v59 =	vld.idx.msk [tilespmem:v59+s23+$0x0], $0xffff;
	[tilespmem:$0x1FEC0] =	vst v20;
	v20 =	vmul.f32 v31, v17;
	v2 =	vmul.f32 v8, v2;
	v8 =	vadd.f32 $9.999961250e-01, v9  }
0x1f2: {  	v6 =	vmul.f32 v6, v4;
	v4 =	vld [tilespmem:$0x1FE60];
	v9 =	vsub.f32 v13, v34;
	v10 =	vadd.f32 $-4.998678270e-01, v10  }
0x1f3: {  	v31 =	vld.idx.msk [tilespmem:v14+s23+$0x0], $0xffff;
	v34 =	vsub.f32 v15, v16;
	v2 =	vadd.f32 $1.035522250e-08, v2;
	v8 =	vmul.f32 v8, v1  }
0x1f4: {  	v38 =	vld.idx.msk [tilespmem:v18+s23+$0x0], $0xffff;
	v12 =	vsub.f32 v19, v20;
	v15 =	vadd.f32 $1.035522250e-08, v6;
	v7 =	vmul.f32 v10, v5  }
0x1f5: {  	v0 =	vld.idx.msk [tilespmem:v0+s23+$0x0], $0xffff;
	v36 =	vadd.f32 v2, v34;
	v8 =	vadd.f32 $1.035522250e-08, v8  }
0x1f6: {  	v11 =	vmul.f32 v55, v17;
	v6 =	vld.idx.msk [tilespmem:v52+s23+$0x0], $0xffff;
	v34 =	vadd.f32 $1.035522250e-08, v3;
	v7 =	vadd.f32 $9.999961250e-01, v7  }
0x1f7: {  	s26 =	sadd.s32 $0x5, s26;
	v1 =	vld.idx.msk [tilespmem:v61+s23+$0x0], $0xffff;
	v61 =	vmul.f32 v56, v17;
	v10 =	vadd.f32 v36, v4;
	v8 =	vadd.f32 v8, v9  }
0x1f8: {  	p1 =	slt.u32 s26, $0x14;
	v36 =	vmax.f32 v56, $0.0e+00;
	v4 =	vld.idx.msk [tilespmem:v51+s23+$0x0], $0xffff;
	v7 =	vmul.f32 v7, v5;
	v51 =	vadd.f32 v34, v12  }
.Ltmp1:
0x1f9: {  	v3 =	vld.idx.msk [tilespmem:v63+s23+$0x0], $0xffff;
	v63 =	vmax.f32 v55, $0.0e+00;
	v9 =	vsub.f32 v36, v61;
	v8 =	vadd.f32 v8, v10;
	(pc) =	sbr.rel @p1 .LBB2_5-.Ltmp1, $4  }
0x1fa: {  	v2 =	vld.idx.msk [tilespmem:v60+s23+$0x0], $0xffff;
	v11 =	vsub.f32 v63, v11;
	v7 =	vadd.f32 $1.035522250e-08, v7  }
0x1fb: {  	v50 =	vor.u32 s19, v22;
	v60 =	vld.idx.msk [tilespmem:v62+s23+$0x0], $0xffff;
	v9 =	vadd.f32 v15, v9;
	v8 =	vadd.f32 v51, v8  }
0x1fc: {  	v62 =	vor.u32 s21, v25;
	v63 =	vor.u32 s22, v25;
	v25 =	vmovc v21;
	v5 =	vld.idx.msk [tilespmem:v54+s23+$0x0], $0xffff;
	v54 =	vor.u32 s22, v22  }
0x1fd: {  	s17 =	smov.u32 s28;
	s28 =	sadd.s32 $0x500, s28;
	v56 =	vld.idx.msk [tilespmem:v48+s23+$0x0], $0xffff;
	v61 =	vor.u32 s21, v22;
	v22 =	vmovc v30;
	v48 =	vadd.f32 v7, v11;
	v17 =	vadd.f32 v9, v8  }
0x1fe: {  	_ =	sdelay $0x3  }
0x1ff: {  	v7 =	vld.idx.msk [tilespmem:v50+s23+$0x0], $0xffff  }
0x200: {  	v13 =	vld [tilespmem:$0x1FF80]  }
0x201: {  	v9 =	vld.idx.msk [tilespmem:v54+s23+$0x0], $0xffff  }
0x202: {  	v11 =	vld.idx.msk [tilespmem:v61+s23+$0x0], $0xffff  }
0x203: {  	v4 =	vadd.f32 v6, v4;
	v6 =	vld.idx.msk [tilespmem:v63+s23+$0x0], $0xffff  }
0x204: {  	v12 =	vadd.f32 v46, v45;
	v46 =	vld [tilespmem:$0x1FFD0]  }
0x205: {  	v14 =	vld.idx.msk [tilespmem:v62+s23+$0x0], $0xffff;
	v2 =	vadd.f32 v3, v2  }
0x206: {  	v50 =	vld [tilespmem:$0x1FFE0]  }
0x207: {  	v63 =	vld [tilespmem:$0x1FFF0];
	v1 =	vadd.f32 v1, v2  }
0x208: {  	v30 =	vld [tilespmem:$0x1FEF0];
	v8 =	vor.u32 s19, v13  }
0x209: {  	v54 =	vld [tilespmem:$0x1FF00];
	v10 =	vor.u32 s22, v13;
	v1 =	vadd.f32 v58, v1  }
0x20a: {  	v45 =	vmov v13;
	v13 =	vor.u32 s21, v13;
	v4 =	vadd.f32 v7, v4;
	v58 =	vld [tilespmem:$0x1FF60]  }
0x20b: {  	v3 =	vor.u32 s22, v46;
	v1 =	vadd.f32 v57, v1;
	v57 =	vld [tilespmem:$0x1FF50]  }
0x20c: {  	v5 =	vadd.f32 v56, v5;
	v15 =	vor.u32 s21, v46;
	v4 =	vadd.f32 v59, v4;
	v59 =	vld [tilespmem:$0x1FF70]  }
0x20d: {  	v56 =	vor.u32 s19, v50;
	v2 =	vld.idx.msk [tilespmem:v8+s23+$0x0], $0xffff  }
0x20e: {  	v5 =	vadd.f32 v9, v5;
	v9 =	vld.idx.msk [tilespmem:v10+s23+$0x0], $0xffff  }
0x20f: {  	v34 =	vor.u32 s22, v63;
	v10 =	vld.idx.msk [tilespmem:v13+s23+$0x0], $0xffff  }
0x210: {  	v7 =	vor.u32 s22, v50;
	v3 =	vld.idx.msk [tilespmem:v3+s23+$0x0], $0xffff  }
0x211: {  	v8 =	vadd.f32 v42, v12;
	v42 =	vor.u32 s21, v50;
	v36 =	vld.idx.msk [tilespmem:v15+s23+$0x0], $0xffff  }
0x212: {  	v12 =	vld.idx.msk [tilespmem:v56+s23+$0x0], $0xffff  }
0x213: {  	v5 =	vadd.f32 v6, v5;
	v6 =	vor.u32 s21, v63;
	v1 =	vadd.f32 v49, v1;
	v56 =	vld [tilespmem:$0x1FF40]  }
0x214: {  	v13 =	vld.idx.msk [tilespmem:v34+s23+$0x0], $0xffff;
	v34 =	vor.u32 s21, v58  }
0x215: {  	v7 =	vld.idx.msk [tilespmem:v7+s23+$0x0], $0xffff;
	v1 =	vadd.f32 v47, v1  }
0x216: {  	v0 =	vadd.f32 v0, v60;
	v60 =	vld.idx.msk [tilespmem:v42+s23+$0x0], $0xffff  }
0x217: {  	v1 =	vadd.f32 v43, v1;
	v43 =	vor.u32 s19, v57;
	v42 =	vld [tilespmem:$0x1FF30]  }
0x218: {  	v0 =	vadd.f32 v11, v0;
	v6 =	vld.idx.msk [tilespmem:v6+s23+$0x0], $0xffff  }
0x219: {  	v8 =	vadd.f32 v40, v8;
	v15 =	vor.u32 s19, v56;
	v1 =	vadd.f32 v41, v1;
	v40 =	vld.idx.msk [tilespmem:v34+s23+$0x0], $0xffff  }
0x21a: {  	v0 =	vadd.f32 v14, v0;
	v2 =	vadd.f32 v2, v4;
	v4 =	vor.u32 s21, v56;
	v41 =	vld [tilespmem:$0x1FEB0]  }
0x21b: {  	v5 =	vadd.f32 v9, v5;
	v61 =	vor.u32 s22, v56;
	v1 =	vadd.f32 v38, v1;
	v38 =	vld [tilespmem:$0x1FEA0]  }
0x21c: {  	v0 =	vadd.f32 v10, v0;
	v14 =	vld.idx.msk [tilespmem:v43+s23+$0x0], $0xffff;
	v62 =	vor.u32 s21, v42  }
0x21d: {  	v3 =	vadd.f32 v3, v5;
	v43 =	vld [tilespmem:$0x1FEC0];
	v5 =	vor.u32 s22, v42  }
0x21e: {  	v8 =	vadd.f32 v37, v8;
	v0 =	vadd.f32 v36, v0;
	v15 =	vld.idx.msk [tilespmem:v15+s23+$0x0], $0xffff  }
0x21f: {  	v3 =	vadd.f32 v7, v3;
	v7 =	vor.u32 s21, v57;
	v4 =	vld.idx.msk [tilespmem:v4+s23+$0x0], $0xffff  }
0x220: {  	v8 =	vadd.f32 v35, v8;
	v36 =	vor.u32 s22, v58;
	v0 =	vadd.f32 v60, v0;
	v35 =	vld.idx.msk [tilespmem:v61+s23+$0x0], $0xffff  }
0x221: {  	v37 =	vor.u32 s21, v59;
	v2 =	vadd.f32 v53, v2;
	v11 =	vld.idx.msk [tilespmem:v62+s23+$0x0], $0xffff  }
0x222: {  	v0 =	vadd.f32 v6, v0;
	v6 =	vor.u32 s22, v57;
	v5 =	vld.idx.msk [tilespmem:v5+s23+$0x0], $0xffff  }
0x223: {  	v2 =	vadd.f32 v12, v2;
	v3 =	vadd.f32 v13, v3;
	v62 =	vld [tilespmem:$0x1FF10]  }
0x224: {  	v8 =	vadd.f32 v33, v8;
	v0 =	vadd.f32 v4, v0;
	v4 =	vld.idx.msk [tilespmem:v7+s23+$0x0], $0xffff;
	v7 =	vor.u32 s22, v59  }
0x225: {  	v47 =	vor.u32 s19, v59;
	v2 =	vadd.f32 v44, v2;
	v44 =	vld.idx.msk [tilespmem:v36+s23+$0x0], $0xffff;
	v3 =	vadd.f32 v35, v3  }
0x226: {  	v33 =	vor.u32 s22, v30;
	v49 =	vld.idx.msk [tilespmem:v37+s23+$0x0], $0xffff;
	v8 =	vadd.f32 v27, v8;
	v0 =	vadd.f32 v11, v0  }
0x227: {  	v2 =	vadd.f32 v15, v2;
	v3 =	vadd.f32 v5, v3;
	v5 =	vld.idx.msk [tilespmem:v6+s23+$0x0], $0xffff;
	v6 =	vor.u32 s19, v30  }
0x228: {  	v1 =	vadd.f32 v28, v1;
	v36 =	vld [tilespmem:$0x1FED0];
	v34 =	vor.u32 s22, v62;
	v0 =	vadd.f32 v40, v0  }
0x229: {  	v8 =	vadd.f32 v41, v8;
	v2 =	vadd.f32 v39, v2;
	v7 =	vld.idx.msk [tilespmem:v7+s23+$0x0], $0xffff;
	v15 =	vor.u32 s19, v62  }
0x22a: {  	v35 =	vld.idx.msk [tilespmem:v47+s23+$0x0], $0xffff;
	v3 =	vadd.f32 v44, v3;
	v0 =	vadd.f32 v4, v0;
	v4 =	vor.u32 s22, v54  }
0x22b: {  	v37 =	vld.idx.msk [tilespmem:v33+s23+$0x0], $0xffff;
	v8 =	vadd.f32 v25, v8;
	v39 =	vor.u32 s19, v54;
	v2 =	vadd.f32 v32, v2  }
0x22c: {  	v6 =	vld.idx.msk [tilespmem:v6+s23+$0x0], $0xffff;
	v3 =	vadd.f32 v5, v3;
	v0 =	vadd.f32 v49, v0  }
0x22d: {  	v8 =	vadd.f32 v22, v8;
	v2 =	vadd.f32 v14, v2;
	v13 =	vld.idx.msk [tilespmem:v34+s23+$0x0], $0xffff  }
0x22e: {  	v3 =	vadd.f32 v7, v3;
	v7 =	vld.idx.msk [tilespmem:v15+s23+$0x0], $0xffff;
	v0 =	vadd.f32 v31, v0  }
0x22f: {  	v1 =	vadd.f32 v36, v1;
	v2 =	vadd.f32 v35, v2;
	v4 =	vld.idx.msk [tilespmem:v4+s23+$0x0], $0xffff  }
0x230: {  	v44 =	vld.idx.msk [tilespmem:v39+s23+$0x0], $0xffff;
	v3 =	vadd.f32 v37, v3;
	v0 =	vadd.f32 v29, v0  }
0x231: {  	v1 =	vadd.f32 v43, v1;
	v40 =	vld [tilespmem:$0x1FE90];
	v5 =	vor.u32 s18, v54;
	v2 =	vadd.f32 v6, v2  }
0x232: {  	v41 =	vor.u32 s17, v54;
	v22 =	vadd.f32 v26, v0;
	v0 =	vadd.f32 v13, v3  }
0x233: {  	v1 =	vadd.f32 v24, v1;
	v6 =	vld [tilespmem:$0x1FE80];
	v2 =	vadd.f32 v7, v2  }
0x234: {  	v8 =	vadd.f32 v38, v8;
	v20 =	vadd.f32 v4, v0  }
0x235: {  	v0 =	vadd.f32 v23, v1;
	v1 =	vadd.f32 v44, v2;
	v2 =	vld [tilespmem:$0x1FE70]  }
0x236: {  	v8 =	vadd.f32 v40, v8;
	v5 =	vld.idx.msk [tilespmem:v5+s23+$0x0], $0xffff  }
0x237: {  	v3 =	vld.idx.msk [tilespmem:v41+s23+$0x0], $0xffff  }
0x238: {  	v6 =	vadd.f32 v6, v8;
	_ =	sdelay $0x1  }
0x239: {  	v4 =	vand.u32 $0x7FFFFFFF, v22;
	v2 =	vadd.f32 v2, v6  }
0x23a: {  	v4 =	vsub.f32 $0.0e+00, v4;
	v19 =	vadd.f32 v5, v0;
	v6 =	vand.u32 $0x7FFFFFFF, v20  }
0x23b: {  	v5 =	vand.u32 $0x7FFFFFFF, v1;
	v0 =	vsub.f32 $0.0e+00, v6;
	v18 =	vadd.f32 v3, v2  }
0x23c: {  	v2 =	vmul.f32 $1.442695020e+00, v4;
	v3 =	vsub.f32 $0.0e+00, v5;
	v4 =	vand.u32 $0x7FFFFFFF, v19  }
0x23d: {  	v0 =	vmul.f32 $1.442695020e+00, v0;
	v4 =	vsub.f32 $0.0e+00, v4;
	v5 =	vand.u32 $0x7FFFFFFF, v18  }
0x23e: {  	(erf) = vpow2.f32 v2;
	v2 =	vmul.f32 $1.442695020e+00, v3;
	v3 =	vsub.f32 $0.0e+00, v5  }
0x23f: {  	(erf) = vpow2.f32 v0;
	v0 =	vmul.f32 $1.442695020e+00, v4  }
0x240: {  	(erf) = vpow2.f32 v2;
	v2 =	vmul.f32 $1.442695020e+00, v3  }
0x241: {  	(erf) = vpow2.f32 v0  }
0x242: {  	(erf) = vpow2.f32 v2;
	_ =	sdelay $0x4  }
0x243: {  	v0 =	vpop (erf)  }
0x244: {  	v25 =	vpop (erf)  }
0x245: {  	v55 =	vld [tilespmem:$0x1FF90];
	v24 =	vpop (erf)  }
0x246: {  	v52 =	vld [tilespmem:$0x1FFA0];
	v23 =	vpop (erf)  }
0x247: {  	v51 =	vld [tilespmem:$0x1FFC0];
	s17 =	simm.s32 @!p0 $0x1;
	v21 =	vpop (erf)  }
0x248: {  	v16 =	vld [tilespmem:$0x1FFB0];
	_ =	swait.ge @!p0 [sflag:s17], $0x190  }
0x249: {  	[sflag:s17] =	ssyncset.done @!p0 $0x0  }
0x24a: {  	[sflag:s17] =	ssyncadd.s32 @!p0 $0xFFFFFE70  }
0x24b: {  	_ =	swait.ge @!p0 [sflag:s17], $0x190  }
0x24c: {  	s19 =	simm.s32 @!p0 $0x640;
	[sflag:s17] =	ssyncset.done @!p0 $0x0  }
0x24d: {  	s18 =	simm.s32 @!p0 $0x50;
	[sflag:s17] =	ssyncadd.s32 @!p0 $0xFFFFFE70;
	s17 =	simm.s32 @!p0 $0x0  }
0x24e: {  	[tilespmem:s19], [sflag:$0x3] =	stream.indirect.gather @!p0 [hbm4b:s3+s18], $0x40, s17, s18, $0xb8;
	[tilespmem:$0x1AF50] =	vst v63  }
0x24f: {  	s21 =	simm.s32 @!p0 $0x6A40;
	s19 =	simm.s32 @!p0 $0x190  }
0x250: {  	[tilespmem:s21], [sflag:$0x3] =	stream.indirect.gather @!p0 [hbm4b:s3+s18], $0x40, s19, s18, $0xb8;
	[tilespmem:$0x1AF50] =	vst v63  }
0x251: {  	s19 =	simm.s32 @!p0 $0x1A40  }
0x252: {  	[tilespmem:s19], [sflag:$0x3] =	stream.indirect.gather @!p0 [hbm4b:s3+s18], $0x40, s18, s18, $0xb8;
	[tilespmem:$0x1AF50] =	vst v63  }
0x253: {  	s21 =	simm.s32 @!p0 $0x7E40;
	s19 =	simm.s32 @!p0 $0x1E0  }
0x254: {  	[tilespmem:s21], [sflag:$0x3] =	stream.indirect.gather @!p0 [hbm4b:s3+s18], $0x40, s19, s18, $0xb8;
	[tilespmem:$0x1AF50] =	vst v63  }
0x255: {  	s19 =	simm.s32 @!p0 $0xA0;
	s21 =	simm.s32 @!p0 $0x2E40  }
0x256: {  	[tilespmem:s21], [sflag:$0x3] =	stream.indirect.gather @!p0 [hbm4b:s3+s18], $0x40, s19, s18, $0xb8;
	[tilespmem:$0x1AF50] =	vst v63  }
0x257: {  	s19 =	simm.s32 @!p0 $0x230;
	s21 =	simm.s32 @!p0 $0x9240  }
0x258: {  	[tilespmem:s21], [sflag:$0x3] =	stream.indirect.gather @!p0 [hbm4b:s3+s18], $0x40, s19, s18, $0xb8;
	[tilespmem:$0x1AF50] =	vst v63  }
0x259: {  	s19 =	simm.s32 @!p0 $0xF0;
	s21 =	simm.s32 @!p0 $0x4240  }
0x25a: {  	[tilespmem:s21], [sflag:$0x3] =	stream.indirect.gather @!p0 [hbm4b:s3+s18], $0x40, s19, s18, $0xb8;
	[tilespmem:$0x1AF50] =	vst v63  }
0x25b: {  	s19 =	simm.s32 @!p0 $0x280;
	s21 =	simm.s32 @!p0 $0xA640  }
0x25c: {  	[tilespmem:s21], [sflag:$0x3] =	stream.indirect.gather @!p0 [hbm4b:s3+s18], $0x40, s19, s18, $0xb8;
	[tilespmem:$0x1AF50] =	vst v63  }
0x25d: {  	s19 =	simm.s32 @!p0 $0x140;
	s21 =	simm.s32 @!p0 $0x5640  }
0x25e: {  	[tilespmem:s21], [sflag:$0x3] =	stream.indirect.gather @!p0 [hbm4b:s3+s18], $0x40, s19, s18, $0xb8;
	[tilespmem:$0x1AF50] =	vst v63  }
0x25f: {  	s19 =	simm.s32 @!p0 $0x2D0;
	s21 =	simm.s32 @!p0 $0xBA40  }
0x260: {  	[tilespmem:s21], [sflag:$0x3] =	stream.indirect.gather @!p0 [hbm4b:s3+s18], $0x40, s19, s18, $0xb8;
	[tilespmem:$0x1AF50] =	vst v63  }
0x261: {  	_ =	swait.ge [sflag:s24], $0x1400  }
0x262: {  	[sflag:s24] =	ssyncset.done $0x0  }
0x263: {  	[sflag:s24] =	ssyncadd.s32 $0xFFFFEC00  }
0x264: {  	_ =	swait.ge [sflag:s24], $0x1400  }
0x265: {  	v2 =	vmul.f32 $6.220825480e-03, v0;
	[sflag:s24] =	ssyncset.done $0x0  }
0x266: {  	v3 =	vmul.f32 $6.220825480e-03, v25;
	[sflag:s24] =	ssyncadd.s32 $0xFFFFEC00  }
0x267: {  	v2 =	vsub.f32 $3.524021430e-02, v2;
	v4 =	vmul.f32 $6.220825480e-03, v24;
	_ =	swait.ge [sflag:s24], $0x1400  }
0x268: {  	v3 =	vsub.f32 $3.524021430e-02, v3;
	v5 =	vmul.f32 $6.220825480e-03, v23;
	[sflag:s24] =	ssyncset.done $0x0  }
0x269: {  	v2 =	vmul.f32 v2, v0;
	v4 =	vsub.f32 $3.524021430e-02, v4;
	[sflag:s24] =	ssyncadd.s32 $0xFFFFEC00  }
0x26a: {  	v3 =	vmul.f32 v3, v25;
	v5 =	vsub.f32 $3.524021430e-02, v5;
	v6 =	vmul.f32 $6.220825480e-03, v21;
	_ =	swait.ge [sflag:s24], $0x1400  }
0x26b: {  	v2 =	vadd.f32 $-9.409968550e-02, v2;
	v4 =	vmul.f32 v4, v24;
	[sflag:s24] =	ssyncset.done $0x0  }
0x26c: {  	v3 =	vadd.f32 $-9.409968550e-02, v3;
	v5 =	vmul.f32 v5, v23;
	v6 =	vsub.f32 $3.524021430e-02, v6;
	[sflag:s24] =	ssyncadd.s32 $0xFFFFEC00  }
0x26d: {  	v2 =	vmul.f32 v2, v0;
	v4 =	vadd.f32 $-9.409968550e-02, v4;
	_ =	swait.ge [sflag:s24], $0x1400  }
0x26e: {  	v3 =	vmul.f32 v3, v25;
	v5 =	vadd.f32 $-9.409968550e-02, v5;
	v6 =	vmul.f32 v6, v21;
	[sflag:s24] =	ssyncset.done $0x0  }
0x26f: {  	v2 =	vadd.f32 $1.667533070e-01, v2;
	v4 =	vmul.f32 v4, v24;
	[sflag:s24] =	ssyncadd.s32 $0xFFFFEC00  }
0x270: {  	v3 =	vadd.f32 $1.667533070e-01, v3;
	v5 =	vmul.f32 v5, v23;
	v6 =	vadd.f32 $-9.409968550e-02, v6;
	_ =	swait.ge [sflag:s24], $0x1400  }
0x271: {  	v2 =	vmul.f32 v2, v0;
	v4 =	vadd.f32 $1.667533070e-01, v4;
	[sflag:s24] =	ssyncset.done $0x0  }
0x272: {  	v3 =	vmul.f32 v3, v25;
	v5 =	vadd.f32 $1.667533070e-01, v5;
	v6 =	vmul.f32 v6, v21;
	[sflag:s24] =	ssyncadd.s32 $0xFFFFEC00  }
0x273: {  	v2 =	vadd.f32 $-2.403839530e-01, v2;
	v4 =	vmul.f32 v4, v24;
	_ =	swait.ge [sflag:s24], $0x1400  }
0x274: {  	v3 =	vadd.f32 $-2.403839530e-01, v3;
	v5 =	vmul.f32 v5, v23;
	v6 =	vadd.f32 $1.667533070e-01, v6;
	[sflag:s24] =	ssyncset.done $0x0  }
0x275: {  	v2 =	vmul.f32 v2, v0;
	v4 =	vadd.f32 $-2.403839530e-01, v4;
	[sflag:s24] =	ssyncadd.s32 $0xFFFFEC00  }
0x276: {  	v3 =	vmul.f32 v3, v25;
	v5 =	vadd.f32 $-2.403839530e-01, v5;
	v6 =	vmul.f32 v6, v21;
	_ =	swait.ge [sflag:s24], $0x1400  }
0x277: {  	v2 =	vadd.f32 $3.317297700e-01, v2;
	v4 =	vmul.f32 v4, v24;
	[sflag:s24] =	ssyncset.done $0x0  }
0x278: {  	v3 =	vadd.f32 $3.317297700e-01, v3;
	v5 =	vmul.f32 v5, v23;
	v6 =	vadd.f32 $-2.403839530e-01, v6;
	[sflag:s24] =	ssyncadd.s32 $0xFFFFEC00  }
0x279: {  	v7 =	vadd.f32 v48, v17;
	v2 =	vmul.f32 v2, v0;
	v4 =	vadd.f32 $3.317297700e-01, v4;
	_ =	swait.ge [sflag:s24], $0x1400  }
0x27a: {  	v3 =	vmul.f32 v3, v25;
	v5 =	vadd.f32 $3.317297700e-01, v5;
	v6 =	vmul.f32 v6, v21;
	v47 =	vld [tilespmem:$0x1FF20]  }
0x27b: {  	v8 =	vmax.f32 v1, $0.0e+00;
	v2 =	vadd.f32 $-4.998678270e-01, v2;
	v4 =	vmul.f32 v4, v24  }
0x27c: {  	v3 =	vadd.f32 $-4.998678270e-01, v3;
	v5 =	vmul.f32 v5, v23;
	v6 =	vadd.f32 $3.317297700e-01, v6  }
0x27d: {  	v48 =	vmax.f32 v20, $0.0e+00;
	v2 =	vmul.f32 v2, v0;
	v4 =	vadd.f32 $-4.998678270e-01, v4  }
0x27e: {  	v3 =	vmul.f32 v3, v25;
	v5 =	vadd.f32 $-4.998678270e-01, v5;
	v6 =	vmul.f32 v6, v21;
	[sflag:s24] =	ssyncset.done $0x0  }
0x27f: {  	s2 =	sadd.s32 @!p0 s2, s6;
	v2 =	vadd.f32 $9.999961250e-01, v2;
	v4 =	vmul.f32 v4, v24;
	[sflag:s24] =	ssyncadd.s32 $0xFFFFEC00;
	v1 =	vmul.f32 v1, v47  }
0x280: {  	v3 =	vadd.f32 $9.999961250e-01, v3;
	v5 =	vmul.f32 v5, v23;
	v6 =	vadd.f32 $-4.998678270e-01, v6;
	s18 =	sshrl.u32 @!p0 s2, $0x3;
	_ =	swait.ge [sflag:s24], $0x1400  }
0x281: {  	v0 =	vmul.f32 v2, v0;
	s2 =	sadd.s32 @!p0 $0x4E200, s2;
	s19 =	simm.s32 @!p0 $0x320;
	[sflag:s24] =	ssyncset.done $0x0;
	v1 =	vsub.f32 v8, v1;
	v8 =	vmul.f32 v22, v47  }
0x282: {  	v2 =	vmax.f32 v22, $0.0e+00;
	v4 =	vadd.f32 $9.999961250e-01, v4;
	v5 =	vadd.f32 $9.999961250e-01, v5;
	s2 =	sshrl.u32 @!p0 s2, $0x3;
	s18 =	sadd.s32 @!p0 s4, s18;
	[sflag:s24] =	ssyncadd.s32 $0xFFFFEC00  }
0x283: {  	v6 =	vmul.f32 v6, v21;
	[tilespmem:s19], [sflag:$0x2] =	stream.linear.gather @!p0 [hbm4b:s18+s17], $0x190, $0x38;
	v2 =	vsub.f32 v2, v8;
	v8 =	vmul.f32 v20, v47;
	[tilespmem:$0x1AF50] =	vst v63  }
0x284: {  	s28 =	simm.s32 $0xCEC0;
	v3 =	vmul.f32 v3, v25;
	v0 =	vadd.f32 $1.035522250e-08, v0;
	v4 =	vmul.f32 v4, v24;
	s2 =	sadd.s32 @!p0 s4, s2;
	s18 =	simm.s32 @!p0 $0x4B0  }
0x285: {  	v5 =	vmul.f32 v5, v23;
	v6 =	vadd.f32 $9.999961250e-01, v6;
	[tilespmem:s18], [sflag:$0x2] =	stream.linear.gather @!p0 [hbm4b:s2+s17], $0x190, $0x38;
	v8 =	vsub.f32 v48, v8;
	[tilespmem:$0x1AF50] =	vst v63  }
0x286: {  	s17 =	simm.s32 $0x132C0;
	v49 =	vld [tilespmem:s28+$0x40];
	v0 =	vadd.f32 v0, v2;
	v2 =	vadd.f32 $1.035522250e-08, v3  }
0x287: {  	v4 =	vadd.f32 $1.035522250e-08, v4;
	v5 =	vadd.f32 $1.035522250e-08, v5;
	v6 =	vmul.f32 v6, v21;
	v53 =	vld [tilespmem:s17+$0x40]  }
0x288: {  	v60 =	vmul.f32 v19, v47;
	v61 =	vld [tilespmem:s17+$0x50];
	v0 =	vadd.f32 v0, v7;
	v2 =	vadd.f32 v2, v8  }
0x289: {  	v33 =	vmul.f32 v18, v47;
	v32 =	vld [tilespmem:s28+$0x60];
	v1 =	vadd.f32 v4, v1;
	v7 =	vmax.f32 v19, $0.0e+00  }
0x28a: {  	v34 =	vld [tilespmem:s28+$0x70];
	v7 =	vsub.f32 v7, v60;
	v0 =	vadd.f32 v2, v0;
	v2 =	vmax.f32 v18, $0.0e+00  }
0x28b: {  	v6 =	vadd.f32 $1.035522250e-08, v6;
	v17 =	vld [tilespmem:s17+$0xFFFFFF80];
	v2 =	vsub.f32 v2, v33  }
0x28c: {  	v35 =	vld [tilespmem:s17+$0xFFFFFFA0];
	v0 =	vadd.f32 v1, v0;
	v1 =	vadd.f32 v5, v7  }
0x28d: {  	v4 =	vld [tilespmem:s17+$0x70]  }
0x28e: {  	v3 =	vld [tilespmem:s28+$0x50];
	v0 =	vadd.f32 v1, v0;
	v1 =	vadd.f32 v6, v2  }
0x28f: {  	v8 =	vld [tilespmem:s17+$0x60]  }
0x290: {  	v5 =	vld [tilespmem:s28+$0xFFFFFF90];
	v0 =	vadd.f32 v1, v0  }
0x291: {  	v7 =	vld [tilespmem:s17+$0xFFFFFF90]  }
0x292: {  	v2 =	vld [tilespmem:s28+$0xFFFFFFA0];
	[tilespmem:$0x1FE50] =	vst v0  }
0x293: {  	v6 =	vmul.bf16 v53, v49;
	v0 =	vmul.bf16 v61, v3;
	v3 =	vld [tilespmem:s28+$0xFFFFFFB0]  }
0x294: {  	v36 =	vld [tilespmem:s17+$0xFFFFFFB0]  }
0x295: {  	v1 =	vmul.bf16 v8, v32;
	v8 =	vunpack.i.u.bf16.f32 v6;
	v6 =	vunpack.i.l.bf16.f32 v6;
	v39 =	vld [tilespmem:s28+$0xFFFFFFC0]  }
0x296: {  	v4 =	vmul.bf16 v4, v34;
	v6 =	vadd.f32 v6, v8;
	v8 =	vld [tilespmem:s17+$0xFFFFFFC0]  }
0x297: {  	v5 =	vmul.bf16 v7, v5;
	v7 =	vld [tilespmem:s28+$0xFFFFFFD0]  }
0x298: {  	v40 =	vunpack.i.u.bf16.f32 v4;
	v4 =	vunpack.i.l.bf16.f32 v4;
	v41 =	vld [tilespmem:s17+$0xFFFFFFD0]  }
0x299: {  	v4 =	vadd.f32 v4, v40;
	v38 =	vunpack.i.u.bf16.f32 v1;
	v1 =	vunpack.i.l.bf16.f32 v1;
	v48 =	vld [tilespmem:s17+$0xFFFFFFF0]  }
0x29a: {  	v1 =	vadd.f32 v1, v38;
	v49 =	vld [tilespmem:s28+$0x0];
	v37 =	vunpack.i.u.bf16.f32 v0;
	v0 =	vunpack.i.l.bf16.f32 v0  }
0x29b: {  	v2 =	vmul.bf16 v35, v2;
	v43 =	vunpack.i.u.bf16.f32 v5;
	v60 =	vld [tilespmem:s17+$0x0];
	v0 =	vadd.f32 v0, v37  }
0x29c: {  	v1 =	vadd.f32 v4, v1;
	v4 =	vunpack.i.l.bf16.f32 v5;
	v5 =	vld [tilespmem:s17+$0xFFFFFFE0];
	v3 =	vmul.bf16 v36, v3  }
0x29d: {  	v44 =	vunpack.i.u.bf16.f32 v2;
	v2 =	vunpack.i.l.bf16.f32 v2;
	v0 =	vadd.f32 v0, v6;
	v6 =	vld [tilespmem:s28+$0xFFFFFFE0]  }
0x29e: {  	v18 =	vadd.f32 v4, v43;
	v4 =	vld [tilespmem:s28+$0xFFFFFFF0];
	v47 =	vunpack.i.u.bf16.f32 v3;
	v3 =	vunpack.i.l.bf16.f32 v3  }
0x29f: {  	v2 =	vadd.f32 v2, v44;
	v8 =	vmul.bf16 v8, v39;
	v3 =	vadd.f32 v3, v47  }
0x2a0: {  	v7 =	vmul.bf16 v41, v7;
	v53 =	vadd.f32 v1, v0  }
0x2a1: {  	v61 =	vld [tilespmem:s28+$0x10];
	v1 =	vunpack.i.u.bf16.f32 v8;
	v8 =	vunpack.i.l.bf16.f32 v8;
	v0 =	vadd.f32 v3, v2  }
0x2a2: {  	v2 =	vmul.bf16 v5, v6;
	v5 =	vunpack.i.u.bf16.f32 v7;
	v6 =	vunpack.i.l.bf16.f32 v7;
	v7 =	vld [tilespmem:s17+$0x10]  }
0x2a3: {  	v9 =	vmul.bf16 v60, v49;
	v1 =	vadd.f32 v8, v1;
	v4 =	vmul.bf16 v48, v4;
	v3 =	vld [tilespmem:s28+$0x20]  }
0x2a4: {  	v6 =	vadd.f32 v6, v5;
	v5 =	vld [tilespmem:s17+$0x20];
	v8 =	vunpack.i.u.bf16.f32 v2;
	v2 =	vunpack.i.l.bf16.f32 v2  }
0x2a5: {  	v19 =	vld [tilespmem:s17+$0x30];
	v12 =	vunpack.i.l.bf16.f32 v4;
	v2 =	vadd.f32 v2, v8;
	v8 =	vunpack.i.u.bf16.f32 v4  }
0x2a6: {  	v26 =	vmovc v63;
	v63 =	vmov v56;
	s18 =	simm.s32 $0x19660;
	v23 =	vunpack.i.u.bf16.f32 v9;
	v4 =	vld [tilespmem:s28+$0x30];
	v21 =	vadd.f32 v12, v8  }
0x2a7: {  	s21 =	simm.s32 $0xCFC0;
	s19 =	simm.s32 $0x0;
	v60 =	vmovc v46;
	v24 =	vunpack.i.l.bf16.f32 v9;
	[tilespmem:s18+$0x10] =	vst v53;
	v1 =	vadd.f32 v6, v1;
	v6 =	vld [tilespmem:s28+$0xFFFFFF80];
	v22 =	vmul.bf16 v7, v61  }
.LBB2_7:
0x2a8: {  	v7 =	vld [tilespmem:s21+$0x40];
	v2 =	vadd.f32 v21, v2;
	v8 =	vadd.f32 v24, v23;
	s17 =	sadd.s32 $0x100, s17  }
0x2a9: {  	v9 =	vld [tilespmem:s17+$0x40];
	v10 =	vunpack.i.u.bf16.f32 v22;
	v11 =	vunpack.i.l.bf16.f32 v22;
	v3 =	vmul.bf16 v5, v3  }
0x2aa: {  	v5 =	vld [tilespmem:s21+$0x50];
	v1 =	vadd.f32 v2, v1;
	v2 =	vadd.f32 v11, v10  }
0x2ab: {  	v10 =	vld [tilespmem:s17+$0x50];
	v11 =	vunpack.i.u.bf16.f32 v3;
	v3 =	vunpack.i.l.bf16.f32 v3;
	v4 =	vmul.bf16 v19, v4  }
0x2ac: {  	v12 =	vld [tilespmem:s21+$0x60];
	v6 =	vmul.bf16 v17, v6;
	[tilespmem:s18+$0xFFFFFFF0] =	vst v1;
	v1 =	vadd.f32 v3, v11;
	v2 =	vadd.f32 v2, v8  }
0x2ad: {  	v3 =	vld [tilespmem:s17+$0x60];
	v8 =	vunpack.i.u.bf16.f32 v4;
	v4 =	vunpack.i.l.bf16.f32 v4  }
0x2ae: {  	v11 =	vld [tilespmem:s21+$0x70];
	v13 =	vunpack.i.u.bf16.f32 v6;
	v6 =	vunpack.i.l.bf16.f32 v6;
	v4 =	vadd.f32 v4, v8  }
0x2af: {  	v8 =	vld [tilespmem:s17+$0x70];
	v6 =	vadd.f32 v6, v13  }
0x2b0: {  	s19 =	sadd.s32 $0x4, s19;
	v17 =	vld [tilespmem:s17+$0xFFFFFF80];
	v1 =	vadd.f32 v4, v1  }
0x2b1: {  	p0 =	slt.u32 s19, $0x18C;
	v4 =	vld [tilespmem:s21+$0xFFFFFF90];
	v6 =	vadd.f32 v18, v6  }
0x2b2: {  	v7 =	vmul.bf16 v9, v7;
	v13 =	vld [tilespmem:s17+$0xFFFFFF90];
	v1 =	vadd.f32 v1, v2  }
0x2b3: {  	v5 =	vmul.bf16 v10, v5;
	v2 =	vld [tilespmem:s21+$0xFFFFFFA0];
	v0 =	vadd.f32 v0, v6  }
0x2b4: {  	v9 =	vunpack.i.u.bf16.f32 v7;
	v3 =	vmul.bf16 v3, v12;
	v6 =	vld [tilespmem:s17+$0xFFFFFFA0];
	v8 =	vmul.bf16 v8, v11;
	[tilespmem:s18+$0x0] =	vst v1  }
0x2b5: {  	v7 =	vunpack.i.l.bf16.f32 v7;
	v10 =	vunpack.i.u.bf16.f32 v5;
	v5 =	vunpack.i.l.bf16.f32 v5;
	v1 =	vld [tilespmem:s21+$0xFFFFFFB0];
	[tilespmem:s18+$0xFFFFFFE0] =	vst v0  }
0x2b6: {  	v11 =	vunpack.i.u.bf16.f32 v3;
	v3 =	vunpack.i.l.bf16.f32 v3;
	v0 =	vld [tilespmem:s17+$0xFFFFFFB0];
	v12 =	vunpack.i.u.bf16.f32 v8  }
0x2b7: {  	v7 =	vadd.f32 v7, v9;
	v5 =	vadd.f32 v5, v10;
	v8 =	vunpack.i.l.bf16.f32 v8;
	v14 =	vld [tilespmem:s21+$0xFFFFFFC0]  }
0x2b8: {  	v3 =	vadd.f32 v3, v11;
	v4 =	vmul.bf16 v13, v4;
	v8 =	vadd.f32 v8, v12;
	v9 =	vld [tilespmem:s17+$0xFFFFFFC0]  }
0x2b9: {  	v2 =	vmul.bf16 v6, v2;
	v6 =	vld [tilespmem:s21+$0xFFFFFFD0]  }
0x2ba: {  	v5 =	vadd.f32 v5, v7;
	v10 =	vunpack.i.u.bf16.f32 v4;
	v3 =	vadd.f32 v8, v3;
	v11 =	vld [tilespmem:s17+$0xFFFFFFD0]  }
0x2bb: {  	v4 =	vunpack.i.l.bf16.f32 v4;
	v7 =	vunpack.i.u.bf16.f32 v2;
	v0 =	vmul.bf16 v0, v1;
	v1 =	vld [tilespmem:s21+$0xFFFFFFE0]  }
0x2bc: {  	v18 =	vadd.f32 v4, v10;
	v2 =	vunpack.i.l.bf16.f32 v2;
	v3 =	vadd.f32 v3, v5;
	v4 =	vld [tilespmem:s17+$0xFFFFFFE0]  }
0x2bd: {  	s18 =	sadd.s32 $0x40, s18;
	v5 =	vunpack.i.u.bf16.f32 v0;
	v0 =	vunpack.i.l.bf16.f32 v0;
	v8 =	vmul.bf16 v9, v14;
	v9 =	vld [tilespmem:s21+$0xFFFFFFF0]  }
0x2be: {  	s2 =	simm.s32 $0x400;
	v2 =	vadd.f32 v2, v7;
	v0 =	vadd.f32 v0, v5;
	v5 =	vld [tilespmem:s17+$0xFFFFFFF0];
	[tilespmem:s18+$0x10] =	vst v3  }
0x2bf: {  	v3 =	vunpack.i.u.bf16.f32 v8;
	v7 =	vunpack.i.l.bf16.f32 v8;
	v6 =	vmul.bf16 v11, v6;
	v8 =	vld [tilespmem:s21+$0x0]  }
0x2c0: {  	v0 =	vadd.f32 v0, v2;
	v7 =	vadd.f32 v7, v3;
	v10 =	vld [tilespmem:s17+$0x0]  }
0x2c1: {  	v2 =	vunpack.i.u.bf16.f32 v6;
	v3 =	vunpack.i.l.bf16.f32 v6;
	v1 =	vmul.bf16 v4, v1;
	v11 =	vld [tilespmem:s21+$0x10]  }
0x2c2: {  	v4 =	vadd.f32 v3, v2;
	v12 =	vld [tilespmem:s17+$0x10]  }
.Ltmp2:
0x2c3: {  	v2 =	vunpack.i.u.bf16.f32 v1;
	v1 =	vunpack.i.l.bf16.f32 v1;
	v6 =	vmul.bf16 v5, v9;
	v3 =	vld [tilespmem:s21+$0x20];
	(pc) =	sbr.rel @p0 .LBB2_7-.Ltmp2, $4  }
0x2c4: {  	v2 =	vadd.f32 v1, v2;
	v1 =	vadd.f32 v4, v7;
	v5 =	vld [tilespmem:s17+$0x20]  }
0x2c5: {  	v7 =	vunpack.i.u.bf16.f32 v6;
	v6 =	vunpack.i.l.bf16.f32 v6;
	v8 =	vmul.bf16 v10, v8;
	v4 =	vld [tilespmem:s21+$0x30]  }
0x2c6: {  	v21 =	vadd.f32 v6, v7;
	v19 =	vld [tilespmem:s17+$0x30]  }
0x2c7: {  	v6 =	vld [tilespmem:s21+$0xFFFFFF80];
	v23 =	vunpack.i.u.bf16.f32 v8;
	v24 =	vunpack.i.l.bf16.f32 v8;
	v22 =	vmul.bf16 v12, v11;
	s21 =	sadd.s32 $0x100, s21  }
0x2c8: {  	_ =	sdelay $0x1  }
0x2c9: {  	v7 =	vunpack.i.u.bf16.f32 v22;
	v8 =	vunpack.i.l.bf16.f32 v22;
	v3 =	vmul.bf16 v5, v3  }
0x2ca: {  	v5 =	vadd.f32 v24, v23;
	v7 =	vadd.f32 v8, v7;
	v4 =	vmul.bf16 v19, v4  }
0x2cb: {  	v8 =	vunpack.i.u.bf16.f32 v3;
	v3 =	vunpack.i.l.bf16.f32 v3;
	v6 =	vmul.bf16 v17, v6  }
0x2cc: {  	v3 =	vadd.f32 v3, v8;
	v8 =	vunpack.i.u.bf16.f32 v4;
	v4 =	vunpack.i.l.bf16.f32 v4  }
0x2cd: {  	v9 =	vunpack.i.u.bf16.f32 v6;
	v6 =	vunpack.i.l.bf16.f32 v6;
	v4 =	vadd.f32 v4, v8  }
0x2ce: {  	v2 =	vadd.f32 v21, v2;
	v6 =	vadd.f32 v6, v9  }
0x2cf: {  	v5 =	vadd.f32 v7, v5;
	v3 =	vadd.f32 v4, v3  }
0x2d0: {  	v1 =	vadd.f32 v2, v1;
	v4 =	vor.u32 s2, v59;
	v2 =	vadd.f32 v18, v6  }
0x2d1: {  	v3 =	vadd.f32 v3, v5  }
0x2d2: {  	[tilespmem:s18+$0xFFFFFFF0] =	vst v1;
	v0 =	vadd.f32 v0, v2  }
0x2d3: {  	[tilespmem:s18+$0x0] =	vst v3  }
0x2d4: {  	[tilespmem:s18+$0xFFFFFFE0] =	vst v0  }
0x2d5: {  	v4 =	vld.idx.msk [tilespmem:v4+s23+$0x0], $0xffff  }
0x2d6: {  	v5 =	vor.u32 s2, v57;
	_ =	sdelay $0x3  }
0x2d7: {  	[tilespmem:$0x1FDD0] =	vst v4  }
0x2d8: {  	v5 =	vld.idx.msk [tilespmem:v5+s23+$0x0], $0xffff  }
0x2d9: {  	v1 =	vor.u32 s2, v58  }
0x2da: {  	v2 =	vor.u32 s2, v42  }
0x2db: {  	v0 =	vor.u32 s2, v63  }
0x2dc: {  	v3 =	vor.u32 s2, v26  }
0x2dd: {  	v4 =	vor.u32 s2, v50;
	[tilespmem:$0x1FDC0] =	vst v5  }
0x2de: {  	v6 =	vor.u32 s2, v52;
	v19 =	vld.idx.msk [tilespmem:v1+s23+$0x0], $0xffff  }
0x2df: {  	s17 =	simm.s32 $0x300;
	v7 =	vor.u32 s2, v16;
	v22 =	vld.idx.msk [tilespmem:v2+s23+$0x0], $0xffff  }
0x2e0: {  	s21 =	simm.s32 $0x0;
	v8 =	vor.u32 s17, v30;
	v25 =	vld.idx.msk [tilespmem:v0+s23+$0x0], $0xffff  }
0x2e1: {  	v11 =	vor.u32 s21, v62;
	v0 =	vld.idx.msk [tilespmem:v3+s23+$0x0], $0xffff  }
0x2e2: {  	v12 =	vor.u32 s17, v57;
	v3 =	vld.idx.msk [tilespmem:v4+s23+$0x0], $0xffff  }
0x2e3: {  	v15 =	vor.u32 s17, v63;
	v6 =	vld.idx.msk [tilespmem:v6+s23+$0x0], $0xffff  }
0x2e4: {  	s28 =	simm.s32 $0x200;
	v44 =	vor.u32 s17, v26;
	v7 =	vld.idx.msk [tilespmem:v7+s23+$0x0], $0xffff  }
0x2e5: {  	v46 =	vor.u32 s28, v26;
	v21 =	vld.idx.msk [tilespmem:v8+s23+$0x0], $0xffff  }
0x2e6: {  	v48 =	vor.u32 s17, v45;
	v27 =	vld.idx.msk [tilespmem:v11+s23+$0x0], $0xffff  }
0x2e7: {  	v1 =	vor.u32 s2, v45;
	v17 =	vld.idx.msk [tilespmem:v12+s23+$0x0], $0xffff  }
0x2e8: {  	v4 =	vor.u32 s2, v51;
	v15 =	vld.idx.msk [tilespmem:v15+s23+$0x0], $0xffff  }
0x2e9: {  	v20 =	vmov v16;
	v29 =	vor.u32 s17, v55;
	v11 =	vld.idx.msk [tilespmem:v44+s23+$0x0], $0xffff  }
0x2ea: {  	v32 =	vor.u32 s17, v20;
	v12 =	vld.idx.msk [tilespmem:v46+s23+$0x0], $0xffff  }
0x2eb: {  	v33 =	vor.u32 s17, v51;
	v16 =	vld.idx.msk [tilespmem:v48+s23+$0x0], $0xffff  }
0x2ec: {  	v9 =	vld.idx.msk [tilespmem:v1+s23+$0x0], $0xffff;
	v1 =	vor.u32 s21, v54  }
0x2ed: {  	v13 =	vld.idx.msk [tilespmem:v4+s23+$0x0], $0xffff;
	v4 =	vor.u32 s21, v30  }
0x2ee: {  	v34 =	vor.u32 s28, v20;
	v29 =	vld.idx.msk [tilespmem:v29+s23+$0x0], $0xffff  }
0x2ef: {  	s19 =	simm.s32 $0x100;
	v35 =	vor.u32 s28, v51;
	v32 =	vld.idx.msk [tilespmem:v32+s23+$0x0], $0xffff  }
0x2f0: {  	v36 =	vor.u32 s19, v20;
	v33 =	vld.idx.msk [tilespmem:v33+s23+$0x0], $0xffff  }
0x2f1: {  	v39 =	vor.u32 s21, v51;
	v24 =	vld.idx.msk [tilespmem:v1+s23+$0x0], $0xffff  }
0x2f2: {  	v61 =	vmov v52;
	v1 =	vld.idx.msk [tilespmem:v4+s23+$0x0], $0xffff;
	v4 =	vor.u32 s17, v50  }
0x2f3: {  	v40 =	vor.u32 s28, v61;
	v34 =	vld.idx.msk [tilespmem:v34+s23+$0x0], $0xffff  }
0x2f4: {  	v41 =	vor.u32 s21, v61;
	v35 =	vld.idx.msk [tilespmem:v35+s23+$0x0], $0xffff  }
0x2f5: {  	v2 =	vor.u32 s2, v55;
	v36 =	vld.idx.msk [tilespmem:v36+s23+$0x0], $0xffff  }
0x2f6: {  	v49 =	vor.u32 s19, v61;
	v39 =	vld.idx.msk [tilespmem:v39+s23+$0x0], $0xffff  }
0x2f7: {  	v31 =	vld.idx.msk [tilespmem:v4+s23+$0x0], $0xffff;
	v4 =	vor.u32 s17, v61  }
0x2f8: {  	v5 =	vor.u32 s2, v60;
	v40 =	vld.idx.msk [tilespmem:v40+s23+$0x0], $0xffff  }
0x2f9: {  	v8 =	vor.u32 s17, v58;
	v41 =	vld.idx.msk [tilespmem:v41+s23+$0x0], $0xffff  }
0x2fa: {  	v10 =	vld.idx.msk [tilespmem:v2+s23+$0x0], $0xffff;
	v2 =	vor.u32 s17, v59  }
0x2fb: {  	v56 =	vmov v42;
	v14 =	vor.u32 s17, v42;
	v42 =	vld.idx.msk [tilespmem:v49+s23+$0x0], $0xffff  }
0x2fc: {  	v37 =	vld.idx.msk [tilespmem:v4+s23+$0x0], $0xffff;
	v4 =	vor.u32 s19, v51  }
0x2fd: {  	v38 =	vor.u32 s21, v20;
	v5 =	vld.idx.msk [tilespmem:v5+s23+$0x0], $0xffff  }
0x2fe: {  	v47 =	vor.u32 s28, v60;
	v28 =	vld.idx.msk [tilespmem:v8+s23+$0x0], $0xffff  }
0x2ff: {  	v52 =	vmov v30;
	v30 =	vor.u32 s28, v55;
	v23 =	vld.idx.msk [tilespmem:v2+s23+$0x0], $0xffff  }
0x300: {  	v53 =	vmov v45;
	v44 =	vor.u32 s19, v55;
	v2 =	vld.idx.msk [tilespmem:v14+s23+$0x0], $0xffff  }
0x301: {  	v46 =	vor.u32 s28, v53;
	v43 =	vld.idx.msk [tilespmem:v4+s23+$0x0], $0xffff  }
0x302: {  	v7 =	vadd.f32 v13, v7;
	v4 =	vld.idx.msk [tilespmem:v38+s23+$0x0], $0xffff;
	v38 =	vor.u32 s21, v55  }
0x303: {  	v14 =	vld.idx.msk [tilespmem:v47+s23+$0x0], $0xffff;
	v47 =	vor.u32 s21, v60  }
0x304: {  	v45 =	vor.u32 s21, v45;
	v30 =	vld.idx.msk [tilespmem:v30+s23+$0x0], $0xffff;
	v6 =	vadd.f32 v6, v7  }
0x305: {  	v8 =	vor.u32 s17, v60;
	v44 =	vld.idx.msk [tilespmem:v44+s23+$0x0], $0xffff;
	v34 =	vadd.f32 v35, v34  }
0x306: {  	v49 =	vor.u32 s21, v50;
	v13 =	vld.idx.msk [tilespmem:v46+s23+$0x0], $0xffff;
	v6 =	vadd.f32 v10, v6  }
0x307: {  	v34 =	vadd.f32 v40, v34;
	v40 =	vor.u32 s19, v26;
	v38 =	vld.idx.msk [tilespmem:v38+s23+$0x0], $0xffff  }
0x308: {  	v35 =	vld.idx.msk [tilespmem:v47+s23+$0x0], $0xffff;
	v47 =	vor.u32 s19, v63;
	v6 =	vadd.f32 v9, v6;
	v39 =	vadd.f32 v39, v4  }
0x309: {  	v48 =	vor.u32 s19, v53;
	v45 =	vld.idx.msk [tilespmem:v45+s23+$0x0], $0xffff;
	v30 =	vadd.f32 v30, v34  }
0x30a: {  	v8 =	vld.idx.msk [tilespmem:v8+s23+$0x0], $0xffff;
	v5 =	vadd.f32 v5, v6;
	v39 =	vadd.f32 v41, v39;
	v41 =	vor.u32 s21, v26  }
0x30b: {  	v18 =	vmovc v50;
	v32 =	vadd.f32 v33, v32;
	v50 =	vor.u32 s19, v60;
	v7 =	vld.idx.msk [tilespmem:v49+s23+$0x0], $0xffff;
	v13 =	vadd.f32 v13, v30  }
0x30c: {  	v30 =	vld.idx.msk [tilespmem:v40+s23+$0x0], $0xffff;
	v3 =	vadd.f32 v3, v5;
	v38 =	vadd.f32 v38, v39;
	v39 =	vor.u32 s21, v63  }
0x30d: {  	v46 =	vor.u32 s19, v18;
	v5 =	vld.idx.msk [tilespmem:v47+s23+$0x0], $0xffff;
	v32 =	vadd.f32 v37, v32;
	v36 =	vadd.f32 v43, v36  }
0x30e: {  	v43 =	vld.idx.msk [tilespmem:v48+s23+$0x0], $0xffff;
	v48 =	vor.u32 s21, v56;
	v38 =	vadd.f32 v45, v38  }
0x30f: {  	v33 =	vor.u32 s28, v18;
	v29 =	vadd.f32 v29, v32;
	v36 =	vadd.f32 v42, v36;
	v10 =	vld.idx.msk [tilespmem:v41+s23+$0x0], $0xffff  }
0x310: {  	v37 =	vld.idx.msk [tilespmem:v50+s23+$0x0], $0xffff;
	v49 =	vadd.f32 v35, v38;
	v35 =	vor.u32 s21, v58  }
0x311: {  	v6 =	vor.u32 s19, v56;
	v16 =	vadd.f32 v16, v29;
	v50 =	vadd.f32 v44, v36;
	v44 =	vld.idx.msk [tilespmem:v39+s23+$0x0], $0xffff  }
0x312: {  	v29 =	vor.u32 s21, v57;
	v45 =	vld.idx.msk [tilespmem:v46+s23+$0x0], $0xffff;
	v7 =	vadd.f32 v7, v49  }
0x313: {  	v8 =	vadd.f32 v8, v16;
	v36 =	vor.u32 s28, v63;
	v48 =	vld.idx.msk [tilespmem:v48+s23+$0x0], $0xffff;
	v46 =	vadd.f32 v43, v50  }
0x314: {  	v32 =	vld.idx.msk [tilespmem:v33+s23+$0x0], $0xffff;
	v49 =	vor.u32 s21, v59;
	v7 =	vadd.f32 v10, v7  }
0x315: {  	v8 =	vadd.f32 v31, v8;
	v31 =	vor.u32 s19, v58;
	v9 =	vadd.f32 v37, v46;
	v50 =	vld.idx.msk [tilespmem:v35+s23+$0x0], $0xffff  }
0x316: {  	v0 =	vadd.f32 v0, v3;
	v3 =	vld.idx.msk [tilespmem:v6+s23+$0x0], $0xffff;
	v41 =	vor.u32 s28, v56;
	v7 =	vadd.f32 v44, v7  }
0x317: {  	v29 =	vld.idx.msk [tilespmem:v29+s23+$0x0], $0xffff;
	v9 =	vadd.f32 v45, v9;
	v44 =	vor.u32 s19, v57  }
0x318: {  	v13 =	vadd.f32 v14, v13;
	v43 =	vor.u32 s28, v58;
	v42 =	vld.idx.msk [tilespmem:v36+s23+$0x0], $0xffff;
	v7 =	vadd.f32 v48, v7  }
0x319: {  	v47 =	vor.u32 s19, v59;
	v9 =	vadd.f32 v30, v9;
	v45 =	vld.idx.msk [tilespmem:v49+s23+$0x0], $0xffff  }
0x31a: {  	v6 =	vor.u32 s28, v57;
	v13 =	vadd.f32 v32, v13;
	v48 =	vld.idx.msk [tilespmem:v31+s23+$0x0], $0xffff;
	v7 =	vadd.f32 v50, v7  }
0x31b: {  	v8 =	vadd.f32 v11, v8;
	v46 =	vld.idx.msk [tilespmem:v41+s23+$0x0], $0xffff;
	v49 =	vor.u32 s28, v59;
	v5 =	vadd.f32 v5, v9  }
0x31c: {  	v12 =	vadd.f32 v12, v13;
	v50 =	vor.u32 s19, v52;
	v32 =	vld.idx.msk [tilespmem:v44+s23+$0x0], $0xffff;
	v7 =	vadd.f32 v29, v7  }
0x31d: {  	v8 =	vadd.f32 v15, v8;
	v3 =	vadd.f32 v3, v5;
	v29 =	vld.idx.msk [tilespmem:v43+s23+$0x0], $0xffff  }
0x31e: {  	v11 =	vld.idx.msk [tilespmem:v47+s23+$0x0], $0xffff;
	v12 =	vadd.f32 v42, v12;
	v5 =	vor.u32 s19, v62;
	v7 =	vadd.f32 v45, v7  }
0x31f: {  	v6 =	vld.idx.msk [tilespmem:v6+s23+$0x0], $0xffff;
	v2 =	vadd.f32 v2, v8;
	v3 =	vadd.f32 v48, v3  }
0x320: {  	v10 =	vadd.f32 v46, v12;
	v8 =	vld.idx.msk [tilespmem:v49+s23+$0x0], $0xffff;
	v1 =	vadd.f32 v1, v7;
	v7 =	vor.u32 s19, v54  }
0x321: {  	v34 =	vor.u32 s28, v52;
	v9 =	vld.idx.msk [tilespmem:v50+s23+$0x0], $0xffff;
	v3 =	vadd.f32 v32, v3  }
0x322: {  	v36 =	vor.u32 s28, v54;
	v10 =	vadd.f32 v29, v10;
	v1 =	vadd.f32 v27, v1  }
0x323: {  	v35 =	vor.u32 s28, v62;
	v5 =	vld.idx.msk [tilespmem:v5+s23+$0x0], $0xffff;
	v3 =	vadd.f32 v11, v3  }
0x324: {  	v6 =	vadd.f32 v6, v10;
	v43 =	vadd.f32 v24, v1  }
0x325: {  	v38 =	vor.u32 s2, v52;
	v7 =	vld.idx.msk [tilespmem:v7+s23+$0x0], $0xffff  }
0x326: {  	v15 =	vld.idx.msk [tilespmem:v34+s23+$0x0], $0xffff;
	v3 =	vadd.f32 v9, v3;
	v6 =	vadd.f32 v8, v6;
	v8 =	vand.u32 $0x7FFFFFFF, v43  }
0x327: {  	v40 =	vld.idx.msk [tilespmem:v36+s23+$0x0], $0xffff;
	v8 =	vsub.f32 $0.0e+00, v8  }
0x328: {  	v0 =	vadd.f32 v25, v0;
	v4 =	vor.u32 s2, v62;
	v39 =	vld.idx.msk [tilespmem:v35+s23+$0x0], $0xffff;
	v3 =	vadd.f32 v5, v3  }
0x329: {  	v37 =	vor.u32 s17, v62;
	v42 =	vor.u32 s2, v54;
	s2 =	simm.s32 $0x900;
	v5 =	vmul.f32 $1.442695020e+00, v8;
	v8 =	vld [tilespmem:$0x1FDC0]  }
0x32a: {  	v0 =	vadd.f32 v22, v0;
	v44 =	vld.idx.msk [tilespmem:v38+s23+$0x0], $0xffff;
	v38 =	vadd.f32 v7, v3;
	v3 =	vor.u32 s2, v62  }
0x32b: {  	v2 =	vadd.f32 v28, v2;
	(erf) = vpow2.f32 v5;
	v5 =	vld [tilespmem:$0x1FDD0]  }
0x32c: {  	v0 =	vadd.f32 v19, v0;
	v1 =	vor.u32 s17, v54;
	v6 =	vadd.f32 v15, v6  }
0x32d: {  	v2 =	vadd.f32 v17, v2  }
0x32e: {  	v41 =	vld.idx.msk [tilespmem:v37+s23+$0x0], $0xffff;
	v6 =	vadd.f32 v39, v6;
	v0 =	vadd.f32 v8, v0  }
0x32f: {  	v2 =	vadd.f32 v23, v2;
	v3 =	vld.idx.msk [tilespmem:v3+s23+$0x0], $0xffff  }
0x330: {  	v5 =	vadd.f32 v5, v0;
	v0 =	vadd.f32 v40, v6;
	v6 =	vor.u32 s2, v52  }
0x331: {  	v1 =	vld.idx.msk [tilespmem:v1+s23+$0x0], $0xffff  }
0x332: {  	v2 =	vadd.f32 v21, v2  }
0x333: {  	v4 =	vld.idx.msk [tilespmem:v4+s23+$0x0], $0xffff  }
0x334: {  	v2 =	vadd.f32 v41, v2;
	v7 =	vld.idx.msk [tilespmem:v42+s23+$0x0], $0xffff;
	[tilespmem:$0x1FDE0] =	vst v3  }
0x335: {  	v6 =	vld.idx.msk [tilespmem:v6+s23+$0x0], $0xffff  }
0x336: {  	v17 =	vadd.f32 v1, v2;
	v2 =	vor.u32 s2, v59;
	_ =	sdelay $0x3  }
0x337: {  	[tilespmem:$0x1FDF0] =	vst v6  }
0x338: {  	v2 =	vld.idx.msk [tilespmem:v2+s23+$0x0], $0xffff  }
0x339: {  	v10 =	vor.u32 s2, v57;
	_ =	sdelay $0x2  }
0x33a: {  	v8 =	vand.u32 $0x7FFFFFFF, v38  }
0x33b: {  	v8 =	vsub.f32 $0.0e+00, v8;
	v5 =	vadd.f32 v44, v5;
	v45 =	vand.u32 $0x7FFFFFFF, v0;
	[tilespmem:$0x1FE00] =	vst v2  }
0x33c: {  	v1 =	vsub.f32 $0.0e+00, v45;
	v10 =	vld.idx.msk [tilespmem:v10+s23+$0x0], $0xffff  }
0x33d: {  	v4 =	vadd.f32 v4, v5;
	v5 =	vmul.f32 $1.442695020e+00, v8;
	v8 =	vor.u32 s2, v58  }
0x33e: {  	v46 =	vand.u32 $0x7FFFFFFF, v17;
	v1 =	vmul.f32 $1.442695020e+00, v1  }
0x33f: {  	v50 =	vadd.f32 v7, v4;
	v4 =	vsub.f32 $0.0e+00, v46;
	(erf) = vpow2.f32 v5  }
0x340: {  	v11 =	vpop (erf);
	(erf) = vpow2.f32 v1  }
0x341: {  	v48 =	vmul.f32 $6.220825480e-03, v11;
	v4 =	vmul.f32 $1.442695020e+00, v4;
	[tilespmem:$0x1FE10] =	vst v10  }
0x342: {  	v8 =	vld.idx.msk [tilespmem:v8+s23+$0x0], $0xffff  }
0x343: {  	v5 =	vor.u32 s2, v56;
	v13 =	vsub.f32 $3.524021430e-02, v48;
	(erf) = vpow2.f32 v4  }
0x344: {  	v47 =	vand.u32 $0x7FFFFFFF, v50  }
0x345: {  	v9 =	vsub.f32 $0.0e+00, v47;
	v49 =	vmul.f32 v13, v11  }
0x346: {  	s18 =	simm.s32 $0x700  }
0x347: {  	v36 =	vor.u32 s18, v58;
	v14 =	vor.u32 s2, v60;
	v9 =	vmul.f32 $1.442695020e+00, v9;
	[tilespmem:$0x1FE20] =	vst v8  }
0x348: {  	v16 =	vor.u32 s2, v61;
	v23 =	vor.u32 s2, v20;
	v25 =	vor.u32 s2, v51;
	v3 =	vpop (erf);
	v5 =	vld.idx.msk [tilespmem:v5+s23+$0x0], $0xffff  }
0x349: {  	v12 =	vor.u32 s2, v18;
	(erf) = vpow2.f32 v9;
	v9 =	vadd.f32 $-9.409968550e-02, v49;
	v49 =	vpop (erf)  }
0x34a: {  	v41 =	vor.u32 s18, v56;
	s19 =	simm.s32 $0x500;
	v1 =	vor.u32 s2, v26;
	v2 =	vmul.f32 $6.220825480e-03, v49  }
0x34b: {  	v29 =	vor.u32 s19, v62;
	v28 =	vor.u32 s19, v54;
	v34 =	vor.u32 s19, v52;
	s17 =	simm.s32 $0x800  }
0x34c: {  	v27 =	vor.u32 s17, v62;
	v31 =	vor.u32 s17, v59;
	v2 =	vsub.f32 $3.524021430e-02, v2;
	v8 =	vpop (erf)  }
0x34d: {  	v19 =	vld [tilespmem:$0x1FF20];
	v7 =	vor.u32 s2, v63;
	v6 =	vmul.f32 $6.220825480e-03, v3;
	[tilespmem:$0x1FE30] =	vst v5;
	v5 =	vmul.f32 $6.220825480e-03, v8  }
0x34e: {  	v33 =	vor.u32 s17, v57;
	v57 =	vor.u32 s17, v58;
	v2 =	vmul.f32 v2, v49  }
0x34f: {  	v15 =	vor.u32 s2, v53;
	v6 =	vsub.f32 $3.524021430e-02, v6;
	v30 =	vld.idx.msk [tilespmem:v1+s23+$0x0], $0xffff;
	v1 =	vsub.f32 $3.524021430e-02, v5  }
0x350: {  	v59 =	vor.u32 s17, v63;
	v62 =	vmax.f32 v0, $0.0e+00;
	v2 =	vadd.f32 $-9.409968550e-02, v2  }
0x351: {  	v13 =	vor.u32 s17, v52;
	v6 =	vmul.f32 v6, v3;
	v1 =	vmul.f32 v1, v8  }
0x352: {  	v0 =	vmul.f32 v0, v19;
	v4 =	vor.u32 s2, v55;
	v2 =	vmul.f32 v2, v49;
	v52 =	vpop (erf);
	v24 =	vld.idx.msk [tilespmem:v7+s23+$0x0], $0xffff  }
0x353: {  	v32 =	vld.idx.msk [tilespmem:v12+s23+$0x0], $0xffff;
	v5 =	vadd.f32 $-9.409968550e-02, v6;
	v6 =	vmul.f32 $6.220825480e-03, v52;
	v1 =	vadd.f32 $-9.409968550e-02, v1  }
0x354: {  	v58 =	vor.u32 s17, v56;
	v9 =	vmul.f32 v9, v11;
	v2 =	vadd.f32 $1.667533070e-01, v2;
	v35 =	vld.idx.msk [tilespmem:v14+s23+$0x0], $0xffff  }
0x355: {  	v37 =	vld.idx.msk [tilespmem:v15+s23+$0x0], $0xffff;
	v5 =	vmul.f32 v5, v3;
	v6 =	vsub.f32 $3.524021430e-02, v6;
	v1 =	vmul.f32 v1, v8  }
0x356: {  	v56 =	vmul.f32 v38, v19;
	v9 =	vadd.f32 $1.667533070e-01, v9;
	v2 =	vmul.f32 v2, v49;
	v13 =	vld.idx.msk [tilespmem:v13+s23+$0x0], $0xffff  }
0x357: {  	v40 =	vld.idx.msk [tilespmem:v4+s23+$0x0], $0xffff;
	v4 =	vadd.f32 $1.667533070e-01, v5;
	v5 =	vmul.f32 v6, v52;
	v1 =	vadd.f32 $1.667533070e-01, v1  }
0x358: {  	v47 =	vor.u32 s17, v26;
	v2 =	vadd.f32 $-2.403839530e-01, v2;
	v7 =	vmul.f32 v9, v11;
	v42 =	vld.idx.msk [tilespmem:v16+s23+$0x0], $0xffff  }
0x359: {  	v10 =	vor.u32 s18, v26;
	v45 =	vld.idx.msk [tilespmem:v23+s23+$0x0], $0xffff;
	v5 =	vadd.f32 $-9.409968550e-02, v5;
	v1 =	vmul.f32 v1, v8  }
0x35a: {  	v2 =	vmul.f32 v2, v49;
	v9 =	vor.u32 s18, v60;
	v46 =	vld.idx.msk [tilespmem:v25+s23+$0x0], $0xffff;
	v7 =	vadd.f32 $-2.403839530e-01, v7  }
0x35b: {  	v23 =	vld.idx.msk [tilespmem:v27+s23+$0x0], $0xffff;
	[tilespmem:$0x1FE40] =	vst v13;
	v4 =	vmul.f32 v4, v3;
	v5 =	vmul.f32 v5, v52;
	v1 =	vadd.f32 $-2.403839530e-01, v1  }
0x35c: {  	v12 =	vor.u32 s17, v60;
	v2 =	vadd.f32 $3.317297700e-01, v2;
	v7 =	vmul.f32 v7, v11;
	v27 =	vld.idx.msk [tilespmem:v28+s23+$0x0], $0xffff  }
0x35d: {  	v25 =	vld.idx.msk [tilespmem:v31+s23+$0x0], $0xffff;
	v4 =	vadd.f32 $-2.403839530e-01, v4;
	v5 =	vadd.f32 $1.667533070e-01, v5;
	v1 =	vmul.f32 v1, v8  }
0x35e: {  	v60 =	vor.u32 s17, v18;
	v2 =	vmul.f32 v2, v49;
	v6 =	vadd.f32 $3.317297700e-01, v7;
	v31 =	vld.idx.msk [tilespmem:v33+s23+$0x0], $0xffff  }
0x35f: {  	v33 =	vld.idx.msk [tilespmem:v34+s23+$0x0], $0xffff;
	v4 =	vmul.f32 v4, v3;
	v5 =	vmul.f32 v5, v52;
	v1 =	vadd.f32 $3.317297700e-01, v1  }
0x360: {  	v2 =	vadd.f32 $-4.998678270e-01, v2;
	v34 =	vld.idx.msk [tilespmem:v57+s23+$0x0], $0xffff;
	v57 =	vmax.f32 v38, $0.0e+00;
	v6 =	vmul.f32 v6, v11  }
0x361: {  	v29 =	vld.idx.msk [tilespmem:v29+s23+$0x0], $0xffff;
	v4 =	vadd.f32 $3.317297700e-01, v4;
	v5 =	vadd.f32 $-2.403839530e-01, v5;
	v1 =	vmul.f32 v1, v8  }
0x362: {  	v38 =	vld.idx.msk [tilespmem:v58+s23+$0x0], $0xffff;
	v58 =	vmax.f32 v43, $0.0e+00;
	v2 =	vmul.f32 v2, v49;
	v6 =	vadd.f32 $-4.998678270e-01, v6  }
0x363: {  	v39 =	vld.idx.msk [tilespmem:v41+s23+$0x0], $0xffff;
	v4 =	vmul.f32 v4, v3;
	v5 =	vmul.f32 v5, v52;
	v1 =	vadd.f32 $-4.998678270e-01, v1  }
0x364: {  	v41 =	vld.idx.msk [tilespmem:v59+s23+$0x0], $0xffff;
	v59 =	vmul.f32 v43, v19;
	v2 =	vadd.f32 $9.999961250e-01, v2;
	v6 =	vmul.f32 v6, v11  }
0x365: {  	v43 =	vld.idx.msk [tilespmem:v47+s23+$0x0], $0xffff;
	v4 =	vadd.f32 $-4.998678270e-01, v4;
	v5 =	vadd.f32 $3.317297700e-01, v5;
	v1 =	vmul.f32 v1, v8  }
0x366: {  	v63 =	vor.u32 s18, v55;
	v47 =	vld.idx.msk [tilespmem:v60+s23+$0x0], $0xffff;
	v60 =	vmul.f32 v2, v49;
	v6 =	vadd.f32 $9.999961250e-01, v6  }
0x367: {  	v36 =	vld.idx.msk [tilespmem:v36+s23+$0x0], $0xffff;
	v4 =	vmul.f32 v4, v3;
	v2 =	vmul.f32 v5, v52;
	v1 =	vadd.f32 $9.999961250e-01, v1  }
0x368: {  	v15 =	vor.u32 s17, v53;
	v7 =	vor.u32 s17, v55;
	v44 =	vld.idx.msk [tilespmem:v10+s23+$0x0], $0xffff;
	v6 =	vmul.f32 v6, v11  }
0x369: {  	v4 =	vadd.f32 $9.999961250e-01, v4;
	v8 =	vmul.f32 v1, v8;
	v1 =	vadd.f32 $-4.998678270e-01, v2;
	v2 =	vld [tilespmem:$0x1FE50]  }
0x36a: {  	v53 =	vor.u32 s17, v61;
	v48 =	vld.idx.msk [tilespmem:v12+s23+$0x0], $0xffff;
	v16 =	vsub.f32 v58, v59;
	v6 =	vadd.f32 $1.035522250e-08, v6  }
0x36b: {  	v0 =	vsub.f32 v62, v0;
	v59 =	vld.idx.msk [tilespmem:v63+s23+$0x0], $0xffff;
	v3 =	vmul.f32 v4, v3;
	v4 =	vor.u32 s17, v20  }
0x36c: {  	v62 =	vor.u32 s18, v20;
	v49 =	vld.idx.msk [tilespmem:v9+s23+$0x0], $0xffff;
	v5 =	vadd.f32 v6, v16;
	v6 =	vor.u32 s17, v51  }
0x36d: {  	s22 =	simm.s32 $0x600;
	v9 =	vor.u32 s18, v51;
	v58 =	vld.idx.msk [tilespmem:v7+s23+$0x0], $0xffff;
	v11 =	vsub.f32 v57, v56;
	v3 =	vadd.f32 $1.035522250e-08, v3  }
0x36e: {  	v7 =	vor.u32 s22, v20;
	v57 =	vld.idx.msk [tilespmem:v15+s23+$0x0], $0xffff;
	v5 =	vadd.f32 v5, v2;
	v2 =	vmul.f32 v17, v19  }
0x36f: {  	v3 =	vadd.f32 v3, v11;
	v63 =	vmul.f32 v1, v52;
	v1 =	vld.idx.msk [tilespmem:v53+s23+$0x0], $0xffff;
	v53 =	vmax.f32 v17, $0.0e+00  }
0x370: {  	v54 =	vor.u32 s22, v51;
	v13 =	vsub.f32 v53, v2;
	v2 =	vld.idx.msk [tilespmem:v4+s23+$0x0], $0xffff;
	v4 =	vadd.f32 $1.035522250e-08, v60  }
0x371: {  	v15 =	vor.u32 s19, v20;
	v56 =	vadd.f32 v3, v5;
	v5 =	vadd.f32 $9.999961250e-01, v63;
	v3 =	vld.idx.msk [tilespmem:v6+s23+$0x0], $0xffff  }
0x372: {  	v11 =	vor.u32 s19, v51;
	v8 =	vadd.f32 $1.035522250e-08, v8;
	v6 =	vld.idx.msk [tilespmem:v9+s23+$0x0], $0xffff;
	v0 =	vadd.f32 v4, v0  }
0x373: {  	v4 =	vld.idx.msk [tilespmem:v62+s23+$0x0], $0xffff;
	v60 =	vmul.f32 v5, v52;
	v62 =	vmul.f32 v50, v19  }
0x374: {  	v63 =	vmax.f32 v50, $0.0e+00;
	v5 =	vld.idx.msk [tilespmem:v7+s23+$0x0], $0xffff;
	v7 =	vadd.f32 v8, v13;
	v0 =	vadd.f32 v0, v56  }
0x375: {  	v51 =	vor.u32 s18, v61;
	v8 =	vadd.f32 $1.035522250e-08, v60;
	v9 =	vsub.f32 v63, v62;
	v56 =	vld.idx.msk [tilespmem:v54+s23+$0x0], $0xffff  }
0x376: {  	v54 =	vor.u32 s22, v61;
	v61 =	vor.u32 s19, v61;
	v60 =	vld.idx.msk [tilespmem:v15+s23+$0x0], $0xffff;
	v62 =	vor.u32 s22, v55  }
0x377: {  	s26 =	simm.s32 $0xE00;
	s21 =	simm.s32 $0x5;
	v63 =	vor.u32 s19, v55;
	v20 =	vadd.f32 v7, v0;
	v0 =	vld.idx.msk [tilespmem:v11+s23+$0x0], $0xffff;
	v50 =	vadd.f32 v8, v9  }
.LBB2_9:
0x378: {  	_ = 	snop  }
0x379: {  	v21 =	vld [tilespmem:$0x1FF10]  }
0x37a: {  	v7 =	vld.idx.msk [tilespmem:v51+s23+$0x0], $0xffff  }
0x37b: {  	v18 =	vld [tilespmem:$0x1FF00]  }
0x37c: {  	v17 =	vld [tilespmem:$0x1FEF0]  }
0x37d: {  	v9 =	vld.idx.msk [tilespmem:v54+s23+$0x0], $0xffff  }
0x37e: {  	v26 =	vld [tilespmem:$0x1FF50]  }
0x37f: {  	v13 =	vld.idx.msk [tilespmem:v62+s23+$0x0], $0xffff  }
0x380: {  	v62 =	vld [tilespmem:$0x1FFD0]  }
0x381: {  	v28 =	vld [tilespmem:$0x1FF70]  }
0x382: {  	v15 =	vadd.f32 v46, v45;
	v46 =	vld [tilespmem:$0x1FFE0]  }
0x383: {  	v11 =	vld.idx.msk [tilespmem:v61+s23+$0x0], $0xffff  }
0x384: {  	v22 =	vmov v27;
	v27 =	vmov v23;
	v23 =	vld [tilespmem:$0x1FF80]  }
0x385: {  	v61 =	vld [tilespmem:$0x1FF60];
	v2 =	vadd.f32 v3, v2;
	v14 =	vor.u32 s22, v62  }
0x386: {  	v16 =	vld.idx.msk [tilespmem:v63+s23+$0x0], $0xffff;
	v4 =	vadd.f32 v6, v4;
	v63 =	vor.u32 s19, v62  }
0x387: {  	v19 =	vld [tilespmem:$0x1FE10];
	v6 =	vor.u32 s18, v46;
	v1 =	vadd.f32 v1, v2;
	v2 =	vadd.f32 v42, v15  }
0x388: {  	v42 =	vld [tilespmem:$0x1FFF0]  }
0x389: {  	v2 =	vadd.f32 v40, v2;
	v40 =	vld [tilespmem:$0x1FF40];
	v8 =	vor.u32 s18, v23  }
0x38a: {  	v4 =	vadd.f32 v7, v4;
	v10 =	vor.u32 s22, v23;
	v7 =	vld.idx.msk [tilespmem:v14+s23+$0x0], $0xffff  }
0x38b: {  	v0 =	vadd.f32 v0, v60;
	v12 =	vor.u32 s19, v23;
	v60 =	vld.idx.msk [tilespmem:v63+s23+$0x0], $0xffff  }
0x38c: {  	v15 =	vor.u32 s19, v46;
	v6 =	vld.idx.msk [tilespmem:v6+s23+$0x0], $0xffff  }
0x38d: {  	v3 =	vadd.f32 v56, v5;
	v2 =	vadd.f32 v37, v2;
	v37 =	vld [tilespmem:$0x1FF30]  }
0x38e: {  	v4 =	vadd.f32 v59, v4;
	v1 =	vadd.f32 v58, v1;
	v59 =	vor.u32 s19, v61;
	v5 =	vld.idx.msk [tilespmem:v8+s23+$0x0], $0xffff  }
0x38f: {  	v8 =	vld.idx.msk [tilespmem:v10+s23+$0x0], $0xffff  }
0x390: {  	v3 =	vadd.f32 v9, v3;
	v1 =	vadd.f32 v57, v1;
	v63 =	vor.u32 s19, v42;
	v12 =	vld.idx.msk [tilespmem:v12+s23+$0x0], $0xffff  }
0x391: {  	v0 =	vadd.f32 v11, v0;
	v15 =	vld.idx.msk [tilespmem:v15+s23+$0x0], $0xffff;
	v10 =	vor.u32 s22, v46  }
0x392: {  	v3 =	vadd.f32 v13, v3;
	v9 =	vor.u32 s22, v42;
	v1 =	vadd.f32 v48, v1;
	v48 =	vld [tilespmem:$0x1FE30]  }
0x393: {  	v0 =	vadd.f32 v16, v0;
	v56 =	vor.u32 s19, v40;
	v11 =	vld.idx.msk [tilespmem:v59+s23+$0x0], $0xffff  }
0x394: {  	v59 =	vld [tilespmem:$0x1FE20];
	v3 =	vadd.f32 v8, v3;
	v8 =	vor.u32 s22, v40  }
0x395: {  	v57 =	vld.idx.msk [tilespmem:v63+s23+$0x0], $0xffff;
	v4 =	vadd.f32 v5, v4;
	v0 =	vadd.f32 v12, v0;
	v5 =	vor.u32 s19, v37  }
0x396: {  	v2 =	vadd.f32 v35, v2;
	v45 =	vor.u32 s18, v40;
	v10 =	vld.idx.msk [tilespmem:v10+s23+$0x0], $0xffff  }
0x397: {  	v58 =	vor.u32 s22, v37;
	v9 =	vld.idx.msk [tilespmem:v9+s23+$0x0], $0xffff;
	v0 =	vadd.f32 v60, v0  }
0x398: {  	v2 =	vadd.f32 v32, v2;
	v63 =	vor.u32 s19, v26;
	v4 =	vadd.f32 v49, v4;
	v60 =	vld.idx.msk [tilespmem:v56+s23+$0x0], $0xffff  }
0x399: {  	v32 =	vor.u32 s22, v61;
	v3 =	vadd.f32 v7, v3;
	v0 =	vadd.f32 v15, v0;
	v8 =	vld.idx.msk [tilespmem:v8+s23+$0x0], $0xffff  }
0x39a: {  	v4 =	vadd.f32 v6, v4;
	v6 =	vor.u32 s19, v28;
	v5 =	vld.idx.msk [tilespmem:v5+s23+$0x0], $0xffff  }
0x39b: {  	v35 =	vor.u32 s22, v26;
	v7 =	vld.idx.msk [tilespmem:v45+s23+$0x0], $0xffff;
	v3 =	vadd.f32 v10, v3;
	v0 =	vadd.f32 v57, v0  }
0x39c: {  	v1 =	vadd.f32 v47, v1;
	v47 =	vor.u32 s22, v28;
	v2 =	vadd.f32 v30, v2;
	v14 =	vld.idx.msk [tilespmem:v58+s23+$0x0], $0xffff  }
0x39d: {  	v45 =	vld.idx.msk [tilespmem:v63+s23+$0x0], $0xffff;
	v49 =	vor.u32 s18, v17;
	v3 =	vadd.f32 v9, v3;
	v0 =	vadd.f32 v60, v0  }
0x39e: {  	v1 =	vadd.f32 v43, v1;
	v10 =	vld.idx.msk [tilespmem:v32+s23+$0x0], $0xffff;
	v4 =	vadd.f32 v44, v4  }
0x39f: {  	v6 =	vld.idx.msk [tilespmem:v6+s23+$0x0], $0xffff;
	v3 =	vadd.f32 v8, v3;
	v8 =	vor.u32 s22, v17;
	v0 =	vadd.f32 v5, v0  }
0x3a0: {  	v1 =	vadd.f32 v41, v1;
	v44 =	vor.u32 s18, v26;
	v4 =	vadd.f32 v7, v4;
	v5 =	vld.idx.msk [tilespmem:v35+s23+$0x0], $0xffff  }
0x3a1: {  	v56 =	vor.u32 s22, v21;
	v57 =	vld.idx.msk [tilespmem:v47+s23+$0x0], $0xffff;
	v3 =	vadd.f32 v14, v3;
	v0 =	vadd.f32 v11, v0  }
0x3a2: {  	v1 =	vadd.f32 v38, v1;
	v32 =	vld.idx.msk [tilespmem:v49+s23+$0x0], $0xffff;
	v7 =	vor.u32 s18, v28;
	v4 =	vadd.f32 v39, v4  }
0x3a3: {  	v60 =	vor.u32 s22, v18;
	v39 =	vld [tilespmem:$0x1FE40];
	v0 =	vadd.f32 v45, v0;
	v3 =	vadd.f32 v10, v3  }
0x3a4: {  	v2 =	vadd.f32 v24, v2;
	v58 =	vor.u32 s18, v21;
	v1 =	vadd.f32 v34, v1;
	v8 =	vld.idx.msk [tilespmem:v8+s23+$0x0], $0xffff  }
0x3a5: {  	v34 =	vor.u32 s17, v18;
	v9 =	vld.idx.msk [tilespmem:v44+s23+$0x0], $0xffff;
	v0 =	vadd.f32 v6, v0;
	v3 =	vadd.f32 v5, v3  }
0x3a6: {  	v2 =	vadd.f32 v48, v2;
	v1 =	vadd.f32 v31, v1;
	v5 =	vld.idx.msk [tilespmem:v56+s23+$0x0], $0xffff  }
0x3a7: {  	v63 =	vor.u32 s18, v18;
	v7 =	vld.idx.msk [tilespmem:v7+s23+$0x0], $0xffff;
	v0 =	vadd.f32 v33, v0;
	v3 =	vadd.f32 v57, v3  }
0x3a8: {  	v1 =	vadd.f32 v25, v1;
	v4 =	vadd.f32 v36, v4;
	v38 =	vld.idx.msk [tilespmem:v60+s23+$0x0], $0xffff  }
0x3a9: {  	v35 =	vld.idx.msk [tilespmem:v58+s23+$0x0], $0xffff;
	v0 =	vadd.f32 v29, v0;
	v3 =	vadd.f32 v8, v3  }
0x3aa: {  	v1 =	vadd.f32 v39, v1;
	v4 =	vadd.f32 v9, v4;
	v8 =	vld.idx.msk [tilespmem:v34+s23+$0x0], $0xffff  }
0x3ab: {  	v36 =	vld [tilespmem:$0x1FE00];
	v44 =	vadd.f32 v22, v0;
	v0 =	vadd.f32 v5, v3  }
0x3ac: {  	v55 =	vor.u32 s2, v18;
	v2 =	vadd.f32 v59, v2;
	v4 =	vadd.f32 v7, v4;
	v7 =	vld.idx.msk [tilespmem:v63+s23+$0x0], $0xffff  }
0x3ad: {  	v5 =	vld [tilespmem:$0x1FDF0];
	v38 =	vadd.f32 v38, v0;
	v0 =	vadd.f32 v27, v1  }
0x3ae: {  	v2 =	vadd.f32 v19, v2;
	v4 =	vadd.f32 v32, v4  }
0x3af: {  	v56 =	vadd.f32 v8, v0;
	v0 =	vld [tilespmem:$0x1FDE0]  }
0x3b0: {  	v2 =	vadd.f32 v36, v2;
	v4 =	vadd.f32 v35, v4  }
0x3b1: {  	v3 =	vld.idx.msk [tilespmem:v55+s23+$0x0], $0xffff  }
0x3b2: {  	v31 =	vadd.f32 v7, v4;
	v2 =	vadd.f32 v5, v2;
	v5 =	vand.u32 $0x7FFFFFFF, v44  }
0x3b3: {  	v4 =	vand.u32 $0x7FFFFFFF, v38;
	v1 =	vsub.f32 $0.0e+00, v5  }
0x3b4: {  	v0 =	vadd.f32 v0, v2;
	v2 =	vsub.f32 $0.0e+00, v4;
	v4 =	vand.u32 $0x7FFFFFFF, v31  }
0x3b5: {  	v53 =	vor.u32 s26, v21;
	v1 =	vmul.f32 $1.442695020e+00, v1;
	v4 =	vsub.f32 $0.0e+00, v4  }
0x3b6: {  	v55 =	vadd.f32 v3, v0;
	v0 =	vmul.f32 $1.442695020e+00, v2;
	v2 =	vand.u32 $0x7FFFFFFF, v56  }
0x3b7: {  	v2 =	vsub.f32 $0.0e+00, v2  }
0x3b8: {  	(erf) = vpow2.f32 v1;
	v1 =	vmul.f32 $1.442695020e+00, v4  }
0x3b9: {  	(erf) = vpow2.f32 v0;
	v0 =	vmul.f32 $1.442695020e+00, v2  }
0x3ba: {  	(erf) = vpow2.f32 v1  }
0x3bb: {  	v52 =	vor.u32 s26, v17;
	(erf) = vpow2.f32 v0;
	v0 =	vld.idx.msk [tilespmem:v53+s23+$0x0], $0xffff;
	_ =	sdelay $0x4  }
0x3bc: {  	v54 =	vor.u32 s26, v28;
	[tilespmem:$0x1FDE0] =	vst v0;
	v0 =	vld.idx.msk [tilespmem:v52+s23+$0x0], $0xffff;
	_ =	sdelay $0x2  }
0x3bd: {  	v20 =	vadd.f32 v50, v20;
	v50 =	vor.u32 s26, v61;
	v3 =	vand.u32 $0x7FFFFFFF, v55  }
0x3be: {  	v24 =	vor.u32 s26, v37;
	v19 =	vld [tilespmem:$0x1FF90];
	v2 =	vsub.f32 $0.0e+00, v3  }
0x3bf: {  	v51 =	vor.u32 s26, v26;
	[tilespmem:$0x1FDF0] =	vst v0;
	v0 =	vld.idx.msk [tilespmem:v54+s23+$0x0], $0xffff  }
0x3c0: {  	v13 =	vor.u32 s26, v23;
	s17 =	sadd.s32 $0xFFFFFF00, s26;
	v15 =	vor.u32 s26, v46;
	v25 =	vld [tilespmem:$0x1FFB0];
	v1 =	vmul.f32 $1.442695020e+00, v2  }
0x3c1: {  	v43 =	vor.u32 s17, v42;
	v41 =	vor.u32 s17, v40;
	v48 =	vor.u32 s17, v46;
	s18 =	sadd.s32 $0xFFFFFE00, s26;
	v45 =	vld [tilespmem:$0x1FFC0]  }
0x3c2: {  	v28 =	vor.u32 s17, v28;
	v47 =	vor.u32 s18, v42;
	(erf) = vpow2.f32 v1;
	v1 =	vld.idx.msk [tilespmem:v50+s23+$0x0], $0xffff  }
0x3c3: {  	v49 =	vor.u32 s18, v62;
	v12 =	vor.u32 s26, v19;
	v58 =	vor.u32 s17, v19;
	v3 =	vld.idx.msk [tilespmem:v24+s23+$0x0], $0xffff  }
0x3c4: {  	v59 =	vor.u32 s18, v19;
	v14 =	vor.u32 s26, v42;
	v11 =	vor.u32 s17, v17;
	[tilespmem:$0x1FE00] =	vst v0;
	v0 =	vld.idx.msk [tilespmem:v51+s23+$0x0], $0xffff  }
0x3c5: {  	v60 =	vor.u32 s17, v25;
	v10 =	vor.u32 s26, v62;
	v39 =	vor.u32 s18, v37  }
0x3c6: {  	v6 =	vor.u32 s26, v40;
	v9 =	vor.u32 s26, v25;
	v36 =	vor.u32 s18, v61;
	v2 =	vpop (erf)  }
0x3c7: {  	s19 =	sadd.s32 $0xFFFFFC00, s26;
	v33 =	vor.u32 s17, v26;
	v57 =	vor.u32 s17, v23;
	v63 =	vor.u32 s17, v45;
	v22 =	vld [tilespmem:$0x1FFA0];
	[tilespmem:$0x1FE20] =	vst v1;
	v1 =	vpop (erf)  }
0x3c8: {  	v29 =	vor.u32 s19, v21;
	v34 =	vor.u32 s19, v17;
	v17 =	vor.u32 s17, v61;
	[tilespmem:$0x1FE30] =	vst v3;
	v3 =	vpop (erf)  }
0x3c9: {  	v7 =	vor.u32 s26, v45;
	v26 =	vmul.f32 $6.220825480e-03, v3;
	[tilespmem:$0x1FE10] =	vst v0;
	v0 =	vmul.f32 $6.220825480e-03, v2  }
0x3ca: {  	v30 =	vld.idx.msk [tilespmem:v14+s23+$0x0], $0xffff;
	v27 =	vor.u32 s19, v18;
	v8 =	vor.u32 s17, v21;
	v21 =	vmul.f32 $6.220825480e-03, v1  }
0x3cb: {  	v11 =	vld.idx.msk [tilespmem:v11+s23+$0x0], $0xffff;
	v18 =	vor.u32 s17, v37;
	v42 =	vsub.f32 $3.524021430e-02, v26;
	v0 =	vsub.f32 $3.524021430e-02, v0  }
0x3cc: {  	v35 =	vld.idx.msk [tilespmem:v10+s23+$0x0], $0xffff;
	v16 =	vor.u32 s26, v22;
	v61 =	vor.u32 s17, v22;
	v40 =	vsub.f32 $3.524021430e-02, v21  }
0x3cd: {  	v37 =	vld.idx.msk [tilespmem:v13+s23+$0x0], $0xffff;
	v4 =	vor.u32 s17, v62;
	v5 =	vpop (erf);
	v13 =	vmul.f32 v42, v3;
	v0 =	vmul.f32 v0, v2  }
0x3ce: {  	v62 =	vor.u32 s19, v25;
	v24 =	vld.idx.msk [tilespmem:v6+s23+$0x0], $0xffff;
	v23 =	vmul.f32 $6.220825480e-03, v5;
	v6 =	vpop (erf);
	v10 =	vmul.f32 v40, v1  }
0x3cf: {  	v32 =	vld.idx.msk [tilespmem:v15+s23+$0x0], $0xffff;
	v46 =	vmul.f32 $6.220825480e-03, v6;
	v13 =	vadd.f32 $-9.409968550e-02, v13;
	v0 =	vadd.f32 $-9.409968550e-02, v0  }
0x3d0: {  	v53 =	vor.u32 s18, v45;
	v14 =	vsub.f32 $3.524021430e-02, v23;
	v40 =	vld.idx.msk [tilespmem:v12+s23+$0x0], $0xffff;
	v10 =	vadd.f32 $-9.409968550e-02, v10  }
0x3d1: {  	s22 =	sadd.s32 $0xFFFFFD00, s26;
	v15 =	vsub.f32 $3.524021430e-02, v46;
	v46 =	vld.idx.msk [tilespmem:v7+s23+$0x0], $0xffff;
	v7 =	vmul.f32 v13, v3;
	v12 =	vmul.f32 v0, v2  }
0x3d2: {  	v50 =	vor.u32 s22, v45;
	v14 =	vmul.f32 v14, v5;
	v10 =	vmul.f32 v10, v1  }
0x3d3: {  	v7 =	vadd.f32 $1.667533070e-01, v7;
	v0 =	vor.u32 s19, v45;
	v45 =	vld.idx.msk [tilespmem:v9+s23+$0x0], $0xffff;
	v9 =	vadd.f32 $1.667533070e-01, v12  }
0x3d4: {  	v52 =	vor.u32 s18, v25;
	v42 =	vld.idx.msk [tilespmem:v16+s23+$0x0], $0xffff;
	v16 =	vmul.f32 v15, v6;
	v12 =	vadd.f32 $-9.409968550e-02, v14  }
0x3d5: {  	v23 =	vld.idx.msk [tilespmem:v8+s23+$0x0], $0xffff;
	v7 =	vmul.f32 v7, v3;
	v8 =	vmul.f32 v9, v2;
	v9 =	vadd.f32 $1.667533070e-01, v10  }
0x3d6: {  	v41 =	vld.idx.msk [tilespmem:v41+s23+$0x0], $0xffff;
	[tilespmem:$0x1FE40] =	vst v11;
	v54 =	vor.u32 s22, v25;
	v16 =	vadd.f32 $-9.409968550e-02, v16;
	v11 =	vmul.f32 v12, v5  }
0x3d7: {  	v21 =	vld [tilespmem:$0x1FF20];
	v7 =	vadd.f32 $-2.403839530e-01, v7;
	v8 =	vadd.f32 $-2.403839530e-01, v8;
	v9 =	vmul.f32 v9, v1  }
0x3d8: {  	v43 =	vld.idx.msk [tilespmem:v43+s23+$0x0], $0xffff;
	v15 =	vmax.f32 v38, $0.0e+00;
	v12 =	vmul.f32 v16, v6;
	v11 =	vadd.f32 $1.667533070e-01, v11  }
0x3d9: {  	v49 =	vld.idx.msk [tilespmem:v49+s23+$0x0], $0xffff;
	v7 =	vmul.f32 v7, v3;
	v8 =	vmul.f32 v8, v2;
	v9 =	vadd.f32 $-2.403839530e-01, v9  }
0x3da: {  	v58 =	vld.idx.msk [tilespmem:v58+s23+$0x0], $0xffff;
	v13 =	vmax.f32 v31, $0.0e+00;
	v12 =	vadd.f32 $1.667533070e-01, v12;
	v11 =	vmul.f32 v11, v5  }
0x3db: {  	v59 =	vld.idx.msk [tilespmem:v59+s23+$0x0], $0xffff;
	v7 =	vadd.f32 $3.317297700e-01, v7;
	v8 =	vadd.f32 $3.317297700e-01, v8;
	v9 =	vmul.f32 v9, v1  }
0x3dc: {  	v14 =	vmul.f32 v31, v21;
	v31 =	vld.idx.msk [tilespmem:v33+s23+$0x0], $0xffff;
	v12 =	vmul.f32 v12, v6;
	v11 =	vadd.f32 $-2.403839530e-01, v11  }
0x3dd: {  	v7 =	vmul.f32 v7, v3;
	v33 =	vld.idx.msk [tilespmem:v34+s23+$0x0], $0xffff;
	v8 =	vmul.f32 v8, v2;
	v9 =	vadd.f32 $3.317297700e-01, v9  }
0x3de: {  	v34 =	vld.idx.msk [tilespmem:v17+s23+$0x0], $0xffff;
	v17 =	vmax.f32 v44, $0.0e+00;
	v12 =	vadd.f32 $-2.403839530e-01, v12;
	v11 =	vmul.f32 v11, v5  }
0x3df: {  	v39 =	vld.idx.msk [tilespmem:v39+s23+$0x0], $0xffff;
	v7 =	vadd.f32 $-4.998678270e-01, v7;
	v8 =	vadd.f32 $-4.998678270e-01, v8;
	v9 =	vmul.f32 v9, v1  }
0x3e0: {  	v16 =	vmul.f32 v38, v21;
	v38 =	vld.idx.msk [tilespmem:v18+s23+$0x0], $0xffff;
	v12 =	vmul.f32 v12, v6;
	v11 =	vadd.f32 $3.317297700e-01, v11  }
0x3e1: {  	v18 =	vmul.f32 v44, v21;
	v44 =	vld.idx.msk [tilespmem:v47+s23+$0x0], $0xffff;
	v8 =	vmul.f32 v8, v2;
	v9 =	vadd.f32 $-4.998678270e-01, v9  }
0x3e2: {  	v10 =	vmul.f32 v55, v21;
	v47 =	vld.idx.msk [tilespmem:v48+s23+$0x0], $0xffff;
	v12 =	vadd.f32 $3.317297700e-01, v12;
	v11 =	vmul.f32 v11, v5  }
0x3e3: {  	v48 =	vld.idx.msk [tilespmem:v4+s23+$0x0], $0xffff;
	v4 =	vmul.f32 v7, v3;
	v8 =	vadd.f32 $9.999961250e-01, v8;
	v9 =	vmul.f32 v9, v1  }
0x3e4: {  	v36 =	vld.idx.msk [tilespmem:v36+s23+$0x0], $0xffff;
	v13 =	vsub.f32 v13, v14;
	v14 =	vmul.f32 v12, v6;
	v7 =	vadd.f32 $-4.998678270e-01, v11  }
0x3e5: {  	v57 =	vld.idx.msk [tilespmem:v57+s23+$0x0], $0xffff;
	v4 =	vadd.f32 $9.999961250e-01, v4;
	v2 =	vmul.f32 v8, v2;
	v8 =	vadd.f32 $9.999961250e-01, v9  }
0x3e6: {  	v29 =	vld.idx.msk [tilespmem:v29+s23+$0x0], $0xffff;
	v11 =	vadd.f32 $-4.998678270e-01, v14;
	v9 =	vsub.f32 v15, v16;
	v7 =	vmul.f32 v7, v5  }
0x3e7: {  	v27 =	vld.idx.msk [tilespmem:v27+s23+$0x0], $0xffff;
	v16 =	vsub.f32 v17, v18;
	v2 =	vadd.f32 $1.035522250e-08, v2;
	v8 =	vmul.f32 v8, v1  }
0x3e8: {  	v25 =	vld.idx.msk [tilespmem:v28+s23+$0x0], $0xffff;
	v3 =	vmul.f32 v4, v3;
	v4 =	vadd.f32 $9.999961250e-01, v7;
	v7 =	vmul.f32 v11, v6  }
0x3e9: {  	v0 =	vld.idx.msk [tilespmem:v0+s23+$0x0], $0xffff;
	v12 =	vmul.f32 v56, v21;
	v17 =	vadd.f32 v2, v16;
	v8 =	vadd.f32 $1.035522250e-08, v8  }
0x3ea: {  	v1 =	vld.idx.msk [tilespmem:v61+s23+$0x0], $0xffff;
	v61 =	vadd.f32 $1.035522250e-08, v3;
	v5 =	vmul.f32 v4, v5;
	v7 =	vadd.f32 $9.999961250e-01, v7  }
0x3eb: {  	s21 =	sadd.s32 $0x5, s21;
	v3 =	vld.idx.msk [tilespmem:v63+s23+$0x0], $0xffff;
	v63 =	vmax.f32 v56, $0.0e+00;
	v11 =	vadd.f32 v17, v20;
	v8 =	vadd.f32 v8, v9  }
0x3ec: {  	p0 =	slt.u32 s21, $0x14;
	v56 =	vld.idx.msk [tilespmem:v50+s23+$0x0], $0xffff;
	v15 =	vadd.f32 $1.035522250e-08, v5;
	v9 =	vsub.f32 v63, v12;
	v7 =	vmul.f32 v7, v6  }
.Ltmp3:
0x3ed: {  	v2 =	vld.idx.msk [tilespmem:v60+s23+$0x0], $0xffff;
	v17 =	vadd.f32 v61, v13;
	v63 =	vmax.f32 v55, $0.0e+00;
	v8 =	vadd.f32 v8, v11;
	(pc) =	sbr.rel @p0 .LBB2_9-.Ltmp3, $4  }
0x3ee: {  	v4 =	vld.idx.msk [tilespmem:v52+s23+$0x0], $0xffff;
	v10 =	vsub.f32 v63, v10;
	v7 =	vadd.f32 $1.035522250e-08, v7  }
0x3ef: {  	v51 =	vor.u32 s18, v22;
	v60 =	vld.idx.msk [tilespmem:v62+s23+$0x0], $0xffff;
	v9 =	vadd.f32 v15, v9;
	v8 =	vadd.f32 v17, v8  }
0x3f0: {  	v62 =	vor.u32 s22, v19;
	v5 =	vld.idx.msk [tilespmem:v54+s23+$0x0], $0xffff;
	v54 =	vor.u32 s22, v22;
	v61 =	vor.u32 s19, v22  }
0x3f1: {  	s2 =	smov.u32 s26;
	s26 =	sadd.s32 $0x500, s26;
	v6 =	vld.idx.msk [tilespmem:v53+s23+$0x0], $0xffff;
	v63 =	vor.u32 s19, v19;
	v50 =	vadd.f32 v7, v10;
	v20 =	vadd.f32 v9, v8  }
0x3f2: {  	_ =	sdelay $0x3  }
0x3f3: {  	v7 =	vld.idx.msk [tilespmem:v51+s23+$0x0], $0xffff  }
0x3f4: {  	v53 =	vld [tilespmem:$0x1FF80]  }
0x3f5: {  	v10 =	vld.idx.msk [tilespmem:v61+s23+$0x0], $0xffff  }
0x3f6: {  	v11 =	vld.idx.msk [tilespmem:v54+s23+$0x0], $0xffff  }
0x3f7: {  	v61 =	vld [tilespmem:$0x1FFD0]  }
0x3f8: {  	v14 =	vld.idx.msk [tilespmem:v63+s23+$0x0], $0xffff  }
0x3f9: {  	v15 =	vld.idx.msk [tilespmem:v62+s23+$0x0], $0xffff  }
0x3fa: {  	v62 =	vld [tilespmem:$0x1FFE0]  }
0x3fb: {  	v63 =	vld [tilespmem:$0x1FFF0]  }
0x3fc: {  	v26 =	vld [tilespmem:$0x1FF60];
	v8 =	vor.u32 s19, v53  }
0x3fd: {  	v21 =	vld [tilespmem:$0x1FF50]  }
0x3fe: {  	v18 =	vadd.f32 v46, v45;
	v2 =	vadd.f32 v3, v2;
	v46 =	vld [tilespmem:$0x1FF70];
	v12 =	vor.u32 s19, v61  }
0x3ff: {  	v0 =	vadd.f32 v0, v60;
	v5 =	vadd.f32 v56, v5;
	v56 =	vld [tilespmem:$0x1FF40];
	v13 =	vor.u32 s22, v53  }
0x400: {  	v1 =	vadd.f32 v1, v2;
	v2 =	vadd.f32 v42, v18;
	v42 =	vld [tilespmem:$0x1FF30];
	v16 =	vor.u32 s19, v62  }
0x401: {  	v9 =	vor.u32 s18, v53;
	v8 =	vld.idx.msk [tilespmem:v8+s23+$0x0], $0xffff  }
0x402: {  	v18 =	vld [tilespmem:$0x1FEF0];
	v0 =	vadd.f32 v10, v0;
	v10 =	vor.u32 s19, v63  }
0x403: {  	v4 =	vadd.f32 v6, v4;
	v17 =	vor.u32 s22, v61;
	v6 =	vld.idx.msk [tilespmem:v12+s23+$0x0], $0xffff  }
0x404: {  	v0 =	vadd.f32 v14, v0;
	v12 =	vld.idx.msk [tilespmem:v13+s23+$0x0], $0xffff;
	v13 =	vor.u32 s19, v56  }
0x405: {  	v4 =	vadd.f32 v7, v4;
	v7 =	vor.u32 s22, v63;
	v16 =	vld.idx.msk [tilespmem:v16+s23+$0x0], $0xffff  }
0x406: {  	v9 =	vld.idx.msk [tilespmem:v9+s23+$0x0], $0xffff;
	v0 =	vadd.f32 v8, v0;
	v8 =	vor.u32 s19, v42  }
0x407: {  	v5 =	vadd.f32 v11, v5;
	v14 =	vor.u32 s22, v62;
	v10 =	vld.idx.msk [tilespmem:v10+s23+$0x0], $0xffff  }
0x408: {  	v11 =	vld.idx.msk [tilespmem:v17+s23+$0x0], $0xffff;
	v0 =	vadd.f32 v6, v0;
	v6 =	vor.u32 s19, v26  }
0x409: {  	v5 =	vadd.f32 v15, v5;
	v15 =	vor.u32 s18, v56;
	v13 =	vld.idx.msk [tilespmem:v13+s23+$0x0], $0xffff  }
0x40a: {  	v4 =	vadd.f32 v59, v4;
	v7 =	vld.idx.msk [tilespmem:v7+s23+$0x0], $0xffff;
	v0 =	vadd.f32 v16, v0;
	v16 =	vor.u32 s19, v21  }
0x40b: {  	v3 =	vor.u32 s18, v62;
	v8 =	vld.idx.msk [tilespmem:v8+s23+$0x0], $0xffff  }
0x40c: {  	v14 =	vld.idx.msk [tilespmem:v14+s23+$0x0], $0xffff;
	v4 =	vadd.f32 v9, v4;
	v9 =	vor.u32 s19, v46;
	v0 =	vadd.f32 v10, v0  }
0x40d: {  	v6 =	vld.idx.msk [tilespmem:v6+s23+$0x0], $0xffff  }
0x40e: {  	v5 =	vadd.f32 v12, v5;
	v0 =	vadd.f32 v13, v0;
	v13 =	vld.idx.msk [tilespmem:v15+s23+$0x0], $0xffff  }
0x40f: {  	v12 =	vor.u32 s22, v56;
	v15 =	vld.idx.msk [tilespmem:v16+s23+$0x0], $0xffff  }
0x410: {  	v3 =	vld.idx.msk [tilespmem:v3+s23+$0x0], $0xffff;
	v5 =	vadd.f32 v11, v5;
	v0 =	vadd.f32 v8, v0  }
0x411: {  	v2 =	vadd.f32 v40, v2;
	v1 =	vadd.f32 v58, v1;
	v9 =	vld.idx.msk [tilespmem:v9+s23+$0x0], $0xffff;
	v10 =	vor.u32 s22, v42  }
0x412: {  	v11 =	vor.u32 s22, v26;
	v5 =	vadd.f32 v14, v5;
	v0 =	vadd.f32 v6, v0  }
0x413: {  	v22 =	vld [tilespmem:$0x1FF10];
	v2 =	vadd.f32 v37, v2;
	v4 =	vadd.f32 v49, v4;
	v49 =	vor.u32 s22, v21  }
0x414: {  	v5 =	vadd.f32 v7, v5;
	v7 =	vor.u32 s22, v46;
	v8 =	vld.idx.msk [tilespmem:v12+s23+$0x0], $0xffff;
	v0 =	vadd.f32 v15, v0  }
0x415: {  	v19 =	vld [tilespmem:$0x1FF00];
	v1 =	vadd.f32 v57, v1;
	v2 =	vadd.f32 v35, v2;
	v6 =	vor.u32 s18, v21  }
0x416: {  	v3 =	vadd.f32 v3, v4;
	v10 =	vld.idx.msk [tilespmem:v10+s23+$0x0], $0xffff;
	v0 =	vadd.f32 v9, v0;
	v9 =	vor.u32 s18, v18  }
0x417: {  	v1 =	vadd.f32 v48, v1;
	v11 =	vld.idx.msk [tilespmem:v11+s23+$0x0], $0xffff  }
0x418: {  	v2 =	vadd.f32 v32, v2;
	v3 =	vadd.f32 v44, v3;
	v4 =	vld.idx.msk [tilespmem:v49+s23+$0x0], $0xffff;
	v12 =	vor.u32 s18, v46  }
0x419: {  	v1 =	vadd.f32 v47, v1;
	v7 =	vld.idx.msk [tilespmem:v7+s23+$0x0], $0xffff;
	v5 =	vadd.f32 v8, v5;
	v8 =	vor.u32 s22, v18  }
0x41a: {  	v2 =	vadd.f32 v30, v2;
	v3 =	vadd.f32 v13, v3;
	v6 =	vld.idx.msk [tilespmem:v6+s23+$0x0], $0xffff  }
0x41b: {  	v1 =	vadd.f32 v43, v1;
	v5 =	vadd.f32 v10, v5;
	v10 =	vor.u32 s22, v22;
	v51 =	vld.idx.msk [tilespmem:v9+s23+$0x0], $0xffff  }
0x41c: {  	v13 =	vor.u32 s18, v22;
	v3 =	vadd.f32 v39, v3;
	v0 =	vadd.f32 v33, v0;
	v9 =	vld [tilespmem:$0x1FE30]  }
0x41d: {  	v1 =	vadd.f32 v41, v1;
	v12 =	vld.idx.msk [tilespmem:v12+s23+$0x0], $0xffff;
	v5 =	vadd.f32 v11, v5;
	v11 =	vor.u32 s22, v19  }
0x41e: {  	v3 =	vadd.f32 v36, v3;
	v8 =	vld.idx.msk [tilespmem:v8+s23+$0x0], $0xffff;
	v0 =	vadd.f32 v29, v0  }
0x41f: {  	v2 =	vadd.f32 v24, v2;
	v14 =	vor.u32 s18, v19;
	v4 =	vadd.f32 v4, v5  }
0x420: {  	v3 =	vadd.f32 v6, v3;
	v0 =	vadd.f32 v27, v0;
	v6 =	vld.idx.msk [tilespmem:v10+s23+$0x0], $0xffff  }
0x421: {  	v4 =	vadd.f32 v7, v4;
	v2 =	vadd.f32 v9, v2;
	v9 =	vld.idx.msk [tilespmem:v13+s23+$0x0], $0xffff  }
0x422: {  	v1 =	vadd.f32 v38, v1;
	v10 =	vld.idx.msk [tilespmem:v11+s23+$0x0], $0xffff;
	v3 =	vadd.f32 v12, v3;
	v11 =	vand.u32 $0x7FFFFFFF, v0  }
0x423: {  	v12 =	vld [tilespmem:$0x1FE20];
	v4 =	vadd.f32 v8, v4;
	v11 =	vsub.f32 $0.0e+00, v11  }
0x424: {  	v1 =	vadd.f32 v34, v1;
	v8 =	vld.idx.msk [tilespmem:v14+s23+$0x0], $0xffff;
	v3 =	vadd.f32 v51, v3  }
0x425: {  	v7 =	vor.u32 s17, v19;
	v4 =	vadd.f32 v6, v4;
	v6 =	vmul.f32 $1.442695020e+00, v11;
	v11 =	vld [tilespmem:$0x1FE10]  }
0x426: {  	v3 =	vadd.f32 v9, v3;
	v9 =	vld [tilespmem:$0x1FE40]  }
0x427: {  	v1 =	vadd.f32 v31, v1;
	(erf) = vpow2.f32 v6;
	v6 =	vld [tilespmem:$0x1FE00]  }
0x428: {  	v2 =	vadd.f32 v12, v2  }
0x429: {  	v1 =	vadd.f32 v25, v1;
	v3 =	vadd.f32 v8, v3;
	v8 =	vld [tilespmem:$0x1FDF0]  }
0x42a: {  	v7 =	vld.idx.msk [tilespmem:v7+s23+$0x0], $0xffff;
	v2 =	vadd.f32 v11, v2  }
0x42b: {  	v1 =	vadd.f32 v9, v1  }
0x42c: {  	v52 =	vor.u32 s2, v19;
	v2 =	vadd.f32 v6, v2  }
0x42d: {  	v1 =	vadd.f32 v23, v1  }
0x42e: {  	v4 =	vadd.f32 v10, v4;
	v2 =	vadd.f32 v8, v2;
	v8 =	vand.u32 $0x7FFFFFFF, v3  }
0x42f: {  	v1 =	vadd.f32 v7, v1;
	v7 =	vsub.f32 $0.0e+00, v8;
	v8 =	vld [tilespmem:$0x1FDE0];
	_ =	sdelay $0x1  }
0x430: {  	v5 =	vld.idx.msk [tilespmem:v52+s23+$0x0], $0xffff;
	v6 =	vand.u32 $0x7FFFFFFF, v4  }
0x431: {  	v6 =	vsub.f32 $0.0e+00, v6;
	_ =	sdelay $0x1  }
0x432: {  	v6 =	vmul.f32 $1.442695020e+00, v6;
	v7 =	vmul.f32 $1.442695020e+00, v7;
	v2 =	vadd.f32 v8, v2  }
0x433: {  	v8 =	vand.u32 $0x7FFFFFFF, v1  }
0x434: {  	(erf) = vpow2.f32 v6;
	v54 =	vsub.f32 $0.0e+00, v8;
	v2 =	vadd.f32 v5, v2  }
0x435: {  	(erf) = vpow2.f32 v7  }
0x436: {  	v7 =	vpop (erf);
	v5 =	vmul.f32 $1.442695020e+00, v54;
	v6 =	vand.u32 $0x7FFFFFFF, v2  }
0x437: {  	v8 =	vmul.f32 $6.220825480e-03, v7;
	v6 =	vsub.f32 $0.0e+00, v6  }
0x438: {  	(erf) = vpow2.f32 v5  }
0x439: {  	v55 =	vmul.f32 $1.442695020e+00, v6;
	v6 =	vsub.f32 $3.524021430e-02, v8;
	_ =	sdelay $0x1  }
0x43a: {  	(erf) = vpow2.f32 v55;
	v57 =	vmul.f32 v6, v7;
	_ =	sdelay $0x1  }
0x43b: {  	v6 =	vpop (erf);
	v5 =	vadd.f32 $-9.409968550e-02, v57  }
0x43c: {  	v8 =	vmul.f32 $6.220825480e-03, v6;
	v9 =	vpop (erf)  }
0x43d: {  	v10 =	vmul.f32 $6.220825480e-03, v9;
	v5 =	vmul.f32 v5, v7  }
0x43e: {  	v8 =	vsub.f32 $3.524021430e-02, v8  }
0x43f: {  	v11 =	vpop (erf);
	v10 =	vsub.f32 $3.524021430e-02, v10;
	v5 =	vadd.f32 $1.667533070e-01, v5  }
0x440: {  	v12 =	vmul.f32 $6.220825480e-03, v11;
	v8 =	vmul.f32 v8, v6  }
0x441: {  	v10 =	vmul.f32 v10, v9;
	v5 =	vmul.f32 v5, v7  }
0x442: {  	v12 =	vsub.f32 $3.524021430e-02, v12;
	v13 =	vpop (erf);
	v8 =	vadd.f32 $-9.409968550e-02, v8  }
0x443: {  	v14 =	vmul.f32 $6.220825480e-03, v13;
	v10 =	vadd.f32 $-9.409968550e-02, v10;
	v5 =	vadd.f32 $-2.403839530e-01, v5  }
0x444: {  	v12 =	vmul.f32 v12, v11;
	v8 =	vmul.f32 v8, v6  }
0x445: {  	v14 =	vsub.f32 $3.524021430e-02, v14;
	v10 =	vmul.f32 v10, v9;
	v5 =	vmul.f32 v5, v7  }
0x446: {  	v12 =	vadd.f32 $-9.409968550e-02, v12;
	v8 =	vadd.f32 $1.667533070e-01, v8  }
0x447: {  	v14 =	vmul.f32 v14, v13;
	v10 =	vadd.f32 $1.667533070e-01, v10;
	v5 =	vadd.f32 $3.317297700e-01, v5  }
0x448: {  	v12 =	vmul.f32 v12, v11;
	v8 =	vmul.f32 v8, v6  }
0x449: {  	v58 =	vld [tilespmem:$0x1FF20];
	v14 =	vadd.f32 $-9.409968550e-02, v14;
	v10 =	vmul.f32 v10, v9;
	v5 =	vmul.f32 v5, v7  }
0x44a: {  	v12 =	vadd.f32 $1.667533070e-01, v12;
	v8 =	vadd.f32 $-2.403839530e-01, v8  }
0x44b: {  	v14 =	vmul.f32 v14, v13;
	v10 =	vadd.f32 $-2.403839530e-01, v10;
	v5 =	vadd.f32 $-4.998678270e-01, v5  }
0x44c: {  	v16 =	vmax.f32 v3, $0.0e+00;
	v12 =	vmul.f32 v12, v11;
	v8 =	vmul.f32 v8, v6  }
0x44d: {  	v14 =	vadd.f32 $1.667533070e-01, v14;
	v10 =	vmul.f32 v10, v9;
	v5 =	vmul.f32 v5, v7  }
0x44e: {  	v3 =	vmul.f32 v3, v58;
	v12 =	vadd.f32 $-2.403839530e-01, v12;
	v8 =	vadd.f32 $3.317297700e-01, v8  }
0x44f: {  	v14 =	vmul.f32 v14, v13;
	v10 =	vadd.f32 $3.317297700e-01, v10;
	v5 =	vadd.f32 $9.999961250e-01, v5  }
0x450: {  	v15 =	vadd.f32 v50, v20;
	v12 =	vmul.f32 v12, v11;
	v8 =	vmul.f32 v8, v6  }
0x451: {  	v14 =	vadd.f32 $-2.403839530e-01, v14;
	v10 =	vmul.f32 v10, v9;
	v5 =	vmul.f32 v5, v7  }
0x452: {  	v7 =	vmul.f32 v4, v58;
	v12 =	vadd.f32 $3.317297700e-01, v12;
	v8 =	vadd.f32 $-4.998678270e-01, v8  }
0x453: {  	v4 =	vmax.f32 v4, $0.0e+00;
	v14 =	vmul.f32 v14, v13;
	v10 =	vadd.f32 $-4.998678270e-01, v10  }
0x454: {  	v12 =	vmul.f32 v12, v11;
	v4 =	vsub.f32 v4, v7;
	v8 =	vmul.f32 v8, v6  }
0x455: {  	v7 =	vmax.f32 v0, $0.0e+00;
	v0 =	vmul.f32 v0, v58;
	v14 =	vadd.f32 $3.317297700e-01, v14  }
0x456: {  	v5 =	vadd.f32 $1.035522250e-08, v5;
	v10 =	vmul.f32 v10, v9;
	v8 =	vadd.f32 $9.999961250e-01, v8  }
0x457: {  	v12 =	vadd.f32 $-4.998678270e-01, v12;
	v0 =	vsub.f32 v7, v0;
	v7 =	vmul.f32 v14, v13  }
0x458: {  	v3 =	vsub.f32 v16, v3;
	v6 =	vmul.f32 v8, v6;
	v8 =	vadd.f32 $9.999961250e-01, v10  }
0x459: {  	v0 =	vadd.f32 v5, v0;
	v10 =	vmul.f32 v12, v11;
	v59 =	vadd.f32 $-4.998678270e-01, v7  }
0x45a: {  	v60 =	vmul.f32 v2, v58;
	v7 =	vmul.f32 v8, v9;
	v6 =	vadd.f32 $1.035522250e-08, v6  }
0x45b: {  	v0 =	vadd.f32 v0, v15;
	v8 =	vadd.f32 $9.999961250e-01, v10;
	v5 =	vmul.f32 v59, v13  }
0x45c: {  	v2 =	vmax.f32 v2, $0.0e+00;
	v4 =	vadd.f32 v6, v4;
	v6 =	vadd.f32 $1.035522250e-08, v7  }
0x45d: {  	v9 =	vmul.f32 v1, v58;
	v7 =	vmul.f32 v8, v11;
	v5 =	vadd.f32 $9.999961250e-01, v5  }
0x45e: {  	v1 =	vmax.f32 v1, $0.0e+00;
	v0 =	vadd.f32 v4, v0;
	v3 =	vadd.f32 v6, v3  }
0x45f: {  	v1 =	vsub.f32 v1, v9;
	v6 =	vadd.f32 $1.035522250e-08, v7;
	v5 =	vmul.f32 v5, v13  }
0x460: {  	s25 =	sadd.s32 $0x1, s25;
	v2 =	vsub.f32 v2, v60;
	v0 =	vadd.f32 v3, v0  }
0x461: {  	p0 =	sne.s32 s25, $0x19;
	v1 =	vadd.f32 v6, v1;
	v3 =	vadd.f32 $1.035522250e-08, v5  }
.Ltmp4:
0x462: {  	_ = 	snop;
	(pc) =	sbr.rel @p0 .LBB2_2-.Ltmp4, $4  }
0x463: {  	v17 =	vld [tilespmem:$0x1FF90];
	v0 =	vadd.f32 v1, v0;
	v1 =	vadd.f32 v3, v2  }
0x464: {  	v10 =	vld [tilespmem:$0x1FFA0]  }
0x465: {  	v16 =	vmov v19;
	v9 =	vld [tilespmem:$0x1FFB0];
	v0 =	vadd.f32 v1, v0  }
0x466: {  	v12 =	vmovc v21;
	v14 =	vmovc v18;
	v15 =	vmov v22;
	v8 =	vld [tilespmem:$0x1FFC0];
	v11 =	vmov v26;
	v13 =	vmov v46  }
0x467: {  	s17 =	simm.s32 $0x0  }
0x468: {  	[tilespmem:$0x1AF40] =	vst v0;
	s2 =	rddreg [dreg:$0x2];
	s18 =	simm.s32 $0x1AF40;
	s19 =	simm.s32 $0x5  }
0x469: {  	[hbm4b:s2+s17] =	stream.linear.scatter [tilespmem:s18], [sflag:$0x5], $0x10, $0x38;
	[tilespmem:$0x1AF50] =	vst v63  }
0x46a: {  	_ =	swait.ge [sflag:s19], $0x10  }
0x46b: {  	s26 =	rddreg [dreg:$0x8]  }
0x46c: {  	s28 =	rddreg [dreg:$0x3];
	s18 =	sadd.s32 $0x1, s26  }
0x46d: {  	p0 =	sne.s32 s18, s28  }
.Ltmp5:
0x46e: {  	_ = 	snop;
	(pc) =	sbr.rel @p0 .LBB2_1-.Ltmp5, $3  }
0x46f: {  	_ =	sdelay $0x1  }
0x470: {  	[sflag:s19] =	ssyncset.done $0x0  }
0x471: {  	[sflag:s19] =	ssyncadd.s32 $0xFFFFFFF0  }
0x472: {  	_ =	sfence.sel $0x180000  }
0x473: {  	[bflag:$0x0] =	sbarrier.arrive $0xFFFF  }
0x474: {  	_ =	strace $0x90000047  }
0x475: {  	s0 =	stileid.u32;
	[bflag:$0x2] =	sbarrier.arrive $0xFFFF  }
0x476: {  	p0 =	sne.s32 s0, $0x0;
	s0 =	rddreg [dreg:$0x1]  }
0x477: {  	s0 =	sadd.s32 @!p0 $0x100000, s0  }
0x478: {  	[sflag:s0] =	ssyncadd.tile.s32 @!p0 $0x1;
	_ =	shalt  }
.Lfunc_end2:
_tile_overlayer_lowered:
.L_overlay_start_2:
0x479: {  	(tag) =	ssettag $0x2  }
0x47a: {  	s0 =	rddreg [dreg:$0x0];
	s2 =	stileid.u32  }
0x47b: {  	s1 =	rddreg [dreg:$0x1];
	p0 =	sne.s32 s2, $0x0  }
0x47c: {  	s3 =	rddreg [dreg:$0x2];
	[bflag:$0x3] =	sbarrier.arrive $0xFFFF;
	s2 =	simm.s32 @!p0 $0x1C05  }
0x47d: {  	[timem:s3], [sflag:s2] =	dma.local @!p0 [hbm:s0], s1  }
0x47e: {  	s0 =	simm.s32 @!p0 $0x5  }
0x47f: {  	_ =	swait.ge @!p0 [sflag:s0], s1  }
0x480: {  	s1 =	ssub.s32 @!p0 $0x0, s1;
	[sflag:s0] =	ssyncset.done @!p0 $0x0  }
0x481: {  	[sflag:s0] =	ssyncadd.s32 @!p0 s1  }
0x482: {  	[bflag:$0x3] =	sbarrier.arrive $0xFFFF  }
0x483: {  	_ =	shalt  }

</sc_bundles>
